<compile_context>
chip_gen: v7x
topology: tpu7x:2x2x1
jax: 0.10.2.dev20260603
libtpu: 0.0.44.dev20260713+nightly
codegen_flags: <defaults>
</compile_context>

<pallas_src>
import functools

import jax
import jax.numpy as jnp
from jax import lax
from jax.experimental import pallas as pl
from jax.experimental.pallas import tpu as pltpu
from jax.experimental.pallas import tpu_sc as plsc

NC = 2
NS = 16
L = 16
NW = NC * NS

BATCH_ROWS = 16384
E_ROWS = 1000000
R_ROWS = 1000
DIM = 64
DIMS_PER_SC = DIM // NC
ROWS_PER_TEC = BATCH_ROWS // NS
CHUNK = 128
NCH = ROWS_PER_TEC // CHUNK
CPOS = CHUNK // L


def _sqrt16(x):
    xs = jnp.maximum(x, jnp.float32(1e-30))
    i = lax.bitcast_convert_type(xs, jnp.int32)
    y = lax.bitcast_convert_type(jnp.int32(0x5F3759DF) - (i >> 1), jnp.float32)
    for _ in range(3):
        y = y * (jnp.float32(1.5) - jnp.float32(0.5) * xs * y * y)
    return xs * y


def _accum_body(train_r_hbm, p_h_hbm, p_t_hbm, n_h_hbm, n_t_hbm,
                eT_hbm, rT_hbm, out_hbm,
                ir0, ir1, iph0, iph1, ipt0, ipt1, inh0, inh1, int0, int1,
                wr0, wr1, wph0, wph1, wpt0, wpt1, wnh0, wnh1, wnt0, wnt1,
                sq_p, sq_n,
                rrow0, rrow1, stripe0, stripe1,
                sem_s, sem_r, sem_i, sem_g):
    cid = lax.axis_index("c")
    sid = lax.axis_index("s")
    base = sid * ROWS_PER_TEC
    dim0 = cid * DIMS_PER_SC

    idxb = ((ir0, iph0, ipt0, inh0, int0), (ir1, iph1, ipt1, inh1, int1))
    wb = ((wr0, wph0, wpt0, wnh0, wnt0), (wr1, wph1, wpt1, wnh1, wnt1))
    stripes = (stripe0, stripe1)
    rrows = (rrow0, rrow1)
    src_idx = (train_r_hbm, p_h_hbm, p_t_hbm, n_h_hbm, n_t_hbm)

    zv = jnp.zeros((L,), jnp.float32)

    def zero_body(i, carry):
        sl = pl.ds(i * L, L)
        sq_p[sl] = zv
        sq_n[sl] = zv
        return carry

    lax.fori_loop(0, ROWS_PER_TEC // L, zero_body, jnp.int32(0))

    def fire_idx(cc, par):
        off = base + cc * CHUNK
        for hsrc, dst in zip(src_idx, idxb[par]):
            pltpu.async_copy(hsrc.at[pl.ds(off, CHUNK)], dst, sem_i)

    def drain_idx(par):
        for dst in idxb[par]:
            pltpu.make_async_copy(train_r_hbm.at[pl.ds(0, CHUNK)],
                                  dst, sem_i).wait()

    def fire_gather(par, stripe, rrowb):
        ib = idxb[par]
        ob = wb[par]
        pltpu.async_copy(rrowb.at[ib[0]], ob[0], sem_g)
        for k in range(1, 5):
            pltpu.async_copy(stripe.at[ib[k]], ob[k], sem_g)

    def drain_gather(par):
        for dst in wb[par]:
            pltpu.make_async_copy(out_hbm.at[0, 0, pl.ds(0, CHUNK)],
                                  dst, sem_g).wait()

    def compute(cc, par):
        vr, vph, vpt, vnh, vnt = wb[par]

        def pos_body(i, carry):
            sl = pl.ds(i * L, L)
            gl = pl.ds(cc * CHUNK + i * L, L)
            rv = vr[sl]
            dp = vph[sl] + rv - vpt[sl]
            dn = vnh[sl] + rv - vnt[sl]
            sq_p[gl] = sq_p[gl] + dp * dp
            sq_n[gl] = sq_n[gl] + dn * dn
            return carry

        lax.fori_loop(0, CPOS, pos_body, jnp.int32(0))

    def process(d, sp, rp):
        stripe, rrowb = stripes[sp], rrows[rp]

        def chunk_body(ii, carry):
            for v in range(2):
                cc = ii * 2 + v

                @pl.when(cc >= 2)
                def _():
                    drain_gather(v)
                    compute(cc - 2, v)

                @pl.when(cc < NCH)
                def _():
                    fire_idx(cc, v)

                @pl.when((cc >= 1) & (cc < NCH + 1))
                def _():
                    drain_idx(1 - v)
                    fire_gather(1 - v, stripe, rrowb)
            return carry

        lax.fori_loop(0, NCH // 2 + 1, chunk_body, jnp.int32(0))

    def dim_body(jj, carry):
        for u in range(2):
            j = jj * 2 + u

            @pl.when((j > 0) & (j <= DIMS_PER_SC) & (sid == (j - 1) % NS))
            def _():
                pltpu.make_async_copy(eT_hbm.at[0],
                                      stripes[1 - u], sem_s).wait()

            @pl.when((j > 0) & (j <= DIMS_PER_SC) & (sid == (j + 7) % NS))
            def _():
                pltpu.make_async_copy(rT_hbm.at[0],
                                      rrows[1 - u], sem_r).wait()

            plsc.subcore_barrier()
            d = dim0 + j

            @pl.when((j == 0) & (sid == 0))
            def _():
                pltpu.async_copy(eT_hbm.at[d], stripes[u], sem_s)

            @pl.when((j < DIMS_PER_SC) & (sid == (j + 8) % NS))
            def _():
                pltpu.async_copy(rT_hbm.at[d], rrows[u], sem_r)

            @pl.when((j > 0) & (j <= DIMS_PER_SC))
            def _():
                process(d - 1, 1 - u, 1 - u)

            plsc.subcore_barrier()

            @pl.when((j + 1 < DIMS_PER_SC) & (sid == (j + 1) % NS))
            def _():
                pltpu.async_copy(eT_hbm.at[d + 1], stripes[1 - u], sem_s)
        return carry

    lax.fori_loop(0, DIMS_PER_SC // 2 + 1, dim_body, jnp.int32(0))

    pltpu.sync_copy(sq_p, out_hbm.at[cid, 0, pl.ds(base, ROWS_PER_TEC)])
    pltpu.sync_copy(sq_n, out_hbm.at[cid, 1, pl.ds(base, ROWS_PER_TEC)])


def _finish_body(part_hbm, out_hbm, v0, v1, v2, v3, accbuf, sem):
    cid = lax.axis_index("c")
    sid = lax.axis_index("s")
    wid = sid * NC + cid
    rows = BATCH_ROWS // NW
    base = wid * rows
    d0 = pltpu.async_copy(part_hbm.at[0, 0, pl.ds(base, rows)], v0, sem)
    d1 = pltpu.async_copy(part_hbm.at[1, 0, pl.ds(base, rows)], v1, sem)
    d2 = pltpu.async_copy(part_hbm.at[0, 1, pl.ds(base, rows)], v2, sem)
    d3 = pltpu.async_copy(part_hbm.at[1, 1, pl.ds(base, rows)], v3, sem)
    d0.wait(); d1.wait(); d2.wait(); d3.wait()
    acc = jnp.zeros((L,), jnp.float32)
    for i in range(rows // L):
        sl = pl.ds(i * L, L)
        acc = acc + _sqrt16(v0[sl] + v1[sl]) - _sqrt16(v2[sl] + v3[sl])
    accbuf[...] = acc
    pltpu.sync_copy(accbuf, out_hbm.at[wid])


def kernel(train_r, p_h, p_t, n_h, n_t, e_embed, r_embed):
    mesh = plsc.VectorSubcoreMesh(
        core_axis_name="c", subcore_axis_name="s",
        num_cores=NC, num_subcores=NS)
    cp = pltpu.CompilerParams(needs_layout_passes=False)

    k1 = functools.partial(
        pl.kernel,
        out_type=jax.ShapeDtypeStruct((NC, 2, BATCH_ROWS), jnp.float32),
        mesh=mesh,
        compiler_params=cp,
        scratch_types=(
            [pltpu.VMEM((CHUNK,), jnp.int32)] * 10
            + [pltpu.VMEM((CHUNK,), jnp.float32)] * 10
            + [pltpu.VMEM((ROWS_PER_TEC,), jnp.float32)] * 2
            + [pltpu.MemorySpace.VMEM_SHARED((R_ROWS,), jnp.float32)] * 2
            + [pltpu.MemorySpace.VMEM_SHARED((E_ROWS,), jnp.float32)] * 2
            + [pltpu.SemaphoreType.DMA] * 4
        ),
    )(_accum_body)

    k2 = functools.partial(
        pl.kernel,
        out_type=jax.ShapeDtypeStruct((NW, L), jnp.float32),
        mesh=mesh,
        compiler_params=cp,
        scratch_types=(
            [pltpu.VMEM((BATCH_ROWS // NW,), jnp.float32)] * 4
            + [pltpu.VMEM((L,), jnp.float32), pltpu.SemaphoreType.DMA]
        ),
    )(_finish_body)

    part = k1(train_r, p_h, p_t, n_h, n_t, e_embed.T, r_embed.T)
    partials = k2(part)
    return jnp.sum(partials) / jnp.float32(BATCH_ROWS) + jnp.float32(1.0)

# --- scband reference (transcript-rebuilt; emitter-appended) ---
"""Pipeline reference for scband-context-embed-24687472017547 (READ-ONLY COPY).

The authoritative reference and input builder live on the scoring server;
editing this copy changes nothing except your own understanding.
"""

import jax, jax.numpy as jnp
import numpy as np

E_NUM = 1000000
R_NUM = 1000
EMBED_DIM = 64
MARGIN = 1.0
BATCH = 16384


def setup_inputs(seed: int = 0) -> dict:
    key = jax.random.key(seed)
    k1, k2, k3, k4, k5, k6, k7 = jax.random.split(key, 7)
    train_r = jax.random.randint(k1, (BATCH,), 0, R_NUM, dtype=jnp.int64 if jax.config.jax_enable_x64 else jnp.int32).astype(jnp.int32)
    p_h = jax.random.randint(k2, (BATCH,), 0, E_NUM).astype(jnp.int32)
    p_t = jax.random.randint(k3, (BATCH,), 0, E_NUM).astype(jnp.int32)
    n_h = jax.random.randint(k4, (BATCH,), 0, E_NUM).astype(jnp.int32)
    n_t = jax.random.randint(k5, (BATCH,), 0, E_NUM).astype(jnp.int32)
    low = -6.0 / np.sqrt(EMBED_DIM)
    high = 6.0 / np.sqrt(EMBED_DIM)
    e_embed = jax.random.uniform(k6, (E_NUM, EMBED_DIM), minval=low, maxval=high, dtype=jnp.float32)
    r_embed = jax.random.uniform(k7, (R_NUM, EMBED_DIM), minval=low, maxval=high, dtype=jnp.float32)
    return {"train_r": train_r, "p_h": p_h, "p_t": p_t, "n_h": n_h, "n_t": n_t, "e_embed": e_embed, "r_embed": r_embed}


def _l2norm(x):
    return jnp.sqrt(jnp.sum(x * x, axis=-1))


def reference(train_r, p_h, p_t, n_h, n_t, e_embed, r_embed):
    num = train_r.shape[0]
    r = jnp.take(r_embed, train_r, axis=0)
    ph = jnp.take(e_embed, p_h, axis=0)
    pt = jnp.take(e_embed, p_t, axis=0)
    nh = jnp.take(e_embed, n_h, axis=0)
    nt = jnp.take(e_embed, n_t, axis=0)
    p_loss = jnp.sum(_l2norm(ph + r - pt)) / num
    n_loss = jnp.sum(_l2norm(nh + r - nt)) / num
    loss = p_loss - n_loss + MARGIN
    return loss

if __name__ == "__main__":
    import jax
    _d = setup_inputs()
    print(jax.jit(kernel)(*tuple(_d.values())))

</pallas_src>

<mosaic_0001>
#map = affine_map<(d0, d1) -> (0)>
#map1 = affine_map<(d0, d1) -> (0, 0)>
#map2 = affine_map<(d0, d1) -> (0, 0, 0)>
module attributes {stable_mosaic.version = 14 : i64} {
  func.func @_accum_body(%arg0: i32, %arg1: i32, %arg2: memref<16384xi32, #tpu.memory_space<hbm>>, %arg3: memref<16384xi32, #tpu.memory_space<hbm>>, %arg4: memref<16384xi32, #tpu.memory_space<hbm>>, %arg5: memref<16384xi32, #tpu.memory_space<hbm>>, %arg6: memref<16384xi32, #tpu.memory_space<hbm>>, %arg7: memref<64x1000000xf32, #tpu.memory_space<hbm>>, %arg8: memref<64x1000xf32, #tpu.memory_space<hbm>>, %arg9: memref<2x2x16384xf32, #tpu.memory_space<hbm>>, %arg10: memref<128xi32, #tpu.memory_space<vmem>>, %arg11: memref<128xi32, #tpu.memory_space<vmem>>, %arg12: memref<128xi32, #tpu.memory_space<vmem>>, %arg13: memref<128xi32, #tpu.memory_space<vmem>>, %arg14: memref<128xi32, #tpu.memory_space<vmem>>, %arg15: memref<128xi32, #tpu.memory_space<vmem>>, %arg16: memref<128xi32, #tpu.memory_space<vmem>>, %arg17: memref<128xi32, #tpu.memory_space<vmem>>, %arg18: memref<128xi32, #tpu.memory_space<vmem>>, %arg19: memref<128xi32, #tpu.memory_space<vmem>>, %arg20: memref<128xf32, #tpu.memory_space<vmem>>, %arg21: memref<128xf32, #tpu.memory_space<vmem>>, %arg22: memref<128xf32, #tpu.memory_space<vmem>>, %arg23: memref<128xf32, #tpu.memory_space<vmem>>, %arg24: memref<128xf32, #tpu.memory_space<vmem>>, %arg25: memref<128xf32, #tpu.memory_space<vmem>>, %arg26: memref<128xf32, #tpu.memory_space<vmem>>, %arg27: memref<128xf32, #tpu.memory_space<vmem>>, %arg28: memref<128xf32, #tpu.memory_space<vmem>>, %arg29: memref<128xf32, #tpu.memory_space<vmem>>, %arg30: memref<1024xf32, #tpu.memory_space<vmem>>, %arg31: memref<1024xf32, #tpu.memory_space<vmem>>, %arg32: memref<1000xf32, #tpu.memory_space<vmem_shared>>, %arg33: memref<1000xf32, #tpu.memory_space<vmem_shared>>, %arg34: memref<1000000xf32, #tpu.memory_space<vmem_shared>>, %arg35: memref<1000000xf32, #tpu.memory_space<vmem_shared>>, %arg36: memref<!tpu.dma_semaphore, #tpu.memory_space<semaphore_mem>>, %arg37: memref<!tpu.dma_semaphore, #tpu.memory_space<semaphore_mem>>, %arg38: memref<!tpu.dma_semaphore, #tpu.memory_space<semaphore_mem>>, %arg39: memref<!tpu.dma_semaphore, #tpu.memory_space<semaphore_mem>>) attributes {dimension_semantics = [#tpu.dimension_semantics<core_parallel>, #tpu.dimension_semantics<subcore_parallel>], iteration_bounds = array<i64: 2, 16>, scalar_prefetch = 0 : i64, scratch_operands = 30 : i64, tpu.core_type = #tpu.core_type<sc_vector_subcore>, window_params = [{transform_indices = #map}, {transform_indices = #map}, {transform_indices = #map}, {transform_indices = #map}, {transform_indices = #map}, {transform_indices = #map1}, {transform_indices = #map1}, {transform_indices = #map2}]} {
    %mul3A = arith.constant 1024 : i32
    %mul3A_0 = arith.muli %arg1, %mul3A : i32
    %mul3A_1 = arith.constant 32 : i32
    %mul3A_2 = arith.muli %arg0, %mul3A_1 : i32
    %broadcast_in_dim3A = arith.constant 0.000000e+00 : f32
    %broadcast_in_dim3A_3 = vector.broadcast %broadcast_in_dim3A : f32 to vector<16xf32>
    %scan3A = arith.constant 0 : i32
    %scan3A_4 = arith.constant 0 : i32
    %scan3A_5 = arith.constant 64 : i32
    %scan3A_6 = arith.addi %scan3A_4, %scan3A_5 : i32
    %scan3A_7 = arith.constant 1 : i32
    scf.for %scan3A_16 = %scan3A_4 to %scan3A_6 step %scan3A_7  : i32 {
      %mul3A_17 = arith.constant 16 : i32
      %mul3A_18 = arith.muli %scan3A_16, %mul3A_17 : i32
      %swap3A = arith.index_cast %mul3A_18 : i32 to index
      %swap3A_19 = tpu.vector_load %arg30[%swap3A] {strides = array<i32>} : memref<1024xf32, #tpu.memory_space<vmem>>, vector<16xf32>,
      tpu.vector_store %arg30[%swap3A], %broadcast_in_dim3A_3 {strides = array<i32>} : memref<1024xf32, #tpu.memory_space<vmem>>, vector<16xf32>,
      %swap3A_20 = arith.index_cast %mul3A_18 : i32 to index
      %swap3A_21 = tpu.vector_load %arg31[%swap3A_20] {strides = array<i32>} : memref<1024xf32, #tpu.memory_space<vmem>>, vector<16xf32>,
      tpu.vector_store %arg31[%swap3A_20], %broadcast_in_dim3A_3 {strides = array<i32>} : memref<1024xf32, #tpu.memory_space<vmem>>, vector<16xf32>,
    }
    %scan3A_8 = arith.constant 64 : i32
    %scan3A_9 = arith.constant 0 : i32
    %scan3A_10 = arith.constant 0 : i32
    %scan3A_11 = arith.constant 17 : i32
    %scan3A_12 = arith.addi %scan3A_10, %scan3A_11 : i32
    %scan3A_13 = arith.constant 1 : i32
    scf.for %scan3A_16 = %scan3A_10 to %scan3A_12 step %scan3A_13  : i32 {
      %mul3A_17 = arith.constant 2 : i32
      %mul3A_18 = arith.muli %scan3A_16, %mul3A_17 : i32
      %add3A = arith.constant 0 : i32
      %add3A_19 = arith.addi %mul3A_18, %add3A : i32
      %gt3A = arith.constant 0 : i32
      %gt3A_20 = arith.cmpi sgt, %add3A_19, %gt3A : i32
      %le3A = arith.constant 32 : i32
      %le3A_21 = arith.cmpi sle, %add3A_19, %le3A : i32
      %and3A = arith.andi %gt3A_20, %le3A_21 : i1
      %sub3A = arith.constant 1 : i32
      %sub3A_22 = arith.subi %add3A_19, %sub3A : i32
      %jit3A = arith.constant 16 : i32
      %eq3A = arith.constant 0 : i32
      %eq3A_23 = arith.cmpi eq, %jit3A, %eq3A : i32
      %jit3A_24 = arith.constant 1 : i32
      %select_n3A = arith.select %eq3A_23, %jit3A_24, %jit3A : i32
      %rem3A = arith.remsi %sub3A_22, %select_n3A : i32
      %ne3A = arith.constant 0 : i32
      %ne3A_25 = arith.cmpi ne, %rem3A, %ne3A : i32
      %lt3A = arith.constant 0 : i32
      %lt3A_26 = arith.cmpi slt, %rem3A, %lt3A : i32
      %lt3A_27 = arith.constant 0 : i32
      %lt3A_28 = arith.cmpi slt, %select_n3A, %lt3A_27 : i32
      %ne3A_29 = arith.xori %lt3A_26, %lt3A_28 : i1
      %and3A_30 = arith.andi %ne3A_29, %ne3A_25 : i1
      %add3A_31 = arith.addi %rem3A, %select_n3A : i32
      %select_n3A_32 = arith.select %and3A_30, %add3A_31, %rem3A : i32
      %eq3A_33 = arith.cmpi eq, %arg1, %select_n3A_32 : i32
      %and3A_34 = arith.andi %and3A, %eq3A_33 : i1
      %convert_element_type3A = arith.extui %and3A_34 : i1 to i32
      %cond3A = arith.constant 0 : i32
      %cond3A_35 = arith.cmpi ne, %convert_element_type3A, %cond3A : i32
      scf.if %cond3A_35 {
        %dma_wait3A = arith.constant 0 : i32
        %dma_wait3A_265 = arith.constant 0 : i32
        %dma_wait3A_266 = tpu.memref_slice %arg7[%dma_wait3A, %dma_wait3A_265] : memref<64x1000000xf32, #tpu.memory_space<hbm>> -> memref<1x1000000xf32, #tpu.memory_space<hbm>>
        %dma_wait3A_267 = tpu.memref_squeeze %dma_wait3A_266 : memref<1x1000000xf32, #tpu.memory_space<hbm>> -> memref<1000000xf32, #tpu.memory_space<hbm>>
        tpu.wait_dma2 semaphore(%arg36 : memref<!tpu.dma_semaphore, #tpu.memory_space<semaphore_mem>>) src(%dma_wait3A_267 : memref<1000000xf32, #tpu.memory_space<hbm>>) dst(%arg35 : memref<1000000xf32, #tpu.memory_space<vmem_shared>>)
      } else {
      }
      %gt3A_36 = arith.constant 0 : i32
      %gt3A_37 = arith.cmpi sgt, %add3A_19, %gt3A_36 : i32
      %le3A_38 = arith.constant 32 : i32
      %le3A_39 = arith.cmpi sle, %add3A_19, %le3A_38 : i32
      %and3A_40 = arith.andi %gt3A_37, %le3A_39 : i1
      %add3A_41 = arith.constant 7 : i32
      %add3A_42 = arith.addi %add3A_19, %add3A_41 : i32
      %jit3A_43 = arith.constant 16 : i32
      %eq3A_44 = arith.constant 0 : i32
      %eq3A_45 = arith.cmpi eq, %jit3A_43, %eq3A_44 : i32
      %jit3A_46 = arith.constant 1 : i32
      %select_n3A_47 = arith.select %eq3A_45, %jit3A_46, %jit3A_43 : i32
      %rem3A_48 = arith.remsi %add3A_42, %select_n3A_47 : i32
      %ne3A_49 = arith.constant 0 : i32
      %ne3A_50 = arith.cmpi ne, %rem3A_48, %ne3A_49 : i32
      %lt3A_51 = arith.constant 0 : i32
      %lt3A_52 = arith.cmpi slt, %rem3A_48, %lt3A_51 : i32
      %lt3A_53 = arith.constant 0 : i32
      %lt3A_54 = arith.cmpi slt, %select_n3A_47, %lt3A_53 : i32
      %ne3A_55 = arith.xori %lt3A_52, %lt3A_54 : i1
      %and3A_56 = arith.andi %ne3A_55, %ne3A_50 : i1
      %add3A_57 = arith.addi %rem3A_48, %select_n3A_47 : i32
      %select_n3A_58 = arith.select %and3A_56, %add3A_57, %rem3A_48 : i32
      %eq3A_59 = arith.cmpi eq, %arg1, %select_n3A_58 : i32
      %and3A_60 = arith.andi %and3A_40, %eq3A_59 : i1
      %convert_element_type3A_61 = arith.extui %and3A_60 : i1 to i32
      %cond3A_62 = arith.constant 0 : i32
      %cond3A_63 = arith.cmpi ne, %convert_element_type3A_61, %cond3A_62 : i32
      scf.if %cond3A_63 {
        %dma_wait3A = arith.constant 0 : i32
        %dma_wait3A_265 = arith.constant 0 : i32
        %dma_wait3A_266 = tpu.memref_slice %arg8[%dma_wait3A, %dma_wait3A_265] : memref<64x1000xf32, #tpu.memory_space<hbm>> -> memref<1x1000xf32, #tpu.memory_space<hbm>>
        %dma_wait3A_267 = tpu.memref_squeeze %dma_wait3A_266 : memref<1x1000xf32, #tpu.memory_space<hbm>> -> memref<1000xf32, #tpu.memory_space<hbm>>
        tpu.wait_dma2 semaphore(%arg37 : memref<!tpu.dma_semaphore, #tpu.memory_space<semaphore_mem>>) src(%dma_wait3A_267 : memref<1000xf32, #tpu.memory_space<hbm>>) dst(%arg33 : memref<1000xf32, #tpu.memory_space<vmem_shared>>)
      } else {
      }
      %barrier3A = arith.constant 0 : index
      tpu.barrier barrier_id(%barrier3A)
      %add3A_64 = arith.addi %mul3A_2, %add3A_19 : i32
      %eq3A_65 = arith.constant 0 : i32
      %eq3A_66 = arith.cmpi eq, %add3A_19, %eq3A_65 : i32
      %eq3A_67 = arith.constant 0 : i32
      %eq3A_68 = arith.cmpi eq, %arg1, %eq3A_67 : i32
      %and3A_69 = arith.andi %eq3A_66, %eq3A_68 : i1
      %convert_element_type3A_70 = arith.extui %and3A_69 : i1 to i32
      %cond3A_71 = arith.constant 0 : i32
      %cond3A_72 = arith.cmpi ne, %convert_element_type3A_70, %cond3A_71 : i32
      scf.if %cond3A_72 {
        %dma_start3A = arith.constant 0 : i32
        %dma_start3A_265 = tpu.memref_slice %arg7[%add3A_64, %dma_start3A] : memref<64x1000000xf32, #tpu.memory_space<hbm>> -> memref<1x1000000xf32, #tpu.memory_space<hbm>>
        %dma_start3A_266 = tpu.memref_squeeze %dma_start3A_265 : memref<1x1000000xf32, #tpu.memory_space<hbm>> -> memref<1000000xf32, #tpu.memory_space<hbm>>
        tpu.enqueue_dma source(%dma_start3A_266 : memref<1000000xf32, #tpu.memory_space<hbm>>) target(%arg34 : memref<1000000xf32, #tpu.memory_space<vmem_shared>>) target_semaphore(%arg36 : memref<!tpu.dma_semaphore, #tpu.memory_space<semaphore_mem>>)
      } else {
      }
      %lt3A_73 = arith.constant 32 : i32
      %lt3A_74 = arith.cmpi slt, %add3A_19, %lt3A_73 : i32
      %add3A_75 = arith.constant 8 : i32
      %add3A_76 = arith.addi %add3A_19, %add3A_75 : i32
      %jit3A_77 = arith.constant 16 : i32
      %eq3A_78 = arith.constant 0 : i32
      %eq3A_79 = arith.cmpi eq, %jit3A_77, %eq3A_78 : i32
      %jit3A_80 = arith.constant 1 : i32
      %select_n3A_81 = arith.select %eq3A_79, %jit3A_80, %jit3A_77 : i32
      %rem3A_82 = arith.remsi %add3A_76, %select_n3A_81 : i32
      %ne3A_83 = arith.constant 0 : i32
      %ne3A_84 = arith.cmpi ne, %rem3A_82, %ne3A_83 : i32
      %lt3A_85 = arith.constant 0 : i32
      %lt3A_86 = arith.cmpi slt, %rem3A_82, %lt3A_85 : i32
      %lt3A_87 = arith.constant 0 : i32
      %lt3A_88 = arith.cmpi slt, %select_n3A_81, %lt3A_87 : i32
      %ne3A_89 = arith.xori %lt3A_86, %lt3A_88 : i1
      %and3A_90 = arith.andi %ne3A_89, %ne3A_84 : i1
      %add3A_91 = arith.addi %rem3A_82, %select_n3A_81 : i32
      %select_n3A_92 = arith.select %and3A_90, %add3A_91, %rem3A_82 : i32
      %eq3A_93 = arith.cmpi eq, %arg1, %select_n3A_92 : i32
      %and3A_94 = arith.andi %lt3A_74, %eq3A_93 : i1
      %convert_element_type3A_95 = arith.extui %and3A_94 : i1 to i32
      %cond3A_96 = arith.constant 0 : i32
      %cond3A_97 = arith.cmpi ne, %convert_element_type3A_95, %cond3A_96 : i32
      scf.if %cond3A_97 {
        %dma_start3A = arith.constant 0 : i32
        %dma_start3A_265 = tpu.memref_slice %arg8[%add3A_64, %dma_start3A] : memref<64x1000xf32, #tpu.memory_space<hbm>> -> memref<1x1000xf32, #tpu.memory_space<hbm>>
        %dma_start3A_266 = tpu.memref_squeeze %dma_start3A_265 : memref<1x1000xf32, #tpu.memory_space<hbm>> -> memref<1000xf32, #tpu.memory_space<hbm>>
        tpu.enqueue_dma source(%dma_start3A_266 : memref<1000xf32, #tpu.memory_space<hbm>>) target(%arg32 : memref<1000xf32, #tpu.memory_space<vmem_shared>>) target_semaphore(%arg37 : memref<!tpu.dma_semaphore, #tpu.memory_space<semaphore_mem>>)
      } else {
      }
      %gt3A_98 = arith.constant 0 : i32
      %gt3A_99 = arith.cmpi sgt, %add3A_19, %gt3A_98 : i32
      %le3A_100 = arith.constant 32 : i32
      %le3A_101 = arith.cmpi sle, %add3A_19, %le3A_100 : i32
      %and3A_102 = arith.andi %gt3A_99, %le3A_101 : i1
      %convert_element_type3A_103 = arith.extui %and3A_102 : i1 to i32
      %cond3A_104 = arith.constant 0 : i32
      %cond3A_105 = arith.cmpi ne, %convert_element_type3A_103, %cond3A_104 : i32
      scf.if %cond3A_105 {
        %sub3A_265 = arith.constant 1 : i32
        %sub3A_266 = arith.subi %add3A_64, %sub3A_265 : i32
        %scan3A_267 = arith.constant 0 : i32
        %scan3A_268 = arith.constant 0 : i32
        %scan3A_269 = arith.constant 5 : i32
        %scan3A_270 = arith.addi %scan3A_268, %scan3A_269 : i32
        %scan3A_271 = arith.constant 1 : i32
        scf.for %scan3A_273 = %scan3A_268 to %scan3A_270 step %scan3A_271  : i32 {
          %mul3A_274 = arith.constant 2 : i32
          %mul3A_275 = arith.muli %scan3A_273, %mul3A_274 : i32
          %add3A_276 = arith.constant 0 : i32
          %add3A_277 = arith.addi %mul3A_275, %add3A_276 : i32
          %ge3A = arith.constant 2 : i32
          %ge3A_278 = arith.cmpi sge, %add3A_277, %ge3A : i32
          %convert_element_type3A_279 = arith.extui %ge3A_278 : i1 to i32
          %cond3A_280 = arith.constant 0 : i32
          %cond3A_281 = arith.cmpi ne, %convert_element_type3A_279, %cond3A_280 : i32
          scf.if %cond3A_281 {
            %dma_wait3A = arith.constant 0 : i32
            %dma_wait3A_317 = arith.constant 0 : i32
            %dma_wait3A_318 = arith.constant 0 : i32
            %dma_wait3A_319 = tpu.memref_slice %arg9[%dma_wait3A, %dma_wait3A_317, %dma_wait3A_318] : memref<2x2x16384xf32, #tpu.memory_space<hbm>> -> memref<1x1x128xf32, #tpu.memory_space<hbm>>
            %dma_wait3A_320 = tpu.memref_squeeze %dma_wait3A_319 : memref<1x1x128xf32, #tpu.memory_space<hbm>> -> memref<128xf32, #tpu.memory_space<hbm>>
            %dma_wait3A_321 = arith.constant 0 : i32
            %dma_wait3A_322 = tpu.memref_slice %arg9[%dma_wait3A, %dma_wait3A_317, %dma_wait3A_321] : memref<2x2x16384xf32, #tpu.memory_space<hbm>> -> memref<1x1x128xf32, #tpu.memory_space<hbm>>
            %dma_wait3A_323 = tpu.memref_squeeze %dma_wait3A_322 : memref<1x1x128xf32, #tpu.memory_space<hbm>> -> memref<128xf32, #tpu.memory_space<hbm>>
            tpu.wait_dma2 semaphore(%arg39 : memref<!tpu.dma_semaphore, #tpu.memory_space<semaphore_mem>>) src(%dma_wait3A_323 : memref<128xf32, #tpu.memory_space<hbm>>) dst(%arg20 : memref<128xf32, #tpu.memory_space<vmem>>)
            %dma_wait3A_324 = arith.constant 0 : i32
            %dma_wait3A_325 = arith.constant 0 : i32
            %dma_wait3A_326 = arith.constant 0 : i32
            %dma_wait3A_327 = tpu.memref_slice %arg9[%dma_wait3A_324, %dma_wait3A_325, %dma_wait3A_326] : memref<2x2x16384xf32, #tpu.memory_space<hbm>> -> memref<1x1x128xf32, #tpu.memory_space<hbm>>
            %dma_wait3A_328 = tpu.memref_squeeze %dma_wait3A_327 : memref<1x1x128xf32, #tpu.memory_space<hbm>> -> memref<128xf32, #tpu.memory_space<hbm>>
            %dma_wait3A_329 = arith.constant 0 : i32
            %dma_wait3A_330 = tpu.memref_slice %arg9[%dma_wait3A_324, %dma_wait3A_325, %dma_wait3A_329] : memref<2x2x16384xf32, #tpu.memory_space<hbm>> -> memref<1x1x128xf32, #tpu.memory_space<hbm>>
            %dma_wait3A_331 = tpu.memref_squeeze %dma_wait3A_330 : memref<1x1x128xf32, #tpu.memory_space<hbm>> -> memref<128xf32, #tpu.memory_space<hbm>>
            tpu.wait_dma2 semaphore(%arg39 : memref<!tpu.dma_semaphore, #tpu.memory_space<semaphore_mem>>) src(%dma_wait3A_331 : memref<128xf32, #tpu.memory_space<hbm>>) dst(%arg22 : memref<128xf32, #tpu.memory_space<vmem>>)
            %dma_wait3A_332 = arith.constant 0 : i32
            %dma_wait3A_333 = arith.constant 0 : i32
            %dma_wait3A_334 = arith.constant 0 : i32
            %dma_wait3A_335 = tpu.memref_slice %arg9[%dma_wait3A_332, %dma_wait3A_333, %dma_wait3A_334] : memref<2x2x16384xf32, #tpu.memory_space<hbm>> -> memref<1x1x128xf32, #tpu.memory_space<hbm>>
            %dma_wait3A_336 = tpu.memref_squeeze %dma_wait3A_335 : memref<1x1x128xf32, #tpu.memory_space<hbm>> -> memref<128xf32, #tpu.memory_space<hbm>>
            %dma_wait3A_337 = arith.constant 0 : i32
            %dma_wait3A_338 = tpu.memref_slice %arg9[%dma_wait3A_332, %dma_wait3A_333, %dma_wait3A_337] : memref<2x2x16384xf32, #tpu.memory_space<hbm>> -> memref<1x1x128xf32, #tpu.memory_space<hbm>>
            %dma_wait3A_339 = tpu.memref_squeeze %dma_wait3A_338 : memref<1x1x128xf32, #tpu.memory_space<hbm>> -> memref<128xf32, #tpu.memory_space<hbm>>
            tpu.wait_dma2 semaphore(%arg39 : memref<!tpu.dma_semaphore, #tpu.memory_space<semaphore_mem>>) src(%dma_wait3A_339 : memref<128xf32, #tpu.memory_space<hbm>>) dst(%arg24 : memref<128xf32, #tpu.memory_space<vmem>>)
            %dma_wait3A_340 = arith.constant 0 : i32
            %dma_wait3A_341 = arith.constant 0 : i32
            %dma_wait3A_342 = arith.constant 0 : i32
            %dma_wait3A_343 = tpu.memref_slice %arg9[%dma_wait3A_340, %dma_wait3A_341, %dma_wait3A_342] : memref<2x2x16384xf32, #tpu.memory_space<hbm>> -> memref<1x1x128xf32, #tpu.memory_space<hbm>>
            %dma_wait3A_344 = tpu.memref_squeeze %dma_wait3A_343 : memref<1x1x128xf32, #tpu.memory_space<hbm>> -> memref<128xf32, #tpu.memory_space<hbm>>
            %dma_wait3A_345 = arith.constant 0 : i32
            %dma_wait3A_346 = tpu.memref_slice %arg9[%dma_wait3A_340, %dma_wait3A_341, %dma_wait3A_345] : memref<2x2x16384xf32, #tpu.memory_space<hbm>> -> memref<1x1x128xf32, #tpu.memory_space<hbm>>
            %dma_wait3A_347 = tpu.memref_squeeze %dma_wait3A_346 : memref<1x1x128xf32, #tpu.memory_space<hbm>> -> memref<128xf32, #tpu.memory_space<hbm>>
            tpu.wait_dma2 semaphore(%arg39 : memref<!tpu.dma_semaphore, #tpu.memory_space<semaphore_mem>>) src(%dma_wait3A_347 : memref<128xf32, #tpu.memory_space<hbm>>) dst(%arg26 : memref<128xf32, #tpu.memory_space<vmem>>)
            %dma_wait3A_348 = arith.constant 0 : i32
            %dma_wait3A_349 = arith.constant 0 : i32
            %dma_wait3A_350 = arith.constant 0 : i32
            %dma_wait3A_351 = tpu.memref_slice %arg9[%dma_wait3A_348, %dma_wait3A_349, %dma_wait3A_350] : memref<2x2x16384xf32, #tpu.memory_space<hbm>> -> memref<1x1x128xf32, #tpu.memory_space<hbm>>
            %dma_wait3A_352 = tpu.memref_squeeze %dma_wait3A_351 : memref<1x1x128xf32, #tpu.memory_space<hbm>> -> memref<128xf32, #tpu.memory_space<hbm>>
            %dma_wait3A_353 = arith.constant 0 : i32
            %dma_wait3A_354 = tpu.memref_slice %arg9[%dma_wait3A_348, %dma_wait3A_349, %dma_wait3A_353] : memref<2x2x16384xf32, #tpu.memory_space<hbm>> -> memref<1x1x128xf32, #tpu.memory_space<hbm>>
            %dma_wait3A_355 = tpu.memref_squeeze %dma_wait3A_354 : memref<1x1x128xf32, #tpu.memory_space<hbm>> -> memref<128xf32, #tpu.memory_space<hbm>>
            tpu.wait_dma2 semaphore(%arg39 : memref<!tpu.dma_semaphore, #tpu.memory_space<semaphore_mem>>) src(%dma_wait3A_355 : memref<128xf32, #tpu.memory_space<hbm>>) dst(%arg28 : memref<128xf32, #tpu.memory_space<vmem>>)
            %sub3A_356 = arith.constant 2 : i32
            %sub3A_357 = arith.subi %add3A_277, %sub3A_356 : i32
            %scan3A_358 = arith.constant 0 : i32
            %scan3A_359 = arith.constant 0 : i32
            %scan3A_360 = arith.constant 8 : i32
            %scan3A_361 = arith.addi %scan3A_359, %scan3A_360 : i32
            %scan3A_362 = arith.constant 1 : i32
            scf.for %scan3A_364 = %scan3A_359 to %scan3A_361 step %scan3A_362  : i32 {
              %mul3A_365 = arith.constant 16 : i32
              %mul3A_366 = arith.muli %scan3A_364, %mul3A_365 : i32
              %mul3A_367 = arith.constant 128 : i32
              %mul3A_368 = arith.muli %sub3A_357, %mul3A_367 : i32
              %mul3A_369 = arith.constant 16 : i32
              %mul3A_370 = arith.muli %scan3A_364, %mul3A_369 : i32
              %add3A_371 = arith.addi %mul3A_368, %mul3A_370 : i32
              %get3A = arith.index_cast %mul3A_366 : i32 to index
              %get3A_372 = tpu.vector_load %arg20[%get3A] {strides = array<i32>} : memref<128xf32, #tpu.memory_space<vmem>>, vector<16xf32>,
              %get3A_373 = arith.index_cast %mul3A_366 : i32 to index
              %get3A_374 = tpu.vector_load %arg22[%get3A_373] {strides = array<i32>} : memref<128xf32, #tpu.memory_space<vmem>>, vector<16xf32>,
              %add3A_375 = arith.addf %get3A_374, %get3A_372 : vector<16xf32>
              %get3A_376 = arith.index_cast %mul3A_366 : i32 to index
              %get3A_377 = tpu.vector_load %arg24[%get3A_376] {strides = array<i32>} : memref<128xf32, #tpu.memory_space<vmem>>, vector<16xf32>,
              %sub3A_378 = arith.subf %add3A_375, %get3A_377 : vector<16xf32>
              %get3A_379 = arith.index_cast %mul3A_366 : i32 to index
              %get3A_380 = tpu.vector_load %arg26[%get3A_379] {strides = array<i32>} : memref<128xf32, #tpu.memory_space<vmem>>, vector<16xf32>,
              %add3A_381 = arith.addf %get3A_380, %get3A_372 : vector<16xf32>
              %get3A_382 = arith.index_cast %mul3A_366 : i32 to index
              %get3A_383 = tpu.vector_load %arg28[%get3A_382] {strides = array<i32>} : memref<128xf32, #tpu.memory_space<vmem>>, vector<16xf32>,
              %sub3A_384 = arith.subf %add3A_381, %get3A_383 : vector<16xf32>
              %get3A_385 = arith.index_cast %add3A_371 : i32 to index
              %get3A_386 = tpu.vector_load %arg30[%get3A_385] {strides = array<i32>} : memref<1024xf32, #tpu.memory_space<vmem>>, vector<16xf32>,
              %mul3A_387 = arith.mulf %sub3A_378, %sub3A_378 : vector<16xf32>
              %add3A_388 = arith.addf %get3A_386, %mul3A_387 : vector<16xf32>
              %swap3A = arith.index_cast %add3A_371 : i32 to index
              %swap3A_389 = tpu.vector_load %arg30[%swap3A] {strides = array<i32>} : memref<1024xf32, #tpu.memory_space<vmem>>, vector<16xf32>,
              tpu.vector_store %arg30[%swap3A], %add3A_388 {strides = array<i32>} : memref<1024xf32, #tpu.memory_space<vmem>>, vector<16xf32>,
              %get3A_390 = arith.index_cast %add3A_371 : i32 to index
              %get3A_391 = tpu.vector_load %arg31[%get3A_390] {strides = array<i32>} : memref<1024xf32, #tpu.memory_space<vmem>>, vector<16xf32>,
              %mul3A_392 = arith.mulf %sub3A_384, %sub3A_384 : vector<16xf32>
              %add3A_393 = arith.addf %get3A_391, %mul3A_392 : vector<16xf32>
              %swap3A_394 = arith.index_cast %add3A_371 : i32 to index
              %swap3A_395 = tpu.vector_load %arg31[%swap3A_394] {strides = array<i32>} : memref<1024xf32, #tpu.memory_space<vmem>>, vector<16xf32>,
              tpu.vector_store %arg31[%swap3A_394], %add3A_393 {strides = array<i32>} : memref<1024xf32, #tpu.memory_space<vmem>>, vector<16xf32>,
            }
            %scan3A_363 = arith.constant 8 : i32
          } else {
          }
          %lt3A_282 = arith.constant 8 : i32
          %lt3A_283 = arith.cmpi slt, %add3A_277, %lt3A_282 : i32
          %convert_element_type3A_284 = arith.extui %lt3A_283 : i1 to i32
          %cond3A_285 = arith.constant 0 : i32
          %cond3A_286 = arith.cmpi ne, %convert_element_type3A_284, %cond3A_285 : i32
          scf.if %cond3A_286 {
            %mul3A_317 = arith.constant 128 : i32
            %mul3A_318 = arith.muli %add3A_277, %mul3A_317 : i32
            %add3A_319 = arith.addi %mul3A_0, %mul3A_318 : i32
            %dma_start3A = tpu.memref_slice %arg2[%add3A_319] : memref<16384xi32, #tpu.memory_space<hbm>> -> memref<128xi32, #tpu.memory_space<hbm>>
            %dma_start3A_320 = tpu.memref_slice %arg2[%add3A_319] : memref<16384xi32, #tpu.memory_space<hbm>> -> memref<128xi32, #tpu.memory_space<hbm>>
            tpu.enqueue_dma source(%dma_start3A_320 : memref<128xi32, #tpu.memory_space<hbm>>) target(%arg10 : memref<128xi32, #tpu.memory_space<vmem>>) target_semaphore(%arg38 : memref<!tpu.dma_semaphore, #tpu.memory_space<semaphore_mem>>)
            %dma_start3A_321 = tpu.memref_slice %arg3[%add3A_319] : memref<16384xi32, #tpu.memory_space<hbm>> -> memref<128xi32, #tpu.memory_space<hbm>>
            %dma_start3A_322 = tpu.memref_slice %arg3[%add3A_319] : memref<16384xi32, #tpu.memory_space<hbm>> -> memref<128xi32, #tpu.memory_space<hbm>>
            tpu.enqueue_dma source(%dma_start3A_322 : memref<128xi32, #tpu.memory_space<hbm>>) target(%arg12 : memref<128xi32, #tpu.memory_space<vmem>>) target_semaphore(%arg38 : memref<!tpu.dma_semaphore, #tpu.memory_space<semaphore_mem>>)
            %dma_start3A_323 = tpu.memref_slice %arg4[%add3A_319] : memref<16384xi32, #tpu.memory_space<hbm>> -> memref<128xi32, #tpu.memory_space<hbm>>
            %dma_start3A_324 = tpu.memref_slice %arg4[%add3A_319] : memref<16384xi32, #tpu.memory_space<hbm>> -> memref<128xi32, #tpu.memory_space<hbm>>
            tpu.enqueue_dma source(%dma_start3A_324 : memref<128xi32, #tpu.memory_space<hbm>>) target(%arg14 : memref<128xi32, #tpu.memory_space<vmem>>) target_semaphore(%arg38 : memref<!tpu.dma_semaphore, #tpu.memory_space<semaphore_mem>>)
            %dma_start3A_325 = tpu.memref_slice %arg5[%add3A_319] : memref<16384xi32, #tpu.memory_space<hbm>> -> memref<128xi32, #tpu.memory_space<hbm>>
            %dma_start3A_326 = tpu.memref_slice %arg5[%add3A_319] : memref<16384xi32, #tpu.memory_space<hbm>> -> memref<128xi32, #tpu.memory_space<hbm>>
            tpu.enqueue_dma source(%dma_start3A_326 : memref<128xi32, #tpu.memory_space<hbm>>) target(%arg16 : memref<128xi32, #tpu.memory_space<vmem>>) target_semaphore(%arg38 : memref<!tpu.dma_semaphore, #tpu.memory_space<semaphore_mem>>)
            %dma_start3A_327 = tpu.memref_slice %arg6[%add3A_319] : memref<16384xi32, #tpu.memory_space<hbm>> -> memref<128xi32, #tpu.memory_space<hbm>>
            %dma_start3A_328 = tpu.memref_slice %arg6[%add3A_319] : memref<16384xi32, #tpu.memory_space<hbm>> -> memref<128xi32, #tpu.memory_space<hbm>>
            tpu.enqueue_dma source(%dma_start3A_328 : memref<128xi32, #tpu.memory_space<hbm>>) target(%arg18 : memref<128xi32, #tpu.memory_space<vmem>>) target_semaphore(%arg38 : memref<!tpu.dma_semaphore, #tpu.memory_space<semaphore_mem>>)
          } else {
          }
          %ge3A_287 = arith.constant 1 : i32
          %ge3A_288 = arith.cmpi sge, %add3A_277, %ge3A_287 : i32
          %lt3A_289 = arith.constant 9 : i32
          %lt3A_290 = arith.cmpi slt, %add3A_277, %lt3A_289 : i32
          %and3A_291 = arith.andi %ge3A_288, %lt3A_290 : i1
          %convert_element_type3A_292 = arith.extui %and3A_291 : i1 to i32
          %cond3A_293 = arith.constant 0 : i32
          %cond3A_294 = arith.cmpi ne, %convert_element_type3A_292, %cond3A_293 : i32
          scf.if %cond3A_294 {
            %dma_wait3A = arith.constant 0 : i32
            %dma_wait3A_317 = tpu.memref_slice %arg2[%dma_wait3A] : memref<16384xi32, #tpu.memory_space<hbm>> -> memref<128xi32, #tpu.memory_space<hbm>>
            %dma_wait3A_318 = arith.constant 0 : i32
            %dma_wait3A_319 = tpu.memref_slice %arg2[%dma_wait3A_318] : memref<16384xi32, #tpu.memory_space<hbm>> -> memref<128xi32, #tpu.memory_space<hbm>>
            tpu.wait_dma2 semaphore(%arg38 : memref<!tpu.dma_semaphore, #tpu.memory_space<semaphore_mem>>) src(%dma_wait3A_319 : memref<128xi32, #tpu.memory_space<hbm>>) dst(%arg11 : memref<128xi32, #tpu.memory_space<vmem>>)
            %dma_wait3A_320 = arith.constant 0 : i32
            %dma_wait3A_321 = tpu.memref_slice %arg2[%dma_wait3A_320] : memref<16384xi32, #tpu.memory_space<hbm>> -> memref<128xi32, #tpu.memory_space<hbm>>
            %dma_wait3A_322 = arith.constant 0 : i32
            %dma_wait3A_323 = tpu.memref_slice %arg2[%dma_wait3A_322] : memref<16384xi32, #tpu.memory_space<hbm>> -> memref<128xi32, #tpu.memory_space<hbm>>
            tpu.wait_dma2 semaphore(%arg38 : memref<!tpu.dma_semaphore, #tpu.memory_space<semaphore_mem>>) src(%dma_wait3A_323 : memref<128xi32, #tpu.memory_space<hbm>>) dst(%arg13 : memref<128xi32, #tpu.memory_space<vmem>>)
            %dma_wait3A_324 = arith.constant 0 : i32
            %dma_wait3A_325 = tpu.memref_slice %arg2[%dma_wait3A_324] : memref<16384xi32, #tpu.memory_space<hbm>> -> memref<128xi32, #tpu.memory_space<hbm>>
            %dma_wait3A_326 = arith.constant 0 : i32
            %dma_wait3A_327 = tpu.memref_slice %arg2[%dma_wait3A_326] : memref<16384xi32, #tpu.memory_space<hbm>> -> memref<128xi32, #tpu.memory_space<hbm>>
            tpu.wait_dma2 semaphore(%arg38 : memref<!tpu.dma_semaphore, #tpu.memory_space<semaphore_mem>>) src(%dma_wait3A_327 : memref<128xi32, #tpu.memory_space<hbm>>) dst(%arg15 : memref<128xi32, #tpu.memory_space<vmem>>)
            %dma_wait3A_328 = arith.constant 0 : i32
            %dma_wait3A_329 = tpu.memref_slice %arg2[%dma_wait3A_328] : memref<16384xi32, #tpu.memory_space<hbm>> -> memref<128xi32, #tpu.memory_space<hbm>>
            %dma_wait3A_330 = arith.constant 0 : i32
            %dma_wait3A_331 = tpu.memref_slice %arg2[%dma_wait3A_330] : memref<16384xi32, #tpu.memory_space<hbm>> -> memref<128xi32, #tpu.memory_space<hbm>>
            tpu.wait_dma2 semaphore(%arg38 : memref<!tpu.dma_semaphore, #tpu.memory_space<semaphore_mem>>) src(%dma_wait3A_331 : memref<128xi32, #tpu.memory_space<hbm>>) dst(%arg17 : memref<128xi32, #tpu.memory_space<vmem>>)
            %dma_wait3A_332 = arith.constant 0 : i32
            %dma_wait3A_333 = tpu.memref_slice %arg2[%dma_wait3A_332] : memref<16384xi32, #tpu.memory_space<hbm>> -> memref<128xi32, #tpu.memory_space<hbm>>
            %dma_wait3A_334 = arith.constant 0 : i32
            %dma_wait3A_335 = tpu.memref_slice %arg2[%dma_wait3A_334] : memref<16384xi32, #tpu.memory_space<hbm>> -> memref<128xi32, #tpu.memory_space<hbm>>
            tpu.wait_dma2 semaphore(%arg38 : memref<!tpu.dma_semaphore, #tpu.memory_space<semaphore_mem>>) src(%dma_wait3A_335 : memref<128xi32, #tpu.memory_space<hbm>>) dst(%arg19 : memref<128xi32, #tpu.memory_space<vmem>>)
            %dma_start3A = arith.constant 0 : i32
            %dma_start3A_336 = tpu.memref_slice %arg33[%dma_start3A] : memref<1000xf32, #tpu.memory_space<vmem_shared>> -> memref<1000xf32, #tpu.memory_space<vmem_shared>>
            tpu.enqueue_indirect_dma source(%dma_start3A_336 : memref<1000xf32, #tpu.memory_space<vmem_shared>>) target(%arg21 : memref<128xf32, #tpu.memory_space<vmem>>) offsets(%arg11 : memref<128xi32, #tpu.memory_space<vmem>>) semaphore(%arg39 : memref<!tpu.dma_semaphore, #tpu.memory_space<semaphore_mem>>)
            %dma_start3A_337 = arith.constant 0 : i32
            %dma_start3A_338 = tpu.memref_slice %arg35[%dma_start3A_337] : memref<1000000xf32, #tpu.memory_space<vmem_shared>> -> memref<1000000xf32, #tpu.memory_space<vmem_shared>>
            tpu.enqueue_indirect_dma source(%dma_start3A_338 : memref<1000000xf32, #tpu.memory_space<vmem_shared>>) target(%arg23 : memref<128xf32, #tpu.memory_space<vmem>>) offsets(%arg13 : memref<128xi32, #tpu.memory_space<vmem>>) semaphore(%arg39 : memref<!tpu.dma_semaphore, #tpu.memory_space<semaphore_mem>>)
            %dma_start3A_339 = arith.constant 0 : i32
            %dma_start3A_340 = tpu.memref_slice %arg35[%dma_start3A_339] : memref<1000000xf32, #tpu.memory_space<vmem_shared>> -> memref<1000000xf32, #tpu.memory_space<vmem_shared>>
            tpu.enqueue_indirect_dma source(%dma_start3A_340 : memref<1000000xf32, #tpu.memory_space<vmem_shared>>) target(%arg25 : memref<128xf32, #tpu.memory_space<vmem>>) offsets(%arg15 : memref<128xi32, #tpu.memory_space<vmem>>) semaphore(%arg39 : memref<!tpu.dma_semaphore, #tpu.memory_space<semaphore_mem>>)
            %dma_start3A_341 = arith.constant 0 : i32
            %dma_start3A_342 = tpu.memref_slice %arg35[%dma_start3A_341] : memref<1000000xf32, #tpu.memory_space<vmem_shared>> -> memref<1000000xf32, #tpu.memory_space<vmem_shared>>
            tpu.enqueue_indirect_dma source(%dma_start3A_342 : memref<1000000xf32, #tpu.memory_space<vmem_shared>>) target(%arg27 : memref<128xf32, #tpu.memory_space<vmem>>) offsets(%arg17 : memref<128xi32, #tpu.memory_space<vmem>>) semaphore(%arg39 : memref<!tpu.dma_semaphore, #tpu.memory_space<semaphore_mem>>)
            %dma_start3A_343 = arith.constant 0 : i32
            %dma_start3A_344 = tpu.memref_slice %arg35[%dma_start3A_343] : memref<1000000xf32, #tpu.memory_space<vmem_shared>> -> memref<1000000xf32, #tpu.memory_space<vmem_shared>>
            tpu.enqueue_indirect_dma source(%dma_start3A_344 : memref<1000000xf32, #tpu.memory_space<vmem_shared>>) target(%arg29 : memref<128xf32, #tpu.memory_space<vmem>>) offsets(%arg19 : memref<128xi32, #tpu.memory_space<vmem>>) semaphore(%arg39 : memref<!tpu.dma_semaphore, #tpu.memory_space<semaphore_mem>>)
          } else {
          }
          %mul3A_295 = arith.constant 2 : i32
          %mul3A_296 = arith.muli %scan3A_273, %mul3A_295 : i32
          %add3A_297 = arith.constant 1 : i32
          %add3A_298 = arith.addi %mul3A_296, %add3A_297 : i32
          %ge3A_299 = arith.constant 2 : i32
          %ge3A_300 = arith.cmpi sge, %add3A_298, %ge3A_299 : i32
          %convert_element_type3A_301 = arith.extui %ge3A_300 : i1 to i32
          %cond3A_302 = arith.constant 0 : i32
          %cond3A_303 = arith.cmpi ne, %convert_element_type3A_301, %cond3A_302 : i32
          scf.if %cond3A_303 {
            %dma_wait3A = arith.constant 0 : i32
            %dma_wait3A_317 = arith.constant 0 : i32
            %dma_wait3A_318 = arith.constant 0 : i32
            %dma_wait3A_319 = tpu.memref_slice %arg9[%dma_wait3A, %dma_wait3A_317, %dma_wait3A_318] : memref<2x2x16384xf32, #tpu.memory_space<hbm>> -> memref<1x1x128xf32, #tpu.memory_space<hbm>>
            %dma_wait3A_320 = tpu.memref_squeeze %dma_wait3A_319 : memref<1x1x128xf32, #tpu.memory_space<hbm>> -> memref<128xf32, #tpu.memory_space<hbm>>
            %dma_wait3A_321 = arith.constant 0 : i32
            %dma_wait3A_322 = tpu.memref_slice %arg9[%dma_wait3A, %dma_wait3A_317, %dma_wait3A_321] : memref<2x2x16384xf32, #tpu.memory_space<hbm>> -> memref<1x1x128xf32, #tpu.memory_space<hbm>>
            %dma_wait3A_323 = tpu.memref_squeeze %dma_wait3A_322 : memref<1x1x128xf32, #tpu.memory_space<hbm>> -> memref<128xf32, #tpu.memory_space<hbm>>
            tpu.wait_dma2 semaphore(%arg39 : memref<!tpu.dma_semaphore, #tpu.memory_space<semaphore_mem>>) src(%dma_wait3A_323 : memref<128xf32, #tpu.memory_space<hbm>>) dst(%arg21 : memref<128xf32, #tpu.memory_space<vmem>>)
            %dma_wait3A_324 = arith.constant 0 : i32
            %dma_wait3A_325 = arith.constant 0 : i32
            %dma_wait3A_326 = arith.constant 0 : i32
            %dma_wait3A_327 = tpu.memref_slice %arg9[%dma_wait3A_324, %dma_wait3A_325, %dma_wait3A_326] : memref<2x2x16384xf32, #tpu.memory_space<hbm>> -> memref<1x1x128xf32, #tpu.memory_space<hbm>>
            %dma_wait3A_328 = tpu.memref_squeeze %dma_wait3A_327 : memref<1x1x128xf32, #tpu.memory_space<hbm>> -> memref<128xf32, #tpu.memory_space<hbm>>
            %dma_wait3A_329 = arith.constant 0 : i32
            %dma_wait3A_330 = tpu.memref_slice %arg9[%dma_wait3A_324, %dma_wait3A_325, %dma_wait3A_329] : memref<2x2x16384xf32, #tpu.memory_space<hbm>> -> memref<1x1x128xf32, #tpu.memory_space<hbm>>
            %dma_wait3A_331 = tpu.memref_squeeze %dma_wait3A_330 : memref<1x1x128xf32, #tpu.memory_space<hbm>> -> memref<128xf32, #tpu.memory_space<hbm>>
            tpu.wait_dma2 semaphore(%arg39 : memref<!tpu.dma_semaphore, #tpu.memory_space<semaphore_mem>>) src(%dma_wait3A_331 : memref<128xf32, #tpu.memory_space<hbm>>) dst(%arg23 : memref<128xf32, #tpu.memory_space<vmem>>)
            %dma_wait3A_332 = arith.constant 0 : i32
            %dma_wait3A_333 = arith.constant 0 : i32
            %dma_wait3A_334 = arith.constant 0 : i32
            %dma_wait3A_335 = tpu.memref_slice %arg9[%dma_wait3A_332, %dma_wait3A_333, %dma_wait3A_334] : memref<2x2x16384xf32, #tpu.memory_space<hbm>> -> memref<1x1x128xf32, #tpu.memory_space<hbm>>
            %dma_wait3A_336 = tpu.memref_squeeze %dma_wait3A_335 : memref<1x1x128xf32, #tpu.memory_space<hbm>> -> memref<128xf32, #tpu.memory_space<hbm>>
            %dma_wait3A_337 = arith.constant 0 : i32
            %dma_wait3A_338 = tpu.memref_slice %arg9[%dma_wait3A_332, %dma_wait3A_333, %dma_wait3A_337] : memref<2x2x16384xf32, #tpu.memory_space<hbm>> -> memref<1x1x128xf32, #tpu.memory_space<hbm>>
            %dma_wait3A_339 = tpu.memref_squeeze %dma_wait3A_338 : memref<1x1x128xf32, #tpu.memory_space<hbm>> -> memref<128xf32, #tpu.memory_space<hbm>>
            tpu.wait_dma2 semaphore(%arg39 : memref<!tpu.dma_semaphore, #tpu.memory_space<semaphore_mem>>) src(%dma_wait3A_339 : memref<128xf32, #tpu.memory_space<hbm>>) dst(%arg25 : memref<128xf32, #tpu.memory_space<vmem>>)
            %dma_wait3A_340 = arith.constant 0 : i32
            %dma_wait3A_341 = arith.constant 0 : i32
            %dma_wait3A_342 = arith.constant 0 : i32
            %dma_wait3A_343 = tpu.memref_slice %arg9[%dma_wait3A_340, %dma_wait3A_341, %dma_wait3A_342] : memref<2x2x16384xf32, #tpu.memory_space<hbm>> -> memref<1x1x128xf32, #tpu.memory_space<hbm>>
            %dma_wait3A_344 = tpu.memref_squeeze %dma_wait3A_343 : memref<1x1x128xf32, #tpu.memory_space<hbm>> -> memref<128xf32, #tpu.memory_space<hbm>>
            %dma_wait3A_345 = arith.constant 0 : i32
            %dma_wait3A_346 = tpu.memref_slice %arg9[%dma_wait3A_340, %dma_wait3A_341, %dma_wait3A_345] : memref<2x2x16384xf32, #tpu.memory_space<hbm>> -> memref<1x1x128xf32, #tpu.memory_space<hbm>>
            %dma_wait3A_347 = tpu.memref_squeeze %dma_wait3A_346 : memref<1x1x128xf32, #tpu.memory_space<hbm>> -> memref<128xf32, #tpu.memory_space<hbm>>
            tpu.wait_dma2 semaphore(%arg39 : memref<!tpu.dma_semaphore, #tpu.memory_space<semaphore_mem>>) src(%dma_wait3A_347 : memref<128xf32, #tpu.memory_space<hbm>>) dst(%arg27 : memref<128xf32, #tpu.memory_space<vmem>>)
            %dma_wait3A_348 = arith.constant 0 : i32
            %dma_wait3A_349 = arith.constant 0 : i32
            %dma_wait3A_350 = arith.constant 0 : i32
            %dma_wait3A_351 = tpu.memref_slice %arg9[%dma_wait3A_348, %dma_wait3A_349, %dma_wait3A_350] : memref<2x2x16384xf32, #tpu.memory_space<hbm>> -> memref<1x1x128xf32, #tpu.memory_space<hbm>>
            %dma_wait3A_352 = tpu.memref_squeeze %dma_wait3A_351 : memref<1x1x128xf32, #tpu.memory_space<hbm>> -> memref<128xf32, #tpu.memory_space<hbm>>
            %dma_wait3A_353 = arith.constant 0 : i32
            %dma_wait3A_354 = tpu.memref_slice %arg9[%dma_wait3A_348, %dma_wait3A_349, %dma_wait3A_353] : memref<2x2x16384xf32, #tpu.memory_space<hbm>> -> memref<1x1x128xf32, #tpu.memory_space<hbm>>
            %dma_wait3A_355 = tpu.memref_squeeze %dma_wait3A_354 : memref<1x1x128xf32, #tpu.memory_space<hbm>> -> memref<128xf32, #tpu.memory_space<hbm>>
            tpu.wait_dma2 semaphore(%arg39 : memref<!tpu.dma_semaphore, #tpu.memory_space<semaphore_mem>>) src(%dma_wait3A_355 : memref<128xf32, #tpu.memory_space<hbm>>) dst(%arg29 : memref<128xf32, #tpu.memory_space<vmem>>)
            %sub3A_356 = arith.constant 2 : i32
            %sub3A_357 = arith.subi %add3A_298, %sub3A_356 : i32
            %scan3A_358 = arith.constant 0 : i32
            %scan3A_359 = arith.constant 0 : i32
            %scan3A_360 = arith.constant 8 : i32
            %scan3A_361 = arith.addi %scan3A_359, %scan3A_360 : i32
            %scan3A_362 = arith.constant 1 : i32
            scf.for %scan3A_364 = %scan3A_359 to %scan3A_361 step %scan3A_362  : i32 {
              %mul3A_365 = arith.constant 16 : i32
              %mul3A_366 = arith.muli %scan3A_364, %mul3A_365 : i32
              %mul3A_367 = arith.constant 128 : i32
              %mul3A_368 = arith.muli %sub3A_357, %mul3A_367 : i32
              %mul3A_369 = arith.constant 16 : i32
              %mul3A_370 = arith.muli %scan3A_364, %mul3A_369 : i32
              %add3A_371 = arith.addi %mul3A_368, %mul3A_370 : i32
              %get3A = arith.index_cast %mul3A_366 : i32 to index
              %get3A_372 = tpu.vector_load %arg21[%get3A] {strides = array<i32>} : memref<128xf32, #tpu.memory_space<vmem>>, vector<16xf32>,
              %get3A_373 = arith.index_cast %mul3A_366 : i32 to index
              %get3A_374 = tpu.vector_load %arg23[%get3A_373] {strides = array<i32>} : memref<128xf32, #tpu.memory_space<vmem>>, vector<16xf32>,
              %add3A_375 = arith.addf %get3A_374, %get3A_372 : vector<16xf32>
              %get3A_376 = arith.index_cast %mul3A_366 : i32 to index
              %get3A_377 = tpu.vector_load %arg25[%get3A_376] {strides = array<i32>} : memref<128xf32, #tpu.memory_space<vmem>>, vector<16xf32>,
              %sub3A_378 = arith.subf %add3A_375, %get3A_377 : vector<16xf32>
              %get3A_379 = arith.index_cast %mul3A_366 : i32 to index
              %get3A_380 = tpu.vector_load %arg27[%get3A_379] {strides = array<i32>} : memref<128xf32, #tpu.memory_space<vmem>>, vector<16xf32>,
              %add3A_381 = arith.addf %get3A_380, %get3A_372 : vector<16xf32>
              %get3A_382 = arith.index_cast %mul3A_366 : i32 to index
              %get3A_383 = tpu.vector_load %arg29[%get3A_382] {strides = array<i32>} : memref<128xf32, #tpu.memory_space<vmem>>, vector<16xf32>,
              %sub3A_384 = arith.subf %add3A_381, %get3A_383 : vector<16xf32>
              %get3A_385 = arith.index_cast %add3A_371 : i32 to index
              %get3A_386 = tpu.vector_load %arg30[%get3A_385] {strides = array<i32>} : memref<1024xf32, #tpu.memory_space<vmem>>, vector<16xf32>,
              %mul3A_387 = arith.mulf %sub3A_378, %sub3A_378 : vector<16xf32>
              %add3A_388 = arith.addf %get3A_386, %mul3A_387 : vector<16xf32>
              %swap3A = arith.index_cast %add3A_371 : i32 to index
              %swap3A_389 = tpu.vector_load %arg30[%swap3A] {strides = array<i32>} : memref<1024xf32, #tpu.memory_space<vmem>>, vector<16xf32>,
              tpu.vector_store %arg30[%swap3A], %add3A_388 {strides = array<i32>} : memref<1024xf32, #tpu.memory_space<vmem>>, vector<16xf32>,
              %get3A_390 = arith.index_cast %add3A_371 : i32 to index
              %get3A_391 = tpu.vector_load %arg31[%get3A_390] {strides = array<i32>} : memref<1024xf32, #tpu.memory_space<vmem>>, vector<16xf32>,
              %mul3A_392 = arith.mulf %sub3A_384, %sub3A_384 : vector<16xf32>
              %add3A_393 = arith.addf %get3A_391, %mul3A_392 : vector<16xf32>
              %swap3A_394 = arith.index_cast %add3A_371 : i32 to index
              %swap3A_395 = tpu.vector_load %arg31[%swap3A_394] {strides = array<i32>} : memref<1024xf32, #tpu.memory_space<vmem>>, vector<16xf32>,
              tpu.vector_store %arg31[%swap3A_394], %add3A_393 {strides = array<i32>} : memref<1024xf32, #tpu.memory_space<vmem>>, vector<16xf32>,
            }
            %scan3A_363 = arith.constant 8 : i32
          } else {
          }
          %lt3A_304 = arith.constant 8 : i32
          %lt3A_305 = arith.cmpi slt, %add3A_298, %lt3A_304 : i32
          %convert_element_type3A_306 = arith.extui %lt3A_305 : i1 to i32
          %cond3A_307 = arith.constant 0 : i32
          %cond3A_308 = arith.cmpi ne, %convert_element_type3A_306, %cond3A_307 : i32
          scf.if %cond3A_308 {
            %mul3A_317 = arith.constant 128 : i32
            %mul3A_318 = arith.muli %add3A_298, %mul3A_317 : i32
            %add3A_319 = arith.addi %mul3A_0, %mul3A_318 : i32
            %dma_start3A = tpu.memref_slice %arg2[%add3A_319] : memref<16384xi32, #tpu.memory_space<hbm>> -> memref<128xi32, #tpu.memory_space<hbm>>
            %dma_start3A_320 = tpu.memref_slice %arg2[%add3A_319] : memref<16384xi32, #tpu.memory_space<hbm>> -> memref<128xi32, #tpu.memory_space<hbm>>
            tpu.enqueue_dma source(%dma_start3A_320 : memref<128xi32, #tpu.memory_space<hbm>>) target(%arg11 : memref<128xi32, #tpu.memory_space<vmem>>) target_semaphore(%arg38 : memref<!tpu.dma_semaphore, #tpu.memory_space<semaphore_mem>>)
            %dma_start3A_321 = tpu.memref_slice %arg3[%add3A_319] : memref<16384xi32, #tpu.memory_space<hbm>> -> memref<128xi32, #tpu.memory_space<hbm>>
            %dma_start3A_322 = tpu.memref_slice %arg3[%add3A_319] : memref<16384xi32, #tpu.memory_space<hbm>> -> memref<128xi32, #tpu.memory_space<hbm>>
            tpu.enqueue_dma source(%dma_start3A_322 : memref<128xi32, #tpu.memory_space<hbm>>) target(%arg13 : memref<128xi32, #tpu.memory_space<vmem>>) target_semaphore(%arg38 : memref<!tpu.dma_semaphore, #tpu.memory_space<semaphore_mem>>)
            %dma_start3A_323 = tpu.memref_slice %arg4[%add3A_319] : memref<16384xi32, #tpu.memory_space<hbm>> -> memref<128xi32, #tpu.memory_space<hbm>>
            %dma_start3A_324 = tpu.memref_slice %arg4[%add3A_319] : memref<16384xi32, #tpu.memory_space<hbm>> -> memref<128xi32, #tpu.memory_space<hbm>>
            tpu.enqueue_dma source(%dma_start3A_324 : memref<128xi32, #tpu.memory_space<hbm>>) target(%arg15 : memref<128xi32, #tpu.memory_space<vmem>>) target_semaphore(%arg38 : memref<!tpu.dma_semaphore, #tpu.memory_space<semaphore_mem>>)
            %dma_start3A_325 = tpu.memref_slice %arg5[%add3A_319] : memref<16384xi32, #tpu.memory_space<hbm>> -> memref<128xi32, #tpu.memory_space<hbm>>
            %dma_start3A_326 = tpu.memref_slice %arg5[%add3A_319] : memref<16384xi32, #tpu.memory_space<hbm>> -> memref<128xi32, #tpu.memory_space<hbm>>
            tpu.enqueue_dma source(%dma_start3A_326 : memref<128xi32, #tpu.memory_space<hbm>>) target(%arg17 : memref<128xi32, #tpu.memory_space<vmem>>) target_semaphore(%arg38 : memref<!tpu.dma_semaphore, #tpu.memory_space<semaphore_mem>>)
            %dma_start3A_327 = tpu.memref_slice %arg6[%add3A_319] : memref<16384xi32, #tpu.memory_space<hbm>> -> memref<128xi32, #tpu.memory_space<hbm>>
            %dma_start3A_328 = tpu.memref_slice %arg6[%add3A_319] : memref<16384xi32, #tpu.memory_space<hbm>> -> memref<128xi32, #tpu.memory_space<hbm>>
            tpu.enqueue_dma source(%dma_start3A_328 : memref<128xi32, #tpu.memory_space<hbm>>) target(%arg19 : memref<128xi32, #tpu.memory_space<vmem>>) target_semaphore(%arg38 : memref<!tpu.dma_semaphore, #tpu.memory_space<semaphore_mem>>)
          } else {
          }
          %ge3A_309 = arith.constant 1 : i32
          %ge3A_310 = arith.cmpi sge, %add3A_298, %ge3A_309 : i32
          %lt3A_311 = arith.constant 9 : i32
          %lt3A_312 = arith.cmpi slt, %add3A_298, %lt3A_311 : i32
          %and3A_313 = arith.andi %ge3A_310, %lt3A_312 : i1
          %convert_element_type3A_314 = arith.extui %and3A_313 : i1 to i32
          %cond3A_315 = arith.constant 0 : i32
          %cond3A_316 = arith.cmpi ne, %convert_element_type3A_314, %cond3A_315 : i32
          scf.if %cond3A_316 {
            %dma_wait3A = arith.constant 0 : i32
            %dma_wait3A_317 = tpu.memref_slice %arg2[%dma_wait3A] : memref<16384xi32, #tpu.memory_space<hbm>> -> memref<128xi32, #tpu.memory_space<hbm>>
            %dma_wait3A_318 = arith.constant 0 : i32
            %dma_wait3A_319 = tpu.memref_slice %arg2[%dma_wait3A_318] : memref<16384xi32, #tpu.memory_space<hbm>> -> memref<128xi32, #tpu.memory_space<hbm>>
            tpu.wait_dma2 semaphore(%arg38 : memref<!tpu.dma_semaphore, #tpu.memory_space<semaphore_mem>>) src(%dma_wait3A_319 : memref<128xi32, #tpu.memory_space<hbm>>) dst(%arg10 : memref<128xi32, #tpu.memory_space<vmem>>)
            %dma_wait3A_320 = arith.constant 0 : i32
            %dma_wait3A_321 = tpu.memref_slice %arg2[%dma_wait3A_320] : memref<16384xi32, #tpu.memory_space<hbm>> -> memref<128xi32, #tpu.memory_space<hbm>>
            %dma_wait3A_322 = arith.constant 0 : i32
            %dma_wait3A_323 = tpu.memref_slice %arg2[%dma_wait3A_322] : memref<16384xi32, #tpu.memory_space<hbm>> -> memref<128xi32, #tpu.memory_space<hbm>>
            tpu.wait_dma2 semaphore(%arg38 : memref<!tpu.dma_semaphore, #tpu.memory_space<semaphore_mem>>) src(%dma_wait3A_323 : memref<128xi32, #tpu.memory_space<hbm>>) dst(%arg12 : memref<128xi32, #tpu.memory_space<vmem>>)
            %dma_wait3A_324 = arith.constant 0 : i32
            %dma_wait3A_325 = tpu.memref_slice %arg2[%dma_wait3A_324] : memref<16384xi32, #tpu.memory_space<hbm>> -> memref<128xi32, #tpu.memory_space<hbm>>
            %dma_wait3A_326 = arith.constant 0 : i32
            %dma_wait3A_327 = tpu.memref_slice %arg2[%dma_wait3A_326] : memref<16384xi32, #tpu.memory_space<hbm>> -> memref<128xi32, #tpu.memory_space<hbm>>
            tpu.wait_dma2 semaphore(%arg38 : memref<!tpu.dma_semaphore, #tpu.memory_space<semaphore_mem>>) src(%dma_wait3A_327 : memref<128xi32, #tpu.memory_space<hbm>>) dst(%arg14 : memref<128xi32, #tpu.memory_space<vmem>>)
            %dma_wait3A_328 = arith.constant 0 : i32
            %dma_wait3A_329 = tpu.memref_slice %arg2[%dma_wait3A_328] : memref<16384xi32, #tpu.memory_space<hbm>> -> memref<128xi32, #tpu.memory_space<hbm>>
            %dma_wait3A_330 = arith.constant 0 : i32
            %dma_wait3A_331 = tpu.memref_slice %arg2[%dma_wait3A_330] : memref<16384xi32, #tpu.memory_space<hbm>> -> memref<128xi32, #tpu.memory_space<hbm>>
            tpu.wait_dma2 semaphore(%arg38 : memref<!tpu.dma_semaphore, #tpu.memory_space<semaphore_mem>>) src(%dma_wait3A_331 : memref<128xi32, #tpu.memory_space<hbm>>) dst(%arg16 : memref<128xi32, #tpu.memory_space<vmem>>)
            %dma_wait3A_332 = arith.constant 0 : i32
            %dma_wait3A_333 = tpu.memref_slice %arg2[%dma_wait3A_332] : memref<16384xi32, #tpu.memory_space<hbm>> -> memref<128xi32, #tpu.memory_space<hbm>>
            %dma_wait3A_334 = arith.constant 0 : i32
            %dma_wait3A_335 = tpu.memref_slice %arg2[%dma_wait3A_334] : memref<16384xi32, #tpu.memory_space<hbm>> -> memref<128xi32, #tpu.memory_space<hbm>>
            tpu.wait_dma2 semaphore(%arg38 : memref<!tpu.dma_semaphore, #tpu.memory_space<semaphore_mem>>) src(%dma_wait3A_335 : memref<128xi32, #tpu.memory_space<hbm>>) dst(%arg18 : memref<128xi32, #tpu.memory_space<vmem>>)
            %dma_start3A = arith.constant 0 : i32
            %dma_start3A_336 = tpu.memref_slice %arg33[%dma_start3A] : memref<1000xf32, #tpu.memory_space<vmem_shared>> -> memref<1000xf32, #tpu.memory_space<vmem_shared>>
            tpu.enqueue_indirect_dma source(%dma_start3A_336 : memref<1000xf32, #tpu.memory_space<vmem_shared>>) target(%arg20 : memref<128xf32, #tpu.memory_space<vmem>>) offsets(%arg10 : memref<128xi32, #tpu.memory_space<vmem>>) semaphore(%arg39 : memref<!tpu.dma_semaphore, #tpu.memory_space<semaphore_mem>>)
            %dma_start3A_337 = arith.constant 0 : i32
            %dma_start3A_338 = tpu.memref_slice %arg35[%dma_start3A_337] : memref<1000000xf32, #tpu.memory_space<vmem_shared>> -> memref<1000000xf32, #tpu.memory_space<vmem_shared>>
            tpu.enqueue_indirect_dma source(%dma_start3A_338 : memref<1000000xf32, #tpu.memory_space<vmem_shared>>) target(%arg22 : memref<128xf32, #tpu.memory_space<vmem>>) offsets(%arg12 : memref<128xi32, #tpu.memory_space<vmem>>) semaphore(%arg39 : memref<!tpu.dma_semaphore, #tpu.memory_space<semaphore_mem>>)
            %dma_start3A_339 = arith.constant 0 : i32
            %dma_start3A_340 = tpu.memref_slice %arg35[%dma_start3A_339] : memref<1000000xf32, #tpu.memory_space<vmem_shared>> -> memref<1000000xf32, #tpu.memory_space<vmem_shared>>
            tpu.enqueue_indirect_dma source(%dma_start3A_340 : memref<1000000xf32, #tpu.memory_space<vmem_shared>>) target(%arg24 : memref<128xf32, #tpu.memory_space<vmem>>) offsets(%arg14 : memref<128xi32, #tpu.memory_space<vmem>>) semaphore(%arg39 : memref<!tpu.dma_semaphore, #tpu.memory_space<semaphore_mem>>)
            %dma_start3A_341 = arith.constant 0 : i32
            %dma_start3A_342 = tpu.memref_slice %arg35[%dma_start3A_341] : memref<1000000xf32, #tpu.memory_space<vmem_shared>> -> memref<1000000xf32, #tpu.memory_space<vmem_shared>>
            tpu.enqueue_indirect_dma source(%dma_start3A_342 : memref<1000000xf32, #tpu.memory_space<vmem_shared>>) target(%arg26 : memref<128xf32, #tpu.memory_space<vmem>>) offsets(%arg16 : memref<128xi32, #tpu.memory_space<vmem>>) semaphore(%arg39 : memref<!tpu.dma_semaphore, #tpu.memory_space<semaphore_mem>>)
            %dma_start3A_343 = arith.constant 0 : i32
            %dma_start3A_344 = tpu.memref_slice %arg35[%dma_start3A_343] : memref<1000000xf32, #tpu.memory_space<vmem_shared>> -> memref<1000000xf32, #tpu.memory_space<vmem_shared>>
            tpu.enqueue_indirect_dma source(%dma_start3A_344 : memref<1000000xf32, #tpu.memory_space<vmem_shared>>) target(%arg28 : memref<128xf32, #tpu.memory_space<vmem>>) offsets(%arg18 : memref<128xi32, #tpu.memory_space<vmem>>) semaphore(%arg39 : memref<!tpu.dma_semaphore, #tpu.memory_space<semaphore_mem>>)
          } else {
          }
        }
        %scan3A_272 = arith.constant 5 : i32
      } else {
      }
      %barrier3A_106 = arith.constant 0 : index
      tpu.barrier barrier_id(%barrier3A_106)
      %add3A_107 = arith.constant 1 : i32
      %add3A_108 = arith.addi %add3A_19, %add3A_107 : i32
      %lt3A_109 = arith.constant 32 : i32
      %lt3A_110 = arith.cmpi slt, %add3A_108, %lt3A_109 : i32
      %add3A_111 = arith.constant 1 : i32
      %add3A_112 = arith.addi %add3A_19, %add3A_111 : i32
      %jit3A_113 = arith.constant 16 : i32
      %eq3A_114 = arith.constant 0 : i32
      %eq3A_115 = arith.cmpi eq, %jit3A_113, %eq3A_114 : i32
      %jit3A_116 = arith.constant 1 : i32
      %select_n3A_117 = arith.select %eq3A_115, %jit3A_116, %jit3A_113 : i32
      %rem3A_118 = arith.remsi %add3A_112, %select_n3A_117 : i32
      %ne3A_119 = arith.constant 0 : i32
      %ne3A_120 = arith.cmpi ne, %rem3A_118, %ne3A_119 : i32
      %lt3A_121 = arith.constant 0 : i32
      %lt3A_122 = arith.cmpi slt, %rem3A_118, %lt3A_121 : i32
      %lt3A_123 = arith.constant 0 : i32
      %lt3A_124 = arith.cmpi slt, %select_n3A_117, %lt3A_123 : i32
      %ne3A_125 = arith.xori %lt3A_122, %lt3A_124 : i1
      %and3A_126 = arith.andi %ne3A_125, %ne3A_120 : i1
      %add3A_127 = arith.addi %rem3A_118, %select_n3A_117 : i32
      %select_n3A_128 = arith.select %and3A_126, %add3A_127, %rem3A_118 : i32
      %eq3A_129 = arith.cmpi eq, %arg1, %select_n3A_128 : i32
      %and3A_130 = arith.andi %lt3A_110, %eq3A_129 : i1
      %convert_element_type3A_131 = arith.extui %and3A_130 : i1 to i32
      %cond3A_132 = arith.constant 0 : i32
      %cond3A_133 = arith.cmpi ne, %convert_element_type3A_131, %cond3A_132 : i32
      scf.if %cond3A_133 {
        %add3A_265 = arith.constant 1 : i32
        %add3A_266 = arith.addi %add3A_64, %add3A_265 : i32
        %dma_start3A = arith.constant 0 : i32
        %dma_start3A_267 = tpu.memref_slice %arg7[%add3A_266, %dma_start3A] : memref<64x1000000xf32, #tpu.memory_space<hbm>> -> memref<1x1000000xf32, #tpu.memory_space<hbm>>
        %dma_start3A_268 = tpu.memref_squeeze %dma_start3A_267 : memref<1x1000000xf32, #tpu.memory_space<hbm>> -> memref<1000000xf32, #tpu.memory_space<hbm>>
        tpu.enqueue_dma source(%dma_start3A_268 : memref<1000000xf32, #tpu.memory_space<hbm>>) target(%arg35 : memref<1000000xf32, #tpu.memory_space<vmem_shared>>) target_semaphore(%arg36 : memref<!tpu.dma_semaphore, #tpu.memory_space<semaphore_mem>>)
      } else {
      }
      %mul3A_134 = arith.constant 2 : i32
      %mul3A_135 = arith.muli %scan3A_16, %mul3A_134 : i32
      %add3A_136 = arith.constant 1 : i32
      %add3A_137 = arith.addi %mul3A_135, %add3A_136 : i32
      %gt3A_138 = arith.constant 0 : i32
      %gt3A_139 = arith.cmpi sgt, %add3A_137, %gt3A_138 : i32
      %le3A_140 = arith.constant 32 : i32
      %le3A_141 = arith.cmpi sle, %add3A_137, %le3A_140 : i32
      %and3A_142 = arith.andi %gt3A_139, %le3A_141 : i1
      %sub3A_143 = arith.constant 1 : i32
      %sub3A_144 = arith.subi %add3A_137, %sub3A_143 : i32
      %jit3A_145 = arith.constant 16 : i32
      %eq3A_146 = arith.constant 0 : i32
      %eq3A_147 = arith.cmpi eq, %jit3A_145, %eq3A_146 : i32
      %jit3A_148 = arith.constant 1 : i32
      %select_n3A_149 = arith.select %eq3A_147, %jit3A_148, %jit3A_145 : i32
      %rem3A_150 = arith.remsi %sub3A_144, %select_n3A_149 : i32
      %ne3A_151 = arith.constant 0 : i32
      %ne3A_152 = arith.cmpi ne, %rem3A_150, %ne3A_151 : i32
      %lt3A_153 = arith.constant 0 : i32
      %lt3A_154 = arith.cmpi slt, %rem3A_150, %lt3A_153 : i32
      %lt3A_155 = arith.constant 0 : i32
      %lt3A_156 = arith.cmpi slt, %select_n3A_149, %lt3A_155 : i32
      %ne3A_157 = arith.xori %lt3A_154, %lt3A_156 : i1
      %and3A_158 = arith.andi %ne3A_157, %ne3A_152 : i1
      %add3A_159 = arith.addi %rem3A_150, %select_n3A_149 : i32
      %select_n3A_160 = arith.select %and3A_158, %add3A_159, %rem3A_150 : i32
      %eq3A_161 = arith.cmpi eq, %arg1, %select_n3A_160 : i32
      %and3A_162 = arith.andi %and3A_142, %eq3A_161 : i1
      %convert_element_type3A_163 = arith.extui %and3A_162 : i1 to i32
      %cond3A_164 = arith.constant 0 : i32
      %cond3A_165 = arith.cmpi ne, %convert_element_type3A_163, %cond3A_164 : i32
      scf.if %cond3A_165 {
        %dma_wait3A = arith.constant 0 : i32
        %dma_wait3A_265 = arith.constant 0 : i32
        %dma_wait3A_266 = tpu.memref_slice %arg7[%dma_wait3A, %dma_wait3A_265] : memref<64x1000000xf32, #tpu.memory_space<hbm>> -> memref<1x1000000xf32, #tpu.memory_space<hbm>>
        %dma_wait3A_267 = tpu.memref_squeeze %dma_wait3A_266 : memref<1x1000000xf32, #tpu.memory_space<hbm>> -> memref<1000000xf32, #tpu.memory_space<hbm>>
        tpu.wait_dma2 semaphore(%arg36 : memref<!tpu.dma_semaphore, #tpu.memory_space<semaphore_mem>>) src(%dma_wait3A_267 : memref<1000000xf32, #tpu.memory_space<hbm>>) dst(%arg34 : memref<1000000xf32, #tpu.memory_space<vmem_shared>>)
      } else {
      }
      %gt3A_166 = arith.constant 0 : i32
      %gt3A_167 = arith.cmpi sgt, %add3A_137, %gt3A_166 : i32
      %le3A_168 = arith.constant 32 : i32
      %le3A_169 = arith.cmpi sle, %add3A_137, %le3A_168 : i32
      %and3A_170 = arith.andi %gt3A_167, %le3A_169 : i1
      %add3A_171 = arith.constant 7 : i32
      %add3A_172 = arith.addi %add3A_137, %add3A_171 : i32
      %jit3A_173 = arith.constant 16 : i32
      %eq3A_174 = arith.constant 0 : i32
      %eq3A_175 = arith.cmpi eq, %jit3A_173, %eq3A_174 : i32
      %jit3A_176 = arith.constant 1 : i32
      %select_n3A_177 = arith.select %eq3A_175, %jit3A_176, %jit3A_173 : i32
      %rem3A_178 = arith.remsi %add3A_172, %select_n3A_177 : i32
      %ne3A_179 = arith.constant 0 : i32
      %ne3A_180 = arith.cmpi ne, %rem3A_178, %ne3A_179 : i32
      %lt3A_181 = arith.constant 0 : i32
      %lt3A_182 = arith.cmpi slt, %rem3A_178, %lt3A_181 : i32
      %lt3A_183 = arith.constant 0 : i32
      %lt3A_184 = arith.cmpi slt, %select_n3A_177, %lt3A_183 : i32
      %ne3A_185 = arith.xori %lt3A_182, %lt3A_184 : i1
      %and3A_186 = arith.andi %ne3A_185, %ne3A_180 : i1
      %add3A_187 = arith.addi %rem3A_178, %select_n3A_177 : i32
      %select_n3A_188 = arith.select %and3A_186, %add3A_187, %rem3A_178 : i32
      %eq3A_189 = arith.cmpi eq, %arg1, %select_n3A_188 : i32
      %and3A_190 = arith.andi %and3A_170, %eq3A_189 : i1
      %convert_element_type3A_191 = arith.extui %and3A_190 : i1 to i32
      %cond3A_192 = arith.constant 0 : i32
      %cond3A_193 = arith.cmpi ne, %convert_element_type3A_191, %cond3A_192 : i32
      scf.if %cond3A_193 {
        %dma_wait3A = arith.constant 0 : i32
        %dma_wait3A_265 = arith.constant 0 : i32
        %dma_wait3A_266 = tpu.memref_slice %arg8[%dma_wait3A, %dma_wait3A_265] : memref<64x1000xf32, #tpu.memory_space<hbm>> -> memref<1x1000xf32, #tpu.memory_space<hbm>>
        %dma_wait3A_267 = tpu.memref_squeeze %dma_wait3A_266 : memref<1x1000xf32, #tpu.memory_space<hbm>> -> memref<1000xf32, #tpu.memory_space<hbm>>
        tpu.wait_dma2 semaphore(%arg37 : memref<!tpu.dma_semaphore, #tpu.memory_space<semaphore_mem>>) src(%dma_wait3A_267 : memref<1000xf32, #tpu.memory_space<hbm>>) dst(%arg32 : memref<1000xf32, #tpu.memory_space<vmem_shared>>)
      } else {
      }
      %barrier3A_194 = arith.constant 0 : index
      tpu.barrier barrier_id(%barrier3A_194)
      %add3A_195 = arith.addi %mul3A_2, %add3A_137 : i32
      %eq3A_196 = arith.constant 0 : i32
      %eq3A_197 = arith.cmpi eq, %add3A_137, %eq3A_196 : i32
      %eq3A_198 = arith.constant 0 : i32
      %eq3A_199 = arith.cmpi eq, %arg1, %eq3A_198 : i32
      %and3A_200 = arith.andi %eq3A_197, %eq3A_199 : i1
      %convert_element_type3A_201 = arith.extui %and3A_200 : i1 to i32
      %cond3A_202 = arith.constant 0 : i32
      %cond3A_203 = arith.cmpi ne, %convert_element_type3A_201, %cond3A_202 : i32
      scf.if %cond3A_203 {
        %dma_start3A = arith.constant 0 : i32
        %dma_start3A_265 = tpu.memref_slice %arg7[%add3A_195, %dma_start3A] : memref<64x1000000xf32, #tpu.memory_space<hbm>> -> memref<1x1000000xf32, #tpu.memory_space<hbm>>
        %dma_start3A_266 = tpu.memref_squeeze %dma_start3A_265 : memref<1x1000000xf32, #tpu.memory_space<hbm>> -> memref<1000000xf32, #tpu.memory_space<hbm>>
        tpu.enqueue_dma source(%dma_start3A_266 : memref<1000000xf32, #tpu.memory_space<hbm>>) target(%arg35 : memref<1000000xf32, #tpu.memory_space<vmem_shared>>) target_semaphore(%arg36 : memref<!tpu.dma_semaphore, #tpu.memory_space<semaphore_mem>>)
      } else {
      }
      %lt3A_204 = arith.constant 32 : i32
      %lt3A_205 = arith.cmpi slt, %add3A_137, %lt3A_204 : i32
      %add3A_206 = arith.constant 8 : i32
      %add3A_207 = arith.addi %add3A_137, %add3A_206 : i32
      %jit3A_208 = arith.constant 16 : i32
      %eq3A_209 = arith.constant 0 : i32
      %eq3A_210 = arith.cmpi eq, %jit3A_208, %eq3A_209 : i32
      %jit3A_211 = arith.constant 1 : i32
      %select_n3A_212 = arith.select %eq3A_210, %jit3A_211, %jit3A_208 : i32
      %rem3A_213 = arith.remsi %add3A_207, %select_n3A_212 : i32
      %ne3A_214 = arith.constant 0 : i32
      %ne3A_215 = arith.cmpi ne, %rem3A_213, %ne3A_214 : i32
      %lt3A_216 = arith.constant 0 : i32
      %lt3A_217 = arith.cmpi slt, %rem3A_213, %lt3A_216 : i32
      %lt3A_218 = arith.constant 0 : i32
      %lt3A_219 = arith.cmpi slt, %select_n3A_212, %lt3A_218 : i32
      %ne3A_220 = arith.xori %lt3A_217, %lt3A_219 : i1
      %and3A_221 = arith.andi %ne3A_220, %ne3A_215 : i1
      %add3A_222 = arith.addi %rem3A_213, %select_n3A_212 : i32
      %select_n3A_223 = arith.select %and3A_221, %add3A_222, %rem3A_213 : i32
      %eq3A_224 = arith.cmpi eq, %arg1, %select_n3A_223 : i32
      %and3A_225 = arith.andi %lt3A_205, %eq3A_224 : i1
      %convert_element_type3A_226 = arith.extui %and3A_225 : i1 to i32
      %cond3A_227 = arith.constant 0 : i32
      %cond3A_228 = arith.cmpi ne, %convert_element_type3A_226, %cond3A_227 : i32
      scf.if %cond3A_228 {
        %dma_start3A = arith.constant 0 : i32
        %dma_start3A_265 = tpu.memref_slice %arg8[%add3A_195, %dma_start3A] : memref<64x1000xf32, #tpu.memory_space<hbm>> -> memref<1x1000xf32, #tpu.memory_space<hbm>>
        %dma_start3A_266 = tpu.memref_squeeze %dma_start3A_265 : memref<1x1000xf32, #tpu.memory_space<hbm>> -> memref<1000xf32, #tpu.memory_space<hbm>>
        tpu.enqueue_dma source(%dma_start3A_266 : memref<1000xf32, #tpu.memory_space<hbm>>) target(%arg33 : memref<1000xf32, #tpu.memory_space<vmem_shared>>) target_semaphore(%arg37 : memref<!tpu.dma_semaphore, #tpu.memory_space<semaphore_mem>>)
      } else {
      }
      %gt3A_229 = arith.constant 0 : i32
      %gt3A_230 = arith.cmpi sgt, %add3A_137, %gt3A_229 : i32
      %le3A_231 = arith.constant 32 : i32
      %le3A_232 = arith.cmpi sle, %add3A_137, %le3A_231 : i32
      %and3A_233 = arith.andi %gt3A_230, %le3A_232 : i1
      %convert_element_type3A_234 = arith.extui %and3A_233 : i1 to i32
      %cond3A_235 = arith.constant 0 : i32
      %cond3A_236 = arith.cmpi ne, %convert_element_type3A_234, %cond3A_235 : i32
      scf.if %cond3A_236 {
        %sub3A_265 = arith.constant 1 : i32
        %sub3A_266 = arith.subi %add3A_195, %sub3A_265 : i32
        %scan3A_267 = arith.constant 0 : i32
        %scan3A_268 = arith.constant 0 : i32
        %scan3A_269 = arith.constant 5 : i32
        %scan3A_270 = arith.addi %scan3A_268, %scan3A_269 : i32
        %scan3A_271 = arith.constant 1 : i32
        scf.for %scan3A_273 = %scan3A_268 to %scan3A_270 step %scan3A_271  : i32 {
          %mul3A_274 = arith.constant 2 : i32
          %mul3A_275 = arith.muli %scan3A_273, %mul3A_274 : i32
          %add3A_276 = arith.constant 0 : i32
          %add3A_277 = arith.addi %mul3A_275, %add3A_276 : i32
          %ge3A = arith.constant 2 : i32
          %ge3A_278 = arith.cmpi sge, %add3A_277, %ge3A : i32
          %convert_element_type3A_279 = arith.extui %ge3A_278 : i1 to i32
          %cond3A_280 = arith.constant 0 : i32
          %cond3A_281 = arith.cmpi ne, %convert_element_type3A_279, %cond3A_280 : i32
          scf.if %cond3A_281 {
            %dma_wait3A = arith.constant 0 : i32
            %dma_wait3A_317 = arith.constant 0 : i32
            %dma_wait3A_318 = arith.constant 0 : i32
            %dma_wait3A_319 = tpu.memref_slice %arg9[%dma_wait3A, %dma_wait3A_317, %dma_wait3A_318] : memref<2x2x16384xf32, #tpu.memory_space<hbm>> -> memref<1x1x128xf32, #tpu.memory_space<hbm>>
            %dma_wait3A_320 = tpu.memref_squeeze %dma_wait3A_319 : memref<1x1x128xf32, #tpu.memory_space<hbm>> -> memref<128xf32, #tpu.memory_space<hbm>>
            %dma_wait3A_321 = arith.constant 0 : i32
            %dma_wait3A_322 = tpu.memref_slice %arg9[%dma_wait3A, %dma_wait3A_317, %dma_wait3A_321] : memref<2x2x16384xf32, #tpu.memory_space<hbm>> -> memref<1x1x128xf32, #tpu.memory_space<hbm>>
            %dma_wait3A_323 = tpu.memref_squeeze %dma_wait3A_322 : memref<1x1x128xf32, #tpu.memory_space<hbm>> -> memref<128xf32, #tpu.memory_space<hbm>>
            tpu.wait_dma2 semaphore(%arg39 : memref<!tpu.dma_semaphore, #tpu.memory_space<semaphore_mem>>) src(%dma_wait3A_323 : memref<128xf32, #tpu.memory_space<hbm>>) dst(%arg20 : memref<128xf32, #tpu.memory_space<vmem>>)
            %dma_wait3A_324 = arith.constant 0 : i32
            %dma_wait3A_325 = arith.constant 0 : i32
            %dma_wait3A_326 = arith.constant 0 : i32
            %dma_wait3A_327 = tpu.memref_slice %arg9[%dma_wait3A_324, %dma_wait3A_325, %dma_wait3A_326] : memref<2x2x16384xf32, #tpu.memory_space<hbm>> -> memref<1x1x128xf32, #tpu.memory_space<hbm>>
            %dma_wait3A_328 = tpu.memref_squeeze %dma_wait3A_327 : memref<1x1x128xf32, #tpu.memory_space<hbm>> -> memref<128xf32, #tpu.memory_space<hbm>>
            %dma_wait3A_329 = arith.constant 0 : i32
            %dma_wait3A_330 = tpu.memref_slice %arg9[%dma_wait3A_324, %dma_wait3A_325, %dma_wait3A_329] : memref<2x2x16384xf32, #tpu.memory_space<hbm>> -> memref<1x1x128xf32, #tpu.memory_space<hbm>>
            %dma_wait3A_331 = tpu.memref_squeeze %dma_wait3A_330 : memref<1x1x128xf32, #tpu.memory_space<hbm>> -> memref<128xf32, #tpu.memory_space<hbm>>
            tpu.wait_dma2 semaphore(%arg39 : memref<!tpu.dma_semaphore, #tpu.memory_space<semaphore_mem>>) src(%dma_wait3A_331 : memref<128xf32, #tpu.memory_space<hbm>>) dst(%arg22 : memref<128xf32, #tpu.memory_space<vmem>>)
            %dma_wait3A_332 = arith.constant 0 : i32
            %dma_wait3A_333 = arith.constant 0 : i32
            %dma_wait3A_334 = arith.constant 0 : i32
            %dma_wait3A_335 = tpu.memref_slice %arg9[%dma_wait3A_332, %dma_wait3A_333, %dma_wait3A_334] : memref<2x2x16384xf32, #tpu.memory_space<hbm>> -> memref<1x1x128xf32, #tpu.memory_space<hbm>>
            %dma_wait3A_336 = tpu.memref_squeeze %dma_wait3A_335 : memref<1x1x128xf32, #tpu.memory_space<hbm>> -> memref<128xf32, #tpu.memory_space<hbm>>
            %dma_wait3A_337 = arith.constant 0 : i32
            %dma_wait3A_338 = tpu.memref_slice %arg9[%dma_wait3A_332, %dma_wait3A_333, %dma_wait3A_337] : memref<2x2x16384xf32, #tpu.memory_space<hbm>> -> memref<1x1x128xf32, #tpu.memory_space<hbm>>
            %dma_wait3A_339 = tpu.memref_squeeze %dma_wait3A_338 : memref<1x1x128xf32, #tpu.memory_space<hbm>> -> memref<128xf32, #tpu.memory_space<hbm>>
            tpu.wait_dma2 semaphore(%arg39 : memref<!tpu.dma_semaphore, #tpu.memory_space<semaphore_mem>>) src(%dma_wait3A_339 : memref<128xf32, #tpu.memory_space<hbm>>) dst(%arg24 : memref<128xf32, #tpu.memory_space<vmem>>)
            %dma_wait3A_340 = arith.constant 0 : i32
            %dma_wait3A_341 = arith.constant 0 : i32
            %dma_wait3A_342 = arith.constant 0 : i32
            %dma_wait3A_343 = tpu.memref_slice %arg9[%dma_wait3A_340, %dma_wait3A_341, %dma_wait3A_342] : memref<2x2x16384xf32, #tpu.memory_space<hbm>> -> memref<1x1x128xf32, #tpu.memory_space<hbm>>
            %dma_wait3A_344 = tpu.memref_squeeze %dma_wait3A_343 : memref<1x1x128xf32, #tpu.memory_space<hbm>> -> memref<128xf32, #tpu.memory_space<hbm>>
            %dma_wait3A_345 = arith.constant 0 : i32
            %dma_wait3A_346 = tpu.memref_slice %arg9[%dma_wait3A_340, %dma_wait3A_341, %dma_wait3A_345] : memref<2x2x16384xf32, #tpu.memory_space<hbm>> -> memref<1x1x128xf32, #tpu.memory_space<hbm>>
            %dma_wait3A_347 = tpu.memref_squeeze %dma_wait3A_346 : memref<1x1x128xf32, #tpu.memory_space<hbm>> -> memref<128xf32, #tpu.memory_space<hbm>>
            tpu.wait_dma2 semaphore(%arg39 : memref<!tpu.dma_semaphore, #tpu.memory_space<semaphore_mem>>) src(%dma_wait3A_347 : memref<128xf32, #tpu.memory_space<hbm>>) dst(%arg26 : memref<128xf32, #tpu.memory_space<vmem>>)
            %dma_wait3A_348 = arith.constant 0 : i32
            %dma_wait3A_349 = arith.constant 0 : i32
            %dma_wait3A_350 = arith.constant 0 : i32
            %dma_wait3A_351 = tpu.memref_slice %arg9[%dma_wait3A_348, %dma_wait3A_349, %dma_wait3A_350] : memref<2x2x16384xf32, #tpu.memory_space<hbm>> -> memref<1x1x128xf32, #tpu.memory_space<hbm>>
            %dma_wait3A_352 = tpu.memref_squeeze %dma_wait3A_351 : memref<1x1x128xf32, #tpu.memory_space<hbm>> -> memref<128xf32, #tpu.memory_space<hbm>>
            %dma_wait3A_353 = arith.constant 0 : i32
            %dma_wait3A_354 = tpu.memref_slice %arg9[%dma_wait3A_348, %dma_wait3A_349, %dma_wait3A_353] : memref<2x2x16384xf32, #tpu.memory_space<hbm>> -> memref<1x1x128xf32, #tpu.memory_space<hbm>>
            %dma_wait3A_355 = tpu.memref_squeeze %dma_wait3A_354 : memref<1x1x128xf32, #tpu.memory_space<hbm>> -> memref<128xf32, #tpu.memory_space<hbm>>
            tpu.wait_dma2 semaphore(%arg39 : memref<!tpu.dma_semaphore, #tpu.memory_space<semaphore_mem>>) src(%dma_wait3A_355 : memref<128xf32, #tpu.memory_space<hbm>>) dst(%arg28 : memref<128xf32, #tpu.memory_space<vmem>>)
            %sub3A_356 = arith.constant 2 : i32
            %sub3A_357 = arith.subi %add3A_277, %sub3A_356 : i32
            %scan3A_358 = arith.constant 0 : i32
            %scan3A_359 = arith.constant 0 : i32
            %scan3A_360 = arith.constant 8 : i32
            %scan3A_361 = arith.addi %scan3A_359, %scan3A_360 : i32
            %scan3A_362 = arith.constant 1 : i32
            scf.for %scan3A_364 = %scan3A_359 to %scan3A_361 step %scan3A_362  : i32 {
              %mul3A_365 = arith.constant 16 : i32
              %mul3A_366 = arith.muli %scan3A_364, %mul3A_365 : i32
              %mul3A_367 = arith.constant 128 : i32
              %mul3A_368 = arith.muli %sub3A_357, %mul3A_367 : i32
              %mul3A_369 = arith.constant 16 : i32
              %mul3A_370 = arith.muli %scan3A_364, %mul3A_369 : i32
              %add3A_371 = arith.addi %mul3A_368, %mul3A_370 : i32
              %get3A = arith.index_cast %mul3A_366 : i32 to index
              %get3A_372 = tpu.vector_load %arg20[%get3A] {strides = array<i32>} : memref<128xf32, #tpu.memory_space<vmem>>, vector<16xf32>,
              %get3A_373 = arith.index_cast %mul3A_366 : i32 to index
              %get3A_374 = tpu.vector_load %arg22[%get3A_373] {strides = array<i32>} : memref<128xf32, #tpu.memory_space<vmem>>, vector<16xf32>,
              %add3A_375 = arith.addf %get3A_374, %get3A_372 : vector<16xf32>
              %get3A_376 = arith.index_cast %mul3A_366 : i32 to index
              %get3A_377 = tpu.vector_load %arg24[%get3A_376] {strides = array<i32>} : memref<128xf32, #tpu.memory_space<vmem>>, vector<16xf32>,
              %sub3A_378 = arith.subf %add3A_375, %get3A_377 : vector<16xf32>
              %get3A_379 = arith.index_cast %mul3A_366 : i32 to index
              %get3A_380 = tpu.vector_load %arg26[%get3A_379] {strides = array<i32>} : memref<128xf32, #tpu.memory_space<vmem>>, vector<16xf32>,
              %add3A_381 = arith.addf %get3A_380, %get3A_372 : vector<16xf32>
              %get3A_382 = arith.index_cast %mul3A_366 : i32 to index
              %get3A_383 = tpu.vector_load %arg28[%get3A_382] {strides = array<i32>} : memref<128xf32, #tpu.memory_space<vmem>>, vector<16xf32>,
              %sub3A_384 = arith.subf %add3A_381, %get3A_383 : vector<16xf32>
              %get3A_385 = arith.index_cast %add3A_371 : i32 to index
              %get3A_386 = tpu.vector_load %arg30[%get3A_385] {strides = array<i32>} : memref<1024xf32, #tpu.memory_space<vmem>>, vector<16xf32>,
              %mul3A_387 = arith.mulf %sub3A_378, %sub3A_378 : vector<16xf32>
              %add3A_388 = arith.addf %get3A_386, %mul3A_387 : vector<16xf32>
              %swap3A = arith.index_cast %add3A_371 : i32 to index
              %swap3A_389 = tpu.vector_load %arg30[%swap3A] {strides = array<i32>} : memref<1024xf32, #tpu.memory_space<vmem>>, vector<16xf32>,
              tpu.vector_store %arg30[%swap3A], %add3A_388 {strides = array<i32>} : memref<1024xf32, #tpu.memory_space<vmem>>, vector<16xf32>,
              %get3A_390 = arith.index_cast %add3A_371 : i32 to index
              %get3A_391 = tpu.vector_load %arg31[%get3A_390] {strides = array<i32>} : memref<1024xf32, #tpu.memory_space<vmem>>, vector<16xf32>,
              %mul3A_392 = arith.mulf %sub3A_384, %sub3A_384 : vector<16xf32>
              %add3A_393 = arith.addf %get3A_391, %mul3A_392 : vector<16xf32>
              %swap3A_394 = arith.index_cast %add3A_371 : i32 to index
              %swap3A_395 = tpu.vector_load %arg31[%swap3A_394] {strides = array<i32>} : memref<1024xf32, #tpu.memory_space<vmem>>, vector<16xf32>,
              tpu.vector_store %arg31[%swap3A_394], %add3A_393 {strides = array<i32>} : memref<1024xf32, #tpu.memory_space<vmem>>, vector<16xf32>,
            }
            %scan3A_363 = arith.constant 8 : i32
          } else {
          }
          %lt3A_282 = arith.constant 8 : i32
          %lt3A_283 = arith.cmpi slt, %add3A_277, %lt3A_282 : i32
          %convert_element_type3A_284 = arith.extui %lt3A_283 : i1 to i32
          %cond3A_285 = arith.constant 0 : i32
          %cond3A_286 = arith.cmpi ne, %convert_element_type3A_284, %cond3A_285 : i32
          scf.if %cond3A_286 {
            %mul3A_317 = arith.constant 128 : i32
            %mul3A_318 = arith.muli %add3A_277, %mul3A_317 : i32
            %add3A_319 = arith.addi %mul3A_0, %mul3A_318 : i32
            %dma_start3A = tpu.memref_slice %arg2[%add3A_319] : memref<16384xi32, #tpu.memory_space<hbm>> -> memref<128xi32, #tpu.memory_space<hbm>>
            %dma_start3A_320 = tpu.memref_slice %arg2[%add3A_319] : memref<16384xi32, #tpu.memory_space<hbm>> -> memref<128xi32, #tpu.memory_space<hbm>>
            tpu.enqueue_dma source(%dma_start3A_320 : memref<128xi32, #tpu.memory_space<hbm>>) target(%arg10 : memref<128xi32, #tpu.memory_space<vmem>>) target_semaphore(%arg38 : memref<!tpu.dma_semaphore, #tpu.memory_space<semaphore_mem>>)
            %dma_start3A_321 = tpu.memref_slice %arg3[%add3A_319] : memref<16384xi32, #tpu.memory_space<hbm>> -> memref<128xi32, #tpu.memory_space<hbm>>
            %dma_start3A_322 = tpu.memref_slice %arg3[%add3A_319] : memref<16384xi32, #tpu.memory_space<hbm>> -> memref<128xi32, #tpu.memory_space<hbm>>
            tpu.enqueue_dma source(%dma_start3A_322 : memref<128xi32, #tpu.memory_space<hbm>>) target(%arg12 : memref<128xi32, #tpu.memory_space<vmem>>) target_semaphore(%arg38 : memref<!tpu.dma_semaphore, #tpu.memory_space<semaphore_mem>>)
            %dma_start3A_323 = tpu.memref_slice %arg4[%add3A_319] : memref<16384xi32, #tpu.memory_space<hbm>> -> memref<128xi32, #tpu.memory_space<hbm>>
            %dma_start3A_324 = tpu.memref_slice %arg4[%add3A_319] : memref<16384xi32, #tpu.memory_space<hbm>> -> memref<128xi32, #tpu.memory_space<hbm>>
            tpu.enqueue_dma source(%dma_start3A_324 : memref<128xi32, #tpu.memory_space<hbm>>) target(%arg14 : memref<128xi32, #tpu.memory_space<vmem>>) target_semaphore(%arg38 : memref<!tpu.dma_semaphore, #tpu.memory_space<semaphore_mem>>)
            %dma_start3A_325 = tpu.memref_slice %arg5[%add3A_319] : memref<16384xi32, #tpu.memory_space<hbm>> -> memref<128xi32, #tpu.memory_space<hbm>>
            %dma_start3A_326 = tpu.memref_slice %arg5[%add3A_319] : memref<16384xi32, #tpu.memory_space<hbm>> -> memref<128xi32, #tpu.memory_space<hbm>>
            tpu.enqueue_dma source(%dma_start3A_326 : memref<128xi32, #tpu.memory_space<hbm>>) target(%arg16 : memref<128xi32, #tpu.memory_space<vmem>>) target_semaphore(%arg38 : memref<!tpu.dma_semaphore, #tpu.memory_space<semaphore_mem>>)
            %dma_start3A_327 = tpu.memref_slice %arg6[%add3A_319] : memref<16384xi32, #tpu.memory_space<hbm>> -> memref<128xi32, #tpu.memory_space<hbm>>
            %dma_start3A_328 = tpu.memref_slice %arg6[%add3A_319] : memref<16384xi32, #tpu.memory_space<hbm>> -> memref<128xi32, #tpu.memory_space<hbm>>
            tpu.enqueue_dma source(%dma_start3A_328 : memref<128xi32, #tpu.memory_space<hbm>>) target(%arg18 : memref<128xi32, #tpu.memory_space<vmem>>) target_semaphore(%arg38 : memref<!tpu.dma_semaphore, #tpu.memory_space<semaphore_mem>>)
          } else {
          }
          %ge3A_287 = arith.constant 1 : i32
          %ge3A_288 = arith.cmpi sge, %add3A_277, %ge3A_287 : i32
          %lt3A_289 = arith.constant 9 : i32
          %lt3A_290 = arith.cmpi slt, %add3A_277, %lt3A_289 : i32
          %and3A_291 = arith.andi %ge3A_288, %lt3A_290 : i1
          %convert_element_type3A_292 = arith.extui %and3A_291 : i1 to i32
          %cond3A_293 = arith.constant 0 : i32
          %cond3A_294 = arith.cmpi ne, %convert_element_type3A_292, %cond3A_293 : i32
          scf.if %cond3A_294 {
            %dma_wait3A = arith.constant 0 : i32
            %dma_wait3A_317 = tpu.memref_slice %arg2[%dma_wait3A] : memref<16384xi32, #tpu.memory_space<hbm>> -> memref<128xi32, #tpu.memory_space<hbm>>
            %dma_wait3A_318 = arith.constant 0 : i32
            %dma_wait3A_319 = tpu.memref_slice %arg2[%dma_wait3A_318] : memref<16384xi32, #tpu.memory_space<hbm>> -> memref<128xi32, #tpu.memory_space<hbm>>
            tpu.wait_dma2 semaphore(%arg38 : memref<!tpu.dma_semaphore, #tpu.memory_space<semaphore_mem>>) src(%dma_wait3A_319 : memref<128xi32, #tpu.memory_space<hbm>>) dst(%arg11 : memref<128xi32, #tpu.memory_space<vmem>>)
            %dma_wait3A_320 = arith.constant 0 : i32
            %dma_wait3A_321 = tpu.memref_slice %arg2[%dma_wait3A_320] : memref<16384xi32, #tpu.memory_space<hbm>> -> memref<128xi32, #tpu.memory_space<hbm>>
            %dma_wait3A_322 = arith.constant 0 : i32
            %dma_wait3A_323 = tpu.memref_slice %arg2[%dma_wait3A_322] : memref<16384xi32, #tpu.memory_space<hbm>> -> memref<128xi32, #tpu.memory_space<hbm>>
            tpu.wait_dma2 semaphore(%arg38 : memref<!tpu.dma_semaphore, #tpu.memory_space<semaphore_mem>>) src(%dma_wait3A_323 : memref<128xi32, #tpu.memory_space<hbm>>) dst(%arg13 : memref<128xi32, #tpu.memory_space<vmem>>)
            %dma_wait3A_324 = arith.constant 0 : i32
            %dma_wait3A_325 = tpu.memref_slice %arg2[%dma_wait3A_324] : memref<16384xi32, #tpu.memory_space<hbm>> -> memref<128xi32, #tpu.memory_space<hbm>>
            %dma_wait3A_326 = arith.constant 0 : i32
            %dma_wait3A_327 = tpu.memref_slice %arg2[%dma_wait3A_326] : memref<16384xi32, #tpu.memory_space<hbm>> -> memref<128xi32, #tpu.memory_space<hbm>>
            tpu.wait_dma2 semaphore(%arg38 : memref<!tpu.dma_semaphore, #tpu.memory_space<semaphore_mem>>) src(%dma_wait3A_327 : memref<128xi32, #tpu.memory_space<hbm>>) dst(%arg15 : memref<128xi32, #tpu.memory_space<vmem>>)
            %dma_wait3A_328 = arith.constant 0 : i32
            %dma_wait3A_329 = tpu.memref_slice %arg2[%dma_wait3A_328] : memref<16384xi32, #tpu.memory_space<hbm>> -> memref<128xi32, #tpu.memory_space<hbm>>
            %dma_wait3A_330 = arith.constant 0 : i32
            %dma_wait3A_331 = tpu.memref_slice %arg2[%dma_wait3A_330] : memref<16384xi32, #tpu.memory_space<hbm>> -> memref<128xi32, #tpu.memory_space<hbm>>
            tpu.wait_dma2 semaphore(%arg38 : memref<!tpu.dma_semaphore, #tpu.memory_space<semaphore_mem>>) src(%dma_wait3A_331 : memref<128xi32, #tpu.memory_space<hbm>>) dst(%arg17 : memref<128xi32, #tpu.memory_space<vmem>>)
            %dma_wait3A_332 = arith.constant 0 : i32
            %dma_wait3A_333 = tpu.memref_slice %arg2[%dma_wait3A_332] : memref<16384xi32, #tpu.memory_space<hbm>> -> memref<128xi32, #tpu.memory_space<hbm>>
            %dma_wait3A_334 = arith.constant 0 : i32
            %dma_wait3A_335 = tpu.memref_slice %arg2[%dma_wait3A_334] : memref<16384xi32, #tpu.memory_space<hbm>> -> memref<128xi32, #tpu.memory_space<hbm>>
            tpu.wait_dma2 semaphore(%arg38 : memref<!tpu.dma_semaphore, #tpu.memory_space<semaphore_mem>>) src(%dma_wait3A_335 : memref<128xi32, #tpu.memory_space<hbm>>) dst(%arg19 : memref<128xi32, #tpu.memory_space<vmem>>)
            %dma_start3A = arith.constant 0 : i32
            %dma_start3A_336 = tpu.memref_slice %arg32[%dma_start3A] : memref<1000xf32, #tpu.memory_space<vmem_shared>> -> memref<1000xf32, #tpu.memory_space<vmem_shared>>
            tpu.enqueue_indirect_dma source(%dma_start3A_336 : memref<1000xf32, #tpu.memory_space<vmem_shared>>) target(%arg21 : memref<128xf32, #tpu.memory_space<vmem>>) offsets(%arg11 : memref<128xi32, #tpu.memory_space<vmem>>) semaphore(%arg39 : memref<!tpu.dma_semaphore, #tpu.memory_space<semaphore_mem>>)
            %dma_start3A_337 = arith.constant 0 : i32
            %dma_start3A_338 = tpu.memref_slice %arg34[%dma_start3A_337] : memref<1000000xf32, #tpu.memory_space<vmem_shared>> -> memref<1000000xf32, #tpu.memory_space<vmem_shared>>
            tpu.enqueue_indirect_dma source(%dma_start3A_338 : memref<1000000xf32, #tpu.memory_space<vmem_shared>>) target(%arg23 : memref<128xf32, #tpu.memory_space<vmem>>) offsets(%arg13 : memref<128xi32, #tpu.memory_space<vmem>>) semaphore(%arg39 : memref<!tpu.dma_semaphore, #tpu.memory_space<semaphore_mem>>)
            %dma_start3A_339 = arith.constant 0 : i32
            %dma_start3A_340 = tpu.memref_slice %arg34[%dma_start3A_339] : memref<1000000xf32, #tpu.memory_space<vmem_shared>> -> memref<1000000xf32, #tpu.memory_space<vmem_shared>>
            tpu.enqueue_indirect_dma source(%dma_start3A_340 : memref<1000000xf32, #tpu.memory_space<vmem_shared>>) target(%arg25 : memref<128xf32, #tpu.memory_space<vmem>>) offsets(%arg15 : memref<128xi32, #tpu.memory_space<vmem>>) semaphore(%arg39 : memref<!tpu.dma_semaphore, #tpu.memory_space<semaphore_mem>>)
            %dma_start3A_341 = arith.constant 0 : i32
            %dma_start3A_342 = tpu.memref_slice %arg34[%dma_start3A_341] : memref<1000000xf32, #tpu.memory_space<vmem_shared>> -> memref<1000000xf32, #tpu.memory_space<vmem_shared>>
            tpu.enqueue_indirect_dma source(%dma_start3A_342 : memref<1000000xf32, #tpu.memory_space<vmem_shared>>) target(%arg27 : memref<128xf32, #tpu.memory_space<vmem>>) offsets(%arg17 : memref<128xi32, #tpu.memory_space<vmem>>) semaphore(%arg39 : memref<!tpu.dma_semaphore, #tpu.memory_space<semaphore_mem>>)
            %dma_start3A_343 = arith.constant 0 : i32
            %dma_start3A_344 = tpu.memref_slice %arg34[%dma_start3A_343] : memref<1000000xf32, #tpu.memory_space<vmem_shared>> -> memref<1000000xf32, #tpu.memory_space<vmem_shared>>
            tpu.enqueue_indirect_dma source(%dma_start3A_344 : memref<1000000xf32, #tpu.memory_space<vmem_shared>>) target(%arg29 : memref<128xf32, #tpu.memory_space<vmem>>) offsets(%arg19 : memref<128xi32, #tpu.memory_space<vmem>>) semaphore(%arg39 : memref<!tpu.dma_semaphore, #tpu.memory_space<semaphore_mem>>)
          } else {
          }
          %mul3A_295 = arith.constant 2 : i32
          %mul3A_296 = arith.muli %scan3A_273, %mul3A_295 : i32
          %add3A_297 = arith.constant 1 : i32
          %add3A_298 = arith.addi %mul3A_296, %add3A_297 : i32
          %ge3A_299 = arith.constant 2 : i32
          %ge3A_300 = arith.cmpi sge, %add3A_298, %ge3A_299 : i32
          %convert_element_type3A_301 = arith.extui %ge3A_300 : i1 to i32
          %cond3A_302 = arith.constant 0 : i32
          %cond3A_303 = arith.cmpi ne, %convert_element_type3A_301, %cond3A_302 : i32
          scf.if %cond3A_303 {
            %dma_wait3A = arith.constant 0 : i32
            %dma_wait3A_317 = arith.constant 0 : i32
            %dma_wait3A_318 = arith.constant 0 : i32
            %dma_wait3A_319 = tpu.memref_slice %arg9[%dma_wait3A, %dma_wait3A_317, %dma_wait3A_318] : memref<2x2x16384xf32, #tpu.memory_space<hbm>> -> memref<1x1x128xf32, #tpu.memory_space<hbm>>
            %dma_wait3A_320 = tpu.memref_squeeze %dma_wait3A_319 : memref<1x1x128xf32, #tpu.memory_space<hbm>> -> memref<128xf32, #tpu.memory_space<hbm>>
            %dma_wait3A_321 = arith.constant 0 : i32
            %dma_wait3A_322 = tpu.memref_slice %arg9[%dma_wait3A, %dma_wait3A_317, %dma_wait3A_321] : memref<2x2x16384xf32, #tpu.memory_space<hbm>> -> memref<1x1x128xf32, #tpu.memory_space<hbm>>
            %dma_wait3A_323 = tpu.memref_squeeze %dma_wait3A_322 : memref<1x1x128xf32, #tpu.memory_space<hbm>> -> memref<128xf32, #tpu.memory_space<hbm>>
            tpu.wait_dma2 semaphore(%arg39 : memref<!tpu.dma_semaphore, #tpu.memory_space<semaphore_mem>>) src(%dma_wait3A_323 : memref<128xf32, #tpu.memory_space<hbm>>) dst(%arg21 : memref<128xf32, #tpu.memory_space<vmem>>)
            %dma_wait3A_324 = arith.constant 0 : i32
            %dma_wait3A_325 = arith.constant 0 : i32
            %dma_wait3A_326 = arith.constant 0 : i32
            %dma_wait3A_327 = tpu.memref_slice %arg9[%dma_wait3A_324, %dma_wait3A_325, %dma_wait3A_326] : memref<2x2x16384xf32, #tpu.memory_space<hbm>> -> memref<1x1x128xf32, #tpu.memory_space<hbm>>
            %dma_wait3A_328 = tpu.memref_squeeze %dma_wait3A_327 : memref<1x1x128xf32, #tpu.memory_space<hbm>> -> memref<128xf32, #tpu.memory_space<hbm>>
            %dma_wait3A_329 = arith.constant 0 : i32
            %dma_wait3A_330 = tpu.memref_slice %arg9[%dma_wait3A_324, %dma_wait3A_325, %dma_wait3A_329] : memref<2x2x16384xf32, #tpu.memory_space<hbm>> -> memref<1x1x128xf32, #tpu.memory_space<hbm>>
            %dma_wait3A_331 = tpu.memref_squeeze %dma_wait3A_330 : memref<1x1x128xf32, #tpu.memory_space<hbm>> -> memref<128xf32, #tpu.memory_space<hbm>>
            tpu.wait_dma2 semaphore(%arg39 : memref<!tpu.dma_semaphore, #tpu.memory_space<semaphore_mem>>) src(%dma_wait3A_331 : memref<128xf32, #tpu.memory_space<hbm>>) dst(%arg23 : memref<128xf32, #tpu.memory_space<vmem>>)
            %dma_wait3A_332 = arith.constant 0 : i32
            %dma_wait3A_333 = arith.constant 0 : i32
            %dma_wait3A_334 = arith.constant 0 : i32
            %dma_wait3A_335 = tpu.memref_slice %arg9[%dma_wait3A_332, %dma_wait3A_333, %dma_wait3A_334] : memref<2x2x16384xf32, #tpu.memory_space<hbm>> -> memref<1x1x128xf32, #tpu.memory_space<hbm>>
            %dma_wait3A_336 = tpu.memref_squeeze %dma_wait3A_335 : memref<1x1x128xf32, #tpu.memory_space<hbm>> -> memref<128xf32, #tpu.memory_space<hbm>>
            %dma_wait3A_337 = arith.constant 0 : i32
            %dma_wait3A_338 = tpu.memref_slice %arg9[%dma_wait3A_332, %dma_wait3A_333, %dma_wait3A_337] : memref<2x2x16384xf32, #tpu.memory_space<hbm>> -> memref<1x1x128xf32, #tpu.memory_space<hbm>>
            %dma_wait3A_339 = tpu.memref_squeeze %dma_wait3A_338 : memref<1x1x128xf32, #tpu.memory_space<hbm>> -> memref<128xf32, #tpu.memory_space<hbm>>
            tpu.wait_dma2 semaphore(%arg39 : memref<!tpu.dma_semaphore, #tpu.memory_space<semaphore_mem>>) src(%dma_wait3A_339 : memref<128xf32, #tpu.memory_space<hbm>>) dst(%arg25 : memref<128xf32, #tpu.memory_space<vmem>>)
            %dma_wait3A_340 = arith.constant 0 : i32
            %dma_wait3A_341 = arith.constant 0 : i32
            %dma_wait3A_342 = arith.constant 0 : i32
            %dma_wait3A_343 = tpu.memref_slice %arg9[%dma_wait3A_340, %dma_wait3A_341, %dma_wait3A_342] : memref<2x2x16384xf32, #tpu.memory_space<hbm>> -> memref<1x1x128xf32, #tpu.memory_space<hbm>>
            %dma_wait3A_344 = tpu.memref_squeeze %dma_wait3A_343 : memref<1x1x128xf32, #tpu.memory_space<hbm>> -> memref<128xf32, #tpu.memory_space<hbm>>
            %dma_wait3A_345 = arith.constant 0 : i32
            %dma_wait3A_346 = tpu.memref_slice %arg9[%dma_wait3A_340, %dma_wait3A_341, %dma_wait3A_345] : memref<2x2x16384xf32, #tpu.memory_space<hbm>> -> memref<1x1x128xf32, #tpu.memory_space<hbm>>
            %dma_wait3A_347 = tpu.memref_squeeze %dma_wait3A_346 : memref<1x1x128xf32, #tpu.memory_space<hbm>> -> memref<128xf32, #tpu.memory_space<hbm>>
            tpu.wait_dma2 semaphore(%arg39 : memref<!tpu.dma_semaphore, #tpu.memory_space<semaphore_mem>>) src(%dma_wait3A_347 : memref<128xf32, #tpu.memory_space<hbm>>) dst(%arg27 : memref<128xf32, #tpu.memory_space<vmem>>)
            %dma_wait3A_348 = arith.constant 0 : i32
            %dma_wait3A_349 = arith.constant 0 : i32
            %dma_wait3A_350 = arith.constant 0 : i32
            %dma_wait3A_351 = tpu.memref_slice %arg9[%dma_wait3A_348, %dma_wait3A_349, %dma_wait3A_350] : memref<2x2x16384xf32, #tpu.memory_space<hbm>> -> memref<1x1x128xf32, #tpu.memory_space<hbm>>
            %dma_wait3A_352 = tpu.memref_squeeze %dma_wait3A_351 : memref<1x1x128xf32, #tpu.memory_space<hbm>> -> memref<128xf32, #tpu.memory_space<hbm>>
            %dma_wait3A_353 = arith.constant 0 : i32
            %dma_wait3A_354 = tpu.memref_slice %arg9[%dma_wait3A_348, %dma_wait3A_349, %dma_wait3A_353] : memref<2x2x16384xf32, #tpu.memory_space<hbm>> -> memref<1x1x128xf32, #tpu.memory_space<hbm>>
            %dma_wait3A_355 = tpu.memref_squeeze %dma_wait3A_354 : memref<1x1x128xf32, #tpu.memory_space<hbm>> -> memref<128xf32, #tpu.memory_space<hbm>>
            tpu.wait_dma2 semaphore(%arg39 : memref<!tpu.dma_semaphore, #tpu.memory_space<semaphore_mem>>) src(%dma_wait3A_355 : memref<128xf32, #tpu.memory_space<hbm>>) dst(%arg29 : memref<128xf32, #tpu.memory_space<vmem>>)
            %sub3A_356 = arith.constant 2 : i32
            %sub3A_357 = arith.subi %add3A_298, %sub3A_356 : i32
            %scan3A_358 = arith.constant 0 : i32
            %scan3A_359 = arith.constant 0 : i32
            %scan3A_360 = arith.constant 8 : i32
            %scan3A_361 = arith.addi %scan3A_359, %scan3A_360 : i32
            %scan3A_362 = arith.constant 1 : i32
            scf.for %scan3A_364 = %scan3A_359 to %scan3A_361 step %scan3A_362  : i32 {
              %mul3A_365 = arith.constant 16 : i32
              %mul3A_366 = arith.muli %scan3A_364, %mul3A_365 : i32
              %mul3A_367 = arith.constant 128 : i32
              %mul3A_368 = arith.muli %sub3A_357, %mul3A_367 : i32
              %mul3A_369 = arith.constant 16 : i32
              %mul3A_370 = arith.muli %scan3A_364, %mul3A_369 : i32
              %add3A_371 = arith.addi %mul3A_368, %mul3A_370 : i32
              %get3A = arith.index_cast %mul3A_366 : i32 to index
              %get3A_372 = tpu.vector_load %arg21[%get3A] {strides = array<i32>} : memref<128xf32, #tpu.memory_space<vmem>>, vector<16xf32>,
              %get3A_373 = arith.index_cast %mul3A_366 : i32 to index
              %get3A_374 = tpu.vector_load %arg23[%get3A_373] {strides = array<i32>} : memref<128xf32, #tpu.memory_space<vmem>>, vector<16xf32>,
              %add3A_375 = arith.addf %get3A_374, %get3A_372 : vector<16xf32>
              %get3A_376 = arith.index_cast %mul3A_366 : i32 to index
              %get3A_377 = tpu.vector_load %arg25[%get3A_376] {strides = array<i32>} : memref<128xf32, #tpu.memory_space<vmem>>, vector<16xf32>,
              %sub3A_378 = arith.subf %add3A_375, %get3A_377 : vector<16xf32>
              %get3A_379 = arith.index_cast %mul3A_366 : i32 to index
              %get3A_380 = tpu.vector_load %arg27[%get3A_379] {strides = array<i32>} : memref<128xf32, #tpu.memory_space<vmem>>, vector<16xf32>,
              %add3A_381 = arith.addf %get3A_380, %get3A_372 : vector<16xf32>
              %get3A_382 = arith.index_cast %mul3A_366 : i32 to index
              %get3A_383 = tpu.vector_load %arg29[%get3A_382] {strides = array<i32>} : memref<128xf32, #tpu.memory_space<vmem>>, vector<16xf32>,
              %sub3A_384 = arith.subf %add3A_381, %get3A_383 : vector<16xf32>
              %get3A_385 = arith.index_cast %add3A_371 : i32 to index
              %get3A_386 = tpu.vector_load %arg30[%get3A_385] {strides = array<i32>} : memref<1024xf32, #tpu.memory_space<vmem>>, vector<16xf32>,
              %mul3A_387 = arith.mulf %sub3A_378, %sub3A_378 : vector<16xf32>
              %add3A_388 = arith.addf %get3A_386, %mul3A_387 : vector<16xf32>
              %swap3A = arith.index_cast %add3A_371 : i32 to index
              %swap3A_389 = tpu.vector_load %arg30[%swap3A] {strides = array<i32>} : memref<1024xf32, #tpu.memory_space<vmem>>, vector<16xf32>,
              tpu.vector_store %arg30[%swap3A], %add3A_388 {strides = array<i32>} : memref<1024xf32, #tpu.memory_space<vmem>>, vector<16xf32>,
              %get3A_390 = arith.index_cast %add3A_371 : i32 to index
              %get3A_391 = tpu.vector_load %arg31[%get3A_390] {strides = array<i32>} : memref<1024xf32, #tpu.memory_space<vmem>>, vector<16xf32>,
              %mul3A_392 = arith.mulf %sub3A_384, %sub3A_384 : vector<16xf32>
              %add3A_393 = arith.addf %get3A_391, %mul3A_392 : vector<16xf32>
              %swap3A_394 = arith.index_cast %add3A_371 : i32 to index
              %swap3A_395 = tpu.vector_load %arg31[%swap3A_394] {strides = array<i32>} : memref<1024xf32, #tpu.memory_space<vmem>>, vector<16xf32>,
              tpu.vector_store %arg31[%swap3A_394], %add3A_393 {strides = array<i32>} : memref<1024xf32, #tpu.memory_space<vmem>>, vector<16xf32>,
            }
            %scan3A_363 = arith.constant 8 : i32
          } else {
          }
          %lt3A_304 = arith.constant 8 : i32
          %lt3A_305 = arith.cmpi slt, %add3A_298, %lt3A_304 : i32
          %convert_element_type3A_306 = arith.extui %lt3A_305 : i1 to i32
          %cond3A_307 = arith.constant 0 : i32
          %cond3A_308 = arith.cmpi ne, %convert_element_type3A_306, %cond3A_307 : i32
          scf.if %cond3A_308 {
            %mul3A_317 = arith.constant 128 : i32
            %mul3A_318 = arith.muli %add3A_298, %mul3A_317 : i32
            %add3A_319 = arith.addi %mul3A_0, %mul3A_318 : i32
            %dma_start3A = tpu.memref_slice %arg2[%add3A_319] : memref<16384xi32, #tpu.memory_space<hbm>> -> memref<128xi32, #tpu.memory_space<hbm>>
            %dma_start3A_320 = tpu.memref_slice %arg2[%add3A_319] : memref<16384xi32, #tpu.memory_space<hbm>> -> memref<128xi32, #tpu.memory_space<hbm>>
            tpu.enqueue_dma source(%dma_start3A_320 : memref<128xi32, #tpu.memory_space<hbm>>) target(%arg11 : memref<128xi32, #tpu.memory_space<vmem>>) target_semaphore(%arg38 : memref<!tpu.dma_semaphore, #tpu.memory_space<semaphore_mem>>)
            %dma_start3A_321 = tpu.memref_slice %arg3[%add3A_319] : memref<16384xi32, #tpu.memory_space<hbm>> -> memref<128xi32, #tpu.memory_space<hbm>>
            %dma_start3A_322 = tpu.memref_slice %arg3[%add3A_319] : memref<16384xi32, #tpu.memory_space<hbm>> -> memref<128xi32, #tpu.memory_space<hbm>>
            tpu.enqueue_dma source(%dma_start3A_322 : memref<128xi32, #tpu.memory_space<hbm>>) target(%arg13 : memref<128xi32, #tpu.memory_space<vmem>>) target_semaphore(%arg38 : memref<!tpu.dma_semaphore, #tpu.memory_space<semaphore_mem>>)
            %dma_start3A_323 = tpu.memref_slice %arg4[%add3A_319] : memref<16384xi32, #tpu.memory_space<hbm>> -> memref<128xi32, #tpu.memory_space<hbm>>
            %dma_start3A_324 = tpu.memref_slice %arg4[%add3A_319] : memref<16384xi32, #tpu.memory_space<hbm>> -> memref<128xi32, #tpu.memory_space<hbm>>
            tpu.enqueue_dma source(%dma_start3A_324 : memref<128xi32, #tpu.memory_space<hbm>>) target(%arg15 : memref<128xi32, #tpu.memory_space<vmem>>) target_semaphore(%arg38 : memref<!tpu.dma_semaphore, #tpu.memory_space<semaphore_mem>>)
            %dma_start3A_325 = tpu.memref_slice %arg5[%add3A_319] : memref<16384xi32, #tpu.memory_space<hbm>> -> memref<128xi32, #tpu.memory_space<hbm>>
            %dma_start3A_326 = tpu.memref_slice %arg5[%add3A_319] : memref<16384xi32, #tpu.memory_space<hbm>> -> memref<128xi32, #tpu.memory_space<hbm>>
            tpu.enqueue_dma source(%dma_start3A_326 : memref<128xi32, #tpu.memory_space<hbm>>) target(%arg17 : memref<128xi32, #tpu.memory_space<vmem>>) target_semaphore(%arg38 : memref<!tpu.dma_semaphore, #tpu.memory_space<semaphore_mem>>)
            %dma_start3A_327 = tpu.memref_slice %arg6[%add3A_319] : memref<16384xi32, #tpu.memory_space<hbm>> -> memref<128xi32, #tpu.memory_space<hbm>>
            %dma_start3A_328 = tpu.memref_slice %arg6[%add3A_319] : memref<16384xi32, #tpu.memory_space<hbm>> -> memref<128xi32, #tpu.memory_space<hbm>>
            tpu.enqueue_dma source(%dma_start3A_328 : memref<128xi32, #tpu.memory_space<hbm>>) target(%arg19 : memref<128xi32, #tpu.memory_space<vmem>>) target_semaphore(%arg38 : memref<!tpu.dma_semaphore, #tpu.memory_space<semaphore_mem>>)
          } else {
          }
          %ge3A_309 = arith.constant 1 : i32
          %ge3A_310 = arith.cmpi sge, %add3A_298, %ge3A_309 : i32
          %lt3A_311 = arith.constant 9 : i32
          %lt3A_312 = arith.cmpi slt, %add3A_298, %lt3A_311 : i32
          %and3A_313 = arith.andi %ge3A_310, %lt3A_312 : i1
          %convert_element_type3A_314 = arith.extui %and3A_313 : i1 to i32
          %cond3A_315 = arith.constant 0 : i32
          %cond3A_316 = arith.cmpi ne, %convert_element_type3A_314, %cond3A_315 : i32
          scf.if %cond3A_316 {
            %dma_wait3A = arith.constant 0 : i32
            %dma_wait3A_317 = tpu.memref_slice %arg2[%dma_wait3A] : memref<16384xi32, #tpu.memory_space<hbm>> -> memref<128xi32, #tpu.memory_space<hbm>>
            %dma_wait3A_318 = arith.constant 0 : i32
            %dma_wait3A_319 = tpu.memref_slice %arg2[%dma_wait3A_318] : memref<16384xi32, #tpu.memory_space<hbm>> -> memref<128xi32, #tpu.memory_space<hbm>>
            tpu.wait_dma2 semaphore(%arg38 : memref<!tpu.dma_semaphore, #tpu.memory_space<semaphore_mem>>) src(%dma_wait3A_319 : memref<128xi32, #tpu.memory_space<hbm>>) dst(%arg10 : memref<128xi32, #tpu.memory_space<vmem>>)
            %dma_wait3A_320 = arith.constant 0 : i32
            %dma_wait3A_321 = tpu.memref_slice %arg2[%dma_wait3A_320] : memref<16384xi32, #tpu.memory_space<hbm>> -> memref<128xi32, #tpu.memory_space<hbm>>
            %dma_wait3A_322 = arith.constant 0 : i32
            %dma_wait3A_323 = tpu.memref_slice %arg2[%dma_wait3A_322] : memref<16384xi32, #tpu.memory_space<hbm>> -> memref<128xi32, #tpu.memory_space<hbm>>
            tpu.wait_dma2 semaphore(%arg38 : memref<!tpu.dma_semaphore, #tpu.memory_space<semaphore_mem>>) src(%dma_wait3A_323 : memref<128xi32, #tpu.memory_space<hbm>>) dst(%arg12 : memref<128xi32, #tpu.memory_space<vmem>>)
            %dma_wait3A_324 = arith.constant 0 : i32
            %dma_wait3A_325 = tpu.memref_slice %arg2[%dma_wait3A_324] : memref<16384xi32, #tpu.memory_space<hbm>> -> memref<128xi32, #tpu.memory_space<hbm>>
            %dma_wait3A_326 = arith.constant 0 : i32
            %dma_wait3A_327 = tpu.memref_slice %arg2[%dma_wait3A_326] : memref<16384xi32, #tpu.memory_space<hbm>> -> memref<128xi32, #tpu.memory_space<hbm>>
            tpu.wait_dma2 semaphore(%arg38 : memref<!tpu.dma_semaphore, #tpu.memory_space<semaphore_mem>>) src(%dma_wait3A_327 : memref<128xi32, #tpu.memory_space<hbm>>) dst(%arg14 : memref<128xi32, #tpu.memory_space<vmem>>)
            %dma_wait3A_328 = arith.constant 0 : i32
            %dma_wait3A_329 = tpu.memref_slice %arg2[%dma_wait3A_328] : memref<16384xi32, #tpu.memory_space<hbm>> -> memref<128xi32, #tpu.memory_space<hbm>>
            %dma_wait3A_330 = arith.constant 0 : i32
            %dma_wait3A_331 = tpu.memref_slice %arg2[%dma_wait3A_330] : memref<16384xi32, #tpu.memory_space<hbm>> -> memref<128xi32, #tpu.memory_space<hbm>>
            tpu.wait_dma2 semaphore(%arg38 : memref<!tpu.dma_semaphore, #tpu.memory_space<semaphore_mem>>) src(%dma_wait3A_331 : memref<128xi32, #tpu.memory_space<hbm>>) dst(%arg16 : memref<128xi32, #tpu.memory_space<vmem>>)
            %dma_wait3A_332 = arith.constant 0 : i32
            %dma_wait3A_333 = tpu.memref_slice %arg2[%dma_wait3A_332] : memref<16384xi32, #tpu.memory_space<hbm>> -> memref<128xi32, #tpu.memory_space<hbm>>
            %dma_wait3A_334 = arith.constant 0 : i32
            %dma_wait3A_335 = tpu.memref_slice %arg2[%dma_wait3A_334] : memref<16384xi32, #tpu.memory_space<hbm>> -> memref<128xi32, #tpu.memory_space<hbm>>
            tpu.wait_dma2 semaphore(%arg38 : memref<!tpu.dma_semaphore, #tpu.memory_space<semaphore_mem>>) src(%dma_wait3A_335 : memref<128xi32, #tpu.memory_space<hbm>>) dst(%arg18 : memref<128xi32, #tpu.memory_space<vmem>>)
            %dma_start3A = arith.constant 0 : i32
            %dma_start3A_336 = tpu.memref_slice %arg32[%dma_start3A] : memref<1000xf32, #tpu.memory_space<vmem_shared>> -> memref<1000xf32, #tpu.memory_space<vmem_shared>>
            tpu.enqueue_indirect_dma source(%dma_start3A_336 : memref<1000xf32, #tpu.memory_space<vmem_shared>>) target(%arg20 : memref<128xf32, #tpu.memory_space<vmem>>) offsets(%arg10 : memref<128xi32, #tpu.memory_space<vmem>>) semaphore(%arg39 : memref<!tpu.dma_semaphore, #tpu.memory_space<semaphore_mem>>)
            %dma_start3A_337 = arith.constant 0 : i32
            %dma_start3A_338 = tpu.memref_slice %arg34[%dma_start3A_337] : memref<1000000xf32, #tpu.memory_space<vmem_shared>> -> memref<1000000xf32, #tpu.memory_space<vmem_shared>>
            tpu.enqueue_indirect_dma source(%dma_start3A_338 : memref<1000000xf32, #tpu.memory_space<vmem_shared>>) target(%arg22 : memref<128xf32, #tpu.memory_space<vmem>>) offsets(%arg12 : memref<128xi32, #tpu.memory_space<vmem>>) semaphore(%arg39 : memref<!tpu.dma_semaphore, #tpu.memory_space<semaphore_mem>>)
            %dma_start3A_339 = arith.constant 0 : i32
            %dma_start3A_340 = tpu.memref_slice %arg34[%dma_start3A_339] : memref<1000000xf32, #tpu.memory_space<vmem_shared>> -> memref<1000000xf32, #tpu.memory_space<vmem_shared>>
            tpu.enqueue_indirect_dma source(%dma_start3A_340 : memref<1000000xf32, #tpu.memory_space<vmem_shared>>) target(%arg24 : memref<128xf32, #tpu.memory_space<vmem>>) offsets(%arg14 : memref<128xi32, #tpu.memory_space<vmem>>) semaphore(%arg39 : memref<!tpu.dma_semaphore, #tpu.memory_space<semaphore_mem>>)
            %dma_start3A_341 = arith.constant 0 : i32
            %dma_start3A_342 = tpu.memref_slice %arg34[%dma_start3A_341] : memref<1000000xf32, #tpu.memory_space<vmem_shared>> -> memref<1000000xf32, #tpu.memory_space<vmem_shared>>
            tpu.enqueue_indirect_dma source(%dma_start3A_342 : memref<1000000xf32, #tpu.memory_space<vmem_shared>>) target(%arg26 : memref<128xf32, #tpu.memory_space<vmem>>) offsets(%arg16 : memref<128xi32, #tpu.memory_space<vmem>>) semaphore(%arg39 : memref<!tpu.dma_semaphore, #tpu.memory_space<semaphore_mem>>)
            %dma_start3A_343 = arith.constant 0 : i32
            %dma_start3A_344 = tpu.memref_slice %arg34[%dma_start3A_343] : memref<1000000xf32, #tpu.memory_space<vmem_shared>> -> memref<1000000xf32, #tpu.memory_space<vmem_shared>>
            tpu.enqueue_indirect_dma source(%dma_start3A_344 : memref<1000000xf32, #tpu.memory_space<vmem_shared>>) target(%arg28 : memref<128xf32, #tpu.memory_space<vmem>>) offsets(%arg18 : memref<128xi32, #tpu.memory_space<vmem>>) semaphore(%arg39 : memref<!tpu.dma_semaphore, #tpu.memory_space<semaphore_mem>>)
          } else {
          }
        }
        %scan3A_272 = arith.constant 5 : i32
      } else {
      }
      %barrier3A_237 = arith.constant 0 : index
      tpu.barrier barrier_id(%barrier3A_237)
      %add3A_238 = arith.constant 1 : i32
      %add3A_239 = arith.addi %add3A_137, %add3A_238 : i32
      %lt3A_240 = arith.constant 32 : i32
      %lt3A_241 = arith.cmpi slt, %add3A_239, %lt3A_240 : i32
      %add3A_242 = arith.constant 1 : i32
      %add3A_243 = arith.addi %add3A_137, %add3A_242 : i32
      %jit3A_244 = arith.constant 16 : i32
      %eq3A_245 = arith.constant 0 : i32
      %eq3A_246 = arith.cmpi eq, %jit3A_244, %eq3A_245 : i32
      %jit3A_247 = arith.constant 1 : i32
      %select_n3A_248 = arith.select %eq3A_246, %jit3A_247, %jit3A_244 : i32
      %rem3A_249 = arith.remsi %add3A_243, %select_n3A_248 : i32
      %ne3A_250 = arith.constant 0 : i32
      %ne3A_251 = arith.cmpi ne, %rem3A_249, %ne3A_250 : i32
      %lt3A_252 = arith.constant 0 : i32
      %lt3A_253 = arith.cmpi slt, %rem3A_249, %lt3A_252 : i32
      %lt3A_254 = arith.constant 0 : i32
      %lt3A_255 = arith.cmpi slt, %select_n3A_248, %lt3A_254 : i32
      %ne3A_256 = arith.xori %lt3A_253, %lt3A_255 : i1
      %and3A_257 = arith.andi %ne3A_256, %ne3A_251 : i1
      %add3A_258 = arith.addi %rem3A_249, %select_n3A_248 : i32
      %select_n3A_259 = arith.select %and3A_257, %add3A_258, %rem3A_249 : i32
      %eq3A_260 = arith.cmpi eq, %arg1, %select_n3A_259 : i32
      %and3A_261 = arith.andi %lt3A_241, %eq3A_260 : i1
      %convert_element_type3A_262 = arith.extui %and3A_261 : i1 to i32
      %cond3A_263 = arith.constant 0 : i32
      %cond3A_264 = arith.cmpi ne, %convert_element_type3A_262, %cond3A_263 : i32
      scf.if %cond3A_264 {
        %add3A_265 = arith.constant 1 : i32
        %add3A_266 = arith.addi %add3A_195, %add3A_265 : i32
        %dma_start3A = arith.constant 0 : i32
        %dma_start3A_267 = tpu.memref_slice %arg7[%add3A_266, %dma_start3A] : memref<64x1000000xf32, #tpu.memory_space<hbm>> -> memref<1x1000000xf32, #tpu.memory_space<hbm>>
        %dma_start3A_268 = tpu.memref_squeeze %dma_start3A_267 : memref<1x1000000xf32, #tpu.memory_space<hbm>> -> memref<1000000xf32, #tpu.memory_space<hbm>>
        tpu.enqueue_dma source(%dma_start3A_268 : memref<1000000xf32, #tpu.memory_space<hbm>>) target(%arg34 : memref<1000000xf32, #tpu.memory_space<vmem_shared>>) target_semaphore(%arg36 : memref<!tpu.dma_semaphore, #tpu.memory_space<semaphore_mem>>)
      } else {
      }
    }
    %scan3A_14 = arith.constant 17 : i32
    %run_scoped3A = arith.constant 0 : i32
    "tpu.region"() ({
      %run_scoped3A_16 = tpu.sem_alloc : memref<!tpu.dma_semaphore, #tpu.memory_space<semaphore_mem>>
      %dma_start3A = tpu.memref_slice %arg9[%arg0, %run_scoped3A, %mul3A_0] : memref<2x2x16384xf32, #tpu.memory_space<hbm>> -> memref<1x1x1024xf32, #tpu.memory_space<hbm>>
      %dma_start3A_17 = tpu.memref_squeeze %dma_start3A : memref<1x1x1024xf32, #tpu.memory_space<hbm>> -> memref<1024xf32, #tpu.memory_space<hbm>>
      %dma_start3A_18 = tpu.memref_slice %arg9[%arg0, %run_scoped3A, %mul3A_0] : memref<2x2x16384xf32, #tpu.memory_space<hbm>> -> memref<1x1x1024xf32, #tpu.memory_space<hbm>>
      %dma_start3A_19 = tpu.memref_squeeze %dma_start3A_18 : memref<1x1x1024xf32, #tpu.memory_space<hbm>> -> memref<1024xf32, #tpu.memory_space<hbm>>
      tpu.enqueue_dma source(%arg30 : memref<1024xf32, #tpu.memory_space<vmem>>) target(%dma_start3A_19 : memref<1024xf32, #tpu.memory_space<hbm>>) target_semaphore(%run_scoped3A_16 : memref<!tpu.dma_semaphore, #tpu.memory_space<semaphore_mem>>)
      %dma_wait3A = tpu.memref_slice %arg9[%arg0, %run_scoped3A, %mul3A_0] : memref<2x2x16384xf32, #tpu.memory_space<hbm>> -> memref<1x1x1024xf32, #tpu.memory_space<hbm>>
      %dma_wait3A_20 = tpu.memref_squeeze %dma_wait3A : memref<1x1x1024xf32, #tpu.memory_space<hbm>> -> memref<1024xf32, #tpu.memory_space<hbm>>
      %dma_wait3A_21 = tpu.memref_slice %arg9[%arg0, %run_scoped3A, %mul3A_0] : memref<2x2x16384xf32, #tpu.memory_space<hbm>> -> memref<1x1x1024xf32, #tpu.memory_space<hbm>>
      %dma_wait3A_22 = tpu.memref_squeeze %dma_wait3A_21 : memref<1x1x1024xf32, #tpu.memory_space<hbm>> -> memref<1024xf32, #tpu.memory_space<hbm>>
      tpu.wait_dma2 semaphore(%run_scoped3A_16 : memref<!tpu.dma_semaphore, #tpu.memory_space<semaphore_mem>>) src(%arg30 : memref<1024xf32, #tpu.memory_space<vmem>>) dst(%dma_wait3A_22 : memref<1024xf32, #tpu.memory_space<hbm>>)
      tpu.yield
    }) : () -> ()
    %run_scoped3A_15 = arith.constant 1 : i32
    "tpu.region"() ({
      %run_scoped3A_16 = tpu.sem_alloc : memref<!tpu.dma_semaphore, #tpu.memory_space<semaphore_mem>>
      %dma_start3A = tpu.memref_slice %arg9[%arg0, %run_scoped3A_15, %mul3A_0] : memref<2x2x16384xf32, #tpu.memory_space<hbm>> -> memref<1x1x1024xf32, #tpu.memory_space<hbm>>
      %dma_start3A_17 = tpu.memref_squeeze %dma_start3A : memref<1x1x1024xf32, #tpu.memory_space<hbm>> -> memref<1024xf32, #tpu.memory_space<hbm>>
      %dma_start3A_18 = tpu.memref_slice %arg9[%arg0, %run_scoped3A_15, %mul3A_0] : memref<2x2x16384xf32, #tpu.memory_space<hbm>> -> memref<1x1x1024xf32, #tpu.memory_space<hbm>>
      %dma_start3A_19 = tpu.memref_squeeze %dma_start3A_18 : memref<1x1x1024xf32, #tpu.memory_space<hbm>> -> memref<1024xf32, #tpu.memory_space<hbm>>
      tpu.enqueue_dma source(%arg31 : memref<1024xf32, #tpu.memory_space<vmem>>) target(%dma_start3A_19 : memref<1024xf32, #tpu.memory_space<hbm>>) target_semaphore(%run_scoped3A_16 : memref<!tpu.dma_semaphore, #tpu.memory_space<semaphore_mem>>)
      %dma_wait3A = tpu.memref_slice %arg9[%arg0, %run_scoped3A_15, %mul3A_0] : memref<2x2x16384xf32, #tpu.memory_space<hbm>> -> memref<1x1x1024xf32, #tpu.memory_space<hbm>>
      %dma_wait3A_20 = tpu.memref_squeeze %dma_wait3A : memref<1x1x1024xf32, #tpu.memory_space<hbm>> -> memref<1024xf32, #tpu.memory_space<hbm>>
      %dma_wait3A_21 = tpu.memref_slice %arg9[%arg0, %run_scoped3A_15, %mul3A_0] : memref<2x2x16384xf32, #tpu.memory_space<hbm>> -> memref<1x1x1024xf32, #tpu.memory_space<hbm>>
      %dma_wait3A_22 = tpu.memref_squeeze %dma_wait3A_21 : memref<1x1x1024xf32, #tpu.memory_space<hbm>> -> memref<1024xf32, #tpu.memory_space<hbm>>
      tpu.wait_dma2 semaphore(%run_scoped3A_16 : memref<!tpu.dma_semaphore, #tpu.memory_space<semaphore_mem>>) src(%arg31 : memref<1024xf32, #tpu.memory_space<vmem>>) dst(%dma_wait3A_22 : memref<1024xf32, #tpu.memory_space<hbm>>)
      tpu.yield
    }) : () -> ()
    return
  }
}

#map = affine_map<(d0, d1) -> (0, 0, 0)>
#map1 = affine_map<(d0, d1) -> (0, 0)>
module attributes {stable_mosaic.version = 14 : i64} {
  func.func @_finish_body(%arg0: i32, %arg1: i32, %arg2: memref<2x2x16384xf32, #tpu.memory_space<hbm>>, %arg3: memref<32x16xf32, #tpu.memory_space<hbm>>, %arg4: memref<512xf32, #tpu.memory_space<vmem>>, %arg5: memref<512xf32, #tpu.memory_space<vmem>>, %arg6: memref<512xf32, #tpu.memory_space<vmem>>, %arg7: memref<512xf32, #tpu.memory_space<vmem>>, %arg8: memref<16xf32, #tpu.memory_space<vmem>>, %arg9: memref<!tpu.dma_semaphore, #tpu.memory_space<semaphore_mem>>) attributes {dimension_semantics = [#tpu.dimension_semantics<core_parallel>, #tpu.dimension_semantics<subcore_parallel>], iteration_bounds = array<i64: 2, 16>, scalar_prefetch = 0 : i64, scratch_operands = 6 : i64, tpu.core_type = #tpu.core_type<sc_vector_subcore>, window_params = [{transform_indices = #map}, {transform_indices = #map1}]} {
    %mul3A = arith.constant 2 : i32
    %mul3A_0 = arith.muli %arg1, %mul3A : i32
    %add3A = arith.addi %mul3A_0, %arg0 : i32
    %mul3A_1 = arith.constant 512 : i32
    %mul3A_2 = arith.muli %add3A, %mul3A_1 : i32
    %dma_start3A = arith.constant 0 : i32
    %dma_start3A_3 = arith.constant 0 : i32
    %dma_start3A_4 = tpu.memref_slice %arg2[%dma_start3A, %dma_start3A_3, %mul3A_2] : memref<2x2x16384xf32, #tpu.memory_space<hbm>> -> memref<1x1x512xf32, #tpu.memory_space<hbm>>
    %dma_start3A_5 = tpu.memref_squeeze %dma_start3A_4 : memref<1x1x512xf32, #tpu.memory_space<hbm>> -> memref<512xf32, #tpu.memory_space<hbm>>
    %dma_start3A_6 = tpu.memref_slice %arg2[%dma_start3A, %dma_start3A_3, %mul3A_2] : memref<2x2x16384xf32, #tpu.memory_space<hbm>> -> memref<1x1x512xf32, #tpu.memory_space<hbm>>
    %dma_start3A_7 = tpu.memref_squeeze %dma_start3A_6 : memref<1x1x512xf32, #tpu.memory_space<hbm>> -> memref<512xf32, #tpu.memory_space<hbm>>
    tpu.enqueue_dma source(%dma_start3A_7 : memref<512xf32, #tpu.memory_space<hbm>>) target(%arg4 : memref<512xf32, #tpu.memory_space<vmem>>) target_semaphore(%arg9 : memref<!tpu.dma_semaphore, #tpu.memory_space<semaphore_mem>>)
    %dma_start3A_8 = arith.constant 1 : i32
    %dma_start3A_9 = arith.constant 0 : i32
    %dma_start3A_10 = tpu.memref_slice %arg2[%dma_start3A_8, %dma_start3A_9, %mul3A_2] : memref<2x2x16384xf32, #tpu.memory_space<hbm>> -> memref<1x1x512xf32, #tpu.memory_space<hbm>>
    %dma_start3A_11 = tpu.memref_squeeze %dma_start3A_10 : memref<1x1x512xf32, #tpu.memory_space<hbm>> -> memref<512xf32, #tpu.memory_space<hbm>>
    %dma_start3A_12 = tpu.memref_slice %arg2[%dma_start3A_8, %dma_start3A_9, %mul3A_2] : memref<2x2x16384xf32, #tpu.memory_space<hbm>> -> memref<1x1x512xf32, #tpu.memory_space<hbm>>
    %dma_start3A_13 = tpu.memref_squeeze %dma_start3A_12 : memref<1x1x512xf32, #tpu.memory_space<hbm>> -> memref<512xf32, #tpu.memory_space<hbm>>
    tpu.enqueue_dma source(%dma_start3A_13 : memref<512xf32, #tpu.memory_space<hbm>>) target(%arg5 : memref<512xf32, #tpu.memory_space<vmem>>) target_semaphore(%arg9 : memref<!tpu.dma_semaphore, #tpu.memory_space<semaphore_mem>>)
    %dma_start3A_14 = arith.constant 0 : i32
    %dma_start3A_15 = arith.constant 1 : i32
    %dma_start3A_16 = tpu.memref_slice %arg2[%dma_start3A_14, %dma_start3A_15, %mul3A_2] : memref<2x2x16384xf32, #tpu.memory_space<hbm>> -> memref<1x1x512xf32, #tpu.memory_space<hbm>>
    %dma_start3A_17 = tpu.memref_squeeze %dma_start3A_16 : memref<1x1x512xf32, #tpu.memory_space<hbm>> -> memref<512xf32, #tpu.memory_space<hbm>>
    %dma_start3A_18 = tpu.memref_slice %arg2[%dma_start3A_14, %dma_start3A_15, %mul3A_2] : memref<2x2x16384xf32, #tpu.memory_space<hbm>> -> memref<1x1x512xf32, #tpu.memory_space<hbm>>
    %dma_start3A_19 = tpu.memref_squeeze %dma_start3A_18 : memref<1x1x512xf32, #tpu.memory_space<hbm>> -> memref<512xf32, #tpu.memory_space<hbm>>
    tpu.enqueue_dma source(%dma_start3A_19 : memref<512xf32, #tpu.memory_space<hbm>>) target(%arg6 : memref<512xf32, #tpu.memory_space<vmem>>) target_semaphore(%arg9 : memref<!tpu.dma_semaphore, #tpu.memory_space<semaphore_mem>>)
    %dma_start3A_20 = arith.constant 1 : i32
    %dma_start3A_21 = arith.constant 1 : i32
    %dma_start3A_22 = tpu.memref_slice %arg2[%dma_start3A_20, %dma_start3A_21, %mul3A_2] : memref<2x2x16384xf32, #tpu.memory_space<hbm>> -> memref<1x1x512xf32, #tpu.memory_space<hbm>>
    %dma_start3A_23 = tpu.memref_squeeze %dma_start3A_22 : memref<1x1x512xf32, #tpu.memory_space<hbm>> -> memref<512xf32, #tpu.memory_space<hbm>>
    %dma_start3A_24 = tpu.memref_slice %arg2[%dma_start3A_20, %dma_start3A_21, %mul3A_2] : memref<2x2x16384xf32, #tpu.memory_space<hbm>> -> memref<1x1x512xf32, #tpu.memory_space<hbm>>
    %dma_start3A_25 = tpu.memref_squeeze %dma_start3A_24 : memref<1x1x512xf32, #tpu.memory_space<hbm>> -> memref<512xf32, #tpu.memory_space<hbm>>
    tpu.enqueue_dma source(%dma_start3A_25 : memref<512xf32, #tpu.memory_space<hbm>>) target(%arg7 : memref<512xf32, #tpu.memory_space<vmem>>) target_semaphore(%arg9 : memref<!tpu.dma_semaphore, #tpu.memory_space<semaphore_mem>>)
    %dma_wait3A = arith.constant 0 : i32
    %dma_wait3A_26 = arith.constant 0 : i32
    %dma_wait3A_27 = tpu.memref_slice %arg2[%dma_wait3A, %dma_wait3A_26, %mul3A_2] : memref<2x2x16384xf32, #tpu.memory_space<hbm>> -> memref<1x1x512xf32, #tpu.memory_space<hbm>>
    %dma_wait3A_28 = tpu.memref_squeeze %dma_wait3A_27 : memref<1x1x512xf32, #tpu.memory_space<hbm>> -> memref<512xf32, #tpu.memory_space<hbm>>
    %dma_wait3A_29 = tpu.memref_slice %arg2[%dma_wait3A, %dma_wait3A_26, %mul3A_2] : memref<2x2x16384xf32, #tpu.memory_space<hbm>> -> memref<1x1x512xf32, #tpu.memory_space<hbm>>
    %dma_wait3A_30 = tpu.memref_squeeze %dma_wait3A_29 : memref<1x1x512xf32, #tpu.memory_space<hbm>> -> memref<512xf32, #tpu.memory_space<hbm>>
    tpu.wait_dma2 semaphore(%arg9 : memref<!tpu.dma_semaphore, #tpu.memory_space<semaphore_mem>>) src(%dma_wait3A_30 : memref<512xf32, #tpu.memory_space<hbm>>) dst(%arg4 : memref<512xf32, #tpu.memory_space<vmem>>)
    %dma_wait3A_31 = arith.constant 1 : i32
    %dma_wait3A_32 = arith.constant 0 : i32
    %dma_wait3A_33 = tpu.memref_slice %arg2[%dma_wait3A_31, %dma_wait3A_32, %mul3A_2] : memref<2x2x16384xf32, #tpu.memory_space<hbm>> -> memref<1x1x512xf32, #tpu.memory_space<hbm>>
    %dma_wait3A_34 = tpu.memref_squeeze %dma_wait3A_33 : memref<1x1x512xf32, #tpu.memory_space<hbm>> -> memref<512xf32, #tpu.memory_space<hbm>>
    %dma_wait3A_35 = tpu.memref_slice %arg2[%dma_wait3A_31, %dma_wait3A_32, %mul3A_2] : memref<2x2x16384xf32, #tpu.memory_space<hbm>> -> memref<1x1x512xf32, #tpu.memory_space<hbm>>
    %dma_wait3A_36 = tpu.memref_squeeze %dma_wait3A_35 : memref<1x1x512xf32, #tpu.memory_space<hbm>> -> memref<512xf32, #tpu.memory_space<hbm>>
    tpu.wait_dma2 semaphore(%arg9 : memref<!tpu.dma_semaphore, #tpu.memory_space<semaphore_mem>>) src(%dma_wait3A_36 : memref<512xf32, #tpu.memory_space<hbm>>) dst(%arg5 : memref<512xf32, #tpu.memory_space<vmem>>)
    %dma_wait3A_37 = arith.constant 0 : i32
    %dma_wait3A_38 = arith.constant 1 : i32
    %dma_wait3A_39 = tpu.memref_slice %arg2[%dma_wait3A_37, %dma_wait3A_38, %mul3A_2] : memref<2x2x16384xf32, #tpu.memory_space<hbm>> -> memref<1x1x512xf32, #tpu.memory_space<hbm>>
    %dma_wait3A_40 = tpu.memref_squeeze %dma_wait3A_39 : memref<1x1x512xf32, #tpu.memory_space<hbm>> -> memref<512xf32, #tpu.memory_space<hbm>>
    %dma_wait3A_41 = tpu.memref_slice %arg2[%dma_wait3A_37, %dma_wait3A_38, %mul3A_2] : memref<2x2x16384xf32, #tpu.memory_space<hbm>> -> memref<1x1x512xf32, #tpu.memory_space<hbm>>
    %dma_wait3A_42 = tpu.memref_squeeze %dma_wait3A_41 : memref<1x1x512xf32, #tpu.memory_space<hbm>> -> memref<512xf32, #tpu.memory_space<hbm>>
    tpu.wait_dma2 semaphore(%arg9 : memref<!tpu.dma_semaphore, #tpu.memory_space<semaphore_mem>>) src(%dma_wait3A_42 : memref<512xf32, #tpu.memory_space<hbm>>) dst(%arg6 : memref<512xf32, #tpu.memory_space<vmem>>)
    %dma_wait3A_43 = arith.constant 1 : i32
    %dma_wait3A_44 = arith.constant 1 : i32
    %dma_wait3A_45 = tpu.memref_slice %arg2[%dma_wait3A_43, %dma_wait3A_44, %mul3A_2] : memref<2x2x16384xf32, #tpu.memory_space<hbm>> -> memref<1x1x512xf32, #tpu.memory_space<hbm>>
    %dma_wait3A_46 = tpu.memref_squeeze %dma_wait3A_45 : memref<1x1x512xf32, #tpu.memory_space<hbm>> -> memref<512xf32, #tpu.memory_space<hbm>>
    %dma_wait3A_47 = tpu.memref_slice %arg2[%dma_wait3A_43, %dma_wait3A_44, %mul3A_2] : memref<2x2x16384xf32, #tpu.memory_space<hbm>> -> memref<1x1x512xf32, #tpu.memory_space<hbm>>
    %dma_wait3A_48 = tpu.memref_squeeze %dma_wait3A_47 : memref<1x1x512xf32, #tpu.memory_space<hbm>> -> memref<512xf32, #tpu.memory_space<hbm>>
    tpu.wait_dma2 semaphore(%arg9 : memref<!tpu.dma_semaphore, #tpu.memory_space<semaphore_mem>>) src(%dma_wait3A_48 : memref<512xf32, #tpu.memory_space<hbm>>) dst(%arg7 : memref<512xf32, #tpu.memory_space<vmem>>)
    %broadcast_in_dim3A = arith.constant 0.000000e+00 : f32
    %broadcast_in_dim3A_49 = vector.broadcast %broadcast_in_dim3A : f32 to vector<16xf32>
    %get3A = arith.constant 0 : index
    %get3A_50 = tpu.vector_load %arg4[%get3A] {strides = array<i32>} : memref<512xf32, #tpu.memory_space<vmem>>, vector<16xf32>,
    %get3A_51 = arith.constant 0 : index
    %get3A_52 = tpu.vector_load %arg5[%get3A_51] {strides = array<i32>} : memref<512xf32, #tpu.memory_space<vmem>>, vector<16xf32>,
    %add3A_53 = arith.addf %get3A_50, %get3A_52 : vector<16xf32>
    %max3A = arith.constant 1.000000e-30 : f32
    %max3A_54 = vector.broadcast %max3A : f32 to vector<16xf32>
    %max3A_55 = arith.maximumf %add3A_53, %max3A_54 : vector<16xf32>
    %bitcast_convert_type3A = tpu.bitcast %max3A_55 : vector<16xf32> -> vector<16xi32>
    %shift_right_arithmetic3A = arith.constant 1 : i32
    %shift_right_arithmetic3A_56 = vector.broadcast %shift_right_arithmetic3A : i32 to vector<16xi32>
    %shift_right_arithmetic3A_57 = arith.shrsi %bitcast_convert_type3A, %shift_right_arithmetic3A_56 : vector<16xi32>
    %sub3A = arith.constant 1597463007 : i32
    %sub3A_58 = vector.broadcast %sub3A : i32 to vector<16xi32>
    %sub3A_59 = arith.subi %sub3A_58, %shift_right_arithmetic3A_57 : vector<16xi32>
    %bitcast_convert_type3A_60 = tpu.bitcast %sub3A_59 : vector<16xi32> -> vector<16xf32>
    %mul3A_61 = arith.constant 5.000000e-01 : f32
    %mul3A_62 = vector.broadcast %mul3A_61 : f32 to vector<16xf32>
    %mul3A_63 = arith.mulf %mul3A_62, %max3A_55 : vector<16xf32>
    %mul3A_64 = arith.mulf %mul3A_63, %bitcast_convert_type3A_60 : vector<16xf32>
    %mul3A_65 = arith.mulf %mul3A_64, %bitcast_convert_type3A_60 : vector<16xf32>
    %sub3A_66 = arith.constant 1.500000e+00 : f32
    %sub3A_67 = vector.broadcast %sub3A_66 : f32 to vector<16xf32>
    %sub3A_68 = arith.subf %sub3A_67, %mul3A_65 : vector<16xf32>
    %mul3A_69 = arith.mulf %bitcast_convert_type3A_60, %sub3A_68 : vector<16xf32>
    %mul3A_70 = arith.constant 5.000000e-01 : f32
    %mul3A_71 = vector.broadcast %mul3A_70 : f32 to vector<16xf32>
    %mul3A_72 = arith.mulf %mul3A_71, %max3A_55 : vector<16xf32>
    %mul3A_73 = arith.mulf %mul3A_72, %mul3A_69 : vector<16xf32>
    %mul3A_74 = arith.mulf %mul3A_73, %mul3A_69 : vector<16xf32>
    %sub3A_75 = arith.constant 1.500000e+00 : f32
    %sub3A_76 = vector.broadcast %sub3A_75 : f32 to vector<16xf32>
    %sub3A_77 = arith.subf %sub3A_76, %mul3A_74 : vector<16xf32>
    %mul3A_78 = arith.mulf %mul3A_69, %sub3A_77 : vector<16xf32>
    %mul3A_79 = arith.constant 5.000000e-01 : f32
    %mul3A_80 = vector.broadcast %mul3A_79 : f32 to vector<16xf32>
    %mul3A_81 = arith.mulf %mul3A_80, %max3A_55 : vector<16xf32>
    %mul3A_82 = arith.mulf %mul3A_81, %mul3A_78 : vector<16xf32>
    %mul3A_83 = arith.mulf %mul3A_82, %mul3A_78 : vector<16xf32>
    %sub3A_84 = arith.constant 1.500000e+00 : f32
    %sub3A_85 = vector.broadcast %sub3A_84 : f32 to vector<16xf32>
    %sub3A_86 = arith.subf %sub3A_85, %mul3A_83 : vector<16xf32>
    %mul3A_87 = arith.mulf %mul3A_78, %sub3A_86 : vector<16xf32>
    %mul3A_88 = arith.mulf %max3A_55, %mul3A_87 : vector<16xf32>
    %add3A_89 = arith.addf %broadcast_in_dim3A_49, %mul3A_88 : vector<16xf32>
    %get3A_90 = arith.constant 0 : index
    %get3A_91 = tpu.vector_load %arg6[%get3A_90] {strides = array<i32>} : memref<512xf32, #tpu.memory_space<vmem>>, vector<16xf32>,
    %get3A_92 = arith.constant 0 : index
    %get3A_93 = tpu.vector_load %arg7[%get3A_92] {strides = array<i32>} : memref<512xf32, #tpu.memory_space<vmem>>, vector<16xf32>,
    %add3A_94 = arith.addf %get3A_91, %get3A_93 : vector<16xf32>
    %max3A_95 = arith.constant 1.000000e-30 : f32
    %max3A_96 = vector.broadcast %max3A_95 : f32 to vector<16xf32>
    %max3A_97 = arith.maximumf %add3A_94, %max3A_96 : vector<16xf32>
    %bitcast_convert_type3A_98 = tpu.bitcast %max3A_97 : vector<16xf32> -> vector<16xi32>
    %shift_right_arithmetic3A_99 = arith.constant 1 : i32
    %shift_right_arithmetic3A_100 = vector.broadcast %shift_right_arithmetic3A_99 : i32 to vector<16xi32>
    %shift_right_arithmetic3A_101 = arith.shrsi %bitcast_convert_type3A_98, %shift_right_arithmetic3A_100 : vector<16xi32>
    %sub3A_102 = arith.constant 1597463007 : i32
    %sub3A_103 = vector.broadcast %sub3A_102 : i32 to vector<16xi32>
    %sub3A_104 = arith.subi %sub3A_103, %shift_right_arithmetic3A_101 : vector<16xi32>
    %bitcast_convert_type3A_105 = tpu.bitcast %sub3A_104 : vector<16xi32> -> vector<16xf32>
    %mul3A_106 = arith.constant 5.000000e-01 : f32
    %mul3A_107 = vector.broadcast %mul3A_106 : f32 to vector<16xf32>
    %mul3A_108 = arith.mulf %mul3A_107, %max3A_97 : vector<16xf32>
    %mul3A_109 = arith.mulf %mul3A_108, %bitcast_convert_type3A_105 : vector<16xf32>
    %mul3A_110 = arith.mulf %mul3A_109, %bitcast_convert_type3A_105 : vector<16xf32>
    %sub3A_111 = arith.constant 1.500000e+00 : f32
    %sub3A_112 = vector.broadcast %sub3A_111 : f32 to vector<16xf32>
    %sub3A_113 = arith.subf %sub3A_112, %mul3A_110 : vector<16xf32>
    %mul3A_114 = arith.mulf %bitcast_convert_type3A_105, %sub3A_113 : vector<16xf32>
    %mul3A_115 = arith.constant 5.000000e-01 : f32
    %mul3A_116 = vector.broadcast %mul3A_115 : f32 to vector<16xf32>
    %mul3A_117 = arith.mulf %mul3A_116, %max3A_97 : vector<16xf32>
    %mul3A_118 = arith.mulf %mul3A_117, %mul3A_114 : vector<16xf32>
    %mul3A_119 = arith.mulf %mul3A_118, %mul3A_114 : vector<16xf32>
    %sub3A_120 = arith.constant 1.500000e+00 : f32
    %sub3A_121 = vector.broadcast %sub3A_120 : f32 to vector<16xf32>
    %sub3A_122 = arith.subf %sub3A_121, %mul3A_119 : vector<16xf32>
    %mul3A_123 = arith.mulf %mul3A_114, %sub3A_122 : vector<16xf32>
    %mul3A_124 = arith.constant 5.000000e-01 : f32
    %mul3A_125 = vector.broadcast %mul3A_124 : f32 to vector<16xf32>
    %mul3A_126 = arith.mulf %mul3A_125, %max3A_97 : vector<16xf32>
    %mul3A_127 = arith.mulf %mul3A_126, %mul3A_123 : vector<16xf32>
    %mul3A_128 = arith.mulf %mul3A_127, %mul3A_123 : vector<16xf32>
    %sub3A_129 = arith.constant 1.500000e+00 : f32
    %sub3A_130 = vector.broadcast %sub3A_129 : f32 to vector<16xf32>
    %sub3A_131 = arith.subf %sub3A_130, %mul3A_128 : vector<16xf32>
    %mul3A_132 = arith.mulf %mul3A_123, %sub3A_131 : vector<16xf32>
    %mul3A_133 = arith.mulf %max3A_97, %mul3A_132 : vector<16xf32>
    %sub3A_134 = arith.subf %add3A_89, %mul3A_133 : vector<16xf32>
    %get3A_135 = arith.constant 16 : index
    %get3A_136 = tpu.vector_load %arg4[%get3A_135] {strides = array<i32>} : memref<512xf32, #tpu.memory_space<vmem>>, vector<16xf32>,
    %get3A_137 = arith.constant 16 : index
    %get3A_138 = tpu.vector_load %arg5[%get3A_137] {strides = array<i32>} : memref<512xf32, #tpu.memory_space<vmem>>, vector<16xf32>,
    %add3A_139 = arith.addf %get3A_136, %get3A_138 : vector<16xf32>
    %max3A_140 = arith.constant 1.000000e-30 : f32
    %max3A_141 = vector.broadcast %max3A_140 : f32 to vector<16xf32>
    %max3A_142 = arith.maximumf %add3A_139, %max3A_141 : vector<16xf32>
    %bitcast_convert_type3A_143 = tpu.bitcast %max3A_142 : vector<16xf32> -> vector<16xi32>
    %shift_right_arithmetic3A_144 = arith.constant 1 : i32
    %shift_right_arithmetic3A_145 = vector.broadcast %shift_right_arithmetic3A_144 : i32 to vector<16xi32>
    %shift_right_arithmetic3A_146 = arith.shrsi %bitcast_convert_type3A_143, %shift_right_arithmetic3A_145 : vector<16xi32>
    %sub3A_147 = arith.constant 1597463007 : i32
    %sub3A_148 = vector.broadcast %sub3A_147 : i32 to vector<16xi32>
    %sub3A_149 = arith.subi %sub3A_148, %shift_right_arithmetic3A_146 : vector<16xi32>
    %bitcast_convert_type3A_150 = tpu.bitcast %sub3A_149 : vector<16xi32> -> vector<16xf32>
    %mul3A_151 = arith.constant 5.000000e-01 : f32
    %mul3A_152 = vector.broadcast %mul3A_151 : f32 to vector<16xf32>
    %mul3A_153 = arith.mulf %mul3A_152, %max3A_142 : vector<16xf32>
    %mul3A_154 = arith.mulf %mul3A_153, %bitcast_convert_type3A_150 : vector<16xf32>
    %mul3A_155 = arith.mulf %mul3A_154, %bitcast_convert_type3A_150 : vector<16xf32>
    %sub3A_156 = arith.constant 1.500000e+00 : f32
    %sub3A_157 = vector.broadcast %sub3A_156 : f32 to vector<16xf32>
    %sub3A_158 = arith.subf %sub3A_157, %mul3A_155 : vector<16xf32>
    %mul3A_159 = arith.mulf %bitcast_convert_type3A_150, %sub3A_158 : vector<16xf32>
    %mul3A_160 = arith.constant 5.000000e-01 : f32
    %mul3A_161 = vector.broadcast %mul3A_160 : f32 to vector<16xf32>
    %mul3A_162 = arith.mulf %mul3A_161, %max3A_142 : vector<16xf32>
    %mul3A_163 = arith.mulf %mul3A_162, %mul3A_159 : vector<16xf32>
    %mul3A_164 = arith.mulf %mul3A_163, %mul3A_159 : vector<16xf32>
    %sub3A_165 = arith.constant 1.500000e+00 : f32
    %sub3A_166 = vector.broadcast %sub3A_165 : f32 to vector<16xf32>
    %sub3A_167 = arith.subf %sub3A_166, %mul3A_164 : vector<16xf32>
    %mul3A_168 = arith.mulf %mul3A_159, %sub3A_167 : vector<16xf32>
    %mul3A_169 = arith.constant 5.000000e-01 : f32
    %mul3A_170 = vector.broadcast %mul3A_169 : f32 to vector<16xf32>
    %mul3A_171 = arith.mulf %mul3A_170, %max3A_142 : vector<16xf32>
    %mul3A_172 = arith.mulf %mul3A_171, %mul3A_168 : vector<16xf32>
    %mul3A_173 = arith.mulf %mul3A_172, %mul3A_168 : vector<16xf32>
    %sub3A_174 = arith.constant 1.500000e+00 : f32
    %sub3A_175 = vector.broadcast %sub3A_174 : f32 to vector<16xf32>
    %sub3A_176 = arith.subf %sub3A_175, %mul3A_173 : vector<16xf32>
    %mul3A_177 = arith.mulf %mul3A_168, %sub3A_176 : vector<16xf32>
    %mul3A_178 = arith.mulf %max3A_142, %mul3A_177 : vector<16xf32>
    %add3A_179 = arith.addf %sub3A_134, %mul3A_178 : vector<16xf32>
    %get3A_180 = arith.constant 16 : index
    %get3A_181 = tpu.vector_load %arg6[%get3A_180] {strides = array<i32>} : memref<512xf32, #tpu.memory_space<vmem>>, vector<16xf32>,
    %get3A_182 = arith.constant 16 : index
    %get3A_183 = tpu.vector_load %arg7[%get3A_182] {strides = array<i32>} : memref<512xf32, #tpu.memory_space<vmem>>, vector<16xf32>,
    %add3A_184 = arith.addf %get3A_181, %get3A_183 : vector<16xf32>
    %max3A_185 = arith.constant 1.000000e-30 : f32
    %max3A_186 = vector.broadcast %max3A_185 : f32 to vector<16xf32>
    %max3A_187 = arith.maximumf %add3A_184, %max3A_186 : vector<16xf32>
    %bitcast_convert_type3A_188 = tpu.bitcast %max3A_187 : vector<16xf32> -> vector<16xi32>
    %shift_right_arithmetic3A_189 = arith.constant 1 : i32
    %shift_right_arithmetic3A_190 = vector.broadcast %shift_right_arithmetic3A_189 : i32 to vector<16xi32>
    %shift_right_arithmetic3A_191 = arith.shrsi %bitcast_convert_type3A_188, %shift_right_arithmetic3A_190 : vector<16xi32>
    %sub3A_192 = arith.constant 1597463007 : i32
    %sub3A_193 = vector.broadcast %sub3A_192 : i32 to vector<16xi32>
    %sub3A_194 = arith.subi %sub3A_193, %shift_right_arithmetic3A_191 : vector<16xi32>
    %bitcast_convert_type3A_195 = tpu.bitcast %sub3A_194 : vector<16xi32> -> vector<16xf32>
    %mul3A_196 = arith.constant 5.000000e-01 : f32
    %mul3A_197 = vector.broadcast %mul3A_196 : f32 to vector<16xf32>
    %mul3A_198 = arith.mulf %mul3A_197, %max3A_187 : vector<16xf32>
    %mul3A_199 = arith.mulf %mul3A_198, %bitcast_convert_type3A_195 : vector<16xf32>
    %mul3A_200 = arith.mulf %mul3A_199, %bitcast_convert_type3A_195 : vector<16xf32>
    %sub3A_201 = arith.constant 1.500000e+00 : f32
    %sub3A_202 = vector.broadcast %sub3A_201 : f32 to vector<16xf32>
    %sub3A_203 = arith.subf %sub3A_202, %mul3A_200 : vector<16xf32>
    %mul3A_204 = arith.mulf %bitcast_convert_type3A_195, %sub3A_203 : vector<16xf32>
    %mul3A_205 = arith.constant 5.000000e-01 : f32
    %mul3A_206 = vector.broadcast %mul3A_205 : f32 to vector<16xf32>
    %mul3A_207 = arith.mulf %mul3A_206, %max3A_187 : vector<16xf32>
    %mul3A_208 = arith.mulf %mul3A_207, %mul3A_204 : vector<16xf32>
    %mul3A_209 = arith.mulf %mul3A_208, %mul3A_204 : vector<16xf32>
    %sub3A_210 = arith.constant 1.500000e+00 : f32
    %sub3A_211 = vector.broadcast %sub3A_210 : f32 to vector<16xf32>
    %sub3A_212 = arith.subf %sub3A_211, %mul3A_209 : vector<16xf32>
    %mul3A_213 = arith.mulf %mul3A_204, %sub3A_212 : vector<16xf32>
    %mul3A_214 = arith.constant 5.000000e-01 : f32
    %mul3A_215 = vector.broadcast %mul3A_214 : f32 to vector<16xf32>
    %mul3A_216 = arith.mulf %mul3A_215, %max3A_187 : vector<16xf32>
    %mul3A_217 = arith.mulf %mul3A_216, %mul3A_213 : vector<16xf32>
    %mul3A_218 = arith.mulf %mul3A_217, %mul3A_213 : vector<16xf32>
    %sub3A_219 = arith.constant 1.500000e+00 : f32
    %sub3A_220 = vector.broadcast %sub3A_219 : f32 to vector<16xf32>
    %sub3A_221 = arith.subf %sub3A_220, %mul3A_218 : vector<16xf32>
    %mul3A_222 = arith.mulf %mul3A_213, %sub3A_221 : vector<16xf32>
    %mul3A_223 = arith.mulf %max3A_187, %mul3A_222 : vector<16xf32>
    %sub3A_224 = arith.subf %add3A_179, %mul3A_223 : vector<16xf32>
    %get3A_225 = arith.constant 32 : index
    %get3A_226 = tpu.vector_load %arg4[%get3A_225] {strides = array<i32>} : memref<512xf32, #tpu.memory_space<vmem>>, vector<16xf32>,
    %get3A_227 = arith.constant 32 : index
    %get3A_228 = tpu.vector_load %arg5[%get3A_227] {strides = array<i32>} : memref<512xf32, #tpu.memory_space<vmem>>, vector<16xf32>,
    %add3A_229 = arith.addf %get3A_226, %get3A_228 : vector<16xf32>
    %max3A_230 = arith.constant 1.000000e-30 : f32
    %max3A_231 = vector.broadcast %max3A_230 : f32 to vector<16xf32>
    %max3A_232 = arith.maximumf %add3A_229, %max3A_231 : vector<16xf32>
    %bitcast_convert_type3A_233 = tpu.bitcast %max3A_232 : vector<16xf32> -> vector<16xi32>
    %shift_right_arithmetic3A_234 = arith.constant 1 : i32
    %shift_right_arithmetic3A_235 = vector.broadcast %shift_right_arithmetic3A_234 : i32 to vector<16xi32>
    %shift_right_arithmetic3A_236 = arith.shrsi %bitcast_convert_type3A_233, %shift_right_arithmetic3A_235 : vector<16xi32>
    %sub3A_237 = arith.constant 1597463007 : i32
    %sub3A_238 = vector.broadcast %sub3A_237 : i32 to vector<16xi32>
    %sub3A_239 = arith.subi %sub3A_238, %shift_right_arithmetic3A_236 : vector<16xi32>
    %bitcast_convert_type3A_240 = tpu.bitcast %sub3A_239 : vector<16xi32> -> vector<16xf32>
    %mul3A_241 = arith.constant 5.000000e-01 : f32
    %mul3A_242 = vector.broadcast %mul3A_241 : f32 to vector<16xf32>
    %mul3A_243 = arith.mulf %mul3A_242, %max3A_232 : vector<16xf32>
    %mul3A_244 = arith.mulf %mul3A_243, %bitcast_convert_type3A_240 : vector<16xf32>
    %mul3A_245 = arith.mulf %mul3A_244, %bitcast_convert_type3A_240 : vector<16xf32>
    %sub3A_246 = arith.constant 1.500000e+00 : f32
    %sub3A_247 = vector.broadcast %sub3A_246 : f32 to vector<16xf32>
    %sub3A_248 = arith.subf %sub3A_247, %mul3A_245 : vector<16xf32>
    %mul3A_249 = arith.mulf %bitcast_convert_type3A_240, %sub3A_248 : vector<16xf32>
    %mul3A_250 = arith.constant 5.000000e-01 : f32
    %mul3A_251 = vector.broadcast %mul3A_250 : f32 to vector<16xf32>
    %mul3A_252 = arith.mulf %mul3A_251, %max3A_232 : vector<16xf32>
    %mul3A_253 = arith.mulf %mul3A_252, %mul3A_249 : vector<16xf32>
    %mul3A_254 = arith.mulf %mul3A_253, %mul3A_249 : vector<16xf32>
    %sub3A_255 = arith.constant 1.500000e+00 : f32
    %sub3A_256 = vector.broadcast %sub3A_255 : f32 to vector<16xf32>
    %sub3A_257 = arith.subf %sub3A_256, %mul3A_254 : vector<16xf32>
    %mul3A_258 = arith.mulf %mul3A_249, %sub3A_257 : vector<16xf32>
    %mul3A_259 = arith.constant 5.000000e-01 : f32
    %mul3A_260 = vector.broadcast %mul3A_259 : f32 to vector<16xf32>
    %mul3A_261 = arith.mulf %mul3A_260, %max3A_232 : vector<16xf32>
    %mul3A_262 = arith.mulf %mul3A_261, %mul3A_258 : vector<16xf32>
    %mul3A_263 = arith.mulf %mul3A_262, %mul3A_258 : vector<16xf32>
    %sub3A_264 = arith.constant 1.500000e+00 : f32
    %sub3A_265 = vector.broadcast %sub3A_264 : f32 to vector<16xf32>
    %sub3A_266 = arith.subf %sub3A_265, %mul3A_263 : vector<16xf32>
    %mul3A_267 = arith.mulf %mul3A_258, %sub3A_266 : vector<16xf32>
    %mul3A_268 = arith.mulf %max3A_232, %mul3A_267 : vector<16xf32>
    %add3A_269 = arith.addf %sub3A_224, %mul3A_268 : vector<16xf32>
    %get3A_270 = arith.constant 32 : index
    %get3A_271 = tpu.vector_load %arg6[%get3A_270] {strides = array<i32>} : memref<512xf32, #tpu.memory_space<vmem>>, vector<16xf32>,
    %get3A_272 = arith.constant 32 : index
    %get3A_273 = tpu.vector_load %arg7[%get3A_272] {strides = array<i32>} : memref<512xf32, #tpu.memory_space<vmem>>, vector<16xf32>,
    %add3A_274 = arith.addf %get3A_271, %get3A_273 : vector<16xf32>
    %max3A_275 = arith.constant 1.000000e-30 : f32
    %max3A_276 = vector.broadcast %max3A_275 : f32 to vector<16xf32>
    %max3A_277 = arith.maximumf %add3A_274, %max3A_276 : vector<16xf32>
    %bitcast_convert_type3A_278 = tpu.bitcast %max3A_277 : vector<16xf32> -> vector<16xi32>
    %shift_right_arithmetic3A_279 = arith.constant 1 : i32
    %shift_right_arithmetic3A_280 = vector.broadcast %shift_right_arithmetic3A_279 : i32 to vector<16xi32>
    %shift_right_arithmetic3A_281 = arith.shrsi %bitcast_convert_type3A_278, %shift_right_arithmetic3A_280 : vector<16xi32>
    %sub3A_282 = arith.constant 1597463007 : i32
    %sub3A_283 = vector.broadcast %sub3A_282 : i32 to vector<16xi32>
    %sub3A_284 = arith.subi %sub3A_283, %shift_right_arithmetic3A_281 : vector<16xi32>
    %bitcast_convert_type3A_285 = tpu.bitcast %sub3A_284 : vector<16xi32> -> vector<16xf32>
    %mul3A_286 = arith.constant 5.000000e-01 : f32
    %mul3A_287 = vector.broadcast %mul3A_286 : f32 to vector<16xf32>
    %mul3A_288 = arith.mulf %mul3A_287, %max3A_277 : vector<16xf32>
    %mul3A_289 = arith.mulf %mul3A_288, %bitcast_convert_type3A_285 : vector<16xf32>
    %mul3A_290 = arith.mulf %mul3A_289, %bitcast_convert_type3A_285 : vector<16xf32>
    %sub3A_291 = arith.constant 1.500000e+00 : f32
    %sub3A_292 = vector.broadcast %sub3A_291 : f32 to vector<16xf32>
    %sub3A_293 = arith.subf %sub3A_292, %mul3A_290 : vector<16xf32>
    %mul3A_294 = arith.mulf %bitcast_convert_type3A_285, %sub3A_293 : vector<16xf32>
    %mul3A_295 = arith.constant 5.000000e-01 : f32
    %mul3A_296 = vector.broadcast %mul3A_295 : f32 to vector<16xf32>
    %mul3A_297 = arith.mulf %mul3A_296, %max3A_277 : vector<16xf32>
    %mul3A_298 = arith.mulf %mul3A_297, %mul3A_294 : vector<16xf32>
    %mul3A_299 = arith.mulf %mul3A_298, %mul3A_294 : vector<16xf32>
    %sub3A_300 = arith.constant 1.500000e+00 : f32
    %sub3A_301 = vector.broadcast %sub3A_300 : f32 to vector<16xf32>
    %sub3A_302 = arith.subf %sub3A_301, %mul3A_299 : vector<16xf32>
    %mul3A_303 = arith.mulf %mul3A_294, %sub3A_302 : vector<16xf32>
    %mul3A_304 = arith.constant 5.000000e-01 : f32
    %mul3A_305 = vector.broadcast %mul3A_304 : f32 to vector<16xf32>
    %mul3A_306 = arith.mulf %mul3A_305, %max3A_277 : vector<16xf32>
    %mul3A_307 = arith.mulf %mul3A_306, %mul3A_303 : vector<16xf32>
    %mul3A_308 = arith.mulf %mul3A_307, %mul3A_303 : vector<16xf32>
    %sub3A_309 = arith.constant 1.500000e+00 : f32
    %sub3A_310 = vector.broadcast %sub3A_309 : f32 to vector<16xf32>
    %sub3A_311 = arith.subf %sub3A_310, %mul3A_308 : vector<16xf32>
    %mul3A_312 = arith.mulf %mul3A_303, %sub3A_311 : vector<16xf32>
    %mul3A_313 = arith.mulf %max3A_277, %mul3A_312 : vector<16xf32>
    %sub3A_314 = arith.subf %add3A_269, %mul3A_313 : vector<16xf32>
    %get3A_315 = arith.constant 48 : index
    %get3A_316 = tpu.vector_load %arg4[%get3A_315] {strides = array<i32>} : memref<512xf32, #tpu.memory_space<vmem>>, vector<16xf32>,
    %get3A_317 = arith.constant 48 : index
    %get3A_318 = tpu.vector_load %arg5[%get3A_317] {strides = array<i32>} : memref<512xf32, #tpu.memory_space<vmem>>, vector<16xf32>,
    %add3A_319 = arith.addf %get3A_316, %get3A_318 : vector<16xf32>
    %max3A_320 = arith.constant 1.000000e-30 : f32
    %max3A_321 = vector.broadcast %max3A_320 : f32 to vector<16xf32>
    %max3A_322 = arith.maximumf %add3A_319, %max3A_321 : vector<16xf32>
    %bitcast_convert_type3A_323 = tpu.bitcast %max3A_322 : vector<16xf32> -> vector<16xi32>
    %shift_right_arithmetic3A_324 = arith.constant 1 : i32
    %shift_right_arithmetic3A_325 = vector.broadcast %shift_right_arithmetic3A_324 : i32 to vector<16xi32>
    %shift_right_arithmetic3A_326 = arith.shrsi %bitcast_convert_type3A_323, %shift_right_arithmetic3A_325 : vector<16xi32>
    %sub3A_327 = arith.constant 1597463007 : i32
    %sub3A_328 = vector.broadcast %sub3A_327 : i32 to vector<16xi32>
    %sub3A_329 = arith.subi %sub3A_328, %shift_right_arithmetic3A_326 : vector<16xi32>
    %bitcast_convert_type3A_330 = tpu.bitcast %sub3A_329 : vector<16xi32> -> vector<16xf32>
    %mul3A_331 = arith.constant 5.000000e-01 : f32
    %mul3A_332 = vector.broadcast %mul3A_331 : f32 to vector<16xf32>
    %mul3A_333 = arith.mulf %mul3A_332, %max3A_322 : vector<16xf32>
    %mul3A_334 = arith.mulf %mul3A_333, %bitcast_convert_type3A_330 : vector<16xf32>
    %mul3A_335 = arith.mulf %mul3A_334, %bitcast_convert_type3A_330 : vector<16xf32>
    %sub3A_336 = arith.constant 1.500000e+00 : f32
    %sub3A_337 = vector.broadcast %sub3A_336 : f32 to vector<16xf32>
    %sub3A_338 = arith.subf %sub3A_337, %mul3A_335 : vector<16xf32>
    %mul3A_339 = arith.mulf %bitcast_convert_type3A_330, %sub3A_338 : vector<16xf32>
    %mul3A_340 = arith.constant 5.000000e-01 : f32
    %mul3A_341 = vector.broadcast %mul3A_340 : f32 to vector<16xf32>
    %mul3A_342 = arith.mulf %mul3A_341, %max3A_322 : vector<16xf32>
    %mul3A_343 = arith.mulf %mul3A_342, %mul3A_339 : vector<16xf32>
    %mul3A_344 = arith.mulf %mul3A_343, %mul3A_339 : vector<16xf32>
    %sub3A_345 = arith.constant 1.500000e+00 : f32
    %sub3A_346 = vector.broadcast %sub3A_345 : f32 to vector<16xf32>
    %sub3A_347 = arith.subf %sub3A_346, %mul3A_344 : vector<16xf32>
    %mul3A_348 = arith.mulf %mul3A_339, %sub3A_347 : vector<16xf32>
    %mul3A_349 = arith.constant 5.000000e-01 : f32
    %mul3A_350 = vector.broadcast %mul3A_349 : f32 to vector<16xf32>
    %mul3A_351 = arith.mulf %mul3A_350, %max3A_322 : vector<16xf32>
    %mul3A_352 = arith.mulf %mul3A_351, %mul3A_348 : vector<16xf32>
    %mul3A_353 = arith.mulf %mul3A_352, %mul3A_348 : vector<16xf32>
    %sub3A_354 = arith.constant 1.500000e+00 : f32
    %sub3A_355 = vector.broadcast %sub3A_354 : f32 to vector<16xf32>
    %sub3A_356 = arith.subf %sub3A_355, %mul3A_353 : vector<16xf32>
    %mul3A_357 = arith.mulf %mul3A_348, %sub3A_356 : vector<16xf32>
    %mul3A_358 = arith.mulf %max3A_322, %mul3A_357 : vector<16xf32>
    %add3A_359 = arith.addf %sub3A_314, %mul3A_358 : vector<16xf32>
    %get3A_360 = arith.constant 48 : index
    %get3A_361 = tpu.vector_load %arg6[%get3A_360] {strides = array<i32>} : memref<512xf32, #tpu.memory_space<vmem>>, vector<16xf32>,
    %get3A_362 = arith.constant 48 : index
    %get3A_363 = tpu.vector_load %arg7[%get3A_362] {strides = array<i32>} : memref<512xf32, #tpu.memory_space<vmem>>, vector<16xf32>,
    %add3A_364 = arith.addf %get3A_361, %get3A_363 : vector<16xf32>
    %max3A_365 = arith.constant 1.000000e-30 : f32
    %max3A_366 = vector.broadcast %max3A_365 : f32 to vector<16xf32>
    %max3A_367 = arith.maximumf %add3A_364, %max3A_366 : vector<16xf32>
    %bitcast_convert_type3A_368 = tpu.bitcast %max3A_367 : vector<16xf32> -> vector<16xi32>
    %shift_right_arithmetic3A_369 = arith.constant 1 : i32
    %shift_right_arithmetic3A_370 = vector.broadcast %shift_right_arithmetic3A_369 : i32 to vector<16xi32>
    %shift_right_arithmetic3A_371 = arith.shrsi %bitcast_convert_type3A_368, %shift_right_arithmetic3A_370 : vector<16xi32>
    %sub3A_372 = arith.constant 1597463007 : i32
    %sub3A_373 = vector.broadcast %sub3A_372 : i32 to vector<16xi32>
    %sub3A_374 = arith.subi %sub3A_373, %shift_right_arithmetic3A_371 : vector<16xi32>
    %bitcast_convert_type3A_375 = tpu.bitcast %sub3A_374 : vector<16xi32> -> vector<16xf32>
    %mul3A_376 = arith.constant 5.000000e-01 : f32
    %mul3A_377 = vector.broadcast %mul3A_376 : f32 to vector<16xf32>
    %mul3A_378 = arith.mulf %mul3A_377, %max3A_367 : vector<16xf32>
    %mul3A_379 = arith.mulf %mul3A_378, %bitcast_convert_type3A_375 : vector<16xf32>
    %mul3A_380 = arith.mulf %mul3A_379, %bitcast_convert_type3A_375 : vector<16xf32>
    %sub3A_381 = arith.constant 1.500000e+00 : f32
    %sub3A_382 = vector.broadcast %sub3A_381 : f32 to vector<16xf32>
    %sub3A_383 = arith.subf %sub3A_382, %mul3A_380 : vector<16xf32>
    %mul3A_384 = arith.mulf %bitcast_convert_type3A_375, %sub3A_383 : vector<16xf32>
    %mul3A_385 = arith.constant 5.000000e-01 : f32
    %mul3A_386 = vector.broadcast %mul3A_385 : f32 to vector<16xf32>
    %mul3A_387 = arith.mulf %mul3A_386, %max3A_367 : vector<16xf32>
    %mul3A_388 = arith.mulf %mul3A_387, %mul3A_384 : vector<16xf32>
    %mul3A_389 = arith.mulf %mul3A_388, %mul3A_384 : vector<16xf32>
    %sub3A_390 = arith.constant 1.500000e+00 : f32
    %sub3A_391 = vector.broadcast %sub3A_390 : f32 to vector<16xf32>
    %sub3A_392 = arith.subf %sub3A_391, %mul3A_389 : vector<16xf32>
    %mul3A_393 = arith.mulf %mul3A_384, %sub3A_392 : vector<16xf32>
    %mul3A_394 = arith.constant 5.000000e-01 : f32
    %mul3A_395 = vector.broadcast %mul3A_394 : f32 to vector<16xf32>
    %mul3A_396 = arith.mulf %mul3A_395, %max3A_367 : vector<16xf32>
    %mul3A_397 = arith.mulf %mul3A_396, %mul3A_393 : vector<16xf32>
    %mul3A_398 = arith.mulf %mul3A_397, %mul3A_393 : vector<16xf32>
    %sub3A_399 = arith.constant 1.500000e+00 : f32
    %sub3A_400 = vector.broadcast %sub3A_399 : f32 to vector<16xf32>
    %sub3A_401 = arith.subf %sub3A_400, %mul3A_398 : vector<16xf32>
    %mul3A_402 = arith.mulf %mul3A_393, %sub3A_401 : vector<16xf32>
    %mul3A_403 = arith.mulf %max3A_367, %mul3A_402 : vector<16xf32>
    %sub3A_404 = arith.subf %add3A_359, %mul3A_403 : vector<16xf32>
    %get3A_405 = arith.constant 64 : index
    %get3A_406 = tpu.vector_load %arg4[%get3A_405] {strides = array<i32>} : memref<512xf32, #tpu.memory_space<vmem>>, vector<16xf32>,
    %get3A_407 = arith.constant 64 : index
    %get3A_408 = tpu.vector_load %arg5[%get3A_407] {strides = array<i32>} : memref<512xf32, #tpu.memory_space<vmem>>, vector<16xf32>,
    %add3A_409 = arith.addf %get3A_406, %get3A_408 : vector<16xf32>
    %max3A_410 = arith.constant 1.000000e-30 : f32
    %max3A_411 = vector.broadcast %max3A_410 : f32 to vector<16xf32>
    %max3A_412 = arith.maximumf %add3A_409, %max3A_411 : vector<16xf32>
    %bitcast_convert_type3A_413 = tpu.bitcast %max3A_412 : vector<16xf32> -> vector<16xi32>
    %shift_right_arithmetic3A_414 = arith.constant 1 : i32
    %shift_right_arithmetic3A_415 = vector.broadcast %shift_right_arithmetic3A_414 : i32 to vector<16xi32>
    %shift_right_arithmetic3A_416 = arith.shrsi %bitcast_convert_type3A_413, %shift_right_arithmetic3A_415 : vector<16xi32>
    %sub3A_417 = arith.constant 1597463007 : i32
    %sub3A_418 = vector.broadcast %sub3A_417 : i32 to vector<16xi32>
    %sub3A_419 = arith.subi %sub3A_418, %shift_right_arithmetic3A_416 : vector<16xi32>
    %bitcast_convert_type3A_420 = tpu.bitcast %sub3A_419 : vector<16xi32> -> vector<16xf32>
    %mul3A_421 = arith.constant 5.000000e-01 : f32
    %mul3A_422 = vector.broadcast %mul3A_421 : f32 to vector<16xf32>
    %mul3A_423 = arith.mulf %mul3A_422, %max3A_412 : vector<16xf32>
    %mul3A_424 = arith.mulf %mul3A_423, %bitcast_convert_type3A_420 : vector<16xf32>
    %mul3A_425 = arith.mulf %mul3A_424, %bitcast_convert_type3A_420 : vector<16xf32>
    %sub3A_426 = arith.constant 1.500000e+00 : f32
    %sub3A_427 = vector.broadcast %sub3A_426 : f32 to vector<16xf32>
    %sub3A_428 = arith.subf %sub3A_427, %mul3A_425 : vector<16xf32>
    %mul3A_429 = arith.mulf %bitcast_convert_type3A_420, %sub3A_428 : vector<16xf32>
    %mul3A_430 = arith.constant 5.000000e-01 : f32
    %mul3A_431 = vector.broadcast %mul3A_430 : f32 to vector<16xf32>
    %mul3A_432 = arith.mulf %mul3A_431, %max3A_412 : vector<16xf32>
    %mul3A_433 = arith.mulf %mul3A_432, %mul3A_429 : vector<16xf32>
    %mul3A_434 = arith.mulf %mul3A_433, %mul3A_429 : vector<16xf32>
    %sub3A_435 = arith.constant 1.500000e+00 : f32
    %sub3A_436 = vector.broadcast %sub3A_435 : f32 to vector<16xf32>
    %sub3A_437 = arith.subf %sub3A_436, %mul3A_434 : vector<16xf32>
    %mul3A_438 = arith.mulf %mul3A_429, %sub3A_437 : vector<16xf32>
    %mul3A_439 = arith.constant 5.000000e-01 : f32
    %mul3A_440 = vector.broadcast %mul3A_439 : f32 to vector<16xf32>
    %mul3A_441 = arith.mulf %mul3A_440, %max3A_412 : vector<16xf32>
    %mul3A_442 = arith.mulf %mul3A_441, %mul3A_438 : vector<16xf32>
    %mul3A_443 = arith.mulf %mul3A_442, %mul3A_438 : vector<16xf32>
    %sub3A_444 = arith.constant 1.500000e+00 : f32
    %sub3A_445 = vector.broadcast %sub3A_444 : f32 to vector<16xf32>
    %sub3A_446 = arith.subf %sub3A_445, %mul3A_443 : vector<16xf32>
    %mul3A_447 = arith.mulf %mul3A_438, %sub3A_446 : vector<16xf32>
    %mul3A_448 = arith.mulf %max3A_412, %mul3A_447 : vector<16xf32>
    %add3A_449 = arith.addf %sub3A_404, %mul3A_448 : vector<16xf32>
    %get3A_450 = arith.constant 64 : index
    %get3A_451 = tpu.vector_load %arg6[%get3A_450] {strides = array<i32>} : memref<512xf32, #tpu.memory_space<vmem>>, vector<16xf32>,
    %get3A_452 = arith.constant 64 : index
    %get3A_453 = tpu.vector_load %arg7[%get3A_452] {strides = array<i32>} : memref<512xf32, #tpu.memory_space<vmem>>, vector<16xf32>,
    %add3A_454 = arith.addf %get3A_451, %get3A_453 : vector<16xf32>
    %max3A_455 = arith.constant 1.000000e-30 : f32
    %max3A_456 = vector.broadcast %max3A_455 : f32 to vector<16xf32>
    %max3A_457 = arith.maximumf %add3A_454, %max3A_456 : vector<16xf32>
    %bitcast_convert_type3A_458 = tpu.bitcast %max3A_457 : vector<16xf32> -> vector<16xi32>
    %shift_right_arithmetic3A_459 = arith.constant 1 : i32
    %shift_right_arithmetic3A_460 = vector.broadcast %shift_right_arithmetic3A_459 : i32 to vector<16xi32>
    %shift_right_arithmetic3A_461 = arith.shrsi %bitcast_convert_type3A_458, %shift_right_arithmetic3A_460 : vector<16xi32>
    %sub3A_462 = arith.constant 1597463007 : i32
    %sub3A_463 = vector.broadcast %sub3A_462 : i32 to vector<16xi32>
    %sub3A_464 = arith.subi %sub3A_463, %shift_right_arithmetic3A_461 : vector<16xi32>
    %bitcast_convert_type3A_465 = tpu.bitcast %sub3A_464 : vector<16xi32> -> vector<16xf32>
    %mul3A_466 = arith.constant 5.000000e-01 : f32
    %mul3A_467 = vector.broadcast %mul3A_466 : f32 to vector<16xf32>
    %mul3A_468 = arith.mulf %mul3A_467, %max3A_457 : vector<16xf32>
    %mul3A_469 = arith.mulf %mul3A_468, %bitcast_convert_type3A_465 : vector<16xf32>
    %mul3A_470 = arith.mulf %mul3A_469, %bitcast_convert_type3A_465 : vector<16xf32>
    %sub3A_471 = arith.constant 1.500000e+00 : f32
    %sub3A_472 = vector.broadcast %sub3A_471 : f32 to vector<16xf32>
    %sub3A_473 = arith.subf %sub3A_472, %mul3A_470 : vector<16xf32>
    %mul3A_474 = arith.mulf %bitcast_convert_type3A_465, %sub3A_473 : vector<16xf32>
    %mul3A_475 = arith.constant 5.000000e-01 : f32
    %mul3A_476 = vector.broadcast %mul3A_475 : f32 to vector<16xf32>
    %mul3A_477 = arith.mulf %mul3A_476, %max3A_457 : vector<16xf32>
    %mul3A_478 = arith.mulf %mul3A_477, %mul3A_474 : vector<16xf32>
    %mul3A_479 = arith.mulf %mul3A_478, %mul3A_474 : vector<16xf32>
    %sub3A_480 = arith.constant 1.500000e+00 : f32
    %sub3A_481 = vector.broadcast %sub3A_480 : f32 to vector<16xf32>
    %sub3A_482 = arith.subf %sub3A_481, %mul3A_479 : vector<16xf32>
    %mul3A_483 = arith.mulf %mul3A_474, %sub3A_482 : vector<16xf32>
    %mul3A_484 = arith.constant 5.000000e-01 : f32
    %mul3A_485 = vector.broadcast %mul3A_484 : f32 to vector<16xf32>
    %mul3A_486 = arith.mulf %mul3A_485, %max3A_457 : vector<16xf32>
    %mul3A_487 = arith.mulf %mul3A_486, %mul3A_483 : vector<16xf32>
    %mul3A_488 = arith.mulf %mul3A_487, %mul3A_483 : vector<16xf32>
    %sub3A_489 = arith.constant 1.500000e+00 : f32
    %sub3A_490 = vector.broadcast %sub3A_489 : f32 to vector<16xf32>
    %sub3A_491 = arith.subf %sub3A_490, %mul3A_488 : vector<16xf32>
    %mul3A_492 = arith.mulf %mul3A_483, %sub3A_491 : vector<16xf32>
    %mul3A_493 = arith.mulf %max3A_457, %mul3A_492 : vector<16xf32>
    %sub3A_494 = arith.subf %add3A_449, %mul3A_493 : vector<16xf32>
    %get3A_495 = arith.constant 80 : index
    %get3A_496 = tpu.vector_load %arg4[%get3A_495] {strides = array<i32>} : memref<512xf32, #tpu.memory_space<vmem>>, vector<16xf32>,
    %get3A_497 = arith.constant 80 : index
    %get3A_498 = tpu.vector_load %arg5[%get3A_497] {strides = array<i32>} : memref<512xf32, #tpu.memory_space<vmem>>, vector<16xf32>,
    %add3A_499 = arith.addf %get3A_496, %get3A_498 : vector<16xf32>
    %max3A_500 = arith.constant 1.000000e-30 : f32
    %max3A_501 = vector.broadcast %max3A_500 : f32 to vector<16xf32>
    %max3A_502 = arith.maximumf %add3A_499, %max3A_501 : vector<16xf32>
    %bitcast_convert_type3A_503 = tpu.bitcast %max3A_502 : vector<16xf32> -> vector<16xi32>
    %shift_right_arithmetic3A_504 = arith.constant 1 : i32
    %shift_right_arithmetic3A_505 = vector.broadcast %shift_right_arithmetic3A_504 : i32 to vector<16xi32>
    %shift_right_arithmetic3A_506 = arith.shrsi %bitcast_convert_type3A_503, %shift_right_arithmetic3A_505 : vector<16xi32>
    %sub3A_507 = arith.constant 1597463007 : i32
    %sub3A_508 = vector.broadcast %sub3A_507 : i32 to vector<16xi32>
    %sub3A_509 = arith.subi %sub3A_508, %shift_right_arithmetic3A_506 : vector<16xi32>
    %bitcast_convert_type3A_510 = tpu.bitcast %sub3A_509 : vector<16xi32> -> vector<16xf32>
    %mul3A_511 = arith.constant 5.000000e-01 : f32
    %mul3A_512 = vector.broadcast %mul3A_511 : f32 to vector<16xf32>
    %mul3A_513 = arith.mulf %mul3A_512, %max3A_502 : vector<16xf32>
    %mul3A_514 = arith.mulf %mul3A_513, %bitcast_convert_type3A_510 : vector<16xf32>
    %mul3A_515 = arith.mulf %mul3A_514, %bitcast_convert_type3A_510 : vector<16xf32>
    %sub3A_516 = arith.constant 1.500000e+00 : f32
    %sub3A_517 = vector.broadcast %sub3A_516 : f32 to vector<16xf32>
    %sub3A_518 = arith.subf %sub3A_517, %mul3A_515 : vector<16xf32>
    %mul3A_519 = arith.mulf %bitcast_convert_type3A_510, %sub3A_518 : vector<16xf32>
    %mul3A_520 = arith.constant 5.000000e-01 : f32
    %mul3A_521 = vector.broadcast %mul3A_520 : f32 to vector<16xf32>
    %mul3A_522 = arith.mulf %mul3A_521, %max3A_502 : vector<16xf32>
    %mul3A_523 = arith.mulf %mul3A_522, %mul3A_519 : vector<16xf32>
    %mul3A_524 = arith.mulf %mul3A_523, %mul3A_519 : vector<16xf32>
    %sub3A_525 = arith.constant 1.500000e+00 : f32
    %sub3A_526 = vector.broadcast %sub3A_525 : f32 to vector<16xf32>
    %sub3A_527 = arith.subf %sub3A_526, %mul3A_524 : vector<16xf32>
    %mul3A_528 = arith.mulf %mul3A_519, %sub3A_527 : vector<16xf32>
    %mul3A_529 = arith.constant 5.000000e-01 : f32
    %mul3A_530 = vector.broadcast %mul3A_529 : f32 to vector<16xf32>
    %mul3A_531 = arith.mulf %mul3A_530, %max3A_502 : vector<16xf32>
    %mul3A_532 = arith.mulf %mul3A_531, %mul3A_528 : vector<16xf32>
    %mul3A_533 = arith.mulf %mul3A_532, %mul3A_528 : vector<16xf32>
    %sub3A_534 = arith.constant 1.500000e+00 : f32
    %sub3A_535 = vector.broadcast %sub3A_534 : f32 to vector<16xf32>
    %sub3A_536 = arith.subf %sub3A_535, %mul3A_533 : vector<16xf32>
    %mul3A_537 = arith.mulf %mul3A_528, %sub3A_536 : vector<16xf32>
    %mul3A_538 = arith.mulf %max3A_502, %mul3A_537 : vector<16xf32>
    %add3A_539 = arith.addf %sub3A_494, %mul3A_538 : vector<16xf32>
    %get3A_540 = arith.constant 80 : index
    %get3A_541 = tpu.vector_load %arg6[%get3A_540] {strides = array<i32>} : memref<512xf32, #tpu.memory_space<vmem>>, vector<16xf32>,
    %get3A_542 = arith.constant 80 : index
    %get3A_543 = tpu.vector_load %arg7[%get3A_542] {strides = array<i32>} : memref<512xf32, #tpu.memory_space<vmem>>, vector<16xf32>,
    %add3A_544 = arith.addf %get3A_541, %get3A_543 : vector<16xf32>
    %max3A_545 = arith.constant 1.000000e-30 : f32
    %max3A_546 = vector.broadcast %max3A_545 : f32 to vector<16xf32>
    %max3A_547 = arith.maximumf %add3A_544, %max3A_546 : vector<16xf32>
    %bitcast_convert_type3A_548 = tpu.bitcast %max3A_547 : vector<16xf32> -> vector<16xi32>
    %shift_right_arithmetic3A_549 = arith.constant 1 : i32
    %shift_right_arithmetic3A_550 = vector.broadcast %shift_right_arithmetic3A_549 : i32 to vector<16xi32>
    %shift_right_arithmetic3A_551 = arith.shrsi %bitcast_convert_type3A_548, %shift_right_arithmetic3A_550 : vector<16xi32>
    %sub3A_552 = arith.constant 1597463007 : i32
    %sub3A_553 = vector.broadcast %sub3A_552 : i32 to vector<16xi32>
    %sub3A_554 = arith.subi %sub3A_553, %shift_right_arithmetic3A_551 : vector<16xi32>
    %bitcast_convert_type3A_555 = tpu.bitcast %sub3A_554 : vector<16xi32> -> vector<16xf32>
    %mul3A_556 = arith.constant 5.000000e-01 : f32
    %mul3A_557 = vector.broadcast %mul3A_556 : f32 to vector<16xf32>
    %mul3A_558 = arith.mulf %mul3A_557, %max3A_547 : vector<16xf32>
    %mul3A_559 = arith.mulf %mul3A_558, %bitcast_convert_type3A_555 : vector<16xf32>
    %mul3A_560 = arith.mulf %mul3A_559, %bitcast_convert_type3A_555 : vector<16xf32>
    %sub3A_561 = arith.constant 1.500000e+00 : f32
    %sub3A_562 = vector.broadcast %sub3A_561 : f32 to vector<16xf32>
    %sub3A_563 = arith.subf %sub3A_562, %mul3A_560 : vector<16xf32>
    %mul3A_564 = arith.mulf %bitcast_convert_type3A_555, %sub3A_563 : vector<16xf32>
    %mul3A_565 = arith.constant 5.000000e-01 : f32
    %mul3A_566 = vector.broadcast %mul3A_565 : f32 to vector<16xf32>
    %mul3A_567 = arith.mulf %mul3A_566, %max3A_547 : vector<16xf32>
    %mul3A_568 = arith.mulf %mul3A_567, %mul3A_564 : vector<16xf32>
    %mul3A_569 = arith.mulf %mul3A_568, %mul3A_564 : vector<16xf32>
    %sub3A_570 = arith.constant 1.500000e+00 : f32
    %sub3A_571 = vector.broadcast %sub3A_570 : f32 to vector<16xf32>
    %sub3A_572 = arith.subf %sub3A_571, %mul3A_569 : vector<16xf32>
    %mul3A_573 = arith.mulf %mul3A_564, %sub3A_572 : vector<16xf32>
    %mul3A_574 = arith.constant 5.000000e-01 : f32
    %mul3A_575 = vector.broadcast %mul3A_574 : f32 to vector<16xf32>
    %mul3A_576 = arith.mulf %mul3A_575, %max3A_547 : vector<16xf32>
    %mul3A_577 = arith.mulf %mul3A_576, %mul3A_573 : vector<16xf32>
    %mul3A_578 = arith.mulf %mul3A_577, %mul3A_573 : vector<16xf32>
    %sub3A_579 = arith.constant 1.500000e+00 : f32
    %sub3A_580 = vector.broadcast %sub3A_579 : f32 to vector<16xf32>
    %sub3A_581 = arith.subf %sub3A_580, %mul3A_578 : vector<16xf32>
    %mul3A_582 = arith.mulf %mul3A_573, %sub3A_581 : vector<16xf32>
    %mul3A_583 = arith.mulf %max3A_547, %mul3A_582 : vector<16xf32>
    %sub3A_584 = arith.subf %add3A_539, %mul3A_583 : vector<16xf32>
    %get3A_585 = arith.constant 96 : index
    %get3A_586 = tpu.vector_load %arg4[%get3A_585] {strides = array<i32>} : memref<512xf32, #tpu.memory_space<vmem>>, vector<16xf32>,
    %get3A_587 = arith.constant 96 : index
    %get3A_588 = tpu.vector_load %arg5[%get3A_587] {strides = array<i32>} : memref<512xf32, #tpu.memory_space<vmem>>, vector<16xf32>,
    %add3A_589 = arith.addf %get3A_586, %get3A_588 : vector<16xf32>
    %max3A_590 = arith.constant 1.000000e-30 : f32
    %max3A_591 = vector.broadcast %max3A_590 : f32 to vector<16xf32>
    %max3A_592 = arith.maximumf %add3A_589, %max3A_591 : vector<16xf32>
    %bitcast_convert_type3A_593 = tpu.bitcast %max3A_592 : vector<16xf32> -> vector<16xi32>
    %shift_right_arithmetic3A_594 = arith.constant 1 : i32
    %shift_right_arithmetic3A_595 = vector.broadcast %shift_right_arithmetic3A_594 : i32 to vector<16xi32>
    %shift_right_arithmetic3A_596 = arith.shrsi %bitcast_convert_type3A_593, %shift_right_arithmetic3A_595 : vector<16xi32>
    %sub3A_597 = arith.constant 1597463007 : i32
    %sub3A_598 = vector.broadcast %sub3A_597 : i32 to vector<16xi32>
    %sub3A_599 = arith.subi %sub3A_598, %shift_right_arithmetic3A_596 : vector<16xi32>
    %bitcast_convert_type3A_600 = tpu.bitcast %sub3A_599 : vector<16xi32> -> vector<16xf32>
    %mul3A_601 = arith.constant 5.000000e-01 : f32
    %mul3A_602 = vector.broadcast %mul3A_601 : f32 to vector<16xf32>
    %mul3A_603 = arith.mulf %mul3A_602, %max3A_592 : vector<16xf32>
    %mul3A_604 = arith.mulf %mul3A_603, %bitcast_convert_type3A_600 : vector<16xf32>
    %mul3A_605 = arith.mulf %mul3A_604, %bitcast_convert_type3A_600 : vector<16xf32>
    %sub3A_606 = arith.constant 1.500000e+00 : f32
    %sub3A_607 = vector.broadcast %sub3A_606 : f32 to vector<16xf32>
    %sub3A_608 = arith.subf %sub3A_607, %mul3A_605 : vector<16xf32>
    %mul3A_609 = arith.mulf %bitcast_convert_type3A_600, %sub3A_608 : vector<16xf32>
    %mul3A_610 = arith.constant 5.000000e-01 : f32
    %mul3A_611 = vector.broadcast %mul3A_610 : f32 to vector<16xf32>
    %mul3A_612 = arith.mulf %mul3A_611, %max3A_592 : vector<16xf32>
    %mul3A_613 = arith.mulf %mul3A_612, %mul3A_609 : vector<16xf32>
    %mul3A_614 = arith.mulf %mul3A_613, %mul3A_609 : vector<16xf32>
    %sub3A_615 = arith.constant 1.500000e+00 : f32
    %sub3A_616 = vector.broadcast %sub3A_615 : f32 to vector<16xf32>
    %sub3A_617 = arith.subf %sub3A_616, %mul3A_614 : vector<16xf32>
    %mul3A_618 = arith.mulf %mul3A_609, %sub3A_617 : vector<16xf32>
    %mul3A_619 = arith.constant 5.000000e-01 : f32
    %mul3A_620 = vector.broadcast %mul3A_619 : f32 to vector<16xf32>
    %mul3A_621 = arith.mulf %mul3A_620, %max3A_592 : vector<16xf32>
    %mul3A_622 = arith.mulf %mul3A_621, %mul3A_618 : vector<16xf32>
    %mul3A_623 = arith.mulf %mul3A_622, %mul3A_618 : vector<16xf32>
    %sub3A_624 = arith.constant 1.500000e+00 : f32
    %sub3A_625 = vector.broadcast %sub3A_624 : f32 to vector<16xf32>
    %sub3A_626 = arith.subf %sub3A_625, %mul3A_623 : vector<16xf32>
    %mul3A_627 = arith.mulf %mul3A_618, %sub3A_626 : vector<16xf32>
    %mul3A_628 = arith.mulf %max3A_592, %mul3A_627 : vector<16xf32>
    %add3A_629 = arith.addf %sub3A_584, %mul3A_628 : vector<16xf32>
    %get3A_630 = arith.constant 96 : index
    %get3A_631 = tpu.vector_load %arg6[%get3A_630] {strides = array<i32>} : memref<512xf32, #tpu.memory_space<vmem>>, vector<16xf32>,
    %get3A_632 = arith.constant 96 : index
    %get3A_633 = tpu.vector_load %arg7[%get3A_632] {strides = array<i32>} : memref<512xf32, #tpu.memory_space<vmem>>, vector<16xf32>,
    %add3A_634 = arith.addf %get3A_631, %get3A_633 : vector<16xf32>
    %max3A_635 = arith.constant 1.000000e-30 : f32
    %max3A_636 = vector.broadcast %max3A_635 : f32 to vector<16xf32>
    %max3A_637 = arith.maximumf %add3A_634, %max3A_636 : vector<16xf32>
    %bitcast_convert_type3A_638 = tpu.bitcast %max3A_637 : vector<16xf32> -> vector<16xi32>
    %shift_right_arithmetic3A_639 = arith.constant 1 : i32
    %shift_right_arithmetic3A_640 = vector.broadcast %shift_right_arithmetic3A_639 : i32 to vector<16xi32>
    %shift_right_arithmetic3A_641 = arith.shrsi %bitcast_convert_type3A_638, %shift_right_arithmetic3A_640 : vector<16xi32>
    %sub3A_642 = arith.constant 1597463007 : i32
    %sub3A_643 = vector.broadcast %sub3A_642 : i32 to vector<16xi32>
    %sub3A_644 = arith.subi %sub3A_643, %shift_right_arithmetic3A_641 : vector<16xi32>
    %bitcast_convert_type3A_645 = tpu.bitcast %sub3A_644 : vector<16xi32> -> vector<16xf32>
    %mul3A_646 = arith.constant 5.000000e-01 : f32
    %mul3A_647 = vector.broadcast %mul3A_646 : f32 to vector<16xf32>
    %mul3A_648 = arith.mulf %mul3A_647, %max3A_637 : vector<16xf32>
    %mul3A_649 = arith.mulf %mul3A_648, %bitcast_convert_type3A_645 : vector<16xf32>
    %mul3A_650 = arith.mulf %mul3A_649, %bitcast_convert_type3A_645 : vector<16xf32>
    %sub3A_651 = arith.constant 1.500000e+00 : f32
    %sub3A_652 = vector.broadcast %sub3A_651 : f32 to vector<16xf32>
    %sub3A_653 = arith.subf %sub3A_652, %mul3A_650 : vector<16xf32>
    %mul3A_654 = arith.mulf %bitcast_convert_type3A_645, %sub3A_653 : vector<16xf32>
    %mul3A_655 = arith.constant 5.000000e-01 : f32
    %mul3A_656 = vector.broadcast %mul3A_655 : f32 to vector<16xf32>
    %mul3A_657 = arith.mulf %mul3A_656, %max3A_637 : vector<16xf32>
    %mul3A_658 = arith.mulf %mul3A_657, %mul3A_654 : vector<16xf32>
    %mul3A_659 = arith.mulf %mul3A_658, %mul3A_654 : vector<16xf32>
    %sub3A_660 = arith.constant 1.500000e+00 : f32
    %sub3A_661 = vector.broadcast %sub3A_660 : f32 to vector<16xf32>
    %sub3A_662 = arith.subf %sub3A_661, %mul3A_659 : vector<16xf32>
    %mul3A_663 = arith.mulf %mul3A_654, %sub3A_662 : vector<16xf32>
    %mul3A_664 = arith.constant 5.000000e-01 : f32
    %mul3A_665 = vector.broadcast %mul3A_664 : f32 to vector<16xf32>
    %mul3A_666 = arith.mulf %mul3A_665, %max3A_637 : vector<16xf32>
    %mul3A_667 = arith.mulf %mul3A_666, %mul3A_663 : vector<16xf32>
    %mul3A_668 = arith.mulf %mul3A_667, %mul3A_663 : vector<16xf32>
    %sub3A_669 = arith.constant 1.500000e+00 : f32
    %sub3A_670 = vector.broadcast %sub3A_669 : f32 to vector<16xf32>
    %sub3A_671 = arith.subf %sub3A_670, %mul3A_668 : vector<16xf32>
    %mul3A_672 = arith.mulf %mul3A_663, %sub3A_671 : vector<16xf32>
    %mul3A_673 = arith.mulf %max3A_637, %mul3A_672 : vector<16xf32>
    %sub3A_674 = arith.subf %add3A_629, %mul3A_673 : vector<16xf32>
    %get3A_675 = arith.constant 112 : index
    %get3A_676 = tpu.vector_load %arg4[%get3A_675] {strides = array<i32>} : memref<512xf32, #tpu.memory_space<vmem>>, vector<16xf32>,
    %get3A_677 = arith.constant 112 : index
    %get3A_678 = tpu.vector_load %arg5[%get3A_677] {strides = array<i32>} : memref<512xf32, #tpu.memory_space<vmem>>, vector<16xf32>,
    %add3A_679 = arith.addf %get3A_676, %get3A_678 : vector<16xf32>
    %max3A_680 = arith.constant 1.000000e-30 : f32
    %max3A_681 = vector.broadcast %max3A_680 : f32 to vector<16xf32>
    %max3A_682 = arith.maximumf %add3A_679, %max3A_681 : vector<16xf32>
    %bitcast_convert_type3A_683 = tpu.bitcast %max3A_682 : vector<16xf32> -> vector<16xi32>
    %shift_right_arithmetic3A_684 = arith.constant 1 : i32
    %shift_right_arithmetic3A_685 = vector.broadcast %shift_right_arithmetic3A_684 : i32 to vector<16xi32>
    %shift_right_arithmetic3A_686 = arith.shrsi %bitcast_convert_type3A_683, %shift_right_arithmetic3A_685 : vector<16xi32>
    %sub3A_687 = arith.constant 1597463007 : i32
    %sub3A_688 = vector.broadcast %sub3A_687 : i32 to vector<16xi32>
    %sub3A_689 = arith.subi %sub3A_688, %shift_right_arithmetic3A_686 : vector<16xi32>
    %bitcast_convert_type3A_690 = tpu.bitcast %sub3A_689 : vector<16xi32> -> vector<16xf32>
    %mul3A_691 = arith.constant 5.000000e-01 : f32
    %mul3A_692 = vector.broadcast %mul3A_691 : f32 to vector<16xf32>
    %mul3A_693 = arith.mulf %mul3A_692, %max3A_682 : vector<16xf32>
    %mul3A_694 = arith.mulf %mul3A_693, %bitcast_convert_type3A_690 : vector<16xf32>
    %mul3A_695 = arith.mulf %mul3A_694, %bitcast_convert_type3A_690 : vector<16xf32>
    %sub3A_696 = arith.constant 1.500000e+00 : f32
    %sub3A_697 = vector.broadcast %sub3A_696 : f32 to vector<16xf32>
    %sub3A_698 = arith.subf %sub3A_697, %mul3A_695 : vector<16xf32>
    %mul3A_699 = arith.mulf %bitcast_convert_type3A_690, %sub3A_698 : vector<16xf32>
    %mul3A_700 = arith.constant 5.000000e-01 : f32
    %mul3A_701 = vector.broadcast %mul3A_700 : f32 to vector<16xf32>
    %mul3A_702 = arith.mulf %mul3A_701, %max3A_682 : vector<16xf32>
    %mul3A_703 = arith.mulf %mul3A_702, %mul3A_699 : vector<16xf32>
    %mul3A_704 = arith.mulf %mul3A_703, %mul3A_699 : vector<16xf32>
    %sub3A_705 = arith.constant 1.500000e+00 : f32
    %sub3A_706 = vector.broadcast %sub3A_705 : f32 to vector<16xf32>
    %sub3A_707 = arith.subf %sub3A_706, %mul3A_704 : vector<16xf32>
    %mul3A_708 = arith.mulf %mul3A_699, %sub3A_707 : vector<16xf32>
    %mul3A_709 = arith.constant 5.000000e-01 : f32
    %mul3A_710 = vector.broadcast %mul3A_709 : f32 to vector<16xf32>
    %mul3A_711 = arith.mulf %mul3A_710, %max3A_682 : vector<16xf32>
    %mul3A_712 = arith.mulf %mul3A_711, %mul3A_708 : vector<16xf32>
    %mul3A_713 = arith.mulf %mul3A_712, %mul3A_708 : vector<16xf32>
    %sub3A_714 = arith.constant 1.500000e+00 : f32
    %sub3A_715 = vector.broadcast %sub3A_714 : f32 to vector<16xf32>
    %sub3A_716 = arith.subf %sub3A_715, %mul3A_713 : vector<16xf32>
    %mul3A_717 = arith.mulf %mul3A_708, %sub3A_716 : vector<16xf32>
    %mul3A_718 = arith.mulf %max3A_682, %mul3A_717 : vector<16xf32>
    %add3A_719 = arith.addf %sub3A_674, %mul3A_718 : vector<16xf32>
    %get3A_720 = arith.constant 112 : index
    %get3A_721 = tpu.vector_load %arg6[%get3A_720] {strides = array<i32>} : memref<512xf32, #tpu.memory_space<vmem>>, vector<16xf32>,
    %get3A_722 = arith.constant 112 : index
    %get3A_723 = tpu.vector_load %arg7[%get3A_722] {strides = array<i32>} : memref<512xf32, #tpu.memory_space<vmem>>, vector<16xf32>,
    %add3A_724 = arith.addf %get3A_721, %get3A_723 : vector<16xf32>
    %max3A_725 = arith.constant 1.000000e-30 : f32
    %max3A_726 = vector.broadcast %max3A_725 : f32 to vector<16xf32>
    %max3A_727 = arith.maximumf %add3A_724, %max3A_726 : vector<16xf32>
    %bitcast_convert_type3A_728 = tpu.bitcast %max3A_727 : vector<16xf32> -> vector<16xi32>
    %shift_right_arithmetic3A_729 = arith.constant 1 : i32
    %shift_right_arithmetic3A_730 = vector.broadcast %shift_right_arithmetic3A_729 : i32 to vector<16xi32>
    %shift_right_arithmetic3A_731 = arith.shrsi %bitcast_convert_type3A_728, %shift_right_arithmetic3A_730 : vector<16xi32>
    %sub3A_732 = arith.constant 1597463007 : i32
    %sub3A_733 = vector.broadcast %sub3A_732 : i32 to vector<16xi32>
    %sub3A_734 = arith.subi %sub3A_733, %shift_right_arithmetic3A_731 : vector<16xi32>
    %bitcast_convert_type3A_735 = tpu.bitcast %sub3A_734 : vector<16xi32> -> vector<16xf32>
    %mul3A_736 = arith.constant 5.000000e-01 : f32
    %mul3A_737 = vector.broadcast %mul3A_736 : f32 to vector<16xf32>
    %mul3A_738 = arith.mulf %mul3A_737, %max3A_727 : vector<16xf32>
    %mul3A_739 = arith.mulf %mul3A_738, %bitcast_convert_type3A_735 : vector<16xf32>
    %mul3A_740 = arith.mulf %mul3A_739, %bitcast_convert_type3A_735 : vector<16xf32>
    %sub3A_741 = arith.constant 1.500000e+00 : f32
    %sub3A_742 = vector.broadcast %sub3A_741 : f32 to vector<16xf32>
    %sub3A_743 = arith.subf %sub3A_742, %mul3A_740 : vector<16xf32>
    %mul3A_744 = arith.mulf %bitcast_convert_type3A_735, %sub3A_743 : vector<16xf32>
    %mul3A_745 = arith.constant 5.000000e-01 : f32
    %mul3A_746 = vector.broadcast %mul3A_745 : f32 to vector<16xf32>
    %mul3A_747 = arith.mulf %mul3A_746, %max3A_727 : vector<16xf32>
    %mul3A_748 = arith.mulf %mul3A_747, %mul3A_744 : vector<16xf32>
    %mul3A_749 = arith.mulf %mul3A_748, %mul3A_744 : vector<16xf32>
    %sub3A_750 = arith.constant 1.500000e+00 : f32
    %sub3A_751 = vector.broadcast %sub3A_750 : f32 to vector<16xf32>
    %sub3A_752 = arith.subf %sub3A_751, %mul3A_749 : vector<16xf32>
    %mul3A_753 = arith.mulf %mul3A_744, %sub3A_752 : vector<16xf32>
    %mul3A_754 = arith.constant 5.000000e-01 : f32
    %mul3A_755 = vector.broadcast %mul3A_754 : f32 to vector<16xf32>
    %mul3A_756 = arith.mulf %mul3A_755, %max3A_727 : vector<16xf32>
    %mul3A_757 = arith.mulf %mul3A_756, %mul3A_753 : vector<16xf32>
    %mul3A_758 = arith.mulf %mul3A_757, %mul3A_753 : vector<16xf32>
    %sub3A_759 = arith.constant 1.500000e+00 : f32
    %sub3A_760 = vector.broadcast %sub3A_759 : f32 to vector<16xf32>
    %sub3A_761 = arith.subf %sub3A_760, %mul3A_758 : vector<16xf32>
    %mul3A_762 = arith.mulf %mul3A_753, %sub3A_761 : vector<16xf32>
    %mul3A_763 = arith.mulf %max3A_727, %mul3A_762 : vector<16xf32>
    %sub3A_764 = arith.subf %add3A_719, %mul3A_763 : vector<16xf32>
    %get3A_765 = arith.constant 128 : index
    %get3A_766 = tpu.vector_load %arg4[%get3A_765] {strides = array<i32>} : memref<512xf32, #tpu.memory_space<vmem>>, vector<16xf32>,
    %get3A_767 = arith.constant 128 : index
    %get3A_768 = tpu.vector_load %arg5[%get3A_767] {strides = array<i32>} : memref<512xf32, #tpu.memory_space<vmem>>, vector<16xf32>,
    %add3A_769 = arith.addf %get3A_766, %get3A_768 : vector<16xf32>
    %max3A_770 = arith.constant 1.000000e-30 : f32
    %max3A_771 = vector.broadcast %max3A_770 : f32 to vector<16xf32>
    %max3A_772 = arith.maximumf %add3A_769, %max3A_771 : vector<16xf32>
    %bitcast_convert_type3A_773 = tpu.bitcast %max3A_772 : vector<16xf32> -> vector<16xi32>
    %shift_right_arithmetic3A_774 = arith.constant 1 : i32
    %shift_right_arithmetic3A_775 = vector.broadcast %shift_right_arithmetic3A_774 : i32 to vector<16xi32>
    %shift_right_arithmetic3A_776 = arith.shrsi %bitcast_convert_type3A_773, %shift_right_arithmetic3A_775 : vector<16xi32>
    %sub3A_777 = arith.constant 1597463007 : i32
    %sub3A_778 = vector.broadcast %sub3A_777 : i32 to vector<16xi32>
    %sub3A_779 = arith.subi %sub3A_778, %shift_right_arithmetic3A_776 : vector<16xi32>
    %bitcast_convert_type3A_780 = tpu.bitcast %sub3A_779 : vector<16xi32> -> vector<16xf32>
    %mul3A_781 = arith.constant 5.000000e-01 : f32
    %mul3A_782 = vector.broadcast %mul3A_781 : f32 to vector<16xf32>
    %mul3A_783 = arith.mulf %mul3A_782, %max3A_772 : vector<16xf32>
    %mul3A_784 = arith.mulf %mul3A_783, %bitcast_convert_type3A_780 : vector<16xf32>
    %mul3A_785 = arith.mulf %mul3A_784, %bitcast_convert_type3A_780 : vector<16xf32>
    %sub3A_786 = arith.constant 1.500000e+00 : f32
    %sub3A_787 = vector.broadcast %sub3A_786 : f32 to vector<16xf32>
    %sub3A_788 = arith.subf %sub3A_787, %mul3A_785 : vector<16xf32>
    %mul3A_789 = arith.mulf %bitcast_convert_type3A_780, %sub3A_788 : vector<16xf32>
    %mul3A_790 = arith.constant 5.000000e-01 : f32
    %mul3A_791 = vector.broadcast %mul3A_790 : f32 to vector<16xf32>
    %mul3A_792 = arith.mulf %mul3A_791, %max3A_772 : vector<16xf32>
    %mul3A_793 = arith.mulf %mul3A_792, %mul3A_789 : vector<16xf32>
    %mul3A_794 = arith.mulf %mul3A_793, %mul3A_789 : vector<16xf32>
    %sub3A_795 = arith.constant 1.500000e+00 : f32
    %sub3A_796 = vector.broadcast %sub3A_795 : f32 to vector<16xf32>
    %sub3A_797 = arith.subf %sub3A_796, %mul3A_794 : vector<16xf32>
    %mul3A_798 = arith.mulf %mul3A_789, %sub3A_797 : vector<16xf32>
    %mul3A_799 = arith.constant 5.000000e-01 : f32
    %mul3A_800 = vector.broadcast %mul3A_799 : f32 to vector<16xf32>
    %mul3A_801 = arith.mulf %mul3A_800, %max3A_772 : vector<16xf32>
    %mul3A_802 = arith.mulf %mul3A_801, %mul3A_798 : vector<16xf32>
    %mul3A_803 = arith.mulf %mul3A_802, %mul3A_798 : vector<16xf32>
    %sub3A_804 = arith.constant 1.500000e+00 : f32
    %sub3A_805 = vector.broadcast %sub3A_804 : f32 to vector<16xf32>
    %sub3A_806 = arith.subf %sub3A_805, %mul3A_803 : vector<16xf32>
    %mul3A_807 = arith.mulf %mul3A_798, %sub3A_806 : vector<16xf32>
    %mul3A_808 = arith.mulf %max3A_772, %mul3A_807 : vector<16xf32>
    %add3A_809 = arith.addf %sub3A_764, %mul3A_808 : vector<16xf32>
    %get3A_810 = arith.constant 128 : index
    %get3A_811 = tpu.vector_load %arg6[%get3A_810] {strides = array<i32>} : memref<512xf32, #tpu.memory_space<vmem>>, vector<16xf32>,
    %get3A_812 = arith.constant 128 : index
    %get3A_813 = tpu.vector_load %arg7[%get3A_812] {strides = array<i32>} : memref<512xf32, #tpu.memory_space<vmem>>, vector<16xf32>,
    %add3A_814 = arith.addf %get3A_811, %get3A_813 : vector<16xf32>
    %max3A_815 = arith.constant 1.000000e-30 : f32
    %max3A_816 = vector.broadcast %max3A_815 : f32 to vector<16xf32>
    %max3A_817 = arith.maximumf %add3A_814, %max3A_816 : vector<16xf32>
    %bitcast_convert_type3A_818 = tpu.bitcast %max3A_817 : vector<16xf32> -> vector<16xi32>
    %shift_right_arithmetic3A_819 = arith.constant 1 : i32
    %shift_right_arithmetic3A_820 = vector.broadcast %shift_right_arithmetic3A_819 : i32 to vector<16xi32>
    %shift_right_arithmetic3A_821 = arith.shrsi %bitcast_convert_type3A_818, %shift_right_arithmetic3A_820 : vector<16xi32>
    %sub3A_822 = arith.constant 1597463007 : i32
    %sub3A_823 = vector.broadcast %sub3A_822 : i32 to vector<16xi32>
    %sub3A_824 = arith.subi %sub3A_823, %shift_right_arithmetic3A_821 : vector<16xi32>
    %bitcast_convert_type3A_825 = tpu.bitcast %sub3A_824 : vector<16xi32> -> vector<16xf32>
    %mul3A_826 = arith.constant 5.000000e-01 : f32
    %mul3A_827 = vector.broadcast %mul3A_826 : f32 to vector<16xf32>
    %mul3A_828 = arith.mulf %mul3A_827, %max3A_817 : vector<16xf32>
    %mul3A_829 = arith.mulf %mul3A_828, %bitcast_convert_type3A_825 : vector<16xf32>
    %mul3A_830 = arith.mulf %mul3A_829, %bitcast_convert_type3A_825 : vector<16xf32>
    %sub3A_831 = arith.constant 1.500000e+00 : f32
    %sub3A_832 = vector.broadcast %sub3A_831 : f32 to vector<16xf32>
    %sub3A_833 = arith.subf %sub3A_832, %mul3A_830 : vector<16xf32>
    %mul3A_834 = arith.mulf %bitcast_convert_type3A_825, %sub3A_833 : vector<16xf32>
    %mul3A_835 = arith.constant 5.000000e-01 : f32
    %mul3A_836 = vector.broadcast %mul3A_835 : f32 to vector<16xf32>
    %mul3A_837 = arith.mulf %mul3A_836, %max3A_817 : vector<16xf32>
    %mul3A_838 = arith.mulf %mul3A_837, %mul3A_834 : vector<16xf32>
    %mul3A_839 = arith.mulf %mul3A_838, %mul3A_834 : vector<16xf32>
    %sub3A_840 = arith.constant 1.500000e+00 : f32
    %sub3A_841 = vector.broadcast %sub3A_840 : f32 to vector<16xf32>
    %sub3A_842 = arith.subf %sub3A_841, %mul3A_839 : vector<16xf32>
    %mul3A_843 = arith.mulf %mul3A_834, %sub3A_842 : vector<16xf32>
    %mul3A_844 = arith.constant 5.000000e-01 : f32
    %mul3A_845 = vector.broadcast %mul3A_844 : f32 to vector<16xf32>
    %mul3A_846 = arith.mulf %mul3A_845, %max3A_817 : vector<16xf32>
    %mul3A_847 = arith.mulf %mul3A_846, %mul3A_843 : vector<16xf32>
    %mul3A_848 = arith.mulf %mul3A_847, %mul3A_843 : vector<16xf32>
    %sub3A_849 = arith.constant 1.500000e+00 : f32
    %sub3A_850 = vector.broadcast %sub3A_849 : f32 to vector<16xf32>
    %sub3A_851 = arith.subf %sub3A_850, %mul3A_848 : vector<16xf32>
    %mul3A_852 = arith.mulf %mul3A_843, %sub3A_851 : vector<16xf32>
    %mul3A_853 = arith.mulf %max3A_817, %mul3A_852 : vector<16xf32>
    %sub3A_854 = arith.subf %add3A_809, %mul3A_853 : vector<16xf32>
    %get3A_855 = arith.constant 144 : index
    %get3A_856 = tpu.vector_load %arg4[%get3A_855] {strides = array<i32>} : memref<512xf32, #tpu.memory_space<vmem>>, vector<16xf32>,
    %get3A_857 = arith.constant 144 : index
    %get3A_858 = tpu.vector_load %arg5[%get3A_857] {strides = array<i32>} : memref<512xf32, #tpu.memory_space<vmem>>, vector<16xf32>,
    %add3A_859 = arith.addf %get3A_856, %get3A_858 : vector<16xf32>
    %max3A_860 = arith.constant 1.000000e-30 : f32
    %max3A_861 = vector.broadcast %max3A_860 : f32 to vector<16xf32>
    %max3A_862 = arith.maximumf %add3A_859, %max3A_861 : vector<16xf32>
    %bitcast_convert_type3A_863 = tpu.bitcast %max3A_862 : vector<16xf32> -> vector<16xi32>
    %shift_right_arithmetic3A_864 = arith.constant 1 : i32
    %shift_right_arithmetic3A_865 = vector.broadcast %shift_right_arithmetic3A_864 : i32 to vector<16xi32>
    %shift_right_arithmetic3A_866 = arith.shrsi %bitcast_convert_type3A_863, %shift_right_arithmetic3A_865 : vector<16xi32>
    %sub3A_867 = arith.constant 1597463007 : i32
    %sub3A_868 = vector.broadcast %sub3A_867 : i32 to vector<16xi32>
    %sub3A_869 = arith.subi %sub3A_868, %shift_right_arithmetic3A_866 : vector<16xi32>
    %bitcast_convert_type3A_870 = tpu.bitcast %sub3A_869 : vector<16xi32> -> vector<16xf32>
    %mul3A_871 = arith.constant 5.000000e-01 : f32
    %mul3A_872 = vector.broadcast %mul3A_871 : f32 to vector<16xf32>
    %mul3A_873 = arith.mulf %mul3A_872, %max3A_862 : vector<16xf32>
    %mul3A_874 = arith.mulf %mul3A_873, %bitcast_convert_type3A_870 : vector<16xf32>
    %mul3A_875 = arith.mulf %mul3A_874, %bitcast_convert_type3A_870 : vector<16xf32>
    %sub3A_876 = arith.constant 1.500000e+00 : f32
    %sub3A_877 = vector.broadcast %sub3A_876 : f32 to vector<16xf32>
    %sub3A_878 = arith.subf %sub3A_877, %mul3A_875 : vector<16xf32>
    %mul3A_879 = arith.mulf %bitcast_convert_type3A_870, %sub3A_878 : vector<16xf32>
    %mul3A_880 = arith.constant 5.000000e-01 : f32
    %mul3A_881 = vector.broadcast %mul3A_880 : f32 to vector<16xf32>
    %mul3A_882 = arith.mulf %mul3A_881, %max3A_862 : vector<16xf32>
    %mul3A_883 = arith.mulf %mul3A_882, %mul3A_879 : vector<16xf32>
    %mul3A_884 = arith.mulf %mul3A_883, %mul3A_879 : vector<16xf32>
    %sub3A_885 = arith.constant 1.500000e+00 : f32
    %sub3A_886 = vector.broadcast %sub3A_885 : f32 to vector<16xf32>
    %sub3A_887 = arith.subf %sub3A_886, %mul3A_884 : vector<16xf32>
    %mul3A_888 = arith.mulf %mul3A_879, %sub3A_887 : vector<16xf32>
    %mul3A_889 = arith.constant 5.000000e-01 : f32
    %mul3A_890 = vector.broadcast %mul3A_889 : f32 to vector<16xf32>
    %mul3A_891 = arith.mulf %mul3A_890, %max3A_862 : vector<16xf32>
    %mul3A_892 = arith.mulf %mul3A_891, %mul3A_888 : vector<16xf32>
    %mul3A_893 = arith.mulf %mul3A_892, %mul3A_888 : vector<16xf32>
    %sub3A_894 = arith.constant 1.500000e+00 : f32
    %sub3A_895 = vector.broadcast %sub3A_894 : f32 to vector<16xf32>
    %sub3A_896 = arith.subf %sub3A_895, %mul3A_893 : vector<16xf32>
    %mul3A_897 = arith.mulf %mul3A_888, %sub3A_896 : vector<16xf32>
    %mul3A_898 = arith.mulf %max3A_862, %mul3A_897 : vector<16xf32>
    %add3A_899 = arith.addf %sub3A_854, %mul3A_898 : vector<16xf32>
    %get3A_900 = arith.constant 144 : index
    %get3A_901 = tpu.vector_load %arg6[%get3A_900] {strides = array<i32>} : memref<512xf32, #tpu.memory_space<vmem>>, vector<16xf32>,
    %get3A_902 = arith.constant 144 : index
    %get3A_903 = tpu.vector_load %arg7[%get3A_902] {strides = array<i32>} : memref<512xf32, #tpu.memory_space<vmem>>, vector<16xf32>,
    %add3A_904 = arith.addf %get3A_901, %get3A_903 : vector<16xf32>
    %max3A_905 = arith.constant 1.000000e-30 : f32
    %max3A_906 = vector.broadcast %max3A_905 : f32 to vector<16xf32>
    %max3A_907 = arith.maximumf %add3A_904, %max3A_906 : vector<16xf32>
    %bitcast_convert_type3A_908 = tpu.bitcast %max3A_907 : vector<16xf32> -> vector<16xi32>
    %shift_right_arithmetic3A_909 = arith.constant 1 : i32
    %shift_right_arithmetic3A_910 = vector.broadcast %shift_right_arithmetic3A_909 : i32 to vector<16xi32>
    %shift_right_arithmetic3A_911 = arith.shrsi %bitcast_convert_type3A_908, %shift_right_arithmetic3A_910 : vector<16xi32>
    %sub3A_912 = arith.constant 1597463007 : i32
    %sub3A_913 = vector.broadcast %sub3A_912 : i32 to vector<16xi32>
    %sub3A_914 = arith.subi %sub3A_913, %shift_right_arithmetic3A_911 : vector<16xi32>
    %bitcast_convert_type3A_915 = tpu.bitcast %sub3A_914 : vector<16xi32> -> vector<16xf32>
    %mul3A_916 = arith.constant 5.000000e-01 : f32
    %mul3A_917 = vector.broadcast %mul3A_916 : f32 to vector<16xf32>
    %mul3A_918 = arith.mulf %mul3A_917, %max3A_907 : vector<16xf32>
    %mul3A_919 = arith.mulf %mul3A_918, %bitcast_convert_type3A_915 : vector<16xf32>
    %mul3A_920 = arith.mulf %mul3A_919, %bitcast_convert_type3A_915 : vector<16xf32>
    %sub3A_921 = arith.constant 1.500000e+00 : f32
    %sub3A_922 = vector.broadcast %sub3A_921 : f32 to vector<16xf32>
    %sub3A_923 = arith.subf %sub3A_922, %mul3A_920 : vector<16xf32>
    %mul3A_924 = arith.mulf %bitcast_convert_type3A_915, %sub3A_923 : vector<16xf32>
    %mul3A_925 = arith.constant 5.000000e-01 : f32
    %mul3A_926 = vector.broadcast %mul3A_925 : f32 to vector<16xf32>
    %mul3A_927 = arith.mulf %mul3A_926, %max3A_907 : vector<16xf32>
    %mul3A_928 = arith.mulf %mul3A_927, %mul3A_924 : vector<16xf32>
    %mul3A_929 = arith.mulf %mul3A_928, %mul3A_924 : vector<16xf32>
    %sub3A_930 = arith.constant 1.500000e+00 : f32
    %sub3A_931 = vector.broadcast %sub3A_930 : f32 to vector<16xf32>
    %sub3A_932 = arith.subf %sub3A_931, %mul3A_929 : vector<16xf32>
    %mul3A_933 = arith.mulf %mul3A_924, %sub3A_932 : vector<16xf32>
    %mul3A_934 = arith.constant 5.000000e-01 : f32
    %mul3A_935 = vector.broadcast %mul3A_934 : f32 to vector<16xf32>
    %mul3A_936 = arith.mulf %mul3A_935, %max3A_907 : vector<16xf32>
    %mul3A_937 = arith.mulf %mul3A_936, %mul3A_933 : vector<16xf32>
    %mul3A_938 = arith.mulf %mul3A_937, %mul3A_933 : vector<16xf32>
    %sub3A_939 = arith.constant 1.500000e+00 : f32
    %sub3A_940 = vector.broadcast %sub3A_939 : f32 to vector<16xf32>
    %sub3A_941 = arith.subf %sub3A_940, %mul3A_938 : vector<16xf32>
    %mul3A_942 = arith.mulf %mul3A_933, %sub3A_941 : vector<16xf32>
    %mul3A_943 = arith.mulf %max3A_907, %mul3A_942 : vector<16xf32>
    %sub3A_944 = arith.subf %add3A_899, %mul3A_943 : vector<16xf32>
    %get3A_945 = arith.constant 160 : index
    %get3A_946 = tpu.vector_load %arg4[%get3A_945] {strides = array<i32>} : memref<512xf32, #tpu.memory_space<vmem>>, vector<16xf32>,
    %get3A_947 = arith.constant 160 : index
    %get3A_948 = tpu.vector_load %arg5[%get3A_947] {strides = array<i32>} : memref<512xf32, #tpu.memory_space<vmem>>, vector<16xf32>,
    %add3A_949 = arith.addf %get3A_946, %get3A_948 : vector<16xf32>
    %max3A_950 = arith.constant 1.000000e-30 : f32
    %max3A_951 = vector.broadcast %max3A_950 : f32 to vector<16xf32>
    %max3A_952 = arith.maximumf %add3A_949, %max3A_951 : vector<16xf32>
    %bitcast_convert_type3A_953 = tpu.bitcast %max3A_952 : vector<16xf32> -> vector<16xi32>
    %shift_right_arithmetic3A_954 = arith.constant 1 : i32
    %shift_right_arithmetic3A_955 = vector.broadcast %shift_right_arithmetic3A_954 : i32 to vector<16xi32>
    %shift_right_arithmetic3A_956 = arith.shrsi %bitcast_convert_type3A_953, %shift_right_arithmetic3A_955 : vector<16xi32>
    %sub3A_957 = arith.constant 1597463007 : i32
    %sub3A_958 = vector.broadcast %sub3A_957 : i32 to vector<16xi32>
    %sub3A_959 = arith.subi %sub3A_958, %shift_right_arithmetic3A_956 : vector<16xi32>
    %bitcast_convert_type3A_960 = tpu.bitcast %sub3A_959 : vector<16xi32> -> vector<16xf32>
    %mul3A_961 = arith.constant 5.000000e-01 : f32
    %mul3A_962 = vector.broadcast %mul3A_961 : f32 to vector<16xf32>
    %mul3A_963 = arith.mulf %mul3A_962, %max3A_952 : vector<16xf32>
    %mul3A_964 = arith.mulf %mul3A_963, %bitcast_convert_type3A_960 : vector<16xf32>
    %mul3A_965 = arith.mulf %mul3A_964, %bitcast_convert_type3A_960 : vector<16xf32>
    %sub3A_966 = arith.constant 1.500000e+00 : f32
    %sub3A_967 = vector.broadcast %sub3A_966 : f32 to vector<16xf32>
    %sub3A_968 = arith.subf %sub3A_967, %mul3A_965 : vector<16xf32>
    %mul3A_969 = arith.mulf %bitcast_convert_type3A_960, %sub3A_968 : vector<16xf32>
    %mul3A_970 = arith.constant 5.000000e-01 : f32
    %mul3A_971 = vector.broadcast %mul3A_970 : f32 to vector<16xf32>
    %mul3A_972 = arith.mulf %mul3A_971, %max3A_952 : vector<16xf32>
    %mul3A_973 = arith.mulf %mul3A_972, %mul3A_969 : vector<16xf32>
    %mul3A_974 = arith.mulf %mul3A_973, %mul3A_969 : vector<16xf32>
    %sub3A_975 = arith.constant 1.500000e+00 : f32
    %sub3A_976 = vector.broadcast %sub3A_975 : f32 to vector<16xf32>
    %sub3A_977 = arith.subf %sub3A_976, %mul3A_974 : vector<16xf32>
    %mul3A_978 = arith.mulf %mul3A_969, %sub3A_977 : vector<16xf32>
    %mul3A_979 = arith.constant 5.000000e-01 : f32
    %mul3A_980 = vector.broadcast %mul3A_979 : f32 to vector<16xf32>
    %mul3A_981 = arith.mulf %mul3A_980, %max3A_952 : vector<16xf32>
    %mul3A_982 = arith.mulf %mul3A_981, %mul3A_978 : vector<16xf32>
    %mul3A_983 = arith.mulf %mul3A_982, %mul3A_978 : vector<16xf32>
    %sub3A_984 = arith.constant 1.500000e+00 : f32
    %sub3A_985 = vector.broadcast %sub3A_984 : f32 to vector<16xf32>
    %sub3A_986 = arith.subf %sub3A_985, %mul3A_983 : vector<16xf32>
    %mul3A_987 = arith.mulf %mul3A_978, %sub3A_986 : vector<16xf32>
    %mul3A_988 = arith.mulf %max3A_952, %mul3A_987 : vector<16xf32>
    %add3A_989 = arith.addf %sub3A_944, %mul3A_988 : vector<16xf32>
    %get3A_990 = arith.constant 160 : index
    %get3A_991 = tpu.vector_load %arg6[%get3A_990] {strides = array<i32>} : memref<512xf32, #tpu.memory_space<vmem>>, vector<16xf32>,
    %get3A_992 = arith.constant 160 : index
    %get3A_993 = tpu.vector_load %arg7[%get3A_992] {strides = array<i32>} : memref<512xf32, #tpu.memory_space<vmem>>, vector<16xf32>,
    %add3A_994 = arith.addf %get3A_991, %get3A_993 : vector<16xf32>
    %max3A_995 = arith.constant 1.000000e-30 : f32
    %max3A_996 = vector.broadcast %max3A_995 : f32 to vector<16xf32>
    %max3A_997 = arith.maximumf %add3A_994, %max3A_996 : vector<16xf32>
    %bitcast_convert_type3A_998 = tpu.bitcast %max3A_997 : vector<16xf32> -> vector<16xi32>
    %shift_right_arithmetic3A_999 = arith.constant 1 : i32
    %shift_right_arithmetic3A_1000 = vector.broadcast %shift_right_arithmetic3A_999 : i32 to vector<16xi32>
    %shift_right_arithmetic3A_1001 = arith.shrsi %bitcast_convert_type3A_998, %shift_right_arithmetic3A_1000 : vector<16xi32>
    %sub3A_1002 = arith.constant 1597463007 : i32
    %sub3A_1003 = vector.broadcast %sub3A_1002 : i32 to vector<16xi32>
    %sub3A_1004 = arith.subi %sub3A_1003, %shift_right_arithmetic3A_1001 : vector<16xi32>
    %bitcast_convert_type3A_1005 = tpu.bitcast %sub3A_1004 : vector<16xi32> -> vector<16xf32>
    %mul3A_1006 = arith.constant 5.000000e-01 : f32
    %mul3A_1007 = vector.broadcast %mul3A_1006 : f32 to vector<16xf32>
    %mul3A_1008 = arith.mulf %mul3A_1007, %max3A_997 : vector<16xf32>
    %mul3A_1009 = arith.mulf %mul3A_1008, %bitcast_convert_type3A_1005 : vector<16xf32>
    %mul3A_1010 = arith.mulf %mul3A_1009, %bitcast_convert_type3A_1005 : vector<16xf32>
    %sub3A_1011 = arith.constant 1.500000e+00 : f32
    %sub3A_1012 = vector.broadcast %sub3A_1011 : f32 to vector<16xf32>
    %sub3A_1013 = arith.subf %sub3A_1012, %mul3A_1010 : vector<16xf32>
    %mul3A_1014 = arith.mulf %bitcast_convert_type3A_1005, %sub3A_1013 : vector<16xf32>
    %mul3A_1015 = arith.constant 5.000000e-01 : f32
    %mul3A_1016 = vector.broadcast %mul3A_1015 : f32 to vector<16xf32>
    %mul3A_1017 = arith.mulf %mul3A_1016, %max3A_997 : vector<16xf32>
    %mul3A_1018 = arith.mulf %mul3A_1017, %mul3A_1014 : vector<16xf32>
    %mul3A_1019 = arith.mulf %mul3A_1018, %mul3A_1014 : vector<16xf32>
    %sub3A_1020 = arith.constant 1.500000e+00 : f32
    %sub3A_1021 = vector.broadcast %sub3A_1020 : f32 to vector<16xf32>
    %sub3A_1022 = arith.subf %sub3A_1021, %mul3A_1019 : vector<16xf32>
    %mul3A_1023 = arith.mulf %mul3A_1014, %sub3A_1022 : vector<16xf32>
    %mul3A_1024 = arith.constant 5.000000e-01 : f32
    %mul3A_1025 = vector.broadcast %mul3A_1024 : f32 to vector<16xf32>
    %mul3A_1026 = arith.mulf %mul3A_1025, %max3A_997 : vector<16xf32>
    %mul3A_1027 = arith.mulf %mul3A_1026, %mul3A_1023 : vector<16xf32>
    %mul3A_1028 = arith.mulf %mul3A_1027, %mul3A_1023 : vector<16xf32>
    %sub3A_1029 = arith.constant 1.500000e+00 : f32
    %sub3A_1030 = vector.broadcast %sub3A_1029 : f32 to vector<16xf32>
    %sub3A_1031 = arith.subf %sub3A_1030, %mul3A_1028 : vector<16xf32>
    %mul3A_1032 = arith.mulf %mul3A_1023, %sub3A_1031 : vector<16xf32>
    %mul3A_1033 = arith.mulf %max3A_997, %mul3A_1032 : vector<16xf32>
    %sub3A_1034 = arith.subf %add3A_989, %mul3A_1033 : vector<16xf32>
    %get3A_1035 = arith.constant 176 : index
    %get3A_1036 = tpu.vector_load %arg4[%get3A_1035] {strides = array<i32>} : memref<512xf32, #tpu.memory_space<vmem>>, vector<16xf32>,
    %get3A_1037 = arith.constant 176 : index
    %get3A_1038 = tpu.vector_load %arg5[%get3A_1037] {strides = array<i32>} : memref<512xf32, #tpu.memory_space<vmem>>, vector<16xf32>,
    %add3A_1039 = arith.addf %get3A_1036, %get3A_1038 : vector<16xf32>
    %max3A_1040 = arith.constant 1.000000e-30 : f32
    %max3A_1041 = vector.broadcast %max3A_1040 : f32 to vector<16xf32>
    %max3A_1042 = arith.maximumf %add3A_1039, %max3A_1041 : vector<16xf32>
    %bitcast_convert_type3A_1043 = tpu.bitcast %max3A_1042 : vector<16xf32> -> vector<16xi32>
    %shift_right_arithmetic3A_1044 = arith.constant 1 : i32
    %shift_right_arithmetic3A_1045 = vector.broadcast %shift_right_arithmetic3A_1044 : i32 to vector<16xi32>
    %shift_right_arithmetic3A_1046 = arith.shrsi %bitcast_convert_type3A_1043, %shift_right_arithmetic3A_1045 : vector<16xi32>
    %sub3A_1047 = arith.constant 1597463007 : i32
    %sub3A_1048 = vector.broadcast %sub3A_1047 : i32 to vector<16xi32>
    %sub3A_1049 = arith.subi %sub3A_1048, %shift_right_arithmetic3A_1046 : vector<16xi32>
    %bitcast_convert_type3A_1050 = tpu.bitcast %sub3A_1049 : vector<16xi32> -> vector<16xf32>
    %mul3A_1051 = arith.constant 5.000000e-01 : f32
    %mul3A_1052 = vector.broadcast %mul3A_1051 : f32 to vector<16xf32>
    %mul3A_1053 = arith.mulf %mul3A_1052, %max3A_1042 : vector<16xf32>
    %mul3A_1054 = arith.mulf %mul3A_1053, %bitcast_convert_type3A_1050 : vector<16xf32>
    %mul3A_1055 = arith.mulf %mul3A_1054, %bitcast_convert_type3A_1050 : vector<16xf32>
    %sub3A_1056 = arith.constant 1.500000e+00 : f32
    %sub3A_1057 = vector.broadcast %sub3A_1056 : f32 to vector<16xf32>
    %sub3A_1058 = arith.subf %sub3A_1057, %mul3A_1055 : vector<16xf32>
    %mul3A_1059 = arith.mulf %bitcast_convert_type3A_1050, %sub3A_1058 : vector<16xf32>
    %mul3A_1060 = arith.constant 5.000000e-01 : f32
    %mul3A_1061 = vector.broadcast %mul3A_1060 : f32 to vector<16xf32>
    %mul3A_1062 = arith.mulf %mul3A_1061, %max3A_1042 : vector<16xf32>
    %mul3A_1063 = arith.mulf %mul3A_1062, %mul3A_1059 : vector<16xf32>
    %mul3A_1064 = arith.mulf %mul3A_1063, %mul3A_1059 : vector<16xf32>
    %sub3A_1065 = arith.constant 1.500000e+00 : f32
    %sub3A_1066 = vector.broadcast %sub3A_1065 : f32 to vector<16xf32>
    %sub3A_1067 = arith.subf %sub3A_1066, %mul3A_1064 : vector<16xf32>
    %mul3A_1068 = arith.mulf %mul3A_1059, %sub3A_1067 : vector<16xf32>
    %mul3A_1069 = arith.constant 5.000000e-01 : f32
    %mul3A_1070 = vector.broadcast %mul3A_1069 : f32 to vector<16xf32>
    %mul3A_1071 = arith.mulf %mul3A_1070, %max3A_1042 : vector<16xf32>
    %mul3A_1072 = arith.mulf %mul3A_1071, %mul3A_1068 : vector<16xf32>
    %mul3A_1073 = arith.mulf %mul3A_1072, %mul3A_1068 : vector<16xf32>
    %sub3A_1074 = arith.constant 1.500000e+00 : f32
    %sub3A_1075 = vector.broadcast %sub3A_1074 : f32 to vector<16xf32>
    %sub3A_1076 = arith.subf %sub3A_1075, %mul3A_1073 : vector<16xf32>
    %mul3A_1077 = arith.mulf %mul3A_1068, %sub3A_1076 : vector<16xf32>
    %mul3A_1078 = arith.mulf %max3A_1042, %mul3A_1077 : vector<16xf32>
    %add3A_1079 = arith.addf %sub3A_1034, %mul3A_1078 : vector<16xf32>
    %get3A_1080 = arith.constant 176 : index
    %get3A_1081 = tpu.vector_load %arg6[%get3A_1080] {strides = array<i32>} : memref<512xf32, #tpu.memory_space<vmem>>, vector<16xf32>,
    %get3A_1082 = arith.constant 176 : index
    %get3A_1083 = tpu.vector_load %arg7[%get3A_1082] {strides = array<i32>} : memref<512xf32, #tpu.memory_space<vmem>>, vector<16xf32>,
    %add3A_1084 = arith.addf %get3A_1081, %get3A_1083 : vector<16xf32>
    %max3A_1085 = arith.constant 1.000000e-30 : f32
    %max3A_1086 = vector.broadcast %max3A_1085 : f32 to vector<16xf32>
    %max3A_1087 = arith.maximumf %add3A_1084, %max3A_1086 : vector<16xf32>
    %bitcast_convert_type3A_1088 = tpu.bitcast %max3A_1087 : vector<16xf32> -> vector<16xi32>
    %shift_right_arithmetic3A_1089 = arith.constant 1 : i32
    %shift_right_arithmetic3A_1090 = vector.broadcast %shift_right_arithmetic3A_1089 : i32 to vector<16xi32>
    %shift_right_arithmetic3A_1091 = arith.shrsi %bitcast_convert_type3A_1088, %shift_right_arithmetic3A_1090 : vector<16xi32>
    %sub3A_1092 = arith.constant 1597463007 : i32
    %sub3A_1093 = vector.broadcast %sub3A_1092 : i32 to vector<16xi32>
    %sub3A_1094 = arith.subi %sub3A_1093, %shift_right_arithmetic3A_1091 : vector<16xi32>
    %bitcast_convert_type3A_1095 = tpu.bitcast %sub3A_1094 : vector<16xi32> -> vector<16xf32>
    %mul3A_1096 = arith.constant 5.000000e-01 : f32
    %mul3A_1097 = vector.broadcast %mul3A_1096 : f32 to vector<16xf32>
    %mul3A_1098 = arith.mulf %mul3A_1097, %max3A_1087 : vector<16xf32>
    %mul3A_1099 = arith.mulf %mul3A_1098, %bitcast_convert_type3A_1095 : vector<16xf32>
    %mul3A_1100 = arith.mulf %mul3A_1099, %bitcast_convert_type3A_1095 : vector<16xf32>
    %sub3A_1101 = arith.constant 1.500000e+00 : f32
    %sub3A_1102 = vector.broadcast %sub3A_1101 : f32 to vector<16xf32>
    %sub3A_1103 = arith.subf %sub3A_1102, %mul3A_1100 : vector<16xf32>
    %mul3A_1104 = arith.mulf %bitcast_convert_type3A_1095, %sub3A_1103 : vector<16xf32>
    %mul3A_1105 = arith.constant 5.000000e-01 : f32
    %mul3A_1106 = vector.broadcast %mul3A_1105 : f32 to vector<16xf32>
    %mul3A_1107 = arith.mulf %mul3A_1106, %max3A_1087 : vector<16xf32>
    %mul3A_1108 = arith.mulf %mul3A_1107, %mul3A_1104 : vector<16xf32>
    %mul3A_1109 = arith.mulf %mul3A_1108, %mul3A_1104 : vector<16xf32>
    %sub3A_1110 = arith.constant 1.500000e+00 : f32
    %sub3A_1111 = vector.broadcast %sub3A_1110 : f32 to vector<16xf32>
    %sub3A_1112 = arith.subf %sub3A_1111, %mul3A_1109 : vector<16xf32>
    %mul3A_1113 = arith.mulf %mul3A_1104, %sub3A_1112 : vector<16xf32>
    %mul3A_1114 = arith.constant 5.000000e-01 : f32
    %mul3A_1115 = vector.broadcast %mul3A_1114 : f32 to vector<16xf32>
    %mul3A_1116 = arith.mulf %mul3A_1115, %max3A_1087 : vector<16xf32>
    %mul3A_1117 = arith.mulf %mul3A_1116, %mul3A_1113 : vector<16xf32>
    %mul3A_1118 = arith.mulf %mul3A_1117, %mul3A_1113 : vector<16xf32>
    %sub3A_1119 = arith.constant 1.500000e+00 : f32
    %sub3A_1120 = vector.broadcast %sub3A_1119 : f32 to vector<16xf32>
    %sub3A_1121 = arith.subf %sub3A_1120, %mul3A_1118 : vector<16xf32>
    %mul3A_1122 = arith.mulf %mul3A_1113, %sub3A_1121 : vector<16xf32>
    %mul3A_1123 = arith.mulf %max3A_1087, %mul3A_1122 : vector<16xf32>
    %sub3A_1124 = arith.subf %add3A_1079, %mul3A_1123 : vector<16xf32>
    %get3A_1125 = arith.constant 192 : index
    %get3A_1126 = tpu.vector_load %arg4[%get3A_1125] {strides = array<i32>} : memref<512xf32, #tpu.memory_space<vmem>>, vector<16xf32>,
    %get3A_1127 = arith.constant 192 : index
    %get3A_1128 = tpu.vector_load %arg5[%get3A_1127] {strides = array<i32>} : memref<512xf32, #tpu.memory_space<vmem>>, vector<16xf32>,
    %add3A_1129 = arith.addf %get3A_1126, %get3A_1128 : vector<16xf32>
    %max3A_1130 = arith.constant 1.000000e-30 : f32
    %max3A_1131 = vector.broadcast %max3A_1130 : f32 to vector<16xf32>
    %max3A_1132 = arith.maximumf %add3A_1129, %max3A_1131 : vector<16xf32>
    %bitcast_convert_type3A_1133 = tpu.bitcast %max3A_1132 : vector<16xf32> -> vector<16xi32>
    %shift_right_arithmetic3A_1134 = arith.constant 1 : i32
    %shift_right_arithmetic3A_1135 = vector.broadcast %shift_right_arithmetic3A_1134 : i32 to vector<16xi32>
    %shift_right_arithmetic3A_1136 = arith.shrsi %bitcast_convert_type3A_1133, %shift_right_arithmetic3A_1135 : vector<16xi32>
    %sub3A_1137 = arith.constant 1597463007 : i32
    %sub3A_1138 = vector.broadcast %sub3A_1137 : i32 to vector<16xi32>
    %sub3A_1139 = arith.subi %sub3A_1138, %shift_right_arithmetic3A_1136 : vector<16xi32>
    %bitcast_convert_type3A_1140 = tpu.bitcast %sub3A_1139 : vector<16xi32> -> vector<16xf32>
    %mul3A_1141 = arith.constant 5.000000e-01 : f32
    %mul3A_1142 = vector.broadcast %mul3A_1141 : f32 to vector<16xf32>
    %mul3A_1143 = arith.mulf %mul3A_1142, %max3A_1132 : vector<16xf32>
    %mul3A_1144 = arith.mulf %mul3A_1143, %bitcast_convert_type3A_1140 : vector<16xf32>
    %mul3A_1145 = arith.mulf %mul3A_1144, %bitcast_convert_type3A_1140 : vector<16xf32>
    %sub3A_1146 = arith.constant 1.500000e+00 : f32
    %sub3A_1147 = vector.broadcast %sub3A_1146 : f32 to vector<16xf32>
    %sub3A_1148 = arith.subf %sub3A_1147, %mul3A_1145 : vector<16xf32>
    %mul3A_1149 = arith.mulf %bitcast_convert_type3A_1140, %sub3A_1148 : vector<16xf32>
    %mul3A_1150 = arith.constant 5.000000e-01 : f32
    %mul3A_1151 = vector.broadcast %mul3A_1150 : f32 to vector<16xf32>
    %mul3A_1152 = arith.mulf %mul3A_1151, %max3A_1132 : vector<16xf32>
    %mul3A_1153 = arith.mulf %mul3A_1152, %mul3A_1149 : vector<16xf32>
    %mul3A_1154 = arith.mulf %mul3A_1153, %mul3A_1149 : vector<16xf32>
    %sub3A_1155 = arith.constant 1.500000e+00 : f32
    %sub3A_1156 = vector.broadcast %sub3A_1155 : f32 to vector<16xf32>
    %sub3A_1157 = arith.subf %sub3A_1156, %mul3A_1154 : vector<16xf32>
    %mul3A_1158 = arith.mulf %mul3A_1149, %sub3A_1157 : vector<16xf32>
    %mul3A_1159 = arith.constant 5.000000e-01 : f32
    %mul3A_1160 = vector.broadcast %mul3A_1159 : f32 to vector<16xf32>
    %mul3A_1161 = arith.mulf %mul3A_1160, %max3A_1132 : vector<16xf32>
    %mul3A_1162 = arith.mulf %mul3A_1161, %mul3A_1158 : vector<16xf32>
    %mul3A_1163 = arith.mulf %mul3A_1162, %mul3A_1158 : vector<16xf32>
    %sub3A_1164 = arith.constant 1.500000e+00 : f32
    %sub3A_1165 = vector.broadcast %sub3A_1164 : f32 to vector<16xf32>
    %sub3A_1166 = arith.subf %sub3A_1165, %mul3A_1163 : vector<16xf32>
    %mul3A_1167 = arith.mulf %mul3A_1158, %sub3A_1166 : vector<16xf32>
    %mul3A_1168 = arith.mulf %max3A_1132, %mul3A_1167 : vector<16xf32>
    %add3A_1169 = arith.addf %sub3A_1124, %mul3A_1168 : vector<16xf32>
    %get3A_1170 = arith.constant 192 : index
    %get3A_1171 = tpu.vector_load %arg6[%get3A_1170] {strides = array<i32>} : memref<512xf32, #tpu.memory_space<vmem>>, vector<16xf32>,
    %get3A_1172 = arith.constant 192 : index
    %get3A_1173 = tpu.vector_load %arg7[%get3A_1172] {strides = array<i32>} : memref<512xf32, #tpu.memory_space<vmem>>, vector<16xf32>,
    %add3A_1174 = arith.addf %get3A_1171, %get3A_1173 : vector<16xf32>
    %max3A_1175 = arith.constant 1.000000e-30 : f32
    %max3A_1176 = vector.broadcast %max3A_1175 : f32 to vector<16xf32>
    %max3A_1177 = arith.maximumf %add3A_1174, %max3A_1176 : vector<16xf32>
    %bitcast_convert_type3A_1178 = tpu.bitcast %max3A_1177 : vector<16xf32> -> vector<16xi32>
    %shift_right_arithmetic3A_1179 = arith.constant 1 : i32
    %shift_right_arithmetic3A_1180 = vector.broadcast %shift_right_arithmetic3A_1179 : i32 to vector<16xi32>
    %shift_right_arithmetic3A_1181 = arith.shrsi %bitcast_convert_type3A_1178, %shift_right_arithmetic3A_1180 : vector<16xi32>
    %sub3A_1182 = arith.constant 1597463007 : i32
    %sub3A_1183 = vector.broadcast %sub3A_1182 : i32 to vector<16xi32>
    %sub3A_1184 = arith.subi %sub3A_1183, %shift_right_arithmetic3A_1181 : vector<16xi32>
    %bitcast_convert_type3A_1185 = tpu.bitcast %sub3A_1184 : vector<16xi32> -> vector<16xf32>
    %mul3A_1186 = arith.constant 5.000000e-01 : f32
    %mul3A_1187 = vector.broadcast %mul3A_1186 : f32 to vector<16xf32>
    %mul3A_1188 = arith.mulf %mul3A_1187, %max3A_1177 : vector<16xf32>
    %mul3A_1189 = arith.mulf %mul3A_1188, %bitcast_convert_type3A_1185 : vector<16xf32>
    %mul3A_1190 = arith.mulf %mul3A_1189, %bitcast_convert_type3A_1185 : vector<16xf32>
    %sub3A_1191 = arith.constant 1.500000e+00 : f32
    %sub3A_1192 = vector.broadcast %sub3A_1191 : f32 to vector<16xf32>
    %sub3A_1193 = arith.subf %sub3A_1192, %mul3A_1190 : vector<16xf32>
    %mul3A_1194 = arith.mulf %bitcast_convert_type3A_1185, %sub3A_1193 : vector<16xf32>
    %mul3A_1195 = arith.constant 5.000000e-01 : f32
    %mul3A_1196 = vector.broadcast %mul3A_1195 : f32 to vector<16xf32>
    %mul3A_1197 = arith.mulf %mul3A_1196, %max3A_1177 : vector<16xf32>
    %mul3A_1198 = arith.mulf %mul3A_1197, %mul3A_1194 : vector<16xf32>
    %mul3A_1199 = arith.mulf %mul3A_1198, %mul3A_1194 : vector<16xf32>
    %sub3A_1200 = arith.constant 1.500000e+00 : f32
    %sub3A_1201 = vector.broadcast %sub3A_1200 : f32 to vector<16xf32>
    %sub3A_1202 = arith.subf %sub3A_1201, %mul3A_1199 : vector<16xf32>
    %mul3A_1203 = arith.mulf %mul3A_1194, %sub3A_1202 : vector<16xf32>
    %mul3A_1204 = arith.constant 5.000000e-01 : f32
    %mul3A_1205 = vector.broadcast %mul3A_1204 : f32 to vector<16xf32>
    %mul3A_1206 = arith.mulf %mul3A_1205, %max3A_1177 : vector<16xf32>
    %mul3A_1207 = arith.mulf %mul3A_1206, %mul3A_1203 : vector<16xf32>
    %mul3A_1208 = arith.mulf %mul3A_1207, %mul3A_1203 : vector<16xf32>
    %sub3A_1209 = arith.constant 1.500000e+00 : f32
    %sub3A_1210 = vector.broadcast %sub3A_1209 : f32 to vector<16xf32>
    %sub3A_1211 = arith.subf %sub3A_1210, %mul3A_1208 : vector<16xf32>
    %mul3A_1212 = arith.mulf %mul3A_1203, %sub3A_1211 : vector<16xf32>
    %mul3A_1213 = arith.mulf %max3A_1177, %mul3A_1212 : vector<16xf32>
    %sub3A_1214 = arith.subf %add3A_1169, %mul3A_1213 : vector<16xf32>
    %get3A_1215 = arith.constant 208 : index
    %get3A_1216 = tpu.vector_load %arg4[%get3A_1215] {strides = array<i32>} : memref<512xf32, #tpu.memory_space<vmem>>, vector<16xf32>,
    %get3A_1217 = arith.constant 208 : index
    %get3A_1218 = tpu.vector_load %arg5[%get3A_1217] {strides = array<i32>} : memref<512xf32, #tpu.memory_space<vmem>>, vector<16xf32>,
    %add3A_1219 = arith.addf %get3A_1216, %get3A_1218 : vector<16xf32>
    %max3A_1220 = arith.constant 1.000000e-30 : f32
    %max3A_1221 = vector.broadcast %max3A_1220 : f32 to vector<16xf32>
    %max3A_1222 = arith.maximumf %add3A_1219, %max3A_1221 : vector<16xf32>
    %bitcast_convert_type3A_1223 = tpu.bitcast %max3A_1222 : vector<16xf32> -> vector<16xi32>
    %shift_right_arithmetic3A_1224 = arith.constant 1 : i32
    %shift_right_arithmetic3A_1225 = vector.broadcast %shift_right_arithmetic3A_1224 : i32 to vector<16xi32>
    %shift_right_arithmetic3A_1226 = arith.shrsi %bitcast_convert_type3A_1223, %shift_right_arithmetic3A_1225 : vector<16xi32>
    %sub3A_1227 = arith.constant 1597463007 : i32
    %sub3A_1228 = vector.broadcast %sub3A_1227 : i32 to vector<16xi32>
    %sub3A_1229 = arith.subi %sub3A_1228, %shift_right_arithmetic3A_1226 : vector<16xi32>
    %bitcast_convert_type3A_1230 = tpu.bitcast %sub3A_1229 : vector<16xi32> -> vector<16xf32>
    %mul3A_1231 = arith.constant 5.000000e-01 : f32
    %mul3A_1232 = vector.broadcast %mul3A_1231 : f32 to vector<16xf32>
    %mul3A_1233 = arith.mulf %mul3A_1232, %max3A_1222 : vector<16xf32>
    %mul3A_1234 = arith.mulf %mul3A_1233, %bitcast_convert_type3A_1230 : vector<16xf32>
    %mul3A_1235 = arith.mulf %mul3A_1234, %bitcast_convert_type3A_1230 : vector<16xf32>
    %sub3A_1236 = arith.constant 1.500000e+00 : f32
    %sub3A_1237 = vector.broadcast %sub3A_1236 : f32 to vector<16xf32>
    %sub3A_1238 = arith.subf %sub3A_1237, %mul3A_1235 : vector<16xf32>
    %mul3A_1239 = arith.mulf %bitcast_convert_type3A_1230, %sub3A_1238 : vector<16xf32>
    %mul3A_1240 = arith.constant 5.000000e-01 : f32
    %mul3A_1241 = vector.broadcast %mul3A_1240 : f32 to vector<16xf32>
    %mul3A_1242 = arith.mulf %mul3A_1241, %max3A_1222 : vector<16xf32>
    %mul3A_1243 = arith.mulf %mul3A_1242, %mul3A_1239 : vector<16xf32>
    %mul3A_1244 = arith.mulf %mul3A_1243, %mul3A_1239 : vector<16xf32>
    %sub3A_1245 = arith.constant 1.500000e+00 : f32
    %sub3A_1246 = vector.broadcast %sub3A_1245 : f32 to vector<16xf32>
    %sub3A_1247 = arith.subf %sub3A_1246, %mul3A_1244 : vector<16xf32>
    %mul3A_1248 = arith.mulf %mul3A_1239, %sub3A_1247 : vector<16xf32>
    %mul3A_1249 = arith.constant 5.000000e-01 : f32
    %mul3A_1250 = vector.broadcast %mul3A_1249 : f32 to vector<16xf32>
    %mul3A_1251 = arith.mulf %mul3A_1250, %max3A_1222 : vector<16xf32>
    %mul3A_1252 = arith.mulf %mul3A_1251, %mul3A_1248 : vector<16xf32>
    %mul3A_1253 = arith.mulf %mul3A_1252, %mul3A_1248 : vector<16xf32>
    %sub3A_1254 = arith.constant 1.500000e+00 : f32
    %sub3A_1255 = vector.broadcast %sub3A_1254 : f32 to vector<16xf32>
    %sub3A_1256 = arith.subf %sub3A_1255, %mul3A_1253 : vector<16xf32>
    %mul3A_1257 = arith.mulf %mul3A_1248, %sub3A_1256 : vector<16xf32>
    %mul3A_1258 = arith.mulf %max3A_1222, %mul3A_1257 : vector<16xf32>
    %add3A_1259 = arith.addf %sub3A_1214, %mul3A_1258 : vector<16xf32>
    %get3A_1260 = arith.constant 208 : index
    %get3A_1261 = tpu.vector_load %arg6[%get3A_1260] {strides = array<i32>} : memref<512xf32, #tpu.memory_space<vmem>>, vector<16xf32>,
    %get3A_1262 = arith.constant 208 : index
    %get3A_1263 = tpu.vector_load %arg7[%get3A_1262] {strides = array<i32>} : memref<512xf32, #tpu.memory_space<vmem>>, vector<16xf32>,
    %add3A_1264 = arith.addf %get3A_1261, %get3A_1263 : vector<16xf32>
    %max3A_1265 = arith.constant 1.000000e-30 : f32
    %max3A_1266 = vector.broadcast %max3A_1265 : f32 to vector<16xf32>
    %max3A_1267 = arith.maximumf %add3A_1264, %max3A_1266 : vector<16xf32>
    %bitcast_convert_type3A_1268 = tpu.bitcast %max3A_1267 : vector<16xf32> -> vector<16xi32>
    %shift_right_arithmetic3A_1269 = arith.constant 1 : i32
    %shift_right_arithmetic3A_1270 = vector.broadcast %shift_right_arithmetic3A_1269 : i32 to vector<16xi32>
    %shift_right_arithmetic3A_1271 = arith.shrsi %bitcast_convert_type3A_1268, %shift_right_arithmetic3A_1270 : vector<16xi32>
    %sub3A_1272 = arith.constant 1597463007 : i32
    %sub3A_1273 = vector.broadcast %sub3A_1272 : i32 to vector<16xi32>
    %sub3A_1274 = arith.subi %sub3A_1273, %shift_right_arithmetic3A_1271 : vector<16xi32>
    %bitcast_convert_type3A_1275 = tpu.bitcast %sub3A_1274 : vector<16xi32> -> vector<16xf32>
    %mul3A_1276 = arith.constant 5.000000e-01 : f32
    %mul3A_1277 = vector.broadcast %mul3A_1276 : f32 to vector<16xf32>
    %mul3A_1278 = arith.mulf %mul3A_1277, %max3A_1267 : vector<16xf32>
    %mul3A_1279 = arith.mulf %mul3A_1278, %bitcast_convert_type3A_1275 : vector<16xf32>
    %mul3A_1280 = arith.mulf %mul3A_1279, %bitcast_convert_type3A_1275 : vector<16xf32>
    %sub3A_1281 = arith.constant 1.500000e+00 : f32
    %sub3A_1282 = vector.broadcast %sub3A_1281 : f32 to vector<16xf32>
    %sub3A_1283 = arith.subf %sub3A_1282, %mul3A_1280 : vector<16xf32>
    %mul3A_1284 = arith.mulf %bitcast_convert_type3A_1275, %sub3A_1283 : vector<16xf32>
    %mul3A_1285 = arith.constant 5.000000e-01 : f32
    %mul3A_1286 = vector.broadcast %mul3A_1285 : f32 to vector<16xf32>
    %mul3A_1287 = arith.mulf %mul3A_1286, %max3A_1267 : vector<16xf32>
    %mul3A_1288 = arith.mulf %mul3A_1287, %mul3A_1284 : vector<16xf32>
    %mul3A_1289 = arith.mulf %mul3A_1288, %mul3A_1284 : vector<16xf32>
    %sub3A_1290 = arith.constant 1.500000e+00 : f32
    %sub3A_1291 = vector.broadcast %sub3A_1290 : f32 to vector<16xf32>
    %sub3A_1292 = arith.subf %sub3A_1291, %mul3A_1289 : vector<16xf32>
    %mul3A_1293 = arith.mulf %mul3A_1284, %sub3A_1292 : vector<16xf32>
    %mul3A_1294 = arith.constant 5.000000e-01 : f32
    %mul3A_1295 = vector.broadcast %mul3A_1294 : f32 to vector<16xf32>
    %mul3A_1296 = arith.mulf %mul3A_1295, %max3A_1267 : vector<16xf32>
    %mul3A_1297 = arith.mulf %mul3A_1296, %mul3A_1293 : vector<16xf32>
    %mul3A_1298 = arith.mulf %mul3A_1297, %mul3A_1293 : vector<16xf32>
    %sub3A_1299 = arith.constant 1.500000e+00 : f32
    %sub3A_1300 = vector.broadcast %sub3A_1299 : f32 to vector<16xf32>
    %sub3A_1301 = arith.subf %sub3A_1300, %mul3A_1298 : vector<16xf32>
    %mul3A_1302 = arith.mulf %mul3A_1293, %sub3A_1301 : vector<16xf32>
    %mul3A_1303 = arith.mulf %max3A_1267, %mul3A_1302 : vector<16xf32>
    %sub3A_1304 = arith.subf %add3A_1259, %mul3A_1303 : vector<16xf32>
    %get3A_1305 = arith.constant 224 : index
    %get3A_1306 = tpu.vector_load %arg4[%get3A_1305] {strides = array<i32>} : memref<512xf32, #tpu.memory_space<vmem>>, vector<16xf32>,
    %get3A_1307 = arith.constant 224 : index
    %get3A_1308 = tpu.vector_load %arg5[%get3A_1307] {strides = array<i32>} : memref<512xf32, #tpu.memory_space<vmem>>, vector<16xf32>,
    %add3A_1309 = arith.addf %get3A_1306, %get3A_1308 : vector<16xf32>
    %max3A_1310 = arith.constant 1.000000e-30 : f32
    %max3A_1311 = vector.broadcast %max3A_1310 : f32 to vector<16xf32>
    %max3A_1312 = arith.maximumf %add3A_1309, %max3A_1311 : vector<16xf32>
    %bitcast_convert_type3A_1313 = tpu.bitcast %max3A_1312 : vector<16xf32> -> vector<16xi32>
    %shift_right_arithmetic3A_1314 = arith.constant 1 : i32
    %shift_right_arithmetic3A_1315 = vector.broadcast %shift_right_arithmetic3A_1314 : i32 to vector<16xi32>
    %shift_right_arithmetic3A_1316 = arith.shrsi %bitcast_convert_type3A_1313, %shift_right_arithmetic3A_1315 : vector<16xi32>
    %sub3A_1317 = arith.constant 1597463007 : i32
    %sub3A_1318 = vector.broadcast %sub3A_1317 : i32 to vector<16xi32>
    %sub3A_1319 = arith.subi %sub3A_1318, %shift_right_arithmetic3A_1316 : vector<16xi32>
    %bitcast_convert_type3A_1320 = tpu.bitcast %sub3A_1319 : vector<16xi32> -> vector<16xf32>
    %mul3A_1321 = arith.constant 5.000000e-01 : f32
    %mul3A_1322 = vector.broadcast %mul3A_1321 : f32 to vector<16xf32>
    %mul3A_1323 = arith.mulf %mul3A_1322, %max3A_1312 : vector<16xf32>
    %mul3A_1324 = arith.mulf %mul3A_1323, %bitcast_convert_type3A_1320 : vector<16xf32>
    %mul3A_1325 = arith.mulf %mul3A_1324, %bitcast_convert_type3A_1320 : vector<16xf32>
    %sub3A_1326 = arith.constant 1.500000e+00 : f32
    %sub3A_1327 = vector.broadcast %sub3A_1326 : f32 to vector<16xf32>
    %sub3A_1328 = arith.subf %sub3A_1327, %mul3A_1325 : vector<16xf32>
    %mul3A_1329 = arith.mulf %bitcast_convert_type3A_1320, %sub3A_1328 : vector<16xf32>
    %mul3A_1330 = arith.constant 5.000000e-01 : f32
    %mul3A_1331 = vector.broadcast %mul3A_1330 : f32 to vector<16xf32>
    %mul3A_1332 = arith.mulf %mul3A_1331, %max3A_1312 : vector<16xf32>
    %mul3A_1333 = arith.mulf %mul3A_1332, %mul3A_1329 : vector<16xf32>
    %mul3A_1334 = arith.mulf %mul3A_1333, %mul3A_1329 : vector<16xf32>
    %sub3A_1335 = arith.constant 1.500000e+00 : f32
    %sub3A_1336 = vector.broadcast %sub3A_1335 : f32 to vector<16xf32>
    %sub3A_1337 = arith.subf %sub3A_1336, %mul3A_1334 : vector<16xf32>
    %mul3A_1338 = arith.mulf %mul3A_1329, %sub3A_1337 : vector<16xf32>
    %mul3A_1339 = arith.constant 5.000000e-01 : f32
    %mul3A_1340 = vector.broadcast %mul3A_1339 : f32 to vector<16xf32>
    %mul3A_1341 = arith.mulf %mul3A_1340, %max3A_1312 : vector<16xf32>
    %mul3A_1342 = arith.mulf %mul3A_1341, %mul3A_1338 : vector<16xf32>
    %mul3A_1343 = arith.mulf %mul3A_1342, %mul3A_1338 : vector<16xf32>
    %sub3A_1344 = arith.constant 1.500000e+00 : f32
    %sub3A_1345 = vector.broadcast %sub3A_1344 : f32 to vector<16xf32>
    %sub3A_1346 = arith.subf %sub3A_1345, %mul3A_1343 : vector<16xf32>
    %mul3A_1347 = arith.mulf %mul3A_1338, %sub3A_1346 : vector<16xf32>
    %mul3A_1348 = arith.mulf %max3A_1312, %mul3A_1347 : vector<16xf32>
    %add3A_1349 = arith.addf %sub3A_1304, %mul3A_1348 : vector<16xf32>
    %get3A_1350 = arith.constant 224 : index
    %get3A_1351 = tpu.vector_load %arg6[%get3A_1350] {strides = array<i32>} : memref<512xf32, #tpu.memory_space<vmem>>, vector<16xf32>,
    %get3A_1352 = arith.constant 224 : index
    %get3A_1353 = tpu.vector_load %arg7[%get3A_1352] {strides = array<i32>} : memref<512xf32, #tpu.memory_space<vmem>>, vector<16xf32>,
    %add3A_1354 = arith.addf %get3A_1351, %get3A_1353 : vector<16xf32>
    %max3A_1355 = arith.constant 1.000000e-30 : f32
    %max3A_1356 = vector.broadcast %max3A_1355 : f32 to vector<16xf32>
    %max3A_1357 = arith.maximumf %add3A_1354, %max3A_1356 : vector<16xf32>
    %bitcast_convert_type3A_1358 = tpu.bitcast %max3A_1357 : vector<16xf32> -> vector<16xi32>
    %shift_right_arithmetic3A_1359 = arith.constant 1 : i32
    %shift_right_arithmetic3A_1360 = vector.broadcast %shift_right_arithmetic3A_1359 : i32 to vector<16xi32>
    %shift_right_arithmetic3A_1361 = arith.shrsi %bitcast_convert_type3A_1358, %shift_right_arithmetic3A_1360 : vector<16xi32>
    %sub3A_1362 = arith.constant 1597463007 : i32
    %sub3A_1363 = vector.broadcast %sub3A_1362 : i32 to vector<16xi32>
    %sub3A_1364 = arith.subi %sub3A_1363, %shift_right_arithmetic3A_1361 : vector<16xi32>
    %bitcast_convert_type3A_1365 = tpu.bitcast %sub3A_1364 : vector<16xi32> -> vector<16xf32>
    %mul3A_1366 = arith.constant 5.000000e-01 : f32
    %mul3A_1367 = vector.broadcast %mul3A_1366 : f32 to vector<16xf32>
    %mul3A_1368 = arith.mulf %mul3A_1367, %max3A_1357 : vector<16xf32>
    %mul3A_1369 = arith.mulf %mul3A_1368, %bitcast_convert_type3A_1365 : vector<16xf32>
    %mul3A_1370 = arith.mulf %mul3A_1369, %bitcast_convert_type3A_1365 : vector<16xf32>
    %sub3A_1371 = arith.constant 1.500000e+00 : f32
    %sub3A_1372 = vector.broadcast %sub3A_1371 : f32 to vector<16xf32>
    %sub3A_1373 = arith.subf %sub3A_1372, %mul3A_1370 : vector<16xf32>
    %mul3A_1374 = arith.mulf %bitcast_convert_type3A_1365, %sub3A_1373 : vector<16xf32>
    %mul3A_1375 = arith.constant 5.000000e-01 : f32
    %mul3A_1376 = vector.broadcast %mul3A_1375 : f32 to vector<16xf32>
    %mul3A_1377 = arith.mulf %mul3A_1376, %max3A_1357 : vector<16xf32>
    %mul3A_1378 = arith.mulf %mul3A_1377, %mul3A_1374 : vector<16xf32>
    %mul3A_1379 = arith.mulf %mul3A_1378, %mul3A_1374 : vector<16xf32>
    %sub3A_1380 = arith.constant 1.500000e+00 : f32
    %sub3A_1381 = vector.broadcast %sub3A_1380 : f32 to vector<16xf32>
    %sub3A_1382 = arith.subf %sub3A_1381, %mul3A_1379 : vector<16xf32>
    %mul3A_1383 = arith.mulf %mul3A_1374, %sub3A_1382 : vector<16xf32>
    %mul3A_1384 = arith.constant 5.000000e-01 : f32
    %mul3A_1385 = vector.broadcast %mul3A_1384 : f32 to vector<16xf32>
    %mul3A_1386 = arith.mulf %mul3A_1385, %max3A_1357 : vector<16xf32>
    %mul3A_1387 = arith.mulf %mul3A_1386, %mul3A_1383 : vector<16xf32>
    %mul3A_1388 = arith.mulf %mul3A_1387, %mul3A_1383 : vector<16xf32>
    %sub3A_1389 = arith.constant 1.500000e+00 : f32
    %sub3A_1390 = vector.broadcast %sub3A_1389 : f32 to vector<16xf32>
    %sub3A_1391 = arith.subf %sub3A_1390, %mul3A_1388 : vector<16xf32>
    %mul3A_1392 = arith.mulf %mul3A_1383, %sub3A_1391 : vector<16xf32>
    %mul3A_1393 = arith.mulf %max3A_1357, %mul3A_1392 : vector<16xf32>
    %sub3A_1394 = arith.subf %add3A_1349, %mul3A_1393 : vector<16xf32>
    %get3A_1395 = arith.constant 240 : index
    %get3A_1396 = tpu.vector_load %arg4[%get3A_1395] {strides = array<i32>} : memref<512xf32, #tpu.memory_space<vmem>>, vector<16xf32>,
    %get3A_1397 = arith.constant 240 : index
    %get3A_1398 = tpu.vector_load %arg5[%get3A_1397] {strides = array<i32>} : memref<512xf32, #tpu.memory_space<vmem>>, vector<16xf32>,
    %add3A_1399 = arith.addf %get3A_1396, %get3A_1398 : vector<16xf32>
    %max3A_1400 = arith.constant 1.000000e-30 : f32
    %max3A_1401 = vector.broadcast %max3A_1400 : f32 to vector<16xf32>
    %max3A_1402 = arith.maximumf %add3A_1399, %max3A_1401 : vector<16xf32>
    %bitcast_convert_type3A_1403 = tpu.bitcast %max3A_1402 : vector<16xf32> -> vector<16xi32>
    %shift_right_arithmetic3A_1404 = arith.constant 1 : i32
    %shift_right_arithmetic3A_1405 = vector.broadcast %shift_right_arithmetic3A_1404 : i32 to vector<16xi32>
    %shift_right_arithmetic3A_1406 = arith.shrsi %bitcast_convert_type3A_1403, %shift_right_arithmetic3A_1405 : vector<16xi32>
    %sub3A_1407 = arith.constant 1597463007 : i32
    %sub3A_1408 = vector.broadcast %sub3A_1407 : i32 to vector<16xi32>
    %sub3A_1409 = arith.subi %sub3A_1408, %shift_right_arithmetic3A_1406 : vector<16xi32>
    %bitcast_convert_type3A_1410 = tpu.bitcast %sub3A_1409 : vector<16xi32> -> vector<16xf32>
    %mul3A_1411 = arith.constant 5.000000e-01 : f32
    %mul3A_1412 = vector.broadcast %mul3A_1411 : f32 to vector<16xf32>
    %mul3A_1413 = arith.mulf %mul3A_1412, %max3A_1402 : vector<16xf32>
    %mul3A_1414 = arith.mulf %mul3A_1413, %bitcast_convert_type3A_1410 : vector<16xf32>
    %mul3A_1415 = arith.mulf %mul3A_1414, %bitcast_convert_type3A_1410 : vector<16xf32>
    %sub3A_1416 = arith.constant 1.500000e+00 : f32
    %sub3A_1417 = vector.broadcast %sub3A_1416 : f32 to vector<16xf32>
    %sub3A_1418 = arith.subf %sub3A_1417, %mul3A_1415 : vector<16xf32>
    %mul3A_1419 = arith.mulf %bitcast_convert_type3A_1410, %sub3A_1418 : vector<16xf32>
    %mul3A_1420 = arith.constant 5.000000e-01 : f32
    %mul3A_1421 = vector.broadcast %mul3A_1420 : f32 to vector<16xf32>
    %mul3A_1422 = arith.mulf %mul3A_1421, %max3A_1402 : vector<16xf32>
    %mul3A_1423 = arith.mulf %mul3A_1422, %mul3A_1419 : vector<16xf32>
    %mul3A_1424 = arith.mulf %mul3A_1423, %mul3A_1419 : vector<16xf32>
    %sub3A_1425 = arith.constant 1.500000e+00 : f32
    %sub3A_1426 = vector.broadcast %sub3A_1425 : f32 to vector<16xf32>
    %sub3A_1427 = arith.subf %sub3A_1426, %mul3A_1424 : vector<16xf32>
    %mul3A_1428 = arith.mulf %mul3A_1419, %sub3A_1427 : vector<16xf32>
    %mul3A_1429 = arith.constant 5.000000e-01 : f32
    %mul3A_1430 = vector.broadcast %mul3A_1429 : f32 to vector<16xf32>
    %mul3A_1431 = arith.mulf %mul3A_1430, %max3A_1402 : vector<16xf32>
    %mul3A_1432 = arith.mulf %mul3A_1431, %mul3A_1428 : vector<16xf32>
    %mul3A_1433 = arith.mulf %mul3A_1432, %mul3A_1428 : vector<16xf32>
    %sub3A_1434 = arith.constant 1.500000e+00 : f32
    %sub3A_1435 = vector.broadcast %sub3A_1434 : f32 to vector<16xf32>
    %sub3A_1436 = arith.subf %sub3A_1435, %mul3A_1433 : vector<16xf32>
    %mul3A_1437 = arith.mulf %mul3A_1428, %sub3A_1436 : vector<16xf32>
    %mul3A_1438 = arith.mulf %max3A_1402, %mul3A_1437 : vector<16xf32>
    %add3A_1439 = arith.addf %sub3A_1394, %mul3A_1438 : vector<16xf32>
    %get3A_1440 = arith.constant 240 : index
    %get3A_1441 = tpu.vector_load %arg6[%get3A_1440] {strides = array<i32>} : memref<512xf32, #tpu.memory_space<vmem>>, vector<16xf32>,
    %get3A_1442 = arith.constant 240 : index
    %get3A_1443 = tpu.vector_load %arg7[%get3A_1442] {strides = array<i32>} : memref<512xf32, #tpu.memory_space<vmem>>, vector<16xf32>,
    %add3A_1444 = arith.addf %get3A_1441, %get3A_1443 : vector<16xf32>
    %max3A_1445 = arith.constant 1.000000e-30 : f32
    %max3A_1446 = vector.broadcast %max3A_1445 : f32 to vector<16xf32>
    %max3A_1447 = arith.maximumf %add3A_1444, %max3A_1446 : vector<16xf32>
    %bitcast_convert_type3A_1448 = tpu.bitcast %max3A_1447 : vector<16xf32> -> vector<16xi32>
    %shift_right_arithmetic3A_1449 = arith.constant 1 : i32
    %shift_right_arithmetic3A_1450 = vector.broadcast %shift_right_arithmetic3A_1449 : i32 to vector<16xi32>
    %shift_right_arithmetic3A_1451 = arith.shrsi %bitcast_convert_type3A_1448, %shift_right_arithmetic3A_1450 : vector<16xi32>
    %sub3A_1452 = arith.constant 1597463007 : i32
    %sub3A_1453 = vector.broadcast %sub3A_1452 : i32 to vector<16xi32>
    %sub3A_1454 = arith.subi %sub3A_1453, %shift_right_arithmetic3A_1451 : vector<16xi32>
    %bitcast_convert_type3A_1455 = tpu.bitcast %sub3A_1454 : vector<16xi32> -> vector<16xf32>
    %mul3A_1456 = arith.constant 5.000000e-01 : f32
    %mul3A_1457 = vector.broadcast %mul3A_1456 : f32 to vector<16xf32>
    %mul3A_1458 = arith.mulf %mul3A_1457, %max3A_1447 : vector<16xf32>
    %mul3A_1459 = arith.mulf %mul3A_1458, %bitcast_convert_type3A_1455 : vector<16xf32>
    %mul3A_1460 = arith.mulf %mul3A_1459, %bitcast_convert_type3A_1455 : vector<16xf32>
    %sub3A_1461 = arith.constant 1.500000e+00 : f32
    %sub3A_1462 = vector.broadcast %sub3A_1461 : f32 to vector<16xf32>
    %sub3A_1463 = arith.subf %sub3A_1462, %mul3A_1460 : vector<16xf32>
    %mul3A_1464 = arith.mulf %bitcast_convert_type3A_1455, %sub3A_1463 : vector<16xf32>
    %mul3A_1465 = arith.constant 5.000000e-01 : f32
    %mul3A_1466 = vector.broadcast %mul3A_1465 : f32 to vector<16xf32>
    %mul3A_1467 = arith.mulf %mul3A_1466, %max3A_1447 : vector<16xf32>
    %mul3A_1468 = arith.mulf %mul3A_1467, %mul3A_1464 : vector<16xf32>
    %mul3A_1469 = arith.mulf %mul3A_1468, %mul3A_1464 : vector<16xf32>
    %sub3A_1470 = arith.constant 1.500000e+00 : f32
    %sub3A_1471 = vector.broadcast %sub3A_1470 : f32 to vector<16xf32>
    %sub3A_1472 = arith.subf %sub3A_1471, %mul3A_1469 : vector<16xf32>
    %mul3A_1473 = arith.mulf %mul3A_1464, %sub3A_1472 : vector<16xf32>
    %mul3A_1474 = arith.constant 5.000000e-01 : f32
    %mul3A_1475 = vector.broadcast %mul3A_1474 : f32 to vector<16xf32>
    %mul3A_1476 = arith.mulf %mul3A_1475, %max3A_1447 : vector<16xf32>
    %mul3A_1477 = arith.mulf %mul3A_1476, %mul3A_1473 : vector<16xf32>
    %mul3A_1478 = arith.mulf %mul3A_1477, %mul3A_1473 : vector<16xf32>
    %sub3A_1479 = arith.constant 1.500000e+00 : f32
    %sub3A_1480 = vector.broadcast %sub3A_1479 : f32 to vector<16xf32>
    %sub3A_1481 = arith.subf %sub3A_1480, %mul3A_1478 : vector<16xf32>
    %mul3A_1482 = arith.mulf %mul3A_1473, %sub3A_1481 : vector<16xf32>
    %mul3A_1483 = arith.mulf %max3A_1447, %mul3A_1482 : vector<16xf32>
    %sub3A_1484 = arith.subf %add3A_1439, %mul3A_1483 : vector<16xf32>
    %get3A_1485 = arith.constant 256 : index
    %get3A_1486 = tpu.vector_load %arg4[%get3A_1485] {strides = array<i32>} : memref<512xf32, #tpu.memory_space<vmem>>, vector<16xf32>,
    %get3A_1487 = arith.constant 256 : index
    %get3A_1488 = tpu.vector_load %arg5[%get3A_1487] {strides = array<i32>} : memref<512xf32, #tpu.memory_space<vmem>>, vector<16xf32>,
    %add3A_1489 = arith.addf %get3A_1486, %get3A_1488 : vector<16xf32>
    %max3A_1490 = arith.constant 1.000000e-30 : f32
    %max3A_1491 = vector.broadcast %max3A_1490 : f32 to vector<16xf32>
    %max3A_1492 = arith.maximumf %add3A_1489, %max3A_1491 : vector<16xf32>
    %bitcast_convert_type3A_1493 = tpu.bitcast %max3A_1492 : vector<16xf32> -> vector<16xi32>
    %shift_right_arithmetic3A_1494 = arith.constant 1 : i32
    %shift_right_arithmetic3A_1495 = vector.broadcast %shift_right_arithmetic3A_1494 : i32 to vector<16xi32>
    %shift_right_arithmetic3A_1496 = arith.shrsi %bitcast_convert_type3A_1493, %shift_right_arithmetic3A_1495 : vector<16xi32>
    %sub3A_1497 = arith.constant 1597463007 : i32
    %sub3A_1498 = vector.broadcast %sub3A_1497 : i32 to vector<16xi32>
    %sub3A_1499 = arith.subi %sub3A_1498, %shift_right_arithmetic3A_1496 : vector<16xi32>
    %bitcast_convert_type3A_1500 = tpu.bitcast %sub3A_1499 : vector<16xi32> -> vector<16xf32>
    %mul3A_1501 = arith.constant 5.000000e-01 : f32
    %mul3A_1502 = vector.broadcast %mul3A_1501 : f32 to vector<16xf32>
    %mul3A_1503 = arith.mulf %mul3A_1502, %max3A_1492 : vector<16xf32>
    %mul3A_1504 = arith.mulf %mul3A_1503, %bitcast_convert_type3A_1500 : vector<16xf32>
    %mul3A_1505 = arith.mulf %mul3A_1504, %bitcast_convert_type3A_1500 : vector<16xf32>
    %sub3A_1506 = arith.constant 1.500000e+00 : f32
    %sub3A_1507 = vector.broadcast %sub3A_1506 : f32 to vector<16xf32>
    %sub3A_1508 = arith.subf %sub3A_1507, %mul3A_1505 : vector<16xf32>
    %mul3A_1509 = arith.mulf %bitcast_convert_type3A_1500, %sub3A_1508 : vector<16xf32>
    %mul3A_1510 = arith.constant 5.000000e-01 : f32
    %mul3A_1511 = vector.broadcast %mul3A_1510 : f32 to vector<16xf32>
    %mul3A_1512 = arith.mulf %mul3A_1511, %max3A_1492 : vector<16xf32>
    %mul3A_1513 = arith.mulf %mul3A_1512, %mul3A_1509 : vector<16xf32>
    %mul3A_1514 = arith.mulf %mul3A_1513, %mul3A_1509 : vector<16xf32>
    %sub3A_1515 = arith.constant 1.500000e+00 : f32
    %sub3A_1516 = vector.broadcast %sub3A_1515 : f32 to vector<16xf32>
    %sub3A_1517 = arith.subf %sub3A_1516, %mul3A_1514 : vector<16xf32>
    %mul3A_1518 = arith.mulf %mul3A_1509, %sub3A_1517 : vector<16xf32>
    %mul3A_1519 = arith.constant 5.000000e-01 : f32
    %mul3A_1520 = vector.broadcast %mul3A_1519 : f32 to vector<16xf32>
    %mul3A_1521 = arith.mulf %mul3A_1520, %max3A_1492 : vector<16xf32>
    %mul3A_1522 = arith.mulf %mul3A_1521, %mul3A_1518 : vector<16xf32>
    %mul3A_1523 = arith.mulf %mul3A_1522, %mul3A_1518 : vector<16xf32>
    %sub3A_1524 = arith.constant 1.500000e+00 : f32
    %sub3A_1525 = vector.broadcast %sub3A_1524 : f32 to vector<16xf32>
    %sub3A_1526 = arith.subf %sub3A_1525, %mul3A_1523 : vector<16xf32>
    %mul3A_1527 = arith.mulf %mul3A_1518, %sub3A_1526 : vector<16xf32>
    %mul3A_1528 = arith.mulf %max3A_1492, %mul3A_1527 : vector<16xf32>
    %add3A_1529 = arith.addf %sub3A_1484, %mul3A_1528 : vector<16xf32>
    %get3A_1530 = arith.constant 256 : index
    %get3A_1531 = tpu.vector_load %arg6[%get3A_1530] {strides = array<i32>} : memref<512xf32, #tpu.memory_space<vmem>>, vector<16xf32>,
    %get3A_1532 = arith.constant 256 : index
    %get3A_1533 = tpu.vector_load %arg7[%get3A_1532] {strides = array<i32>} : memref<512xf32, #tpu.memory_space<vmem>>, vector<16xf32>,
    %add3A_1534 = arith.addf %get3A_1531, %get3A_1533 : vector<16xf32>
    %max3A_1535 = arith.constant 1.000000e-30 : f32
    %max3A_1536 = vector.broadcast %max3A_1535 : f32 to vector<16xf32>
    %max3A_1537 = arith.maximumf %add3A_1534, %max3A_1536 : vector<16xf32>
    %bitcast_convert_type3A_1538 = tpu.bitcast %max3A_1537 : vector<16xf32> -> vector<16xi32>
    %shift_right_arithmetic3A_1539 = arith.constant 1 : i32
    %shift_right_arithmetic3A_1540 = vector.broadcast %shift_right_arithmetic3A_1539 : i32 to vector<16xi32>
    %shift_right_arithmetic3A_1541 = arith.shrsi %bitcast_convert_type3A_1538, %shift_right_arithmetic3A_1540 : vector<16xi32>
    %sub3A_1542 = arith.constant 1597463007 : i32
    %sub3A_1543 = vector.broadcast %sub3A_1542 : i32 to vector<16xi32>
    %sub3A_1544 = arith.subi %sub3A_1543, %shift_right_arithmetic3A_1541 : vector<16xi32>
    %bitcast_convert_type3A_1545 = tpu.bitcast %sub3A_1544 : vector<16xi32> -> vector<16xf32>
    %mul3A_1546 = arith.constant 5.000000e-01 : f32
    %mul3A_1547 = vector.broadcast %mul3A_1546 : f32 to vector<16xf32>
    %mul3A_1548 = arith.mulf %mul3A_1547, %max3A_1537 : vector<16xf32>
    %mul3A_1549 = arith.mulf %mul3A_1548, %bitcast_convert_type3A_1545 : vector<16xf32>
    %mul3A_1550 = arith.mulf %mul3A_1549, %bitcast_convert_type3A_1545 : vector<16xf32>
    %sub3A_1551 = arith.constant 1.500000e+00 : f32
    %sub3A_1552 = vector.broadcast %sub3A_1551 : f32 to vector<16xf32>
    %sub3A_1553 = arith.subf %sub3A_1552, %mul3A_1550 : vector<16xf32>
    %mul3A_1554 = arith.mulf %bitcast_convert_type3A_1545, %sub3A_1553 : vector<16xf32>
    %mul3A_1555 = arith.constant 5.000000e-01 : f32
    %mul3A_1556 = vector.broadcast %mul3A_1555 : f32 to vector<16xf32>
    %mul3A_1557 = arith.mulf %mul3A_1556, %max3A_1537 : vector<16xf32>
    %mul3A_1558 = arith.mulf %mul3A_1557, %mul3A_1554 : vector<16xf32>
    %mul3A_1559 = arith.mulf %mul3A_1558, %mul3A_1554 : vector<16xf32>
    %sub3A_1560 = arith.constant 1.500000e+00 : f32
    %sub3A_1561 = vector.broadcast %sub3A_1560 : f32 to vector<16xf32>
    %sub3A_1562 = arith.subf %sub3A_1561, %mul3A_1559 : vector<16xf32>
    %mul3A_1563 = arith.mulf %mul3A_1554, %sub3A_1562 : vector<16xf32>
    %mul3A_1564 = arith.constant 5.000000e-01 : f32
    %mul3A_1565 = vector.broadcast %mul3A_1564 : f32 to vector<16xf32>
    %mul3A_1566 = arith.mulf %mul3A_1565, %max3A_1537 : vector<16xf32>
    %mul3A_1567 = arith.mulf %mul3A_1566, %mul3A_1563 : vector<16xf32>
    %mul3A_1568 = arith.mulf %mul3A_1567, %mul3A_1563 : vector<16xf32>
    %sub3A_1569 = arith.constant 1.500000e+00 : f32
    %sub3A_1570 = vector.broadcast %sub3A_1569 : f32 to vector<16xf32>
    %sub3A_1571 = arith.subf %sub3A_1570, %mul3A_1568 : vector<16xf32>
    %mul3A_1572 = arith.mulf %mul3A_1563, %sub3A_1571 : vector<16xf32>
    %mul3A_1573 = arith.mulf %max3A_1537, %mul3A_1572 : vector<16xf32>
    %sub3A_1574 = arith.subf %add3A_1529, %mul3A_1573 : vector<16xf32>
    %get3A_1575 = arith.constant 272 : index
    %get3A_1576 = tpu.vector_load %arg4[%get3A_1575] {strides = array<i32>} : memref<512xf32, #tpu.memory_space<vmem>>, vector<16xf32>,
    %get3A_1577 = arith.constant 272 : index
    %get3A_1578 = tpu.vector_load %arg5[%get3A_1577] {strides = array<i32>} : memref<512xf32, #tpu.memory_space<vmem>>, vector<16xf32>,
    %add3A_1579 = arith.addf %get3A_1576, %get3A_1578 : vector<16xf32>
    %max3A_1580 = arith.constant 1.000000e-30 : f32
    %max3A_1581 = vector.broadcast %max3A_1580 : f32 to vector<16xf32>
    %max3A_1582 = arith.maximumf %add3A_1579, %max3A_1581 : vector<16xf32>
    %bitcast_convert_type3A_1583 = tpu.bitcast %max3A_1582 : vector<16xf32> -> vector<16xi32>
    %shift_right_arithmetic3A_1584 = arith.constant 1 : i32
    %shift_right_arithmetic3A_1585 = vector.broadcast %shift_right_arithmetic3A_1584 : i32 to vector<16xi32>
    %shift_right_arithmetic3A_1586 = arith.shrsi %bitcast_convert_type3A_1583, %shift_right_arithmetic3A_1585 : vector<16xi32>
    %sub3A_1587 = arith.constant 1597463007 : i32
    %sub3A_1588 = vector.broadcast %sub3A_1587 : i32 to vector<16xi32>
    %sub3A_1589 = arith.subi %sub3A_1588, %shift_right_arithmetic3A_1586 : vector<16xi32>
    %bitcast_convert_type3A_1590 = tpu.bitcast %sub3A_1589 : vector<16xi32> -> vector<16xf32>
    %mul3A_1591 = arith.constant 5.000000e-01 : f32
    %mul3A_1592 = vector.broadcast %mul3A_1591 : f32 to vector<16xf32>
    %mul3A_1593 = arith.mulf %mul3A_1592, %max3A_1582 : vector<16xf32>
    %mul3A_1594 = arith.mulf %mul3A_1593, %bitcast_convert_type3A_1590 : vector<16xf32>
    %mul3A_1595 = arith.mulf %mul3A_1594, %bitcast_convert_type3A_1590 : vector<16xf32>
    %sub3A_1596 = arith.constant 1.500000e+00 : f32
    %sub3A_1597 = vector.broadcast %sub3A_1596 : f32 to vector<16xf32>
    %sub3A_1598 = arith.subf %sub3A_1597, %mul3A_1595 : vector<16xf32>
    %mul3A_1599 = arith.mulf %bitcast_convert_type3A_1590, %sub3A_1598 : vector<16xf32>
    %mul3A_1600 = arith.constant 5.000000e-01 : f32
    %mul3A_1601 = vector.broadcast %mul3A_1600 : f32 to vector<16xf32>
    %mul3A_1602 = arith.mulf %mul3A_1601, %max3A_1582 : vector<16xf32>
    %mul3A_1603 = arith.mulf %mul3A_1602, %mul3A_1599 : vector<16xf32>
    %mul3A_1604 = arith.mulf %mul3A_1603, %mul3A_1599 : vector<16xf32>
    %sub3A_1605 = arith.constant 1.500000e+00 : f32
    %sub3A_1606 = vector.broadcast %sub3A_1605 : f32 to vector<16xf32>
    %sub3A_1607 = arith.subf %sub3A_1606, %mul3A_1604 : vector<16xf32>
    %mul3A_1608 = arith.mulf %mul3A_1599, %sub3A_1607 : vector<16xf32>
    %mul3A_1609 = arith.constant 5.000000e-01 : f32
    %mul3A_1610 = vector.broadcast %mul3A_1609 : f32 to vector<16xf32>
    %mul3A_1611 = arith.mulf %mul3A_1610, %max3A_1582 : vector<16xf32>
    %mul3A_1612 = arith.mulf %mul3A_1611, %mul3A_1608 : vector<16xf32>
    %mul3A_1613 = arith.mulf %mul3A_1612, %mul3A_1608 : vector<16xf32>
    %sub3A_1614 = arith.constant 1.500000e+00 : f32
    %sub3A_1615 = vector.broadcast %sub3A_1614 : f32 to vector<16xf32>
    %sub3A_1616 = arith.subf %sub3A_1615, %mul3A_1613 : vector<16xf32>
    %mul3A_1617 = arith.mulf %mul3A_1608, %sub3A_1616 : vector<16xf32>
    %mul3A_1618 = arith.mulf %max3A_1582, %mul3A_1617 : vector<16xf32>
    %add3A_1619 = arith.addf %sub3A_1574, %mul3A_1618 : vector<16xf32>
    %get3A_1620 = arith.constant 272 : index
    %get3A_1621 = tpu.vector_load %arg6[%get3A_1620] {strides = array<i32>} : memref<512xf32, #tpu.memory_space<vmem>>, vector<16xf32>,
    %get3A_1622 = arith.constant 272 : index
    %get3A_1623 = tpu.vector_load %arg7[%get3A_1622] {strides = array<i32>} : memref<512xf32, #tpu.memory_space<vmem>>, vector<16xf32>,
    %add3A_1624 = arith.addf %get3A_1621, %get3A_1623 : vector<16xf32>
    %max3A_1625 = arith.constant 1.000000e-30 : f32
    %max3A_1626 = vector.broadcast %max3A_1625 : f32 to vector<16xf32>
    %max3A_1627 = arith.maximumf %add3A_1624, %max3A_1626 : vector<16xf32>
    %bitcast_convert_type3A_1628 = tpu.bitcast %max3A_1627 : vector<16xf32> -> vector<16xi32>
    %shift_right_arithmetic3A_1629 = arith.constant 1 : i32
    %shift_right_arithmetic3A_1630 = vector.broadcast %shift_right_arithmetic3A_1629 : i32 to vector<16xi32>
    %shift_right_arithmetic3A_1631 = arith.shrsi %bitcast_convert_type3A_1628, %shift_right_arithmetic3A_1630 : vector<16xi32>
    %sub3A_1632 = arith.constant 1597463007 : i32
    %sub3A_1633 = vector.broadcast %sub3A_1632 : i32 to vector<16xi32>
    %sub3A_1634 = arith.subi %sub3A_1633, %shift_right_arithmetic3A_1631 : vector<16xi32>
    %bitcast_convert_type3A_1635 = tpu.bitcast %sub3A_1634 : vector<16xi32> -> vector<16xf32>
    %mul3A_1636 = arith.constant 5.000000e-01 : f32
    %mul3A_1637 = vector.broadcast %mul3A_1636 : f32 to vector<16xf32>
    %mul3A_1638 = arith.mulf %mul3A_1637, %max3A_1627 : vector<16xf32>
    %mul3A_1639 = arith.mulf %mul3A_1638, %bitcast_convert_type3A_1635 : vector<16xf32>
    %mul3A_1640 = arith.mulf %mul3A_1639, %bitcast_convert_type3A_1635 : vector<16xf32>
    %sub3A_1641 = arith.constant 1.500000e+00 : f32
    %sub3A_1642 = vector.broadcast %sub3A_1641 : f32 to vector<16xf32>
    %sub3A_1643 = arith.subf %sub3A_1642, %mul3A_1640 : vector<16xf32>
    %mul3A_1644 = arith.mulf %bitcast_convert_type3A_1635, %sub3A_1643 : vector<16xf32>
    %mul3A_1645 = arith.constant 5.000000e-01 : f32
    %mul3A_1646 = vector.broadcast %mul3A_1645 : f32 to vector<16xf32>
    %mul3A_1647 = arith.mulf %mul3A_1646, %max3A_1627 : vector<16xf32>
    %mul3A_1648 = arith.mulf %mul3A_1647, %mul3A_1644 : vector<16xf32>
    %mul3A_1649 = arith.mulf %mul3A_1648, %mul3A_1644 : vector<16xf32>
    %sub3A_1650 = arith.constant 1.500000e+00 : f32
    %sub3A_1651 = vector.broadcast %sub3A_1650 : f32 to vector<16xf32>
    %sub3A_1652 = arith.subf %sub3A_1651, %mul3A_1649 : vector<16xf32>
    %mul3A_1653 = arith.mulf %mul3A_1644, %sub3A_1652 : vector<16xf32>
    %mul3A_1654 = arith.constant 5.000000e-01 : f32
    %mul3A_1655 = vector.broadcast %mul3A_1654 : f32 to vector<16xf32>
    %mul3A_1656 = arith.mulf %mul3A_1655, %max3A_1627 : vector<16xf32>
    %mul3A_1657 = arith.mulf %mul3A_1656, %mul3A_1653 : vector<16xf32>
    %mul3A_1658 = arith.mulf %mul3A_1657, %mul3A_1653 : vector<16xf32>
    %sub3A_1659 = arith.constant 1.500000e+00 : f32
    %sub3A_1660 = vector.broadcast %sub3A_1659 : f32 to vector<16xf32>
    %sub3A_1661 = arith.subf %sub3A_1660, %mul3A_1658 : vector<16xf32>
    %mul3A_1662 = arith.mulf %mul3A_1653, %sub3A_1661 : vector<16xf32>
    %mul3A_1663 = arith.mulf %max3A_1627, %mul3A_1662 : vector<16xf32>
    %sub3A_1664 = arith.subf %add3A_1619, %mul3A_1663 : vector<16xf32>
    %get3A_1665 = arith.constant 288 : index
    %get3A_1666 = tpu.vector_load %arg4[%get3A_1665] {strides = array<i32>} : memref<512xf32, #tpu.memory_space<vmem>>, vector<16xf32>,
    %get3A_1667 = arith.constant 288 : index
    %get3A_1668 = tpu.vector_load %arg5[%get3A_1667] {strides = array<i32>} : memref<512xf32, #tpu.memory_space<vmem>>, vector<16xf32>,
    %add3A_1669 = arith.addf %get3A_1666, %get3A_1668 : vector<16xf32>
    %max3A_1670 = arith.constant 1.000000e-30 : f32
    %max3A_1671 = vector.broadcast %max3A_1670 : f32 to vector<16xf32>
    %max3A_1672 = arith.maximumf %add3A_1669, %max3A_1671 : vector<16xf32>
    %bitcast_convert_type3A_1673 = tpu.bitcast %max3A_1672 : vector<16xf32> -> vector<16xi32>
    %shift_right_arithmetic3A_1674 = arith.constant 1 : i32
    %shift_right_arithmetic3A_1675 = vector.broadcast %shift_right_arithmetic3A_1674 : i32 to vector<16xi32>
    %shift_right_arithmetic3A_1676 = arith.shrsi %bitcast_convert_type3A_1673, %shift_right_arithmetic3A_1675 : vector<16xi32>
    %sub3A_1677 = arith.constant 1597463007 : i32
    %sub3A_1678 = vector.broadcast %sub3A_1677 : i32 to vector<16xi32>
    %sub3A_1679 = arith.subi %sub3A_1678, %shift_right_arithmetic3A_1676 : vector<16xi32>
    %bitcast_convert_type3A_1680 = tpu.bitcast %sub3A_1679 : vector<16xi32> -> vector<16xf32>
    %mul3A_1681 = arith.constant 5.000000e-01 : f32
    %mul3A_1682 = vector.broadcast %mul3A_1681 : f32 to vector<16xf32>
    %mul3A_1683 = arith.mulf %mul3A_1682, %max3A_1672 : vector<16xf32>
    %mul3A_1684 = arith.mulf %mul3A_1683, %bitcast_convert_type3A_1680 : vector<16xf32>
    %mul3A_1685 = arith.mulf %mul3A_1684, %bitcast_convert_type3A_1680 : vector<16xf32>
    %sub3A_1686 = arith.constant 1.500000e+00 : f32
    %sub3A_1687 = vector.broadcast %sub3A_1686 : f32 to vector<16xf32>
    %sub3A_1688 = arith.subf %sub3A_1687, %mul3A_1685 : vector<16xf32>
    %mul3A_1689 = arith.mulf %bitcast_convert_type3A_1680, %sub3A_1688 : vector<16xf32>
    %mul3A_1690 = arith.constant 5.000000e-01 : f32
    %mul3A_1691 = vector.broadcast %mul3A_1690 : f32 to vector<16xf32>
    %mul3A_1692 = arith.mulf %mul3A_1691, %max3A_1672 : vector<16xf32>
    %mul3A_1693 = arith.mulf %mul3A_1692, %mul3A_1689 : vector<16xf32>
    %mul3A_1694 = arith.mulf %mul3A_1693, %mul3A_1689 : vector<16xf32>
    %sub3A_1695 = arith.constant 1.500000e+00 : f32
    %sub3A_1696 = vector.broadcast %sub3A_1695 : f32 to vector<16xf32>
    %sub3A_1697 = arith.subf %sub3A_1696, %mul3A_1694 : vector<16xf32>
    %mul3A_1698 = arith.mulf %mul3A_1689, %sub3A_1697 : vector<16xf32>
    %mul3A_1699 = arith.constant 5.000000e-01 : f32
    %mul3A_1700 = vector.broadcast %mul3A_1699 : f32 to vector<16xf32>
    %mul3A_1701 = arith.mulf %mul3A_1700, %max3A_1672 : vector<16xf32>
    %mul3A_1702 = arith.mulf %mul3A_1701, %mul3A_1698 : vector<16xf32>
    %mul3A_1703 = arith.mulf %mul3A_1702, %mul3A_1698 : vector<16xf32>
    %sub3A_1704 = arith.constant 1.500000e+00 : f32
    %sub3A_1705 = vector.broadcast %sub3A_1704 : f32 to vector<16xf32>
    %sub3A_1706 = arith.subf %sub3A_1705, %mul3A_1703 : vector<16xf32>
    %mul3A_1707 = arith.mulf %mul3A_1698, %sub3A_1706 : vector<16xf32>
    %mul3A_1708 = arith.mulf %max3A_1672, %mul3A_1707 : vector<16xf32>
    %add3A_1709 = arith.addf %sub3A_1664, %mul3A_1708 : vector<16xf32>
    %get3A_1710 = arith.constant 288 : index
    %get3A_1711 = tpu.vector_load %arg6[%get3A_1710] {strides = array<i32>} : memref<512xf32, #tpu.memory_space<vmem>>, vector<16xf32>,
    %get3A_1712 = arith.constant 288 : index
    %get3A_1713 = tpu.vector_load %arg7[%get3A_1712] {strides = array<i32>} : memref<512xf32, #tpu.memory_space<vmem>>, vector<16xf32>,
    %add3A_1714 = arith.addf %get3A_1711, %get3A_1713 : vector<16xf32>
    %max3A_1715 = arith.constant 1.000000e-30 : f32
    %max3A_1716 = vector.broadcast %max3A_1715 : f32 to vector<16xf32>
    %max3A_1717 = arith.maximumf %add3A_1714, %max3A_1716 : vector<16xf32>
    %bitcast_convert_type3A_1718 = tpu.bitcast %max3A_1717 : vector<16xf32> -> vector<16xi32>
    %shift_right_arithmetic3A_1719 = arith.constant 1 : i32
    %shift_right_arithmetic3A_1720 = vector.broadcast %shift_right_arithmetic3A_1719 : i32 to vector<16xi32>
    %shift_right_arithmetic3A_1721 = arith.shrsi %bitcast_convert_type3A_1718, %shift_right_arithmetic3A_1720 : vector<16xi32>
    %sub3A_1722 = arith.constant 1597463007 : i32
    %sub3A_1723 = vector.broadcast %sub3A_1722 : i32 to vector<16xi32>
    %sub3A_1724 = arith.subi %sub3A_1723, %shift_right_arithmetic3A_1721 : vector<16xi32>
    %bitcast_convert_type3A_1725 = tpu.bitcast %sub3A_1724 : vector<16xi32> -> vector<16xf32>
    %mul3A_1726 = arith.constant 5.000000e-01 : f32
    %mul3A_1727 = vector.broadcast %mul3A_1726 : f32 to vector<16xf32>
    %mul3A_1728 = arith.mulf %mul3A_1727, %max3A_1717 : vector<16xf32>
    %mul3A_1729 = arith.mulf %mul3A_1728, %bitcast_convert_type3A_1725 : vector<16xf32>
    %mul3A_1730 = arith.mulf %mul3A_1729, %bitcast_convert_type3A_1725 : vector<16xf32>
    %sub3A_1731 = arith.constant 1.500000e+00 : f32
    %sub3A_1732 = vector.broadcast %sub3A_1731 : f32 to vector<16xf32>
    %sub3A_1733 = arith.subf %sub3A_1732, %mul3A_1730 : vector<16xf32>
    %mul3A_1734 = arith.mulf %bitcast_convert_type3A_1725, %sub3A_1733 : vector<16xf32>
    %mul3A_1735 = arith.constant 5.000000e-01 : f32
    %mul3A_1736 = vector.broadcast %mul3A_1735 : f32 to vector<16xf32>
    %mul3A_1737 = arith.mulf %mul3A_1736, %max3A_1717 : vector<16xf32>
    %mul3A_1738 = arith.mulf %mul3A_1737, %mul3A_1734 : vector<16xf32>
    %mul3A_1739 = arith.mulf %mul3A_1738, %mul3A_1734 : vector<16xf32>
    %sub3A_1740 = arith.constant 1.500000e+00 : f32
    %sub3A_1741 = vector.broadcast %sub3A_1740 : f32 to vector<16xf32>
    %sub3A_1742 = arith.subf %sub3A_1741, %mul3A_1739 : vector<16xf32>
    %mul3A_1743 = arith.mulf %mul3A_1734, %sub3A_1742 : vector<16xf32>
    %mul3A_1744 = arith.constant 5.000000e-01 : f32
    %mul3A_1745 = vector.broadcast %mul3A_1744 : f32 to vector<16xf32>
    %mul3A_1746 = arith.mulf %mul3A_1745, %max3A_1717 : vector<16xf32>
    %mul3A_1747 = arith.mulf %mul3A_1746, %mul3A_1743 : vector<16xf32>
    %mul3A_1748 = arith.mulf %mul3A_1747, %mul3A_1743 : vector<16xf32>
    %sub3A_1749 = arith.constant 1.500000e+00 : f32
    %sub3A_1750 = vector.broadcast %sub3A_1749 : f32 to vector<16xf32>
    %sub3A_1751 = arith.subf %sub3A_1750, %mul3A_1748 : vector<16xf32>
    %mul3A_1752 = arith.mulf %mul3A_1743, %sub3A_1751 : vector<16xf32>
    %mul3A_1753 = arith.mulf %max3A_1717, %mul3A_1752 : vector<16xf32>
    %sub3A_1754 = arith.subf %add3A_1709, %mul3A_1753 : vector<16xf32>
    %get3A_1755 = arith.constant 304 : index
    %get3A_1756 = tpu.vector_load %arg4[%get3A_1755] {strides = array<i32>} : memref<512xf32, #tpu.memory_space<vmem>>, vector<16xf32>,
    %get3A_1757 = arith.constant 304 : index
    %get3A_1758 = tpu.vector_load %arg5[%get3A_1757] {strides = array<i32>} : memref<512xf32, #tpu.memory_space<vmem>>, vector<16xf32>,
    %add3A_1759 = arith.addf %get3A_1756, %get3A_1758 : vector<16xf32>
    %max3A_1760 = arith.constant 1.000000e-30 : f32
    %max3A_1761 = vector.broadcast %max3A_1760 : f32 to vector<16xf32>
    %max3A_1762 = arith.maximumf %add3A_1759, %max3A_1761 : vector<16xf32>
    %bitcast_convert_type3A_1763 = tpu.bitcast %max3A_1762 : vector<16xf32> -> vector<16xi32>
    %shift_right_arithmetic3A_1764 = arith.constant 1 : i32
    %shift_right_arithmetic3A_1765 = vector.broadcast %shift_right_arithmetic3A_1764 : i32 to vector<16xi32>
    %shift_right_arithmetic3A_1766 = arith.shrsi %bitcast_convert_type3A_1763, %shift_right_arithmetic3A_1765 : vector<16xi32>
    %sub3A_1767 = arith.constant 1597463007 : i32
    %sub3A_1768 = vector.broadcast %sub3A_1767 : i32 to vector<16xi32>
    %sub3A_1769 = arith.subi %sub3A_1768, %shift_right_arithmetic3A_1766 : vector<16xi32>
    %bitcast_convert_type3A_1770 = tpu.bitcast %sub3A_1769 : vector<16xi32> -> vector<16xf32>
    %mul3A_1771 = arith.constant 5.000000e-01 : f32
    %mul3A_1772 = vector.broadcast %mul3A_1771 : f32 to vector<16xf32>
    %mul3A_1773 = arith.mulf %mul3A_1772, %max3A_1762 : vector<16xf32>
    %mul3A_1774 = arith.mulf %mul3A_1773, %bitcast_convert_type3A_1770 : vector<16xf32>
    %mul3A_1775 = arith.mulf %mul3A_1774, %bitcast_convert_type3A_1770 : vector<16xf32>
    %sub3A_1776 = arith.constant 1.500000e+00 : f32
    %sub3A_1777 = vector.broadcast %sub3A_1776 : f32 to vector<16xf32>
    %sub3A_1778 = arith.subf %sub3A_1777, %mul3A_1775 : vector<16xf32>
    %mul3A_1779 = arith.mulf %bitcast_convert_type3A_1770, %sub3A_1778 : vector<16xf32>
    %mul3A_1780 = arith.constant 5.000000e-01 : f32
    %mul3A_1781 = vector.broadcast %mul3A_1780 : f32 to vector<16xf32>
    %mul3A_1782 = arith.mulf %mul3A_1781, %max3A_1762 : vector<16xf32>
    %mul3A_1783 = arith.mulf %mul3A_1782, %mul3A_1779 : vector<16xf32>
    %mul3A_1784 = arith.mulf %mul3A_1783, %mul3A_1779 : vector<16xf32>
    %sub3A_1785 = arith.constant 1.500000e+00 : f32
    %sub3A_1786 = vector.broadcast %sub3A_1785 : f32 to vector<16xf32>
    %sub3A_1787 = arith.subf %sub3A_1786, %mul3A_1784 : vector<16xf32>
    %mul3A_1788 = arith.mulf %mul3A_1779, %sub3A_1787 : vector<16xf32>
    %mul3A_1789 = arith.constant 5.000000e-01 : f32
    %mul3A_1790 = vector.broadcast %mul3A_1789 : f32 to vector<16xf32>
    %mul3A_1791 = arith.mulf %mul3A_1790, %max3A_1762 : vector<16xf32>
    %mul3A_1792 = arith.mulf %mul3A_1791, %mul3A_1788 : vector<16xf32>
    %mul3A_1793 = arith.mulf %mul3A_1792, %mul3A_1788 : vector<16xf32>
    %sub3A_1794 = arith.constant 1.500000e+00 : f32
    %sub3A_1795 = vector.broadcast %sub3A_1794 : f32 to vector<16xf32>
    %sub3A_1796 = arith.subf %sub3A_1795, %mul3A_1793 : vector<16xf32>
    %mul3A_1797 = arith.mulf %mul3A_1788, %sub3A_1796 : vector<16xf32>
    %mul3A_1798 = arith.mulf %max3A_1762, %mul3A_1797 : vector<16xf32>
    %add3A_1799 = arith.addf %sub3A_1754, %mul3A_1798 : vector<16xf32>
    %get3A_1800 = arith.constant 304 : index
    %get3A_1801 = tpu.vector_load %arg6[%get3A_1800] {strides = array<i32>} : memref<512xf32, #tpu.memory_space<vmem>>, vector<16xf32>,
    %get3A_1802 = arith.constant 304 : index
    %get3A_1803 = tpu.vector_load %arg7[%get3A_1802] {strides = array<i32>} : memref<512xf32, #tpu.memory_space<vmem>>, vector<16xf32>,
    %add3A_1804 = arith.addf %get3A_1801, %get3A_1803 : vector<16xf32>
    %max3A_1805 = arith.constant 1.000000e-30 : f32
    %max3A_1806 = vector.broadcast %max3A_1805 : f32 to vector<16xf32>
    %max3A_1807 = arith.maximumf %add3A_1804, %max3A_1806 : vector<16xf32>
    %bitcast_convert_type3A_1808 = tpu.bitcast %max3A_1807 : vector<16xf32> -> vector<16xi32>
    %shift_right_arithmetic3A_1809 = arith.constant 1 : i32
    %shift_right_arithmetic3A_1810 = vector.broadcast %shift_right_arithmetic3A_1809 : i32 to vector<16xi32>
    %shift_right_arithmetic3A_1811 = arith.shrsi %bitcast_convert_type3A_1808, %shift_right_arithmetic3A_1810 : vector<16xi32>
    %sub3A_1812 = arith.constant 1597463007 : i32
    %sub3A_1813 = vector.broadcast %sub3A_1812 : i32 to vector<16xi32>
    %sub3A_1814 = arith.subi %sub3A_1813, %shift_right_arithmetic3A_1811 : vector<16xi32>
    %bitcast_convert_type3A_1815 = tpu.bitcast %sub3A_1814 : vector<16xi32> -> vector<16xf32>
    %mul3A_1816 = arith.constant 5.000000e-01 : f32
    %mul3A_1817 = vector.broadcast %mul3A_1816 : f32 to vector<16xf32>
    %mul3A_1818 = arith.mulf %mul3A_1817, %max3A_1807 : vector<16xf32>
    %mul3A_1819 = arith.mulf %mul3A_1818, %bitcast_convert_type3A_1815 : vector<16xf32>
    %mul3A_1820 = arith.mulf %mul3A_1819, %bitcast_convert_type3A_1815 : vector<16xf32>
    %sub3A_1821 = arith.constant 1.500000e+00 : f32
    %sub3A_1822 = vector.broadcast %sub3A_1821 : f32 to vector<16xf32>
    %sub3A_1823 = arith.subf %sub3A_1822, %mul3A_1820 : vector<16xf32>
    %mul3A_1824 = arith.mulf %bitcast_convert_type3A_1815, %sub3A_1823 : vector<16xf32>
    %mul3A_1825 = arith.constant 5.000000e-01 : f32
    %mul3A_1826 = vector.broadcast %mul3A_1825 : f32 to vector<16xf32>
    %mul3A_1827 = arith.mulf %mul3A_1826, %max3A_1807 : vector<16xf32>
    %mul3A_1828 = arith.mulf %mul3A_1827, %mul3A_1824 : vector<16xf32>
    %mul3A_1829 = arith.mulf %mul3A_1828, %mul3A_1824 : vector<16xf32>
    %sub3A_1830 = arith.constant 1.500000e+00 : f32
    %sub3A_1831 = vector.broadcast %sub3A_1830 : f32 to vector<16xf32>
    %sub3A_1832 = arith.subf %sub3A_1831, %mul3A_1829 : vector<16xf32>
    %mul3A_1833 = arith.mulf %mul3A_1824, %sub3A_1832 : vector<16xf32>
    %mul3A_1834 = arith.constant 5.000000e-01 : f32
    %mul3A_1835 = vector.broadcast %mul3A_1834 : f32 to vector<16xf32>
    %mul3A_1836 = arith.mulf %mul3A_1835, %max3A_1807 : vector<16xf32>
    %mul3A_1837 = arith.mulf %mul3A_1836, %mul3A_1833 : vector<16xf32>
    %mul3A_1838 = arith.mulf %mul3A_1837, %mul3A_1833 : vector<16xf32>
    %sub3A_1839 = arith.constant 1.500000e+00 : f32
    %sub3A_1840 = vector.broadcast %sub3A_1839 : f32 to vector<16xf32>
    %sub3A_1841 = arith.subf %sub3A_1840, %mul3A_1838 : vector<16xf32>
    %mul3A_1842 = arith.mulf %mul3A_1833, %sub3A_1841 : vector<16xf32>
    %mul3A_1843 = arith.mulf %max3A_1807, %mul3A_1842 : vector<16xf32>
    %sub3A_1844 = arith.subf %add3A_1799, %mul3A_1843 : vector<16xf32>
    %get3A_1845 = arith.constant 320 : index
    %get3A_1846 = tpu.vector_load %arg4[%get3A_1845] {strides = array<i32>} : memref<512xf32, #tpu.memory_space<vmem>>, vector<16xf32>,
    %get3A_1847 = arith.constant 320 : index
    %get3A_1848 = tpu.vector_load %arg5[%get3A_1847] {strides = array<i32>} : memref<512xf32, #tpu.memory_space<vmem>>, vector<16xf32>,
    %add3A_1849 = arith.addf %get3A_1846, %get3A_1848 : vector<16xf32>
    %max3A_1850 = arith.constant 1.000000e-30 : f32
    %max3A_1851 = vector.broadcast %max3A_1850 : f32 to vector<16xf32>
    %max3A_1852 = arith.maximumf %add3A_1849, %max3A_1851 : vector<16xf32>
    %bitcast_convert_type3A_1853 = tpu.bitcast %max3A_1852 : vector<16xf32> -> vector<16xi32>
    %shift_right_arithmetic3A_1854 = arith.constant 1 : i32
    %shift_right_arithmetic3A_1855 = vector.broadcast %shift_right_arithmetic3A_1854 : i32 to vector<16xi32>
    %shift_right_arithmetic3A_1856 = arith.shrsi %bitcast_convert_type3A_1853, %shift_right_arithmetic3A_1855 : vector<16xi32>
    %sub3A_1857 = arith.constant 1597463007 : i32
    %sub3A_1858 = vector.broadcast %sub3A_1857 : i32 to vector<16xi32>
    %sub3A_1859 = arith.subi %sub3A_1858, %shift_right_arithmetic3A_1856 : vector<16xi32>
    %bitcast_convert_type3A_1860 = tpu.bitcast %sub3A_1859 : vector<16xi32> -> vector<16xf32>
    %mul3A_1861 = arith.constant 5.000000e-01 : f32
    %mul3A_1862 = vector.broadcast %mul3A_1861 : f32 to vector<16xf32>
    %mul3A_1863 = arith.mulf %mul3A_1862, %max3A_1852 : vector<16xf32>
    %mul3A_1864 = arith.mulf %mul3A_1863, %bitcast_convert_type3A_1860 : vector<16xf32>
    %mul3A_1865 = arith.mulf %mul3A_1864, %bitcast_convert_type3A_1860 : vector<16xf32>
    %sub3A_1866 = arith.constant 1.500000e+00 : f32
    %sub3A_1867 = vector.broadcast %sub3A_1866 : f32 to vector<16xf32>
    %sub3A_1868 = arith.subf %sub3A_1867, %mul3A_1865 : vector<16xf32>
    %mul3A_1869 = arith.mulf %bitcast_convert_type3A_1860, %sub3A_1868 : vector<16xf32>
    %mul3A_1870 = arith.constant 5.000000e-01 : f32
    %mul3A_1871 = vector.broadcast %mul3A_1870 : f32 to vector<16xf32>
    %mul3A_1872 = arith.mulf %mul3A_1871, %max3A_1852 : vector<16xf32>
    %mul3A_1873 = arith.mulf %mul3A_1872, %mul3A_1869 : vector<16xf32>
    %mul3A_1874 = arith.mulf %mul3A_1873, %mul3A_1869 : vector<16xf32>
    %sub3A_1875 = arith.constant 1.500000e+00 : f32
    %sub3A_1876 = vector.broadcast %sub3A_1875 : f32 to vector<16xf32>
    %sub3A_1877 = arith.subf %sub3A_1876, %mul3A_1874 : vector<16xf32>
    %mul3A_1878 = arith.mulf %mul3A_1869, %sub3A_1877 : vector<16xf32>
    %mul3A_1879 = arith.constant 5.000000e-01 : f32
    %mul3A_1880 = vector.broadcast %mul3A_1879 : f32 to vector<16xf32>
    %mul3A_1881 = arith.mulf %mul3A_1880, %max3A_1852 : vector<16xf32>
    %mul3A_1882 = arith.mulf %mul3A_1881, %mul3A_1878 : vector<16xf32>
    %mul3A_1883 = arith.mulf %mul3A_1882, %mul3A_1878 : vector<16xf32>
    %sub3A_1884 = arith.constant 1.500000e+00 : f32
    %sub3A_1885 = vector.broadcast %sub3A_1884 : f32 to vector<16xf32>
    %sub3A_1886 = arith.subf %sub3A_1885, %mul3A_1883 : vector<16xf32>
    %mul3A_1887 = arith.mulf %mul3A_1878, %sub3A_1886 : vector<16xf32>
    %mul3A_1888 = arith.mulf %max3A_1852, %mul3A_1887 : vector<16xf32>
    %add3A_1889 = arith.addf %sub3A_1844, %mul3A_1888 : vector<16xf32>
    %get3A_1890 = arith.constant 320 : index
    %get3A_1891 = tpu.vector_load %arg6[%get3A_1890] {strides = array<i32>} : memref<512xf32, #tpu.memory_space<vmem>>, vector<16xf32>,
    %get3A_1892 = arith.constant 320 : index
    %get3A_1893 = tpu.vector_load %arg7[%get3A_1892] {strides = array<i32>} : memref<512xf32, #tpu.memory_space<vmem>>, vector<16xf32>,
    %add3A_1894 = arith.addf %get3A_1891, %get3A_1893 : vector<16xf32>
    %max3A_1895 = arith.constant 1.000000e-30 : f32
    %max3A_1896 = vector.broadcast %max3A_1895 : f32 to vector<16xf32>
    %max3A_1897 = arith.maximumf %add3A_1894, %max3A_1896 : vector<16xf32>
    %bitcast_convert_type3A_1898 = tpu.bitcast %max3A_1897 : vector<16xf32> -> vector<16xi32>
    %shift_right_arithmetic3A_1899 = arith.constant 1 : i32
    %shift_right_arithmetic3A_1900 = vector.broadcast %shift_right_arithmetic3A_1899 : i32 to vector<16xi32>
    %shift_right_arithmetic3A_1901 = arith.shrsi %bitcast_convert_type3A_1898, %shift_right_arithmetic3A_1900 : vector<16xi32>
    %sub3A_1902 = arith.constant 1597463007 : i32
    %sub3A_1903 = vector.broadcast %sub3A_1902 : i32 to vector<16xi32>
    %sub3A_1904 = arith.subi %sub3A_1903, %shift_right_arithmetic3A_1901 : vector<16xi32>
    %bitcast_convert_type3A_1905 = tpu.bitcast %sub3A_1904 : vector<16xi32> -> vector<16xf32>
    %mul3A_1906 = arith.constant 5.000000e-01 : f32
    %mul3A_1907 = vector.broadcast %mul3A_1906 : f32 to vector<16xf32>
    %mul3A_1908 = arith.mulf %mul3A_1907, %max3A_1897 : vector<16xf32>
    %mul3A_1909 = arith.mulf %mul3A_1908, %bitcast_convert_type3A_1905 : vector<16xf32>
    %mul3A_1910 = arith.mulf %mul3A_1909, %bitcast_convert_type3A_1905 : vector<16xf32>
    %sub3A_1911 = arith.constant 1.500000e+00 : f32
    %sub3A_1912 = vector.broadcast %sub3A_1911 : f32 to vector<16xf32>
    %sub3A_1913 = arith.subf %sub3A_1912, %mul3A_1910 : vector<16xf32>
    %mul3A_1914 = arith.mulf %bitcast_convert_type3A_1905, %sub3A_1913 : vector<16xf32>
    %mul3A_1915 = arith.constant 5.000000e-01 : f32
    %mul3A_1916 = vector.broadcast %mul3A_1915 : f32 to vector<16xf32>
    %mul3A_1917 = arith.mulf %mul3A_1916, %max3A_1897 : vector<16xf32>
    %mul3A_1918 = arith.mulf %mul3A_1917, %mul3A_1914 : vector<16xf32>
    %mul3A_1919 = arith.mulf %mul3A_1918, %mul3A_1914 : vector<16xf32>
    %sub3A_1920 = arith.constant 1.500000e+00 : f32
    %sub3A_1921 = vector.broadcast %sub3A_1920 : f32 to vector<16xf32>
    %sub3A_1922 = arith.subf %sub3A_1921, %mul3A_1919 : vector<16xf32>
    %mul3A_1923 = arith.mulf %mul3A_1914, %sub3A_1922 : vector<16xf32>
    %mul3A_1924 = arith.constant 5.000000e-01 : f32
    %mul3A_1925 = vector.broadcast %mul3A_1924 : f32 to vector<16xf32>
    %mul3A_1926 = arith.mulf %mul3A_1925, %max3A_1897 : vector<16xf32>
    %mul3A_1927 = arith.mulf %mul3A_1926, %mul3A_1923 : vector<16xf32>
    %mul3A_1928 = arith.mulf %mul3A_1927, %mul3A_1923 : vector<16xf32>
    %sub3A_1929 = arith.constant 1.500000e+00 : f32
    %sub3A_1930 = vector.broadcast %sub3A_1929 : f32 to vector<16xf32>
    %sub3A_1931 = arith.subf %sub3A_1930, %mul3A_1928 : vector<16xf32>
    %mul3A_1932 = arith.mulf %mul3A_1923, %sub3A_1931 : vector<16xf32>
    %mul3A_1933 = arith.mulf %max3A_1897, %mul3A_1932 : vector<16xf32>
    %sub3A_1934 = arith.subf %add3A_1889, %mul3A_1933 : vector<16xf32>
    %get3A_1935 = arith.constant 336 : index
    %get3A_1936 = tpu.vector_load %arg4[%get3A_1935] {strides = array<i32>} : memref<512xf32, #tpu.memory_space<vmem>>, vector<16xf32>,
    %get3A_1937 = arith.constant 336 : index
    %get3A_1938 = tpu.vector_load %arg5[%get3A_1937] {strides = array<i32>} : memref<512xf32, #tpu.memory_space<vmem>>, vector<16xf32>,
    %add3A_1939 = arith.addf %get3A_1936, %get3A_1938 : vector<16xf32>
    %max3A_1940 = arith.constant 1.000000e-30 : f32
    %max3A_1941 = vector.broadcast %max3A_1940 : f32 to vector<16xf32>
    %max3A_1942 = arith.maximumf %add3A_1939, %max3A_1941 : vector<16xf32>
    %bitcast_convert_type3A_1943 = tpu.bitcast %max3A_1942 : vector<16xf32> -> vector<16xi32>
    %shift_right_arithmetic3A_1944 = arith.constant 1 : i32
    %shift_right_arithmetic3A_1945 = vector.broadcast %shift_right_arithmetic3A_1944 : i32 to vector<16xi32>
    %shift_right_arithmetic3A_1946 = arith.shrsi %bitcast_convert_type3A_1943, %shift_right_arithmetic3A_1945 : vector<16xi32>
    %sub3A_1947 = arith.constant 1597463007 : i32
    %sub3A_1948 = vector.broadcast %sub3A_1947 : i32 to vector<16xi32>
    %sub3A_1949 = arith.subi %sub3A_1948, %shift_right_arithmetic3A_1946 : vector<16xi32>
    %bitcast_convert_type3A_1950 = tpu.bitcast %sub3A_1949 : vector<16xi32> -> vector<16xf32>
    %mul3A_1951 = arith.constant 5.000000e-01 : f32
    %mul3A_1952 = vector.broadcast %mul3A_1951 : f32 to vector<16xf32>
    %mul3A_1953 = arith.mulf %mul3A_1952, %max3A_1942 : vector<16xf32>
    %mul3A_1954 = arith.mulf %mul3A_1953, %bitcast_convert_type3A_1950 : vector<16xf32>
    %mul3A_1955 = arith.mulf %mul3A_1954, %bitcast_convert_type3A_1950 : vector<16xf32>
    %sub3A_1956 = arith.constant 1.500000e+00 : f32
    %sub3A_1957 = vector.broadcast %sub3A_1956 : f32 to vector<16xf32>
    %sub3A_1958 = arith.subf %sub3A_1957, %mul3A_1955 : vector<16xf32>
    %mul3A_1959 = arith.mulf %bitcast_convert_type3A_1950, %sub3A_1958 : vector<16xf32>
    %mul3A_1960 = arith.constant 5.000000e-01 : f32
    %mul3A_1961 = vector.broadcast %mul3A_1960 : f32 to vector<16xf32>
    %mul3A_1962 = arith.mulf %mul3A_1961, %max3A_1942 : vector<16xf32>
    %mul3A_1963 = arith.mulf %mul3A_1962, %mul3A_1959 : vector<16xf32>
    %mul3A_1964 = arith.mulf %mul3A_1963, %mul3A_1959 : vector<16xf32>
    %sub3A_1965 = arith.constant 1.500000e+00 : f32
    %sub3A_1966 = vector.broadcast %sub3A_1965 : f32 to vector<16xf32>
    %sub3A_1967 = arith.subf %sub3A_1966, %mul3A_1964 : vector<16xf32>
    %mul3A_1968 = arith.mulf %mul3A_1959, %sub3A_1967 : vector<16xf32>
    %mul3A_1969 = arith.constant 5.000000e-01 : f32
    %mul3A_1970 = vector.broadcast %mul3A_1969 : f32 to vector<16xf32>
    %mul3A_1971 = arith.mulf %mul3A_1970, %max3A_1942 : vector<16xf32>
    %mul3A_1972 = arith.mulf %mul3A_1971, %mul3A_1968 : vector<16xf32>
    %mul3A_1973 = arith.mulf %mul3A_1972, %mul3A_1968 : vector<16xf32>
    %sub3A_1974 = arith.constant 1.500000e+00 : f32
    %sub3A_1975 = vector.broadcast %sub3A_1974 : f32 to vector<16xf32>
    %sub3A_1976 = arith.subf %sub3A_1975, %mul3A_1973 : vector<16xf32>
    %mul3A_1977 = arith.mulf %mul3A_1968, %sub3A_1976 : vector<16xf32>
    %mul3A_1978 = arith.mulf %max3A_1942, %mul3A_1977 : vector<16xf32>
    %add3A_1979 = arith.addf %sub3A_1934, %mul3A_1978 : vector<16xf32>
    %get3A_1980 = arith.constant 336 : index
    %get3A_1981 = tpu.vector_load %arg6[%get3A_1980] {strides = array<i32>} : memref<512xf32, #tpu.memory_space<vmem>>, vector<16xf32>,
    %get3A_1982 = arith.constant 336 : index
    %get3A_1983 = tpu.vector_load %arg7[%get3A_1982] {strides = array<i32>} : memref<512xf32, #tpu.memory_space<vmem>>, vector<16xf32>,
    %add3A_1984 = arith.addf %get3A_1981, %get3A_1983 : vector<16xf32>
    %max3A_1985 = arith.constant 1.000000e-30 : f32
    %max3A_1986 = vector.broadcast %max3A_1985 : f32 to vector<16xf32>
    %max3A_1987 = arith.maximumf %add3A_1984, %max3A_1986 : vector<16xf32>
    %bitcast_convert_type3A_1988 = tpu.bitcast %max3A_1987 : vector<16xf32> -> vector<16xi32>
    %shift_right_arithmetic3A_1989 = arith.constant 1 : i32
    %shift_right_arithmetic3A_1990 = vector.broadcast %shift_right_arithmetic3A_1989 : i32 to vector<16xi32>
    %shift_right_arithmetic3A_1991 = arith.shrsi %bitcast_convert_type3A_1988, %shift_right_arithmetic3A_1990 : vector<16xi32>
    %sub3A_1992 = arith.constant 1597463007 : i32
    %sub3A_1993 = vector.broadcast %sub3A_1992 : i32 to vector<16xi32>
    %sub3A_1994 = arith.subi %sub3A_1993, %shift_right_arithmetic3A_1991 : vector<16xi32>
    %bitcast_convert_type3A_1995 = tpu.bitcast %sub3A_1994 : vector<16xi32> -> vector<16xf32>
    %mul3A_1996 = arith.constant 5.000000e-01 : f32
    %mul3A_1997 = vector.broadcast %mul3A_1996 : f32 to vector<16xf32>
    %mul3A_1998 = arith.mulf %mul3A_1997, %max3A_1987 : vector<16xf32>
    %mul3A_1999 = arith.mulf %mul3A_1998, %bitcast_convert_type3A_1995 : vector<16xf32>
    %mul3A_2000 = arith.mulf %mul3A_1999, %bitcast_convert_type3A_1995 : vector<16xf32>
    %sub3A_2001 = arith.constant 1.500000e+00 : f32
    %sub3A_2002 = vector.broadcast %sub3A_2001 : f32 to vector<16xf32>
    %sub3A_2003 = arith.subf %sub3A_2002, %mul3A_2000 : vector<16xf32>
    %mul3A_2004 = arith.mulf %bitcast_convert_type3A_1995, %sub3A_2003 : vector<16xf32>
    %mul3A_2005 = arith.constant 5.000000e-01 : f32
    %mul3A_2006 = vector.broadcast %mul3A_2005 : f32 to vector<16xf32>
    %mul3A_2007 = arith.mulf %mul3A_2006, %max3A_1987 : vector<16xf32>
    %mul3A_2008 = arith.mulf %mul3A_2007, %mul3A_2004 : vector<16xf32>
    %mul3A_2009 = arith.mulf %mul3A_2008, %mul3A_2004 : vector<16xf32>
    %sub3A_2010 = arith.constant 1.500000e+00 : f32
    %sub3A_2011 = vector.broadcast %sub3A_2010 : f32 to vector<16xf32>
    %sub3A_2012 = arith.subf %sub3A_2011, %mul3A_2009 : vector<16xf32>
    %mul3A_2013 = arith.mulf %mul3A_2004, %sub3A_2012 : vector<16xf32>
    %mul3A_2014 = arith.constant 5.000000e-01 : f32
    %mul3A_2015 = vector.broadcast %mul3A_2014 : f32 to vector<16xf32>
    %mul3A_2016 = arith.mulf %mul3A_2015, %max3A_1987 : vector<16xf32>
    %mul3A_2017 = arith.mulf %mul3A_2016, %mul3A_2013 : vector<16xf32>
    %mul3A_2018 = arith.mulf %mul3A_2017, %mul3A_2013 : vector<16xf32>
    %sub3A_2019 = arith.constant 1.500000e+00 : f32
    %sub3A_2020 = vector.broadcast %sub3A_2019 : f32 to vector<16xf32>
    %sub3A_2021 = arith.subf %sub3A_2020, %mul3A_2018 : vector<16xf32>
    %mul3A_2022 = arith.mulf %mul3A_2013, %sub3A_2021 : vector<16xf32>
    %mul3A_2023 = arith.mulf %max3A_1987, %mul3A_2022 : vector<16xf32>
    %sub3A_2024 = arith.subf %add3A_1979, %mul3A_2023 : vector<16xf32>
    %get3A_2025 = arith.constant 352 : index
    %get3A_2026 = tpu.vector_load %arg4[%get3A_2025] {strides = array<i32>} : memref<512xf32, #tpu.memory_space<vmem>>, vector<16xf32>,
    %get3A_2027 = arith.constant 352 : index
    %get3A_2028 = tpu.vector_load %arg5[%get3A_2027] {strides = array<i32>} : memref<512xf32, #tpu.memory_space<vmem>>, vector<16xf32>,
    %add3A_2029 = arith.addf %get3A_2026, %get3A_2028 : vector<16xf32>
    %max3A_2030 = arith.constant 1.000000e-30 : f32
    %max3A_2031 = vector.broadcast %max3A_2030 : f32 to vector<16xf32>
    %max3A_2032 = arith.maximumf %add3A_2029, %max3A_2031 : vector<16xf32>
    %bitcast_convert_type3A_2033 = tpu.bitcast %max3A_2032 : vector<16xf32> -> vector<16xi32>
    %shift_right_arithmetic3A_2034 = arith.constant 1 : i32
    %shift_right_arithmetic3A_2035 = vector.broadcast %shift_right_arithmetic3A_2034 : i32 to vector<16xi32>
    %shift_right_arithmetic3A_2036 = arith.shrsi %bitcast_convert_type3A_2033, %shift_right_arithmetic3A_2035 : vector<16xi32>
    %sub3A_2037 = arith.constant 1597463007 : i32
    %sub3A_2038 = vector.broadcast %sub3A_2037 : i32 to vector<16xi32>
    %sub3A_2039 = arith.subi %sub3A_2038, %shift_right_arithmetic3A_2036 : vector<16xi32>
    %bitcast_convert_type3A_2040 = tpu.bitcast %sub3A_2039 : vector<16xi32> -> vector<16xf32>
    %mul3A_2041 = arith.constant 5.000000e-01 : f32
    %mul3A_2042 = vector.broadcast %mul3A_2041 : f32 to vector<16xf32>
    %mul3A_2043 = arith.mulf %mul3A_2042, %max3A_2032 : vector<16xf32>
    %mul3A_2044 = arith.mulf %mul3A_2043, %bitcast_convert_type3A_2040 : vector<16xf32>
    %mul3A_2045 = arith.mulf %mul3A_2044, %bitcast_convert_type3A_2040 : vector<16xf32>
    %sub3A_2046 = arith.constant 1.500000e+00 : f32
    %sub3A_2047 = vector.broadcast %sub3A_2046 : f32 to vector<16xf32>
    %sub3A_2048 = arith.subf %sub3A_2047, %mul3A_2045 : vector<16xf32>
    %mul3A_2049 = arith.mulf %bitcast_convert_type3A_2040, %sub3A_2048 : vector<16xf32>
    %mul3A_2050 = arith.constant 5.000000e-01 : f32
    %mul3A_2051 = vector.broadcast %mul3A_2050 : f32 to vector<16xf32>
    %mul3A_2052 = arith.mulf %mul3A_2051, %max3A_2032 : vector<16xf32>
    %mul3A_2053 = arith.mulf %mul3A_2052, %mul3A_2049 : vector<16xf32>
    %mul3A_2054 = arith.mulf %mul3A_2053, %mul3A_2049 : vector<16xf32>
    %sub3A_2055 = arith.constant 1.500000e+00 : f32
    %sub3A_2056 = vector.broadcast %sub3A_2055 : f32 to vector<16xf32>
    %sub3A_2057 = arith.subf %sub3A_2056, %mul3A_2054 : vector<16xf32>
    %mul3A_2058 = arith.mulf %mul3A_2049, %sub3A_2057 : vector<16xf32>
    %mul3A_2059 = arith.constant 5.000000e-01 : f32
    %mul3A_2060 = vector.broadcast %mul3A_2059 : f32 to vector<16xf32>
    %mul3A_2061 = arith.mulf %mul3A_2060, %max3A_2032 : vector<16xf32>
    %mul3A_2062 = arith.mulf %mul3A_2061, %mul3A_2058 : vector<16xf32>
    %mul3A_2063 = arith.mulf %mul3A_2062, %mul3A_2058 : vector<16xf32>
    %sub3A_2064 = arith.constant 1.500000e+00 : f32
    %sub3A_2065 = vector.broadcast %sub3A_2064 : f32 to vector<16xf32>
    %sub3A_2066 = arith.subf %sub3A_2065, %mul3A_2063 : vector<16xf32>
    %mul3A_2067 = arith.mulf %mul3A_2058, %sub3A_2066 : vector<16xf32>
    %mul3A_2068 = arith.mulf %max3A_2032, %mul3A_2067 : vector<16xf32>
    %add3A_2069 = arith.addf %sub3A_2024, %mul3A_2068 : vector<16xf32>
    %get3A_2070 = arith.constant 352 : index
    %get3A_2071 = tpu.vector_load %arg6[%get3A_2070] {strides = array<i32>} : memref<512xf32, #tpu.memory_space<vmem>>, vector<16xf32>,
    %get3A_2072 = arith.constant 352 : index
    %get3A_2073 = tpu.vector_load %arg7[%get3A_2072] {strides = array<i32>} : memref<512xf32, #tpu.memory_space<vmem>>, vector<16xf32>,
    %add3A_2074 = arith.addf %get3A_2071, %get3A_2073 : vector<16xf32>
    %max3A_2075 = arith.constant 1.000000e-30 : f32
    %max3A_2076 = vector.broadcast %max3A_2075 : f32 to vector<16xf32>
    %max3A_2077 = arith.maximumf %add3A_2074, %max3A_2076 : vector<16xf32>
    %bitcast_convert_type3A_2078 = tpu.bitcast %max3A_2077 : vector<16xf32> -> vector<16xi32>
    %shift_right_arithmetic3A_2079 = arith.constant 1 : i32
    %shift_right_arithmetic3A_2080 = vector.broadcast %shift_right_arithmetic3A_2079 : i32 to vector<16xi32>
    %shift_right_arithmetic3A_2081 = arith.shrsi %bitcast_convert_type3A_2078, %shift_right_arithmetic3A_2080 : vector<16xi32>
    %sub3A_2082 = arith.constant 1597463007 : i32
    %sub3A_2083 = vector.broadcast %sub3A_2082 : i32 to vector<16xi32>
    %sub3A_2084 = arith.subi %sub3A_2083, %shift_right_arithmetic3A_2081 : vector<16xi32>
    %bitcast_convert_type3A_2085 = tpu.bitcast %sub3A_2084 : vector<16xi32> -> vector<16xf32>
    %mul3A_2086 = arith.constant 5.000000e-01 : f32
    %mul3A_2087 = vector.broadcast %mul3A_2086 : f32 to vector<16xf32>
    %mul3A_2088 = arith.mulf %mul3A_2087, %max3A_2077 : vector<16xf32>
    %mul3A_2089 = arith.mulf %mul3A_2088, %bitcast_convert_type3A_2085 : vector<16xf32>
    %mul3A_2090 = arith.mulf %mul3A_2089, %bitcast_convert_type3A_2085 : vector<16xf32>
    %sub3A_2091 = arith.constant 1.500000e+00 : f32
    %sub3A_2092 = vector.broadcast %sub3A_2091 : f32 to vector<16xf32>
    %sub3A_2093 = arith.subf %sub3A_2092, %mul3A_2090 : vector<16xf32>
    %mul3A_2094 = arith.mulf %bitcast_convert_type3A_2085, %sub3A_2093 : vector<16xf32>
    %mul3A_2095 = arith.constant 5.000000e-01 : f32
    %mul3A_2096 = vector.broadcast %mul3A_2095 : f32 to vector<16xf32>
    %mul3A_2097 = arith.mulf %mul3A_2096, %max3A_2077 : vector<16xf32>
    %mul3A_2098 = arith.mulf %mul3A_2097, %mul3A_2094 : vector<16xf32>
    %mul3A_2099 = arith.mulf %mul3A_2098, %mul3A_2094 : vector<16xf32>
    %sub3A_2100 = arith.constant 1.500000e+00 : f32
    %sub3A_2101 = vector.broadcast %sub3A_2100 : f32 to vector<16xf32>
    %sub3A_2102 = arith.subf %sub3A_2101, %mul3A_2099 : vector<16xf32>
    %mul3A_2103 = arith.mulf %mul3A_2094, %sub3A_2102 : vector<16xf32>
    %mul3A_2104 = arith.constant 5.000000e-01 : f32
    %mul3A_2105 = vector.broadcast %mul3A_2104 : f32 to vector<16xf32>
    %mul3A_2106 = arith.mulf %mul3A_2105, %max3A_2077 : vector<16xf32>
    %mul3A_2107 = arith.mulf %mul3A_2106, %mul3A_2103 : vector<16xf32>
    %mul3A_2108 = arith.mulf %mul3A_2107, %mul3A_2103 : vector<16xf32>
    %sub3A_2109 = arith.constant 1.500000e+00 : f32
    %sub3A_2110 = vector.broadcast %sub3A_2109 : f32 to vector<16xf32>
    %sub3A_2111 = arith.subf %sub3A_2110, %mul3A_2108 : vector<16xf32>
    %mul3A_2112 = arith.mulf %mul3A_2103, %sub3A_2111 : vector<16xf32>
    %mul3A_2113 = arith.mulf %max3A_2077, %mul3A_2112 : vector<16xf32>
    %sub3A_2114 = arith.subf %add3A_2069, %mul3A_2113 : vector<16xf32>
    %get3A_2115 = arith.constant 368 : index
    %get3A_2116 = tpu.vector_load %arg4[%get3A_2115] {strides = array<i32>} : memref<512xf32, #tpu.memory_space<vmem>>, vector<16xf32>,
    %get3A_2117 = arith.constant 368 : index
    %get3A_2118 = tpu.vector_load %arg5[%get3A_2117] {strides = array<i32>} : memref<512xf32, #tpu.memory_space<vmem>>, vector<16xf32>,
    %add3A_2119 = arith.addf %get3A_2116, %get3A_2118 : vector<16xf32>
    %max3A_2120 = arith.constant 1.000000e-30 : f32
    %max3A_2121 = vector.broadcast %max3A_2120 : f32 to vector<16xf32>
    %max3A_2122 = arith.maximumf %add3A_2119, %max3A_2121 : vector<16xf32>
    %bitcast_convert_type3A_2123 = tpu.bitcast %max3A_2122 : vector<16xf32> -> vector<16xi32>
    %shift_right_arithmetic3A_2124 = arith.constant 1 : i32
    %shift_right_arithmetic3A_2125 = vector.broadcast %shift_right_arithmetic3A_2124 : i32 to vector<16xi32>
    %shift_right_arithmetic3A_2126 = arith.shrsi %bitcast_convert_type3A_2123, %shift_right_arithmetic3A_2125 : vector<16xi32>
    %sub3A_2127 = arith.constant 1597463007 : i32
    %sub3A_2128 = vector.broadcast %sub3A_2127 : i32 to vector<16xi32>
    %sub3A_2129 = arith.subi %sub3A_2128, %shift_right_arithmetic3A_2126 : vector<16xi32>
    %bitcast_convert_type3A_2130 = tpu.bitcast %sub3A_2129 : vector<16xi32> -> vector<16xf32>
    %mul3A_2131 = arith.constant 5.000000e-01 : f32
    %mul3A_2132 = vector.broadcast %mul3A_2131 : f32 to vector<16xf32>
    %mul3A_2133 = arith.mulf %mul3A_2132, %max3A_2122 : vector<16xf32>
    %mul3A_2134 = arith.mulf %mul3A_2133, %bitcast_convert_type3A_2130 : vector<16xf32>
    %mul3A_2135 = arith.mulf %mul3A_2134, %bitcast_convert_type3A_2130 : vector<16xf32>
    %sub3A_2136 = arith.constant 1.500000e+00 : f32
    %sub3A_2137 = vector.broadcast %sub3A_2136 : f32 to vector<16xf32>
    %sub3A_2138 = arith.subf %sub3A_2137, %mul3A_2135 : vector<16xf32>
    %mul3A_2139 = arith.mulf %bitcast_convert_type3A_2130, %sub3A_2138 : vector<16xf32>
    %mul3A_2140 = arith.constant 5.000000e-01 : f32
    %mul3A_2141 = vector.broadcast %mul3A_2140 : f32 to vector<16xf32>
    %mul3A_2142 = arith.mulf %mul3A_2141, %max3A_2122 : vector<16xf32>
    %mul3A_2143 = arith.mulf %mul3A_2142, %mul3A_2139 : vector<16xf32>
    %mul3A_2144 = arith.mulf %mul3A_2143, %mul3A_2139 : vector<16xf32>
    %sub3A_2145 = arith.constant 1.500000e+00 : f32
    %sub3A_2146 = vector.broadcast %sub3A_2145 : f32 to vector<16xf32>
    %sub3A_2147 = arith.subf %sub3A_2146, %mul3A_2144 : vector<16xf32>
    %mul3A_2148 = arith.mulf %mul3A_2139, %sub3A_2147 : vector<16xf32>
    %mul3A_2149 = arith.constant 5.000000e-01 : f32
    %mul3A_2150 = vector.broadcast %mul3A_2149 : f32 to vector<16xf32>
    %mul3A_2151 = arith.mulf %mul3A_2150, %max3A_2122 : vector<16xf32>
    %mul3A_2152 = arith.mulf %mul3A_2151, %mul3A_2148 : vector<16xf32>
    %mul3A_2153 = arith.mulf %mul3A_2152, %mul3A_2148 : vector<16xf32>
    %sub3A_2154 = arith.constant 1.500000e+00 : f32
    %sub3A_2155 = vector.broadcast %sub3A_2154 : f32 to vector<16xf32>
    %sub3A_2156 = arith.subf %sub3A_2155, %mul3A_2153 : vector<16xf32>
    %mul3A_2157 = arith.mulf %mul3A_2148, %sub3A_2156 : vector<16xf32>
    %mul3A_2158 = arith.mulf %max3A_2122, %mul3A_2157 : vector<16xf32>
    %add3A_2159 = arith.addf %sub3A_2114, %mul3A_2158 : vector<16xf32>
    %get3A_2160 = arith.constant 368 : index
    %get3A_2161 = tpu.vector_load %arg6[%get3A_2160] {strides = array<i32>} : memref<512xf32, #tpu.memory_space<vmem>>, vector<16xf32>,
    %get3A_2162 = arith.constant 368 : index
    %get3A_2163 = tpu.vector_load %arg7[%get3A_2162] {strides = array<i32>} : memref<512xf32, #tpu.memory_space<vmem>>, vector<16xf32>,
    %add3A_2164 = arith.addf %get3A_2161, %get3A_2163 : vector<16xf32>
    %max3A_2165 = arith.constant 1.000000e-30 : f32
    %max3A_2166 = vector.broadcast %max3A_2165 : f32 to vector<16xf32>
    %max3A_2167 = arith.maximumf %add3A_2164, %max3A_2166 : vector<16xf32>
    %bitcast_convert_type3A_2168 = tpu.bitcast %max3A_2167 : vector<16xf32> -> vector<16xi32>
    %shift_right_arithmetic3A_2169 = arith.constant 1 : i32
    %shift_right_arithmetic3A_2170 = vector.broadcast %shift_right_arithmetic3A_2169 : i32 to vector<16xi32>
    %shift_right_arithmetic3A_2171 = arith.shrsi %bitcast_convert_type3A_2168, %shift_right_arithmetic3A_2170 : vector<16xi32>
    %sub3A_2172 = arith.constant 1597463007 : i32
    %sub3A_2173 = vector.broadcast %sub3A_2172 : i32 to vector<16xi32>
    %sub3A_2174 = arith.subi %sub3A_2173, %shift_right_arithmetic3A_2171 : vector<16xi32>
    %bitcast_convert_type3A_2175 = tpu.bitcast %sub3A_2174 : vector<16xi32> -> vector<16xf32>
    %mul3A_2176 = arith.constant 5.000000e-01 : f32
    %mul3A_2177 = vector.broadcast %mul3A_2176 : f32 to vector<16xf32>
    %mul3A_2178 = arith.mulf %mul3A_2177, %max3A_2167 : vector<16xf32>
    %mul3A_2179 = arith.mulf %mul3A_2178, %bitcast_convert_type3A_2175 : vector<16xf32>
    %mul3A_2180 = arith.mulf %mul3A_2179, %bitcast_convert_type3A_2175 : vector<16xf32>
    %sub3A_2181 = arith.constant 1.500000e+00 : f32
    %sub3A_2182 = vector.broadcast %sub3A_2181 : f32 to vector<16xf32>
    %sub3A_2183 = arith.subf %sub3A_2182, %mul3A_2180 : vector<16xf32>
    %mul3A_2184 = arith.mulf %bitcast_convert_type3A_2175, %sub3A_2183 : vector<16xf32>
    %mul3A_2185 = arith.constant 5.000000e-01 : f32
    %mul3A_2186 = vector.broadcast %mul3A_2185 : f32 to vector<16xf32>
    %mul3A_2187 = arith.mulf %mul3A_2186, %max3A_2167 : vector<16xf32>
    %mul3A_2188 = arith.mulf %mul3A_2187, %mul3A_2184 : vector<16xf32>
    %mul3A_2189 = arith.mulf %mul3A_2188, %mul3A_2184 : vector<16xf32>
    %sub3A_2190 = arith.constant 1.500000e+00 : f32
    %sub3A_2191 = vector.broadcast %sub3A_2190 : f32 to vector<16xf32>
    %sub3A_2192 = arith.subf %sub3A_2191, %mul3A_2189 : vector<16xf32>
    %mul3A_2193 = arith.mulf %mul3A_2184, %sub3A_2192 : vector<16xf32>
    %mul3A_2194 = arith.constant 5.000000e-01 : f32
    %mul3A_2195 = vector.broadcast %mul3A_2194 : f32 to vector<16xf32>
    %mul3A_2196 = arith.mulf %mul3A_2195, %max3A_2167 : vector<16xf32>
    %mul3A_2197 = arith.mulf %mul3A_2196, %mul3A_2193 : vector<16xf32>
    %mul3A_2198 = arith.mulf %mul3A_2197, %mul3A_2193 : vector<16xf32>
    %sub3A_2199 = arith.constant 1.500000e+00 : f32
    %sub3A_2200 = vector.broadcast %sub3A_2199 : f32 to vector<16xf32>
    %sub3A_2201 = arith.subf %sub3A_2200, %mul3A_2198 : vector<16xf32>
    %mul3A_2202 = arith.mulf %mul3A_2193, %sub3A_2201 : vector<16xf32>
    %mul3A_2203 = arith.mulf %max3A_2167, %mul3A_2202 : vector<16xf32>
    %sub3A_2204 = arith.subf %add3A_2159, %mul3A_2203 : vector<16xf32>
    %get3A_2205 = arith.constant 384 : index
    %get3A_2206 = tpu.vector_load %arg4[%get3A_2205] {strides = array<i32>} : memref<512xf32, #tpu.memory_space<vmem>>, vector<16xf32>,
    %get3A_2207 = arith.constant 384 : index
    %get3A_2208 = tpu.vector_load %arg5[%get3A_2207] {strides = array<i32>} : memref<512xf32, #tpu.memory_space<vmem>>, vector<16xf32>,
    %add3A_2209 = arith.addf %get3A_2206, %get3A_2208 : vector<16xf32>
    %max3A_2210 = arith.constant 1.000000e-30 : f32
    %max3A_2211 = vector.broadcast %max3A_2210 : f32 to vector<16xf32>
    %max3A_2212 = arith.maximumf %add3A_2209, %max3A_2211 : vector<16xf32>
    %bitcast_convert_type3A_2213 = tpu.bitcast %max3A_2212 : vector<16xf32> -> vector<16xi32>
    %shift_right_arithmetic3A_2214 = arith.constant 1 : i32
    %shift_right_arithmetic3A_2215 = vector.broadcast %shift_right_arithmetic3A_2214 : i32 to vector<16xi32>
    %shift_right_arithmetic3A_2216 = arith.shrsi %bitcast_convert_type3A_2213, %shift_right_arithmetic3A_2215 : vector<16xi32>
    %sub3A_2217 = arith.constant 1597463007 : i32
    %sub3A_2218 = vector.broadcast %sub3A_2217 : i32 to vector<16xi32>
    %sub3A_2219 = arith.subi %sub3A_2218, %shift_right_arithmetic3A_2216 : vector<16xi32>
    %bitcast_convert_type3A_2220 = tpu.bitcast %sub3A_2219 : vector<16xi32> -> vector<16xf32>
    %mul3A_2221 = arith.constant 5.000000e-01 : f32
    %mul3A_2222 = vector.broadcast %mul3A_2221 : f32 to vector<16xf32>
    %mul3A_2223 = arith.mulf %mul3A_2222, %max3A_2212 : vector<16xf32>
    %mul3A_2224 = arith.mulf %mul3A_2223, %bitcast_convert_type3A_2220 : vector<16xf32>
    %mul3A_2225 = arith.mulf %mul3A_2224, %bitcast_convert_type3A_2220 : vector<16xf32>
    %sub3A_2226 = arith.constant 1.500000e+00 : f32
    %sub3A_2227 = vector.broadcast %sub3A_2226 : f32 to vector<16xf32>
    %sub3A_2228 = arith.subf %sub3A_2227, %mul3A_2225 : vector<16xf32>
    %mul3A_2229 = arith.mulf %bitcast_convert_type3A_2220, %sub3A_2228 : vector<16xf32>
    %mul3A_2230 = arith.constant 5.000000e-01 : f32
    %mul3A_2231 = vector.broadcast %mul3A_2230 : f32 to vector<16xf32>
    %mul3A_2232 = arith.mulf %mul3A_2231, %max3A_2212 : vector<16xf32>
    %mul3A_2233 = arith.mulf %mul3A_2232, %mul3A_2229 : vector<16xf32>
    %mul3A_2234 = arith.mulf %mul3A_2233, %mul3A_2229 : vector<16xf32>
    %sub3A_2235 = arith.constant 1.500000e+00 : f32
    %sub3A_2236 = vector.broadcast %sub3A_2235 : f32 to vector<16xf32>
    %sub3A_2237 = arith.subf %sub3A_2236, %mul3A_2234 : vector<16xf32>
    %mul3A_2238 = arith.mulf %mul3A_2229, %sub3A_2237 : vector<16xf32>
    %mul3A_2239 = arith.constant 5.000000e-01 : f32
    %mul3A_2240 = vector.broadcast %mul3A_2239 : f32 to vector<16xf32>
    %mul3A_2241 = arith.mulf %mul3A_2240, %max3A_2212 : vector<16xf32>
    %mul3A_2242 = arith.mulf %mul3A_2241, %mul3A_2238 : vector<16xf32>
    %mul3A_2243 = arith.mulf %mul3A_2242, %mul3A_2238 : vector<16xf32>
    %sub3A_2244 = arith.constant 1.500000e+00 : f32
    %sub3A_2245 = vector.broadcast %sub3A_2244 : f32 to vector<16xf32>
    %sub3A_2246 = arith.subf %sub3A_2245, %mul3A_2243 : vector<16xf32>
    %mul3A_2247 = arith.mulf %mul3A_2238, %sub3A_2246 : vector<16xf32>
    %mul3A_2248 = arith.mulf %max3A_2212, %mul3A_2247 : vector<16xf32>
    %add3A_2249 = arith.addf %sub3A_2204, %mul3A_2248 : vector<16xf32>
    %get3A_2250 = arith.constant 384 : index
    %get3A_2251 = tpu.vector_load %arg6[%get3A_2250] {strides = array<i32>} : memref<512xf32, #tpu.memory_space<vmem>>, vector<16xf32>,
    %get3A_2252 = arith.constant 384 : index
    %get3A_2253 = tpu.vector_load %arg7[%get3A_2252] {strides = array<i32>} : memref<512xf32, #tpu.memory_space<vmem>>, vector<16xf32>,
    %add3A_2254 = arith.addf %get3A_2251, %get3A_2253 : vector<16xf32>
    %max3A_2255 = arith.constant 1.000000e-30 : f32
    %max3A_2256 = vector.broadcast %max3A_2255 : f32 to vector<16xf32>
    %max3A_2257 = arith.maximumf %add3A_2254, %max3A_2256 : vector<16xf32>
    %bitcast_convert_type3A_2258 = tpu.bitcast %max3A_2257 : vector<16xf32> -> vector<16xi32>
    %shift_right_arithmetic3A_2259 = arith.constant 1 : i32
    %shift_right_arithmetic3A_2260 = vector.broadcast %shift_right_arithmetic3A_2259 : i32 to vector<16xi32>
    %shift_right_arithmetic3A_2261 = arith.shrsi %bitcast_convert_type3A_2258, %shift_right_arithmetic3A_2260 : vector<16xi32>
    %sub3A_2262 = arith.constant 1597463007 : i32
    %sub3A_2263 = vector.broadcast %sub3A_2262 : i32 to vector<16xi32>
    %sub3A_2264 = arith.subi %sub3A_2263, %shift_right_arithmetic3A_2261 : vector<16xi32>
    %bitcast_convert_type3A_2265 = tpu.bitcast %sub3A_2264 : vector<16xi32> -> vector<16xf32>
    %mul3A_2266 = arith.constant 5.000000e-01 : f32
    %mul3A_2267 = vector.broadcast %mul3A_2266 : f32 to vector<16xf32>
    %mul3A_2268 = arith.mulf %mul3A_2267, %max3A_2257 : vector<16xf32>
    %mul3A_2269 = arith.mulf %mul3A_2268, %bitcast_convert_type3A_2265 : vector<16xf32>
    %mul3A_2270 = arith.mulf %mul3A_2269, %bitcast_convert_type3A_2265 : vector<16xf32>
    %sub3A_2271 = arith.constant 1.500000e+00 : f32
    %sub3A_2272 = vector.broadcast %sub3A_2271 : f32 to vector<16xf32>
    %sub3A_2273 = arith.subf %sub3A_2272, %mul3A_2270 : vector<16xf32>
    %mul3A_2274 = arith.mulf %bitcast_convert_type3A_2265, %sub3A_2273 : vector<16xf32>
    %mul3A_2275 = arith.constant 5.000000e-01 : f32
    %mul3A_2276 = vector.broadcast %mul3A_2275 : f32 to vector<16xf32>
    %mul3A_2277 = arith.mulf %mul3A_2276, %max3A_2257 : vector<16xf32>
    %mul3A_2278 = arith.mulf %mul3A_2277, %mul3A_2274 : vector<16xf32>
    %mul3A_2279 = arith.mulf %mul3A_2278, %mul3A_2274 : vector<16xf32>
    %sub3A_2280 = arith.constant 1.500000e+00 : f32
    %sub3A_2281 = vector.broadcast %sub3A_2280 : f32 to vector<16xf32>
    %sub3A_2282 = arith.subf %sub3A_2281, %mul3A_2279 : vector<16xf32>
    %mul3A_2283 = arith.mulf %mul3A_2274, %sub3A_2282 : vector<16xf32>
    %mul3A_2284 = arith.constant 5.000000e-01 : f32
    %mul3A_2285 = vector.broadcast %mul3A_2284 : f32 to vector<16xf32>
    %mul3A_2286 = arith.mulf %mul3A_2285, %max3A_2257 : vector<16xf32>
    %mul3A_2287 = arith.mulf %mul3A_2286, %mul3A_2283 : vector<16xf32>
    %mul3A_2288 = arith.mulf %mul3A_2287, %mul3A_2283 : vector<16xf32>
    %sub3A_2289 = arith.constant 1.500000e+00 : f32
    %sub3A_2290 = vector.broadcast %sub3A_2289 : f32 to vector<16xf32>
    %sub3A_2291 = arith.subf %sub3A_2290, %mul3A_2288 : vector<16xf32>
    %mul3A_2292 = arith.mulf %mul3A_2283, %sub3A_2291 : vector<16xf32>
    %mul3A_2293 = arith.mulf %max3A_2257, %mul3A_2292 : vector<16xf32>
    %sub3A_2294 = arith.subf %add3A_2249, %mul3A_2293 : vector<16xf32>
    %get3A_2295 = arith.constant 400 : index
    %get3A_2296 = tpu.vector_load %arg4[%get3A_2295] {strides = array<i32>} : memref<512xf32, #tpu.memory_space<vmem>>, vector<16xf32>,
    %get3A_2297 = arith.constant 400 : index
    %get3A_2298 = tpu.vector_load %arg5[%get3A_2297] {strides = array<i32>} : memref<512xf32, #tpu.memory_space<vmem>>, vector<16xf32>,
    %add3A_2299 = arith.addf %get3A_2296, %get3A_2298 : vector<16xf32>
    %max3A_2300 = arith.constant 1.000000e-30 : f32
    %max3A_2301 = vector.broadcast %max3A_2300 : f32 to vector<16xf32>
    %max3A_2302 = arith.maximumf %add3A_2299, %max3A_2301 : vector<16xf32>
    %bitcast_convert_type3A_2303 = tpu.bitcast %max3A_2302 : vector<16xf32> -> vector<16xi32>
    %shift_right_arithmetic3A_2304 = arith.constant 1 : i32
    %shift_right_arithmetic3A_2305 = vector.broadcast %shift_right_arithmetic3A_2304 : i32 to vector<16xi32>
    %shift_right_arithmetic3A_2306 = arith.shrsi %bitcast_convert_type3A_2303, %shift_right_arithmetic3A_2305 : vector<16xi32>
    %sub3A_2307 = arith.constant 1597463007 : i32
    %sub3A_2308 = vector.broadcast %sub3A_2307 : i32 to vector<16xi32>
    %sub3A_2309 = arith.subi %sub3A_2308, %shift_right_arithmetic3A_2306 : vector<16xi32>
    %bitcast_convert_type3A_2310 = tpu.bitcast %sub3A_2309 : vector<16xi32> -> vector<16xf32>
    %mul3A_2311 = arith.constant 5.000000e-01 : f32
    %mul3A_2312 = vector.broadcast %mul3A_2311 : f32 to vector<16xf32>
    %mul3A_2313 = arith.mulf %mul3A_2312, %max3A_2302 : vector<16xf32>
    %mul3A_2314 = arith.mulf %mul3A_2313, %bitcast_convert_type3A_2310 : vector<16xf32>
    %mul3A_2315 = arith.mulf %mul3A_2314, %bitcast_convert_type3A_2310 : vector<16xf32>
    %sub3A_2316 = arith.constant 1.500000e+00 : f32
    %sub3A_2317 = vector.broadcast %sub3A_2316 : f32 to vector<16xf32>
    %sub3A_2318 = arith.subf %sub3A_2317, %mul3A_2315 : vector<16xf32>
    %mul3A_2319 = arith.mulf %bitcast_convert_type3A_2310, %sub3A_2318 : vector<16xf32>
    %mul3A_2320 = arith.constant 5.000000e-01 : f32
    %mul3A_2321 = vector.broadcast %mul3A_2320 : f32 to vector<16xf32>
    %mul3A_2322 = arith.mulf %mul3A_2321, %max3A_2302 : vector<16xf32>
    %mul3A_2323 = arith.mulf %mul3A_2322, %mul3A_2319 : vector<16xf32>
    %mul3A_2324 = arith.mulf %mul3A_2323, %mul3A_2319 : vector<16xf32>
    %sub3A_2325 = arith.constant 1.500000e+00 : f32
    %sub3A_2326 = vector.broadcast %sub3A_2325 : f32 to vector<16xf32>
    %sub3A_2327 = arith.subf %sub3A_2326, %mul3A_2324 : vector<16xf32>
    %mul3A_2328 = arith.mulf %mul3A_2319, %sub3A_2327 : vector<16xf32>
    %mul3A_2329 = arith.constant 5.000000e-01 : f32
    %mul3A_2330 = vector.broadcast %mul3A_2329 : f32 to vector<16xf32>
    %mul3A_2331 = arith.mulf %mul3A_2330, %max3A_2302 : vector<16xf32>
    %mul3A_2332 = arith.mulf %mul3A_2331, %mul3A_2328 : vector<16xf32>
    %mul3A_2333 = arith.mulf %mul3A_2332, %mul3A_2328 : vector<16xf32>
    %sub3A_2334 = arith.constant 1.500000e+00 : f32
    %sub3A_2335 = vector.broadcast %sub3A_2334 : f32 to vector<16xf32>
    %sub3A_2336 = arith.subf %sub3A_2335, %mul3A_2333 : vector<16xf32>
    %mul3A_2337 = arith.mulf %mul3A_2328, %sub3A_2336 : vector<16xf32>
    %mul3A_2338 = arith.mulf %max3A_2302, %mul3A_2337 : vector<16xf32>
    %add3A_2339 = arith.addf %sub3A_2294, %mul3A_2338 : vector<16xf32>
    %get3A_2340 = arith.constant 400 : index
    %get3A_2341 = tpu.vector_load %arg6[%get3A_2340] {strides = array<i32>} : memref<512xf32, #tpu.memory_space<vmem>>, vector<16xf32>,
    %get3A_2342 = arith.constant 400 : index
    %get3A_2343 = tpu.vector_load %arg7[%get3A_2342] {strides = array<i32>} : memref<512xf32, #tpu.memory_space<vmem>>, vector<16xf32>,
    %add3A_2344 = arith.addf %get3A_2341, %get3A_2343 : vector<16xf32>
    %max3A_2345 = arith.constant 1.000000e-30 : f32
    %max3A_2346 = vector.broadcast %max3A_2345 : f32 to vector<16xf32>
    %max3A_2347 = arith.maximumf %add3A_2344, %max3A_2346 : vector<16xf32>
    %bitcast_convert_type3A_2348 = tpu.bitcast %max3A_2347 : vector<16xf32> -> vector<16xi32>
    %shift_right_arithmetic3A_2349 = arith.constant 1 : i32
    %shift_right_arithmetic3A_2350 = vector.broadcast %shift_right_arithmetic3A_2349 : i32 to vector<16xi32>
    %shift_right_arithmetic3A_2351 = arith.shrsi %bitcast_convert_type3A_2348, %shift_right_arithmetic3A_2350 : vector<16xi32>
    %sub3A_2352 = arith.constant 1597463007 : i32
    %sub3A_2353 = vector.broadcast %sub3A_2352 : i32 to vector<16xi32>
    %sub3A_2354 = arith.subi %sub3A_2353, %shift_right_arithmetic3A_2351 : vector<16xi32>
    %bitcast_convert_type3A_2355 = tpu.bitcast %sub3A_2354 : vector<16xi32> -> vector<16xf32>
    %mul3A_2356 = arith.constant 5.000000e-01 : f32
    %mul3A_2357 = vector.broadcast %mul3A_2356 : f32 to vector<16xf32>
    %mul3A_2358 = arith.mulf %mul3A_2357, %max3A_2347 : vector<16xf32>
    %mul3A_2359 = arith.mulf %mul3A_2358, %bitcast_convert_type3A_2355 : vector<16xf32>
    %mul3A_2360 = arith.mulf %mul3A_2359, %bitcast_convert_type3A_2355 : vector<16xf32>
    %sub3A_2361 = arith.constant 1.500000e+00 : f32
    %sub3A_2362 = vector.broadcast %sub3A_2361 : f32 to vector<16xf32>
    %sub3A_2363 = arith.subf %sub3A_2362, %mul3A_2360 : vector<16xf32>
    %mul3A_2364 = arith.mulf %bitcast_convert_type3A_2355, %sub3A_2363 : vector<16xf32>
    %mul3A_2365 = arith.constant 5.000000e-01 : f32
    %mul3A_2366 = vector.broadcast %mul3A_2365 : f32 to vector<16xf32>
    %mul3A_2367 = arith.mulf %mul3A_2366, %max3A_2347 : vector<16xf32>
    %mul3A_2368 = arith.mulf %mul3A_2367, %mul3A_2364 : vector<16xf32>
    %mul3A_2369 = arith.mulf %mul3A_2368, %mul3A_2364 : vector<16xf32>
    %sub3A_2370 = arith.constant 1.500000e+00 : f32
    %sub3A_2371 = vector.broadcast %sub3A_2370 : f32 to vector<16xf32>
    %sub3A_2372 = arith.subf %sub3A_2371, %mul3A_2369 : vector<16xf32>
    %mul3A_2373 = arith.mulf %mul3A_2364, %sub3A_2372 : vector<16xf32>
    %mul3A_2374 = arith.constant 5.000000e-01 : f32
    %mul3A_2375 = vector.broadcast %mul3A_2374 : f32 to vector<16xf32>
    %mul3A_2376 = arith.mulf %mul3A_2375, %max3A_2347 : vector<16xf32>
    %mul3A_2377 = arith.mulf %mul3A_2376, %mul3A_2373 : vector<16xf32>
    %mul3A_2378 = arith.mulf %mul3A_2377, %mul3A_2373 : vector<16xf32>
    %sub3A_2379 = arith.constant 1.500000e+00 : f32
    %sub3A_2380 = vector.broadcast %sub3A_2379 : f32 to vector<16xf32>
    %sub3A_2381 = arith.subf %sub3A_2380, %mul3A_2378 : vector<16xf32>
    %mul3A_2382 = arith.mulf %mul3A_2373, %sub3A_2381 : vector<16xf32>
    %mul3A_2383 = arith.mulf %max3A_2347, %mul3A_2382 : vector<16xf32>
    %sub3A_2384 = arith.subf %add3A_2339, %mul3A_2383 : vector<16xf32>
    %get3A_2385 = arith.constant 416 : index
    %get3A_2386 = tpu.vector_load %arg4[%get3A_2385] {strides = array<i32>} : memref<512xf32, #tpu.memory_space<vmem>>, vector<16xf32>,
    %get3A_2387 = arith.constant 416 : index
    %get3A_2388 = tpu.vector_load %arg5[%get3A_2387] {strides = array<i32>} : memref<512xf32, #tpu.memory_space<vmem>>, vector<16xf32>,
    %add3A_2389 = arith.addf %get3A_2386, %get3A_2388 : vector<16xf32>
    %max3A_2390 = arith.constant 1.000000e-30 : f32
    %max3A_2391 = vector.broadcast %max3A_2390 : f32 to vector<16xf32>
    %max3A_2392 = arith.maximumf %add3A_2389, %max3A_2391 : vector<16xf32>
    %bitcast_convert_type3A_2393 = tpu.bitcast %max3A_2392 : vector<16xf32> -> vector<16xi32>
    %shift_right_arithmetic3A_2394 = arith.constant 1 : i32
    %shift_right_arithmetic3A_2395 = vector.broadcast %shift_right_arithmetic3A_2394 : i32 to vector<16xi32>
    %shift_right_arithmetic3A_2396 = arith.shrsi %bitcast_convert_type3A_2393, %shift_right_arithmetic3A_2395 : vector<16xi32>
    %sub3A_2397 = arith.constant 1597463007 : i32
    %sub3A_2398 = vector.broadcast %sub3A_2397 : i32 to vector<16xi32>
    %sub3A_2399 = arith.subi %sub3A_2398, %shift_right_arithmetic3A_2396 : vector<16xi32>
    %bitcast_convert_type3A_2400 = tpu.bitcast %sub3A_2399 : vector<16xi32> -> vector<16xf32>
    %mul3A_2401 = arith.constant 5.000000e-01 : f32
    %mul3A_2402 = vector.broadcast %mul3A_2401 : f32 to vector<16xf32>
    %mul3A_2403 = arith.mulf %mul3A_2402, %max3A_2392 : vector<16xf32>
    %mul3A_2404 = arith.mulf %mul3A_2403, %bitcast_convert_type3A_2400 : vector<16xf32>
    %mul3A_2405 = arith.mulf %mul3A_2404, %bitcast_convert_type3A_2400 : vector<16xf32>
    %sub3A_2406 = arith.constant 1.500000e+00 : f32
    %sub3A_2407 = vector.broadcast %sub3A_2406 : f32 to vector<16xf32>
    %sub3A_2408 = arith.subf %sub3A_2407, %mul3A_2405 : vector<16xf32>
    %mul3A_2409 = arith.mulf %bitcast_convert_type3A_2400, %sub3A_2408 : vector<16xf32>
    %mul3A_2410 = arith.constant 5.000000e-01 : f32
    %mul3A_2411 = vector.broadcast %mul3A_2410 : f32 to vector<16xf32>
    %mul3A_2412 = arith.mulf %mul3A_2411, %max3A_2392 : vector<16xf32>
    %mul3A_2413 = arith.mulf %mul3A_2412, %mul3A_2409 : vector<16xf32>
    %mul3A_2414 = arith.mulf %mul3A_2413, %mul3A_2409 : vector<16xf32>
    %sub3A_2415 = arith.constant 1.500000e+00 : f32
    %sub3A_2416 = vector.broadcast %sub3A_2415 : f32 to vector<16xf32>
    %sub3A_2417 = arith.subf %sub3A_2416, %mul3A_2414 : vector<16xf32>
    %mul3A_2418 = arith.mulf %mul3A_2409, %sub3A_2417 : vector<16xf32>
    %mul3A_2419 = arith.constant 5.000000e-01 : f32
    %mul3A_2420 = vector.broadcast %mul3A_2419 : f32 to vector<16xf32>
    %mul3A_2421 = arith.mulf %mul3A_2420, %max3A_2392 : vector<16xf32>
    %mul3A_2422 = arith.mulf %mul3A_2421, %mul3A_2418 : vector<16xf32>
    %mul3A_2423 = arith.mulf %mul3A_2422, %mul3A_2418 : vector<16xf32>
    %sub3A_2424 = arith.constant 1.500000e+00 : f32
    %sub3A_2425 = vector.broadcast %sub3A_2424 : f32 to vector<16xf32>
    %sub3A_2426 = arith.subf %sub3A_2425, %mul3A_2423 : vector<16xf32>
    %mul3A_2427 = arith.mulf %mul3A_2418, %sub3A_2426 : vector<16xf32>
    %mul3A_2428 = arith.mulf %max3A_2392, %mul3A_2427 : vector<16xf32>
    %add3A_2429 = arith.addf %sub3A_2384, %mul3A_2428 : vector<16xf32>
    %get3A_2430 = arith.constant 416 : index
    %get3A_2431 = tpu.vector_load %arg6[%get3A_2430] {strides = array<i32>} : memref<512xf32, #tpu.memory_space<vmem>>, vector<16xf32>,
    %get3A_2432 = arith.constant 416 : index
    %get3A_2433 = tpu.vector_load %arg7[%get3A_2432] {strides = array<i32>} : memref<512xf32, #tpu.memory_space<vmem>>, vector<16xf32>,
    %add3A_2434 = arith.addf %get3A_2431, %get3A_2433 : vector<16xf32>
    %max3A_2435 = arith.constant 1.000000e-30 : f32
    %max3A_2436 = vector.broadcast %max3A_2435 : f32 to vector<16xf32>
    %max3A_2437 = arith.maximumf %add3A_2434, %max3A_2436 : vector<16xf32>
    %bitcast_convert_type3A_2438 = tpu.bitcast %max3A_2437 : vector<16xf32> -> vector<16xi32>
    %shift_right_arithmetic3A_2439 = arith.constant 1 : i32
    %shift_right_arithmetic3A_2440 = vector.broadcast %shift_right_arithmetic3A_2439 : i32 to vector<16xi32>
    %shift_right_arithmetic3A_2441 = arith.shrsi %bitcast_convert_type3A_2438, %shift_right_arithmetic3A_2440 : vector<16xi32>
    %sub3A_2442 = arith.constant 1597463007 : i32
    %sub3A_2443 = vector.broadcast %sub3A_2442 : i32 to vector<16xi32>
    %sub3A_2444 = arith.subi %sub3A_2443, %shift_right_arithmetic3A_2441 : vector<16xi32>
    %bitcast_convert_type3A_2445 = tpu.bitcast %sub3A_2444 : vector<16xi32> -> vector<16xf32>
    %mul3A_2446 = arith.constant 5.000000e-01 : f32
    %mul3A_2447 = vector.broadcast %mul3A_2446 : f32 to vector<16xf32>
    %mul3A_2448 = arith.mulf %mul3A_2447, %max3A_2437 : vector<16xf32>
    %mul3A_2449 = arith.mulf %mul3A_2448, %bitcast_convert_type3A_2445 : vector<16xf32>
    %mul3A_2450 = arith.mulf %mul3A_2449, %bitcast_convert_type3A_2445 : vector<16xf32>
    %sub3A_2451 = arith.constant 1.500000e+00 : f32
    %sub3A_2452 = vector.broadcast %sub3A_2451 : f32 to vector<16xf32>
    %sub3A_2453 = arith.subf %sub3A_2452, %mul3A_2450 : vector<16xf32>
    %mul3A_2454 = arith.mulf %bitcast_convert_type3A_2445, %sub3A_2453 : vector<16xf32>
    %mul3A_2455 = arith.constant 5.000000e-01 : f32
    %mul3A_2456 = vector.broadcast %mul3A_2455 : f32 to vector<16xf32>
    %mul3A_2457 = arith.mulf %mul3A_2456, %max3A_2437 : vector<16xf32>
    %mul3A_2458 = arith.mulf %mul3A_2457, %mul3A_2454 : vector<16xf32>
    %mul3A_2459 = arith.mulf %mul3A_2458, %mul3A_2454 : vector<16xf32>
    %sub3A_2460 = arith.constant 1.500000e+00 : f32
    %sub3A_2461 = vector.broadcast %sub3A_2460 : f32 to vector<16xf32>
    %sub3A_2462 = arith.subf %sub3A_2461, %mul3A_2459 : vector<16xf32>
    %mul3A_2463 = arith.mulf %mul3A_2454, %sub3A_2462 : vector<16xf32>
    %mul3A_2464 = arith.constant 5.000000e-01 : f32
    %mul3A_2465 = vector.broadcast %mul3A_2464 : f32 to vector<16xf32>
    %mul3A_2466 = arith.mulf %mul3A_2465, %max3A_2437 : vector<16xf32>
    %mul3A_2467 = arith.mulf %mul3A_2466, %mul3A_2463 : vector<16xf32>
    %mul3A_2468 = arith.mulf %mul3A_2467, %mul3A_2463 : vector<16xf32>
    %sub3A_2469 = arith.constant 1.500000e+00 : f32
    %sub3A_2470 = vector.broadcast %sub3A_2469 : f32 to vector<16xf32>
    %sub3A_2471 = arith.subf %sub3A_2470, %mul3A_2468 : vector<16xf32>
    %mul3A_2472 = arith.mulf %mul3A_2463, %sub3A_2471 : vector<16xf32>
    %mul3A_2473 = arith.mulf %max3A_2437, %mul3A_2472 : vector<16xf32>
    %sub3A_2474 = arith.subf %add3A_2429, %mul3A_2473 : vector<16xf32>
    %get3A_2475 = arith.constant 432 : index
    %get3A_2476 = tpu.vector_load %arg4[%get3A_2475] {strides = array<i32>} : memref<512xf32, #tpu.memory_space<vmem>>, vector<16xf32>,
    %get3A_2477 = arith.constant 432 : index
    %get3A_2478 = tpu.vector_load %arg5[%get3A_2477] {strides = array<i32>} : memref<512xf32, #tpu.memory_space<vmem>>, vector<16xf32>,
    %add3A_2479 = arith.addf %get3A_2476, %get3A_2478 : vector<16xf32>
    %max3A_2480 = arith.constant 1.000000e-30 : f32
    %max3A_2481 = vector.broadcast %max3A_2480 : f32 to vector<16xf32>
    %max3A_2482 = arith.maximumf %add3A_2479, %max3A_2481 : vector<16xf32>
    %bitcast_convert_type3A_2483 = tpu.bitcast %max3A_2482 : vector<16xf32> -> vector<16xi32>
    %shift_right_arithmetic3A_2484 = arith.constant 1 : i32
    %shift_right_arithmetic3A_2485 = vector.broadcast %shift_right_arithmetic3A_2484 : i32 to vector<16xi32>
    %shift_right_arithmetic3A_2486 = arith.shrsi %bitcast_convert_type3A_2483, %shift_right_arithmetic3A_2485 : vector<16xi32>
    %sub3A_2487 = arith.constant 1597463007 : i32
    %sub3A_2488 = vector.broadcast %sub3A_2487 : i32 to vector<16xi32>
    %sub3A_2489 = arith.subi %sub3A_2488, %shift_right_arithmetic3A_2486 : vector<16xi32>
    %bitcast_convert_type3A_2490 = tpu.bitcast %sub3A_2489 : vector<16xi32> -> vector<16xf32>
    %mul3A_2491 = arith.constant 5.000000e-01 : f32
    %mul3A_2492 = vector.broadcast %mul3A_2491 : f32 to vector<16xf32>
    %mul3A_2493 = arith.mulf %mul3A_2492, %max3A_2482 : vector<16xf32>
    %mul3A_2494 = arith.mulf %mul3A_2493, %bitcast_convert_type3A_2490 : vector<16xf32>
    %mul3A_2495 = arith.mulf %mul3A_2494, %bitcast_convert_type3A_2490 : vector<16xf32>
    %sub3A_2496 = arith.constant 1.500000e+00 : f32
    %sub3A_2497 = vector.broadcast %sub3A_2496 : f32 to vector<16xf32>
    %sub3A_2498 = arith.subf %sub3A_2497, %mul3A_2495 : vector<16xf32>
    %mul3A_2499 = arith.mulf %bitcast_convert_type3A_2490, %sub3A_2498 : vector<16xf32>
    %mul3A_2500 = arith.constant 5.000000e-01 : f32
    %mul3A_2501 = vector.broadcast %mul3A_2500 : f32 to vector<16xf32>
    %mul3A_2502 = arith.mulf %mul3A_2501, %max3A_2482 : vector<16xf32>
    %mul3A_2503 = arith.mulf %mul3A_2502, %mul3A_2499 : vector<16xf32>
    %mul3A_2504 = arith.mulf %mul3A_2503, %mul3A_2499 : vector<16xf32>
    %sub3A_2505 = arith.constant 1.500000e+00 : f32
    %sub3A_2506 = vector.broadcast %sub3A_2505 : f32 to vector<16xf32>
    %sub3A_2507 = arith.subf %sub3A_2506, %mul3A_2504 : vector<16xf32>
    %mul3A_2508 = arith.mulf %mul3A_2499, %sub3A_2507 : vector<16xf32>
    %mul3A_2509 = arith.constant 5.000000e-01 : f32
    %mul3A_2510 = vector.broadcast %mul3A_2509 : f32 to vector<16xf32>
    %mul3A_2511 = arith.mulf %mul3A_2510, %max3A_2482 : vector<16xf32>
    %mul3A_2512 = arith.mulf %mul3A_2511, %mul3A_2508 : vector<16xf32>
    %mul3A_2513 = arith.mulf %mul3A_2512, %mul3A_2508 : vector<16xf32>
    %sub3A_2514 = arith.constant 1.500000e+00 : f32
    %sub3A_2515 = vector.broadcast %sub3A_2514 : f32 to vector<16xf32>
    %sub3A_2516 = arith.subf %sub3A_2515, %mul3A_2513 : vector<16xf32>
    %mul3A_2517 = arith.mulf %mul3A_2508, %sub3A_2516 : vector<16xf32>
    %mul3A_2518 = arith.mulf %max3A_2482, %mul3A_2517 : vector<16xf32>
    %add3A_2519 = arith.addf %sub3A_2474, %mul3A_2518 : vector<16xf32>
    %get3A_2520 = arith.constant 432 : index
    %get3A_2521 = tpu.vector_load %arg6[%get3A_2520] {strides = array<i32>} : memref<512xf32, #tpu.memory_space<vmem>>, vector<16xf32>,
    %get3A_2522 = arith.constant 432 : index
    %get3A_2523 = tpu.vector_load %arg7[%get3A_2522] {strides = array<i32>} : memref<512xf32, #tpu.memory_space<vmem>>, vector<16xf32>,
    %add3A_2524 = arith.addf %get3A_2521, %get3A_2523 : vector<16xf32>
    %max3A_2525 = arith.constant 1.000000e-30 : f32
    %max3A_2526 = vector.broadcast %max3A_2525 : f32 to vector<16xf32>
    %max3A_2527 = arith.maximumf %add3A_2524, %max3A_2526 : vector<16xf32>
    %bitcast_convert_type3A_2528 = tpu.bitcast %max3A_2527 : vector<16xf32> -> vector<16xi32>
    %shift_right_arithmetic3A_2529 = arith.constant 1 : i32
    %shift_right_arithmetic3A_2530 = vector.broadcast %shift_right_arithmetic3A_2529 : i32 to vector<16xi32>
    %shift_right_arithmetic3A_2531 = arith.shrsi %bitcast_convert_type3A_2528, %shift_right_arithmetic3A_2530 : vector<16xi32>
    %sub3A_2532 = arith.constant 1597463007 : i32
    %sub3A_2533 = vector.broadcast %sub3A_2532 : i32 to vector<16xi32>
    %sub3A_2534 = arith.subi %sub3A_2533, %shift_right_arithmetic3A_2531 : vector<16xi32>
    %bitcast_convert_type3A_2535 = tpu.bitcast %sub3A_2534 : vector<16xi32> -> vector<16xf32>
    %mul3A_2536 = arith.constant 5.000000e-01 : f32
    %mul3A_2537 = vector.broadcast %mul3A_2536 : f32 to vector<16xf32>
    %mul3A_2538 = arith.mulf %mul3A_2537, %max3A_2527 : vector<16xf32>
    %mul3A_2539 = arith.mulf %mul3A_2538, %bitcast_convert_type3A_2535 : vector<16xf32>
    %mul3A_2540 = arith.mulf %mul3A_2539, %bitcast_convert_type3A_2535 : vector<16xf32>
    %sub3A_2541 = arith.constant 1.500000e+00 : f32
    %sub3A_2542 = vector.broadcast %sub3A_2541 : f32 to vector<16xf32>
    %sub3A_2543 = arith.subf %sub3A_2542, %mul3A_2540 : vector<16xf32>
    %mul3A_2544 = arith.mulf %bitcast_convert_type3A_2535, %sub3A_2543 : vector<16xf32>
    %mul3A_2545 = arith.constant 5.000000e-01 : f32
    %mul3A_2546 = vector.broadcast %mul3A_2545 : f32 to vector<16xf32>
    %mul3A_2547 = arith.mulf %mul3A_2546, %max3A_2527 : vector<16xf32>
    %mul3A_2548 = arith.mulf %mul3A_2547, %mul3A_2544 : vector<16xf32>
    %mul3A_2549 = arith.mulf %mul3A_2548, %mul3A_2544 : vector<16xf32>
    %sub3A_2550 = arith.constant 1.500000e+00 : f32
    %sub3A_2551 = vector.broadcast %sub3A_2550 : f32 to vector<16xf32>
    %sub3A_2552 = arith.subf %sub3A_2551, %mul3A_2549 : vector<16xf32>
    %mul3A_2553 = arith.mulf %mul3A_2544, %sub3A_2552 : vector<16xf32>
    %mul3A_2554 = arith.constant 5.000000e-01 : f32
    %mul3A_2555 = vector.broadcast %mul3A_2554 : f32 to vector<16xf32>
    %mul3A_2556 = arith.mulf %mul3A_2555, %max3A_2527 : vector<16xf32>
    %mul3A_2557 = arith.mulf %mul3A_2556, %mul3A_2553 : vector<16xf32>
    %mul3A_2558 = arith.mulf %mul3A_2557, %mul3A_2553 : vector<16xf32>
    %sub3A_2559 = arith.constant 1.500000e+00 : f32
    %sub3A_2560 = vector.broadcast %sub3A_2559 : f32 to vector<16xf32>
    %sub3A_2561 = arith.subf %sub3A_2560, %mul3A_2558 : vector<16xf32>
    %mul3A_2562 = arith.mulf %mul3A_2553, %sub3A_2561 : vector<16xf32>
    %mul3A_2563 = arith.mulf %max3A_2527, %mul3A_2562 : vector<16xf32>
    %sub3A_2564 = arith.subf %add3A_2519, %mul3A_2563 : vector<16xf32>
    %get3A_2565 = arith.constant 448 : index
    %get3A_2566 = tpu.vector_load %arg4[%get3A_2565] {strides = array<i32>} : memref<512xf32, #tpu.memory_space<vmem>>, vector<16xf32>,
    %get3A_2567 = arith.constant 448 : index
    %get3A_2568 = tpu.vector_load %arg5[%get3A_2567] {strides = array<i32>} : memref<512xf32, #tpu.memory_space<vmem>>, vector<16xf32>,
    %add3A_2569 = arith.addf %get3A_2566, %get3A_2568 : vector<16xf32>
    %max3A_2570 = arith.constant 1.000000e-30 : f32
    %max3A_2571 = vector.broadcast %max3A_2570 : f32 to vector<16xf32>
    %max3A_2572 = arith.maximumf %add3A_2569, %max3A_2571 : vector<16xf32>
    %bitcast_convert_type3A_2573 = tpu.bitcast %max3A_2572 : vector<16xf32> -> vector<16xi32>
    %shift_right_arithmetic3A_2574 = arith.constant 1 : i32
    %shift_right_arithmetic3A_2575 = vector.broadcast %shift_right_arithmetic3A_2574 : i32 to vector<16xi32>
    %shift_right_arithmetic3A_2576 = arith.shrsi %bitcast_convert_type3A_2573, %shift_right_arithmetic3A_2575 : vector<16xi32>
    %sub3A_2577 = arith.constant 1597463007 : i32
    %sub3A_2578 = vector.broadcast %sub3A_2577 : i32 to vector<16xi32>
    %sub3A_2579 = arith.subi %sub3A_2578, %shift_right_arithmetic3A_2576 : vector<16xi32>
    %bitcast_convert_type3A_2580 = tpu.bitcast %sub3A_2579 : vector<16xi32> -> vector<16xf32>
    %mul3A_2581 = arith.constant 5.000000e-01 : f32
    %mul3A_2582 = vector.broadcast %mul3A_2581 : f32 to vector<16xf32>
    %mul3A_2583 = arith.mulf %mul3A_2582, %max3A_2572 : vector<16xf32>
    %mul3A_2584 = arith.mulf %mul3A_2583, %bitcast_convert_type3A_2580 : vector<16xf32>
    %mul3A_2585 = arith.mulf %mul3A_2584, %bitcast_convert_type3A_2580 : vector<16xf32>
    %sub3A_2586 = arith.constant 1.500000e+00 : f32
    %sub3A_2587 = vector.broadcast %sub3A_2586 : f32 to vector<16xf32>
    %sub3A_2588 = arith.subf %sub3A_2587, %mul3A_2585 : vector<16xf32>
    %mul3A_2589 = arith.mulf %bitcast_convert_type3A_2580, %sub3A_2588 : vector<16xf32>
    %mul3A_2590 = arith.constant 5.000000e-01 : f32
    %mul3A_2591 = vector.broadcast %mul3A_2590 : f32 to vector<16xf32>
    %mul3A_2592 = arith.mulf %mul3A_2591, %max3A_2572 : vector<16xf32>
    %mul3A_2593 = arith.mulf %mul3A_2592, %mul3A_2589 : vector<16xf32>
    %mul3A_2594 = arith.mulf %mul3A_2593, %mul3A_2589 : vector<16xf32>
    %sub3A_2595 = arith.constant 1.500000e+00 : f32
    %sub3A_2596 = vector.broadcast %sub3A_2595 : f32 to vector<16xf32>
    %sub3A_2597 = arith.subf %sub3A_2596, %mul3A_2594 : vector<16xf32>
    %mul3A_2598 = arith.mulf %mul3A_2589, %sub3A_2597 : vector<16xf32>
    %mul3A_2599 = arith.constant 5.000000e-01 : f32
    %mul3A_2600 = vector.broadcast %mul3A_2599 : f32 to vector<16xf32>
    %mul3A_2601 = arith.mulf %mul3A_2600, %max3A_2572 : vector<16xf32>
    %mul3A_2602 = arith.mulf %mul3A_2601, %mul3A_2598 : vector<16xf32>
    %mul3A_2603 = arith.mulf %mul3A_2602, %mul3A_2598 : vector<16xf32>
    %sub3A_2604 = arith.constant 1.500000e+00 : f32
    %sub3A_2605 = vector.broadcast %sub3A_2604 : f32 to vector<16xf32>
    %sub3A_2606 = arith.subf %sub3A_2605, %mul3A_2603 : vector<16xf32>
    %mul3A_2607 = arith.mulf %mul3A_2598, %sub3A_2606 : vector<16xf32>
    %mul3A_2608 = arith.mulf %max3A_2572, %mul3A_2607 : vector<16xf32>
    %add3A_2609 = arith.addf %sub3A_2564, %mul3A_2608 : vector<16xf32>
    %get3A_2610 = arith.constant 448 : index
    %get3A_2611 = tpu.vector_load %arg6[%get3A_2610] {strides = array<i32>} : memref<512xf32, #tpu.memory_space<vmem>>, vector<16xf32>,
    %get3A_2612 = arith.constant 448 : index
    %get3A_2613 = tpu.vector_load %arg7[%get3A_2612] {strides = array<i32>} : memref<512xf32, #tpu.memory_space<vmem>>, vector<16xf32>,
    %add3A_2614 = arith.addf %get3A_2611, %get3A_2613 : vector<16xf32>
    %max3A_2615 = arith.constant 1.000000e-30 : f32
    %max3A_2616 = vector.broadcast %max3A_2615 : f32 to vector<16xf32>
    %max3A_2617 = arith.maximumf %add3A_2614, %max3A_2616 : vector<16xf32>
    %bitcast_convert_type3A_2618 = tpu.bitcast %max3A_2617 : vector<16xf32> -> vector<16xi32>
    %shift_right_arithmetic3A_2619 = arith.constant 1 : i32
    %shift_right_arithmetic3A_2620 = vector.broadcast %shift_right_arithmetic3A_2619 : i32 to vector<16xi32>
    %shift_right_arithmetic3A_2621 = arith.shrsi %bitcast_convert_type3A_2618, %shift_right_arithmetic3A_2620 : vector<16xi32>
    %sub3A_2622 = arith.constant 1597463007 : i32
    %sub3A_2623 = vector.broadcast %sub3A_2622 : i32 to vector<16xi32>
    %sub3A_2624 = arith.subi %sub3A_2623, %shift_right_arithmetic3A_2621 : vector<16xi32>
    %bitcast_convert_type3A_2625 = tpu.bitcast %sub3A_2624 : vector<16xi32> -> vector<16xf32>
    %mul3A_2626 = arith.constant 5.000000e-01 : f32
    %mul3A_2627 = vector.broadcast %mul3A_2626 : f32 to vector<16xf32>
    %mul3A_2628 = arith.mulf %mul3A_2627, %max3A_2617 : vector<16xf32>
    %mul3A_2629 = arith.mulf %mul3A_2628, %bitcast_convert_type3A_2625 : vector<16xf32>
    %mul3A_2630 = arith.mulf %mul3A_2629, %bitcast_convert_type3A_2625 : vector<16xf32>
    %sub3A_2631 = arith.constant 1.500000e+00 : f32
    %sub3A_2632 = vector.broadcast %sub3A_2631 : f32 to vector<16xf32>
    %sub3A_2633 = arith.subf %sub3A_2632, %mul3A_2630 : vector<16xf32>
    %mul3A_2634 = arith.mulf %bitcast_convert_type3A_2625, %sub3A_2633 : vector<16xf32>
    %mul3A_2635 = arith.constant 5.000000e-01 : f32
    %mul3A_2636 = vector.broadcast %mul3A_2635 : f32 to vector<16xf32>
    %mul3A_2637 = arith.mulf %mul3A_2636, %max3A_2617 : vector<16xf32>
    %mul3A_2638 = arith.mulf %mul3A_2637, %mul3A_2634 : vector<16xf32>
    %mul3A_2639 = arith.mulf %mul3A_2638, %mul3A_2634 : vector<16xf32>
    %sub3A_2640 = arith.constant 1.500000e+00 : f32
    %sub3A_2641 = vector.broadcast %sub3A_2640 : f32 to vector<16xf32>
    %sub3A_2642 = arith.subf %sub3A_2641, %mul3A_2639 : vector<16xf32>
    %mul3A_2643 = arith.mulf %mul3A_2634, %sub3A_2642 : vector<16xf32>
    %mul3A_2644 = arith.constant 5.000000e-01 : f32
    %mul3A_2645 = vector.broadcast %mul3A_2644 : f32 to vector<16xf32>
    %mul3A_2646 = arith.mulf %mul3A_2645, %max3A_2617 : vector<16xf32>
    %mul3A_2647 = arith.mulf %mul3A_2646, %mul3A_2643 : vector<16xf32>
    %mul3A_2648 = arith.mulf %mul3A_2647, %mul3A_2643 : vector<16xf32>
    %sub3A_2649 = arith.constant 1.500000e+00 : f32
    %sub3A_2650 = vector.broadcast %sub3A_2649 : f32 to vector<16xf32>
    %sub3A_2651 = arith.subf %sub3A_2650, %mul3A_2648 : vector<16xf32>
    %mul3A_2652 = arith.mulf %mul3A_2643, %sub3A_2651 : vector<16xf32>
    %mul3A_2653 = arith.mulf %max3A_2617, %mul3A_2652 : vector<16xf32>
    %sub3A_2654 = arith.subf %add3A_2609, %mul3A_2653 : vector<16xf32>
    %get3A_2655 = arith.constant 464 : index
    %get3A_2656 = tpu.vector_load %arg4[%get3A_2655] {strides = array<i32>} : memref<512xf32, #tpu.memory_space<vmem>>, vector<16xf32>,
    %get3A_2657 = arith.constant 464 : index
    %get3A_2658 = tpu.vector_load %arg5[%get3A_2657] {strides = array<i32>} : memref<512xf32, #tpu.memory_space<vmem>>, vector<16xf32>,
    %add3A_2659 = arith.addf %get3A_2656, %get3A_2658 : vector<16xf32>
    %max3A_2660 = arith.constant 1.000000e-30 : f32
    %max3A_2661 = vector.broadcast %max3A_2660 : f32 to vector<16xf32>
    %max3A_2662 = arith.maximumf %add3A_2659, %max3A_2661 : vector<16xf32>
    %bitcast_convert_type3A_2663 = tpu.bitcast %max3A_2662 : vector<16xf32> -> vector<16xi32>
    %shift_right_arithmetic3A_2664 = arith.constant 1 : i32
    %shift_right_arithmetic3A_2665 = vector.broadcast %shift_right_arithmetic3A_2664 : i32 to vector<16xi32>
    %shift_right_arithmetic3A_2666 = arith.shrsi %bitcast_convert_type3A_2663, %shift_right_arithmetic3A_2665 : vector<16xi32>
    %sub3A_2667 = arith.constant 1597463007 : i32
    %sub3A_2668 = vector.broadcast %sub3A_2667 : i32 to vector<16xi32>
    %sub3A_2669 = arith.subi %sub3A_2668, %shift_right_arithmetic3A_2666 : vector<16xi32>
    %bitcast_convert_type3A_2670 = tpu.bitcast %sub3A_2669 : vector<16xi32> -> vector<16xf32>
    %mul3A_2671 = arith.constant 5.000000e-01 : f32
    %mul3A_2672 = vector.broadcast %mul3A_2671 : f32 to vector<16xf32>
    %mul3A_2673 = arith.mulf %mul3A_2672, %max3A_2662 : vector<16xf32>
    %mul3A_2674 = arith.mulf %mul3A_2673, %bitcast_convert_type3A_2670 : vector<16xf32>
    %mul3A_2675 = arith.mulf %mul3A_2674, %bitcast_convert_type3A_2670 : vector<16xf32>
    %sub3A_2676 = arith.constant 1.500000e+00 : f32
    %sub3A_2677 = vector.broadcast %sub3A_2676 : f32 to vector<16xf32>
    %sub3A_2678 = arith.subf %sub3A_2677, %mul3A_2675 : vector<16xf32>
    %mul3A_2679 = arith.mulf %bitcast_convert_type3A_2670, %sub3A_2678 : vector<16xf32>
    %mul3A_2680 = arith.constant 5.000000e-01 : f32
    %mul3A_2681 = vector.broadcast %mul3A_2680 : f32 to vector<16xf32>
    %mul3A_2682 = arith.mulf %mul3A_2681, %max3A_2662 : vector<16xf32>
    %mul3A_2683 = arith.mulf %mul3A_2682, %mul3A_2679 : vector<16xf32>
    %mul3A_2684 = arith.mulf %mul3A_2683, %mul3A_2679 : vector<16xf32>
    %sub3A_2685 = arith.constant 1.500000e+00 : f32
    %sub3A_2686 = vector.broadcast %sub3A_2685 : f32 to vector<16xf32>
    %sub3A_2687 = arith.subf %sub3A_2686, %mul3A_2684 : vector<16xf32>
    %mul3A_2688 = arith.mulf %mul3A_2679, %sub3A_2687 : vector<16xf32>
    %mul3A_2689 = arith.constant 5.000000e-01 : f32
    %mul3A_2690 = vector.broadcast %mul3A_2689 : f32 to vector<16xf32>
    %mul3A_2691 = arith.mulf %mul3A_2690, %max3A_2662 : vector<16xf32>
    %mul3A_2692 = arith.mulf %mul3A_2691, %mul3A_2688 : vector<16xf32>
    %mul3A_2693 = arith.mulf %mul3A_2692, %mul3A_2688 : vector<16xf32>
    %sub3A_2694 = arith.constant 1.500000e+00 : f32
    %sub3A_2695 = vector.broadcast %sub3A_2694 : f32 to vector<16xf32>
    %sub3A_2696 = arith.subf %sub3A_2695, %mul3A_2693 : vector<16xf32>
    %mul3A_2697 = arith.mulf %mul3A_2688, %sub3A_2696 : vector<16xf32>
    %mul3A_2698 = arith.mulf %max3A_2662, %mul3A_2697 : vector<16xf32>
    %add3A_2699 = arith.addf %sub3A_2654, %mul3A_2698 : vector<16xf32>
    %get3A_2700 = arith.constant 464 : index
    %get3A_2701 = tpu.vector_load %arg6[%get3A_2700] {strides = array<i32>} : memref<512xf32, #tpu.memory_space<vmem>>, vector<16xf32>,
    %get3A_2702 = arith.constant 464 : index
    %get3A_2703 = tpu.vector_load %arg7[%get3A_2702] {strides = array<i32>} : memref<512xf32, #tpu.memory_space<vmem>>, vector<16xf32>,
    %add3A_2704 = arith.addf %get3A_2701, %get3A_2703 : vector<16xf32>
    %max3A_2705 = arith.constant 1.000000e-30 : f32
    %max3A_2706 = vector.broadcast %max3A_2705 : f32 to vector<16xf32>
    %max3A_2707 = arith.maximumf %add3A_2704, %max3A_2706 : vector<16xf32>
    %bitcast_convert_type3A_2708 = tpu.bitcast %max3A_2707 : vector<16xf32> -> vector<16xi32>
    %shift_right_arithmetic3A_2709 = arith.constant 1 : i32
    %shift_right_arithmetic3A_2710 = vector.broadcast %shift_right_arithmetic3A_2709 : i32 to vector<16xi32>
    %shift_right_arithmetic3A_2711 = arith.shrsi %bitcast_convert_type3A_2708, %shift_right_arithmetic3A_2710 : vector<16xi32>
    %sub3A_2712 = arith.constant 1597463007 : i32
    %sub3A_2713 = vector.broadcast %sub3A_2712 : i32 to vector<16xi32>
    %sub3A_2714 = arith.subi %sub3A_2713, %shift_right_arithmetic3A_2711 : vector<16xi32>
    %bitcast_convert_type3A_2715 = tpu.bitcast %sub3A_2714 : vector<16xi32> -> vector<16xf32>
    %mul3A_2716 = arith.constant 5.000000e-01 : f32
    %mul3A_2717 = vector.broadcast %mul3A_2716 : f32 to vector<16xf32>
    %mul3A_2718 = arith.mulf %mul3A_2717, %max3A_2707 : vector<16xf32>
    %mul3A_2719 = arith.mulf %mul3A_2718, %bitcast_convert_type3A_2715 : vector<16xf32>
    %mul3A_2720 = arith.mulf %mul3A_2719, %bitcast_convert_type3A_2715 : vector<16xf32>
    %sub3A_2721 = arith.constant 1.500000e+00 : f32
    %sub3A_2722 = vector.broadcast %sub3A_2721 : f32 to vector<16xf32>
    %sub3A_2723 = arith.subf %sub3A_2722, %mul3A_2720 : vector<16xf32>
    %mul3A_2724 = arith.mulf %bitcast_convert_type3A_2715, %sub3A_2723 : vector<16xf32>
    %mul3A_2725 = arith.constant 5.000000e-01 : f32
    %mul3A_2726 = vector.broadcast %mul3A_2725 : f32 to vector<16xf32>
    %mul3A_2727 = arith.mulf %mul3A_2726, %max3A_2707 : vector<16xf32>
    %mul3A_2728 = arith.mulf %mul3A_2727, %mul3A_2724 : vector<16xf32>
    %mul3A_2729 = arith.mulf %mul3A_2728, %mul3A_2724 : vector<16xf32>
    %sub3A_2730 = arith.constant 1.500000e+00 : f32
    %sub3A_2731 = vector.broadcast %sub3A_2730 : f32 to vector<16xf32>
    %sub3A_2732 = arith.subf %sub3A_2731, %mul3A_2729 : vector<16xf32>
    %mul3A_2733 = arith.mulf %mul3A_2724, %sub3A_2732 : vector<16xf32>
    %mul3A_2734 = arith.constant 5.000000e-01 : f32
    %mul3A_2735 = vector.broadcast %mul3A_2734 : f32 to vector<16xf32>
    %mul3A_2736 = arith.mulf %mul3A_2735, %max3A_2707 : vector<16xf32>
    %mul3A_2737 = arith.mulf %mul3A_2736, %mul3A_2733 : vector<16xf32>
    %mul3A_2738 = arith.mulf %mul3A_2737, %mul3A_2733 : vector<16xf32>
    %sub3A_2739 = arith.constant 1.500000e+00 : f32
    %sub3A_2740 = vector.broadcast %sub3A_2739 : f32 to vector<16xf32>
    %sub3A_2741 = arith.subf %sub3A_2740, %mul3A_2738 : vector<16xf32>
    %mul3A_2742 = arith.mulf %mul3A_2733, %sub3A_2741 : vector<16xf32>
    %mul3A_2743 = arith.mulf %max3A_2707, %mul3A_2742 : vector<16xf32>
    %sub3A_2744 = arith.subf %add3A_2699, %mul3A_2743 : vector<16xf32>
    %get3A_2745 = arith.constant 480 : index
    %get3A_2746 = tpu.vector_load %arg4[%get3A_2745] {strides = array<i32>} : memref<512xf32, #tpu.memory_space<vmem>>, vector<16xf32>,
    %get3A_2747 = arith.constant 480 : index
    %get3A_2748 = tpu.vector_load %arg5[%get3A_2747] {strides = array<i32>} : memref<512xf32, #tpu.memory_space<vmem>>, vector<16xf32>,
    %add3A_2749 = arith.addf %get3A_2746, %get3A_2748 : vector<16xf32>
    %max3A_2750 = arith.constant 1.000000e-30 : f32
    %max3A_2751 = vector.broadcast %max3A_2750 : f32 to vector<16xf32>
    %max3A_2752 = arith.maximumf %add3A_2749, %max3A_2751 : vector<16xf32>
    %bitcast_convert_type3A_2753 = tpu.bitcast %max3A_2752 : vector<16xf32> -> vector<16xi32>
    %shift_right_arithmetic3A_2754 = arith.constant 1 : i32
    %shift_right_arithmetic3A_2755 = vector.broadcast %shift_right_arithmetic3A_2754 : i32 to vector<16xi32>
    %shift_right_arithmetic3A_2756 = arith.shrsi %bitcast_convert_type3A_2753, %shift_right_arithmetic3A_2755 : vector<16xi32>
    %sub3A_2757 = arith.constant 1597463007 : i32
    %sub3A_2758 = vector.broadcast %sub3A_2757 : i32 to vector<16xi32>
    %sub3A_2759 = arith.subi %sub3A_2758, %shift_right_arithmetic3A_2756 : vector<16xi32>
    %bitcast_convert_type3A_2760 = tpu.bitcast %sub3A_2759 : vector<16xi32> -> vector<16xf32>
    %mul3A_2761 = arith.constant 5.000000e-01 : f32
    %mul3A_2762 = vector.broadcast %mul3A_2761 : f32 to vector<16xf32>
    %mul3A_2763 = arith.mulf %mul3A_2762, %max3A_2752 : vector<16xf32>
    %mul3A_2764 = arith.mulf %mul3A_2763, %bitcast_convert_type3A_2760 : vector<16xf32>
    %mul3A_2765 = arith.mulf %mul3A_2764, %bitcast_convert_type3A_2760 : vector<16xf32>
    %sub3A_2766 = arith.constant 1.500000e+00 : f32
    %sub3A_2767 = vector.broadcast %sub3A_2766 : f32 to vector<16xf32>
    %sub3A_2768 = arith.subf %sub3A_2767, %mul3A_2765 : vector<16xf32>
    %mul3A_2769 = arith.mulf %bitcast_convert_type3A_2760, %sub3A_2768 : vector<16xf32>
    %mul3A_2770 = arith.constant 5.000000e-01 : f32
    %mul3A_2771 = vector.broadcast %mul3A_2770 : f32 to vector<16xf32>
    %mul3A_2772 = arith.mulf %mul3A_2771, %max3A_2752 : vector<16xf32>
    %mul3A_2773 = arith.mulf %mul3A_2772, %mul3A_2769 : vector<16xf32>
    %mul3A_2774 = arith.mulf %mul3A_2773, %mul3A_2769 : vector<16xf32>
    %sub3A_2775 = arith.constant 1.500000e+00 : f32
    %sub3A_2776 = vector.broadcast %sub3A_2775 : f32 to vector<16xf32>
    %sub3A_2777 = arith.subf %sub3A_2776, %mul3A_2774 : vector<16xf32>
    %mul3A_2778 = arith.mulf %mul3A_2769, %sub3A_2777 : vector<16xf32>
    %mul3A_2779 = arith.constant 5.000000e-01 : f32
    %mul3A_2780 = vector.broadcast %mul3A_2779 : f32 to vector<16xf32>
    %mul3A_2781 = arith.mulf %mul3A_2780, %max3A_2752 : vector<16xf32>
    %mul3A_2782 = arith.mulf %mul3A_2781, %mul3A_2778 : vector<16xf32>
    %mul3A_2783 = arith.mulf %mul3A_2782, %mul3A_2778 : vector<16xf32>
    %sub3A_2784 = arith.constant 1.500000e+00 : f32
    %sub3A_2785 = vector.broadcast %sub3A_2784 : f32 to vector<16xf32>
    %sub3A_2786 = arith.subf %sub3A_2785, %mul3A_2783 : vector<16xf32>
    %mul3A_2787 = arith.mulf %mul3A_2778, %sub3A_2786 : vector<16xf32>
    %mul3A_2788 = arith.mulf %max3A_2752, %mul3A_2787 : vector<16xf32>
    %add3A_2789 = arith.addf %sub3A_2744, %mul3A_2788 : vector<16xf32>
    %get3A_2790 = arith.constant 480 : index
    %get3A_2791 = tpu.vector_load %arg6[%get3A_2790] {strides = array<i32>} : memref<512xf32, #tpu.memory_space<vmem>>, vector<16xf32>,
    %get3A_2792 = arith.constant 480 : index
    %get3A_2793 = tpu.vector_load %arg7[%get3A_2792] {strides = array<i32>} : memref<512xf32, #tpu.memory_space<vmem>>, vector<16xf32>,
    %add3A_2794 = arith.addf %get3A_2791, %get3A_2793 : vector<16xf32>
    %max3A_2795 = arith.constant 1.000000e-30 : f32
    %max3A_2796 = vector.broadcast %max3A_2795 : f32 to vector<16xf32>
    %max3A_2797 = arith.maximumf %add3A_2794, %max3A_2796 : vector<16xf32>
    %bitcast_convert_type3A_2798 = tpu.bitcast %max3A_2797 : vector<16xf32> -> vector<16xi32>
    %shift_right_arithmetic3A_2799 = arith.constant 1 : i32
    %shift_right_arithmetic3A_2800 = vector.broadcast %shift_right_arithmetic3A_2799 : i32 to vector<16xi32>
    %shift_right_arithmetic3A_2801 = arith.shrsi %bitcast_convert_type3A_2798, %shift_right_arithmetic3A_2800 : vector<16xi32>
    %sub3A_2802 = arith.constant 1597463007 : i32
    %sub3A_2803 = vector.broadcast %sub3A_2802 : i32 to vector<16xi32>
    %sub3A_2804 = arith.subi %sub3A_2803, %shift_right_arithmetic3A_2801 : vector<16xi32>
    %bitcast_convert_type3A_2805 = tpu.bitcast %sub3A_2804 : vector<16xi32> -> vector<16xf32>
    %mul3A_2806 = arith.constant 5.000000e-01 : f32
    %mul3A_2807 = vector.broadcast %mul3A_2806 : f32 to vector<16xf32>
    %mul3A_2808 = arith.mulf %mul3A_2807, %max3A_2797 : vector<16xf32>
    %mul3A_2809 = arith.mulf %mul3A_2808, %bitcast_convert_type3A_2805 : vector<16xf32>
    %mul3A_2810 = arith.mulf %mul3A_2809, %bitcast_convert_type3A_2805 : vector<16xf32>
    %sub3A_2811 = arith.constant 1.500000e+00 : f32
    %sub3A_2812 = vector.broadcast %sub3A_2811 : f32 to vector<16xf32>
    %sub3A_2813 = arith.subf %sub3A_2812, %mul3A_2810 : vector<16xf32>
    %mul3A_2814 = arith.mulf %bitcast_convert_type3A_2805, %sub3A_2813 : vector<16xf32>
    %mul3A_2815 = arith.constant 5.000000e-01 : f32
    %mul3A_2816 = vector.broadcast %mul3A_2815 : f32 to vector<16xf32>
    %mul3A_2817 = arith.mulf %mul3A_2816, %max3A_2797 : vector<16xf32>
    %mul3A_2818 = arith.mulf %mul3A_2817, %mul3A_2814 : vector<16xf32>
    %mul3A_2819 = arith.mulf %mul3A_2818, %mul3A_2814 : vector<16xf32>
    %sub3A_2820 = arith.constant 1.500000e+00 : f32
    %sub3A_2821 = vector.broadcast %sub3A_2820 : f32 to vector<16xf32>
    %sub3A_2822 = arith.subf %sub3A_2821, %mul3A_2819 : vector<16xf32>
    %mul3A_2823 = arith.mulf %mul3A_2814, %sub3A_2822 : vector<16xf32>
    %mul3A_2824 = arith.constant 5.000000e-01 : f32
    %mul3A_2825 = vector.broadcast %mul3A_2824 : f32 to vector<16xf32>
    %mul3A_2826 = arith.mulf %mul3A_2825, %max3A_2797 : vector<16xf32>
    %mul3A_2827 = arith.mulf %mul3A_2826, %mul3A_2823 : vector<16xf32>
    %mul3A_2828 = arith.mulf %mul3A_2827, %mul3A_2823 : vector<16xf32>
    %sub3A_2829 = arith.constant 1.500000e+00 : f32
    %sub3A_2830 = vector.broadcast %sub3A_2829 : f32 to vector<16xf32>
    %sub3A_2831 = arith.subf %sub3A_2830, %mul3A_2828 : vector<16xf32>
    %mul3A_2832 = arith.mulf %mul3A_2823, %sub3A_2831 : vector<16xf32>
    %mul3A_2833 = arith.mulf %max3A_2797, %mul3A_2832 : vector<16xf32>
    %sub3A_2834 = arith.subf %add3A_2789, %mul3A_2833 : vector<16xf32>
    %get3A_2835 = arith.constant 496 : index
    %get3A_2836 = tpu.vector_load %arg4[%get3A_2835] {strides = array<i32>} : memref<512xf32, #tpu.memory_space<vmem>>, vector<16xf32>,
    %get3A_2837 = arith.constant 496 : index
    %get3A_2838 = tpu.vector_load %arg5[%get3A_2837] {strides = array<i32>} : memref<512xf32, #tpu.memory_space<vmem>>, vector<16xf32>,
    %add3A_2839 = arith.addf %get3A_2836, %get3A_2838 : vector<16xf32>
    %max3A_2840 = arith.constant 1.000000e-30 : f32
    %max3A_2841 = vector.broadcast %max3A_2840 : f32 to vector<16xf32>
    %max3A_2842 = arith.maximumf %add3A_2839, %max3A_2841 : vector<16xf32>
    %bitcast_convert_type3A_2843 = tpu.bitcast %max3A_2842 : vector<16xf32> -> vector<16xi32>
    %shift_right_arithmetic3A_2844 = arith.constant 1 : i32
    %shift_right_arithmetic3A_2845 = vector.broadcast %shift_right_arithmetic3A_2844 : i32 to vector<16xi32>
    %shift_right_arithmetic3A_2846 = arith.shrsi %bitcast_convert_type3A_2843, %shift_right_arithmetic3A_2845 : vector<16xi32>
    %sub3A_2847 = arith.constant 1597463007 : i32
    %sub3A_2848 = vector.broadcast %sub3A_2847 : i32 to vector<16xi32>
    %sub3A_2849 = arith.subi %sub3A_2848, %shift_right_arithmetic3A_2846 : vector<16xi32>
    %bitcast_convert_type3A_2850 = tpu.bitcast %sub3A_2849 : vector<16xi32> -> vector<16xf32>
    %mul3A_2851 = arith.constant 5.000000e-01 : f32
    %mul3A_2852 = vector.broadcast %mul3A_2851 : f32 to vector<16xf32>
    %mul3A_2853 = arith.mulf %mul3A_2852, %max3A_2842 : vector<16xf32>
    %mul3A_2854 = arith.mulf %mul3A_2853, %bitcast_convert_type3A_2850 : vector<16xf32>
    %mul3A_2855 = arith.mulf %mul3A_2854, %bitcast_convert_type3A_2850 : vector<16xf32>
    %sub3A_2856 = arith.constant 1.500000e+00 : f32
    %sub3A_2857 = vector.broadcast %sub3A_2856 : f32 to vector<16xf32>
    %sub3A_2858 = arith.subf %sub3A_2857, %mul3A_2855 : vector<16xf32>
    %mul3A_2859 = arith.mulf %bitcast_convert_type3A_2850, %sub3A_2858 : vector<16xf32>
    %mul3A_2860 = arith.constant 5.000000e-01 : f32
    %mul3A_2861 = vector.broadcast %mul3A_2860 : f32 to vector<16xf32>
    %mul3A_2862 = arith.mulf %mul3A_2861, %max3A_2842 : vector<16xf32>
    %mul3A_2863 = arith.mulf %mul3A_2862, %mul3A_2859 : vector<16xf32>
    %mul3A_2864 = arith.mulf %mul3A_2863, %mul3A_2859 : vector<16xf32>
    %sub3A_2865 = arith.constant 1.500000e+00 : f32
    %sub3A_2866 = vector.broadcast %sub3A_2865 : f32 to vector<16xf32>
    %sub3A_2867 = arith.subf %sub3A_2866, %mul3A_2864 : vector<16xf32>
    %mul3A_2868 = arith.mulf %mul3A_2859, %sub3A_2867 : vector<16xf32>
    %mul3A_2869 = arith.constant 5.000000e-01 : f32
    %mul3A_2870 = vector.broadcast %mul3A_2869 : f32 to vector<16xf32>
    %mul3A_2871 = arith.mulf %mul3A_2870, %max3A_2842 : vector<16xf32>
    %mul3A_2872 = arith.mulf %mul3A_2871, %mul3A_2868 : vector<16xf32>
    %mul3A_2873 = arith.mulf %mul3A_2872, %mul3A_2868 : vector<16xf32>
    %sub3A_2874 = arith.constant 1.500000e+00 : f32
    %sub3A_2875 = vector.broadcast %sub3A_2874 : f32 to vector<16xf32>
    %sub3A_2876 = arith.subf %sub3A_2875, %mul3A_2873 : vector<16xf32>
    %mul3A_2877 = arith.mulf %mul3A_2868, %sub3A_2876 : vector<16xf32>
    %mul3A_2878 = arith.mulf %max3A_2842, %mul3A_2877 : vector<16xf32>
    %add3A_2879 = arith.addf %sub3A_2834, %mul3A_2878 : vector<16xf32>
    %get3A_2880 = arith.constant 496 : index
    %get3A_2881 = tpu.vector_load %arg6[%get3A_2880] {strides = array<i32>} : memref<512xf32, #tpu.memory_space<vmem>>, vector<16xf32>,
    %get3A_2882 = arith.constant 496 : index
    %get3A_2883 = tpu.vector_load %arg7[%get3A_2882] {strides = array<i32>} : memref<512xf32, #tpu.memory_space<vmem>>, vector<16xf32>,
    %add3A_2884 = arith.addf %get3A_2881, %get3A_2883 : vector<16xf32>
    %max3A_2885 = arith.constant 1.000000e-30 : f32
    %max3A_2886 = vector.broadcast %max3A_2885 : f32 to vector<16xf32>
    %max3A_2887 = arith.maximumf %add3A_2884, %max3A_2886 : vector<16xf32>
    %bitcast_convert_type3A_2888 = tpu.bitcast %max3A_2887 : vector<16xf32> -> vector<16xi32>
    %shift_right_arithmetic3A_2889 = arith.constant 1 : i32
    %shift_right_arithmetic3A_2890 = vector.broadcast %shift_right_arithmetic3A_2889 : i32 to vector<16xi32>
    %shift_right_arithmetic3A_2891 = arith.shrsi %bitcast_convert_type3A_2888, %shift_right_arithmetic3A_2890 : vector<16xi32>
    %sub3A_2892 = arith.constant 1597463007 : i32
    %sub3A_2893 = vector.broadcast %sub3A_2892 : i32 to vector<16xi32>
    %sub3A_2894 = arith.subi %sub3A_2893, %shift_right_arithmetic3A_2891 : vector<16xi32>
    %bitcast_convert_type3A_2895 = tpu.bitcast %sub3A_2894 : vector<16xi32> -> vector<16xf32>
    %mul3A_2896 = arith.constant 5.000000e-01 : f32
    %mul3A_2897 = vector.broadcast %mul3A_2896 : f32 to vector<16xf32>
    %mul3A_2898 = arith.mulf %mul3A_2897, %max3A_2887 : vector<16xf32>
    %mul3A_2899 = arith.mulf %mul3A_2898, %bitcast_convert_type3A_2895 : vector<16xf32>
    %mul3A_2900 = arith.mulf %mul3A_2899, %bitcast_convert_type3A_2895 : vector<16xf32>
    %sub3A_2901 = arith.constant 1.500000e+00 : f32
    %sub3A_2902 = vector.broadcast %sub3A_2901 : f32 to vector<16xf32>
    %sub3A_2903 = arith.subf %sub3A_2902, %mul3A_2900 : vector<16xf32>
    %mul3A_2904 = arith.mulf %bitcast_convert_type3A_2895, %sub3A_2903 : vector<16xf32>
    %mul3A_2905 = arith.constant 5.000000e-01 : f32
    %mul3A_2906 = vector.broadcast %mul3A_2905 : f32 to vector<16xf32>
    %mul3A_2907 = arith.mulf %mul3A_2906, %max3A_2887 : vector<16xf32>
    %mul3A_2908 = arith.mulf %mul3A_2907, %mul3A_2904 : vector<16xf32>
    %mul3A_2909 = arith.mulf %mul3A_2908, %mul3A_2904 : vector<16xf32>
    %sub3A_2910 = arith.constant 1.500000e+00 : f32
    %sub3A_2911 = vector.broadcast %sub3A_2910 : f32 to vector<16xf32>
    %sub3A_2912 = arith.subf %sub3A_2911, %mul3A_2909 : vector<16xf32>
    %mul3A_2913 = arith.mulf %mul3A_2904, %sub3A_2912 : vector<16xf32>
    %mul3A_2914 = arith.constant 5.000000e-01 : f32
    %mul3A_2915 = vector.broadcast %mul3A_2914 : f32 to vector<16xf32>
    %mul3A_2916 = arith.mulf %mul3A_2915, %max3A_2887 : vector<16xf32>
    %mul3A_2917 = arith.mulf %mul3A_2916, %mul3A_2913 : vector<16xf32>
    %mul3A_2918 = arith.mulf %mul3A_2917, %mul3A_2913 : vector<16xf32>
    %sub3A_2919 = arith.constant 1.500000e+00 : f32
    %sub3A_2920 = vector.broadcast %sub3A_2919 : f32 to vector<16xf32>
    %sub3A_2921 = arith.subf %sub3A_2920, %mul3A_2918 : vector<16xf32>
    %mul3A_2922 = arith.mulf %mul3A_2913, %sub3A_2921 : vector<16xf32>
    %mul3A_2923 = arith.mulf %max3A_2887, %mul3A_2922 : vector<16xf32>
    %sub3A_2924 = arith.subf %add3A_2879, %mul3A_2923 : vector<16xf32>
    %swap3A = arith.constant 0 : index
    %swap3A_2925 = tpu.vector_load %arg8[%swap3A] {strides = array<i32>} : memref<16xf32, #tpu.memory_space<vmem>>, vector<16xf32>,
    tpu.vector_store %arg8[%swap3A], %sub3A_2924 {strides = array<i32>} : memref<16xf32, #tpu.memory_space<vmem>>, vector<16xf32>,
    "tpu.region"() ({
      %run_scoped3A = tpu.sem_alloc : memref<!tpu.dma_semaphore, #tpu.memory_space<semaphore_mem>>
      %dma_start3A_2926 = arith.constant 0 : i32
      %dma_start3A_2927 = tpu.memref_slice %arg3[%add3A, %dma_start3A_2926] : memref<32x16xf32, #tpu.memory_space<hbm>> -> memref<1x16xf32, #tpu.memory_space<hbm>>
      %dma_start3A_2928 = tpu.memref_squeeze %dma_start3A_2927 : memref<1x16xf32, #tpu.memory_space<hbm>> -> memref<16xf32, #tpu.memory_space<hbm>>
      %dma_start3A_2929 = arith.constant 0 : i32
      %dma_start3A_2930 = tpu.memref_slice %arg3[%add3A, %dma_start3A_2929] : memref<32x16xf32, #tpu.memory_space<hbm>> -> memref<1x16xf32, #tpu.memory_space<hbm>>
      %dma_start3A_2931 = tpu.memref_squeeze %dma_start3A_2930 : memref<1x16xf32, #tpu.memory_space<hbm>> -> memref<16xf32, #tpu.memory_space<hbm>>
      tpu.enqueue_dma source(%arg8 : memref<16xf32, #tpu.memory_space<vmem>>) target(%dma_start3A_2931 : memref<16xf32, #tpu.memory_space<hbm>>) target_semaphore(%run_scoped3A : memref<!tpu.dma_semaphore, #tpu.memory_space<semaphore_mem>>)
      %dma_wait3A_2932 = arith.constant 0 : i32
      %dma_wait3A_2933 = tpu.memref_slice %arg3[%add3A, %dma_wait3A_2932] : memref<32x16xf32, #tpu.memory_space<hbm>> -> memref<1x16xf32, #tpu.memory_space<hbm>>
      %dma_wait3A_2934 = tpu.memref_squeeze %dma_wait3A_2933 : memref<1x16xf32, #tpu.memory_space<hbm>> -> memref<16xf32, #tpu.memory_space<hbm>>
      %dma_wait3A_2935 = arith.constant 0 : i32
      %dma_wait3A_2936 = tpu.memref_slice %arg3[%add3A, %dma_wait3A_2935] : memref<32x16xf32, #tpu.memory_space<hbm>> -> memref<1x16xf32, #tpu.memory_space<hbm>>
      %dma_wait3A_2937 = tpu.memref_squeeze %dma_wait3A_2936 : memref<1x16xf32, #tpu.memory_space<hbm>> -> memref<16xf32, #tpu.memory_space<hbm>>
      tpu.wait_dma2 semaphore(%run_scoped3A : memref<!tpu.dma_semaphore, #tpu.memory_space<semaphore_mem>>) src(%arg8 : memref<16xf32, #tpu.memory_space<vmem>>) dst(%dma_wait3A_2937 : memref<16xf32, #tpu.memory_space<hbm>>)
      tpu.yield
    }) : () -> ()
    return
  }
}

</mosaic_0001>

<sc_bundles>
// kernel: kernel.4.cloned.1.call-start
scs
__scs_entry_jumppad:
0x0: {  	(pc) =	sbr.rel $0x88, $3  }
0x1: {  	(tag) =	ssettag $0x0;
	lr =	simm.s32 $0x1  }
0x2: {  	[smem:$0x3F9A] =	sst lr;
	_ =	strace $0xD0000000  }
0x3: {  	_ = 	snop  }
0x4: {  	_ = 	snop  }
0x5: {  	_ = 	snop  }
0x6: {  	_ = 	snop  }
0x7: {  	_ = 	snop  }
__scs_overlays_trampoline_lowered:
0x8: {  	[smem:$0x3FA9] =	sst s0  }
0x9: {  	[smem:$0x3FAA] =	sst s1  }
0xa: {  	[smem:$0x3FAB] =	sst s2  }
0xb: {  	[smem:$0x3FAC] =	sst s3  }
0xc: {  	[smem:$0x3FAD] =	sst s4  }
0xd: {  	[smem:$0x3FAE] =	sst s5  }
0xe: {  	[smem:$0x3FAF] =	sst s6  }
0xf: {  	[smem:$0x3FB0] =	sst s7  }
0x10: {  	[smem:$0x3FB1] =	sst s8  }
0x11: {  	[smem:$0x3FB2] =	sst s9;
	s0 =	simm.s32 @!p0 $0x0  }
0x12: {  	s1 =	sld [smem:$0x3F98];
	s0 =	simm.s32 @p0 $0x1  }
0x13: {  	[smem:$0x3FB3] =	sst s0;
	s0 =	simm.s32 @!p1 $0x0  }
0x14: {  	s2 =	sld [smem:$0x3F97];
	s0 =	simm.s32 @p1 $0x1  }
0x15: {  	[smem:$0x3FB4] =	sst s0;
	s0 =	simm.s32 @!p2 $0x0  }
0x16: {  	s3 =	sld [smem:$0x3FDB];
	s0 =	simm.s32 @p2 $0x1  }
0x17: {  	s4 =	simm.s32 $0x1BF5;
	[smem:$0x3FB6] =	sst s0  }
0x18: {  	s0 =	sld [smem:$0x3F99];
	_ =	swait.ge [sflag:s4], $0x0  }
0x19: {  	s7 =	sld [smem:$0x3F9A]  }
0x1a: {  	s8 =	sadd.s32 $0xFFFFE003, lr  }
0x1b: {  	s9 =	sadd.s32 $0xFFFFFEF7, lr;
	s5 =	simm.s32 $0xFFFFFFFF;
	p2 =	slt.u32 s8, $0xFFFFF086  }
0x1c: {  	p1 =	slt.u32 s9, $0xF7A;
	s5 =	simm.s32 @!p2 $0x0  }
0x1d: {  	s5 =	simm.s32 @p1 $0x1;
	p0 =	seq.s32 s7, s2  }
0x1e: {  	s7 =	smul.u32 @!p0 $0xF7A, s2;
	p2 =	seq.s32 @!p0 s5, $0x0  }
0x1f: {  	s9 =	smul.u32 $0xF7A, s1;
	s8 =	simm.s32 @!p0 $0x1BF5;
	p2 =	por !p2, p0  }
0x20: {  	[sflag:s8] =	ssyncset.s32 @!p0 $0xFFFFF086;
	s6 =	sadd.s32 @!p0 s3, s7;
	s7 =	simm.s32 @!p0 $0x108  }
0x21: {  	s3 =	sadd.s32 s3, s9;
	s6 =	sadd.s32 @!p0 $0x88, s6;
	s7 =	simm.s32 @p2 $0x1082  }
0x22: {  	[simem:s7], [sflag:s8] =	dma.local @!p0 [hbm:s6], $0xF7A  }
0x23: {  	s9 =	sor.u32 $0xD0000000, s2;
	s6 =	simm.s32 $0x108;
	_ =	swait.ge @!p0 [sflag:s8], $0x0  }
0x24: {  	s3 =	sadd.s32 $0x88, s3;
	s6 =	simm.s32 @!p1 $0x1082;
	[sflag:s4] =	ssyncset.s32 $0xFFFFF086  }
0x25: {  	[simem:s6], [sflag:s4] =	dma.local [hbm:s3], $0xF7A  }
0x26: {  	[smem:$0x3F9A] =	sst s1;
	(tag) =	ssettag s2;
	_ =	strace s9  }
0x27: {  	s1 =	sld [smem:$0x3FAA]  }
0x28: {  	s2 =	sld [smem:$0x3FAB]  }
0x29: {  	s4 =	sld [smem:$0x3FAD]  }
0x2a: {  	p0 =	seq.s32 s5, $0x0;
	s5 =	sld [smem:$0x3FAE]  }
0x2b: {  	s6 =	sld [smem:$0x3FAF]  }
0x2c: {  	s7 =	sld [smem:$0x3FB0]  }
0x2d: {  	s3 =	simm.s32 $0x108;
	s8 =	sld [smem:$0x3FB1]  }
0x2e: {  	s3 =	simm.s32 @!p0 $0x1082;
	s9 =	sld [smem:$0x3FB2]  }
0x2f: {  	lr =	sadd.s32 s0, s3;
	s0 =	sld [smem:$0x3FA9]  }
0x30: {  	s3 =	sld [smem:$0x3FAC]  }
0x31: {  	[smem:$0x3FB5] =	sst s10  }
0x32: {  	s10 =	sld [smem:$0x3FB3];
	_ =	sdelay $0x3  }
0x33: {  	p0 =	seq.s32 s10, $0x1;
	s10 =	sld [smem:$0x3FB5];
	_ =	sdelay $0x3  }
0x34: {  	[smem:$0x3FB5] =	sst s10  }
0x35: {  	s10 =	sld [smem:$0x3FB4];
	_ =	sdelay $0x3  }
0x36: {  	p1 =	seq.s32 s10, $0x1;
	s10 =	sld [smem:$0x3FB5];
	_ =	sdelay $0x3  }
0x37: {  	[smem:$0x3FB5] =	sst s10  }
0x38: {  	s10 =	sld [smem:$0x3FB6]  }
0x39: {  	_ = 	snop;
	(pc) =	sbr.ind lr, $3  }
0x3a: {  	_ = 	snop  }
0x3b: {  	_ = 	snop  }
0x3c: {  	p2 =	seq.s32 s10, $0x1;
	s10 =	sld [smem:$0x3FB5]  }
0x3d: {  	_ =	shalt  }
0x3e: {  	_ =	shalt  }
0x3f: {  	_ =	shalt  }
0x40: {  	_ =	shalt  }
0x41: {  	_ =	shalt  }
0x42: {  	_ =	shalt  }
0x43: {  	_ =	shalt  }
0x44: {  	_ =	shalt  }
0x45: {  	_ =	shalt  }
0x46: {  	_ =	shalt  }
0x47: {  	_ =	shalt  }
0x48: {  	_ =	shalt  }
0x49: {  	_ =	shalt  }
0x4a: {  	_ =	shalt  }
0x4b: {  	_ =	shalt  }
0x4c: {  	_ =	shalt  }
0x4d: {  	_ =	shalt  }
0x4e: {  	_ =	shalt  }
0x4f: {  	_ =	shalt  }
0x50: {  	_ =	shalt  }
0x51: {  	_ =	shalt  }
0x52: {  	_ =	shalt  }
0x53: {  	_ =	shalt  }
0x54: {  	_ =	shalt  }
0x55: {  	_ =	shalt  }
0x56: {  	_ =	shalt  }
0x57: {  	_ =	shalt  }
0x58: {  	_ =	shalt  }
0x59: {  	_ =	shalt  }
0x5a: {  	_ =	shalt  }
0x5b: {  	_ =	shalt  }
0x5c: {  	_ =	shalt  }
0x5d: {  	_ =	shalt  }
0x5e: {  	_ =	shalt  }
0x5f: {  	_ =	shalt  }
0x60: {  	_ =	shalt  }
0x61: {  	_ =	shalt  }
0x62: {  	_ =	shalt  }
0x63: {  	_ =	shalt  }
0x64: {  	_ =	shalt  }
0x65: {  	_ =	shalt  }
0x66: {  	_ =	shalt  }
0x67: {  	_ =	shalt  }
0x68: {  	_ =	shalt  }
0x69: {  	_ =	shalt  }
0x6a: {  	_ =	shalt  }
0x6b: {  	_ =	shalt  }
0x6c: {  	_ =	shalt  }
0x6d: {  	_ =	shalt  }
0x6e: {  	_ =	shalt  }
0x6f: {  	_ =	shalt  }
0x70: {  	_ =	shalt  }
0x71: {  	_ =	shalt  }
0x72: {  	_ =	shalt  }
0x73: {  	_ =	shalt  }
0x74: {  	_ =	shalt  }
0x75: {  	_ =	shalt  }
0x76: {  	_ =	shalt  }
0x77: {  	_ =	shalt  }
0x78: {  	_ =	shalt  }
0x79: {  	_ =	shalt  }
0x7a: {  	_ =	shalt  }
0x7b: {  	_ =	shalt  }
0x7c: {  	_ =	shalt  }
0x7d: {  	_ =	shalt  }
0x7e: {  	_ =	shalt  }
0x7f: {  	_ =	shalt  }
0x80: {  	_ =	shalt  }
0x81: {  	_ =	shalt  }
0x82: {  	_ =	shalt  }
0x83: {  	_ =	shalt  }
0x84: {  	_ =	shalt  }
0x85: {  	_ =	shalt  }
0x86: {  	_ =	shalt  }
0x87: {  	_ =	shalt  }
.Lfunc_end0:
.L_simem_size_0:
called_computation_lowered:
.L_overlay_start_0:
0x88: {  	s2 =	sld [smem:$0x3FD9]  }
0x89: {  	s3 =	sld [smem:$0x3FFE];
	_ =	sdelay $0x1  }
0x8a: {  	s1 =	srdreg.scid  }
0x8b: {  	s0 =	sand.u32 $0x1, s1  }
0x8c: {  	s17 =	sshll.u32 s0, $0xA;
	s2 =	sadd.s32 s3, s2  }
0x8d: {  	s2 =	sadd.s32 s2, s17  }
0x8e: {  	[smem:$0x3FC1] =	sst s2  }
0x8f: {  	_ = 	snop  }
0x90: {  	s2 =	sld [smem:$0x3FC9]  }
0x91: {  	s18 =	sld [smem:$0x3FC8]  }
0x92: {  	s4 =	sld [smem:$0x3FC7]  }
0x93: {  	s5 =	sld [smem:$0x3FC6]  }
0x94: {  	s6 =	sld [smem:$0x3FC5]  }
0x95: {  	s7 =	sld [smem:$0x3FC4]  }
0x96: {  	s8 =	sld [smem:$0x3FC3];
	(tm) =	ssettm $0x1  }
0x97: {  	s9 =	sld [smem:$0x3FFB];
	_ =	sdelay $0x3  }
0x98: {  	_ =	strace s9  }
0x99: {  	s9 =	sld [smem:$0x3FFC];
	_ =	sdelay $0x3  }
0x9a: {  	_ =	strace s9  }
0x9b: {  	s9 =	sld [smem:$0x3FFD];
	_ =	sdelay $0x3  }
0x9c: {  	_ =	strace s9  }
0x9d: {  	_ =	strace $0x8FFFFFFF  }
0x9e: {  	s19 =	sld [smem:$0x3FDB];
	_ =	sdelay $0x1  }
0x9f: {  	s10 =	simm.s32 $_scs_section_size  }
0xa0: {  	s11 =	simm.s32 $_size__tile_overlayer_lowered;
	s12 =	simm.s32 $_tile_overlayer_lowered  }
0xa1: {  	s22 =	simm.s32 $0x1BFF;
	s21 =	sshll.u32 s12, $0x1;
	s9 =	sadd.s32 s10, s19  }
0xa2: {  	s13 =	simm.s32 $0x0;
	s20 =	sshll.u32 s11, $0x1;
	s11 =	sadd.s32 s21, s9  }
0xa3: {  	[timem:s13], [sflag:s22] =	dma.local [hbm:s11], s20  }
0xa4: {  	_ =	swait.ge [sflag:s22], s20  }
0xa5: {  	s10 =	ssub.s32 $0x0, s20;
	[sflag:s22] =	ssyncset.done $0x0  }
0xa6: {  	[sflag:s22] =	ssyncadd.s32 s10;
	_ =	sdelay $0x1  }
0xa7: {  	s23 =	simm.s32 $0x1B8B  }
0xa8: {  	_ =	swait.ge [sflag:s23], $0x1  }
0xa9: {  	[sflag:s23] =	ssyncset.done $0x0  }
0xaa: {  	s25 =	simm.s32 $0x1B8E;
	s24 =	sld [smem:$0x3FFE];
	[sflag:s23] =	ssyncadd.s32 $0xFFFFFFFF  }
0xab: {  	s26 =	simm.s32 $execute0_lowered;
	[smem:$0x3FD2] =	sst s25  }
0xac: {  	s11 =	sshll.u32 s26, $0x1;
	_ =	strace $0x80000046;
	[dreg:$0x1] =	wrdreg $0xFFFFFFFF  }
0xad: {  	s28 =	simm.s32 $_size_execute0_lowered;
	s9 =	sadd.s32 s9, s11;
	[dreg:$0x0] =	wrdreg $0x0  }
0xae: {  	s11 =	sshll.u32 s28, $0x1;
	[dreg:$0x2] =	wrdreg s9  }
0xaf: {  	[dreg:$0x3] =	wrdreg s11  }
0xb0: {  	[dreg:$0x4] =	wrdreg $0xC0  }
0xb1: {  	_ =	task [dreg:s13], $0x5FFFF  }
0xb2: {  	[dreg:$0x1] =	wrdreg $0xFFFFFFFF  }
0xb3: {  	[dreg:$0x0] =	wrdreg $0x60  }
0xb4: {  	[dreg:$0x2] =	wrdreg s2  }
0xb5: {  	[dreg:$0x3] =	wrdreg s18  }
0xb6: {  	[dreg:$0x4] =	wrdreg s4  }
0xb7: {  	[dreg:$0x5] =	wrdreg s5  }
0xb8: {  	[dreg:$0x6] =	wrdreg s6  }
0xb9: {  	[dreg:$0x7] =	wrdreg s7  }
0xba: {  	[dreg:$0x8] =	wrdreg s8  }
0xbb: {  	[dreg:$0x9] =	wrdreg s24  }
0xbc: {  	[dreg:$0xa] =	wrdreg $0x12800  }
0xbd: {  	[dreg:$0xb] =	wrdreg $0x12000  }
0xbe: {  	[dreg:$0xc] =	wrdreg $0x12400  }
0xbf: {  	[dreg:$0xd] =	wrdreg $0x106A80  }
0xc0: {  	[dreg:$0xe] =	wrdreg $0x9  }
0xc1: {  	_ =	task.clear_ibuf [dreg:s13], $0xFFFFF;
	_ =	strace $0x90000046  }
0xc2: {  	s29 =	simm.s32 $0x9;
	_ =	strace $0x80000048  }
0xc3: {  	_ =	swait.ge [sflag:s29], $0x1  }
0xc4: {  	[sflag:s29] =	ssyncadd.s32 $0xFFFFFFFF  }
0xc5: {  	_ =	strace $0x90000048  }
0xc6: {  	_ =	sfence  }
0xc7: {  	s30 =	sld [smem:$0x0];
	_ =	sdelay $0x2  }
0xc8: {  	s31 =	sshll.u32 s1, $0xD;
	s1 =	sshrl.u32 s1, $0x2  }
0xc9: {  	s3 =	sand.u32 $0x4000, s31;
	s1 =	sadd.s32 s1, s30  }
0xca: {  	s0 =	sor.u32 s3, s0;
	s1 =	sshll.u32 s1, $0x11  }
0xcb: {  	s0 =	sor.u32 s1, s0  }
0xcc: {  	s0 =	sadd.s32 $0x8F2B, s0  }
0xcd: {  	[sflag:s0] =	ssyncadd.remote.s32 $0x1  }
0xce: {  	_ =	sfence.sel $0xFFFF  }
0xcf: {  	[dreg:$0x0] =	wrdreg $0xFFFFFFFF;
	(pc) =	sbr.abs _section_cstart, $3  }
0xd0: {  	[dreg:$0x1] =	wrdreg $0xFFFFFFFF  }
0xd1: {  	_ =	task.clear_ibuf [dreg:s13], $0x2FFFF;
	_ =	strace $0x9FFFFFFF  }
0xd2: {  	(tm) =	ssettm $0x7FFFFFFF  }
0xd3: {  	_ =	shalt  }
tec
execute0_lowered:
.L_overlay_start_1:
0x0: {  	(tag) =	ssettag $0x1  }
0x1: {  	s6 =	rddreg [dreg:$0x0]  }
0x2: {  	s7 =	rddreg [dreg:$0x1]  }
0x3: {  	s12 =	rddreg [dreg:$0x2]  }
0x4: {  	s15 =	rddreg [dreg:$0x3]  }
0x5: {  	s16 =	rddreg [dreg:$0x4]  }
0x6: {  	s17 =	rddreg [dreg:$0x5]  }
0x7: {  	s0 =	rddreg [dreg:$0x7]  }
0x8: {  	s8 =	rddreg [dreg:$0x8]  }
0x9: {  	s9 =	rddreg [dreg:$0x9]  }
0xa: {  	s10 =	rddreg [dreg:$0xa]  }
0xb: {  	s11 =	rddreg [dreg:$0xb];
	s13 =	simm.s32 $0x0;
	s1 =	srdreg.scid  }
0xc: {  	s18 =	stileid.u32;
	s29 =	simm.s32 $0x180;
	s30 =	simm.s32 $0x680  }
0xd: {  	s31 =	simm.s32 $0x280;
	s28 =	simm.s32 $0x100;
	[smem:$0x7FF] =	sst s13  }
0xe: {  	s1 =	sand.u32 $0x1, s1;
	s3 =	sshll.u32 s18, $0x8;
	s14 =	sshll.u32 s18, $0xA  }
0xf: {  	s19 =	sshll.u32 s18, $0x7;
	s18 =	simm.s32 $0x880;
	s2 =	sshll.u32 s1, $0xC  }
0x10: {  	s4 =	ssub.s32 $0x2, s1;
	s5 =	smul.u32 $0x3D0A00, s1;
	_ =	strace $0x80000047  }
0x11: {  	s1 =	sshll.u32 s1, $0x5;
	s23 =	sadd.s32 s19, s6;
	s24 =	sadd.s32 s19, s7  }
0x12: {  	s25 =	sadd.s32 s19, s12;
	s6 =	simm.s32 $0x780;
	s2 =	sor.u32 s3, s2  }
0x13: {  	s26 =	sshrl.u32 s4, $0x1;
	[dreg:$0xd] =	wrdreg s1;
	s20 =	sadd.s32 $0x10, s23  }
0x14: {  	s21 =	sadd.s32 $0x10, s24;
	s1 =	simm.s32 $0x0;
	s0 =	sadd.s32 s2, s0  }
0x15: {  	s4 =	ssub.s32 s4, s26;
	s5 =	sadd.s32 s17, s5;
	s26 =	sadd.s32 s19, s15  }
0x16: {  	s15 =	stileid.u32;
	[dreg:$0xe] =	wrdreg s5;
	s17 =	sadd.s32 $0x400, s0  }
.Ltmp0:
0x17: {  	s0 =	sadd.s32 $0x410, s0;
	[dreg:$0xf] =	wrdreg s17;
	(pc) =	sbr.rel .LBB2_1-.Ltmp0, $4  }
0x18: {  	s22 =	smax.u32 s4, $0x1;
	s23 =	sadd.s32 $0x10, s26;
	[dreg:$0x10] =	wrdreg s0  }
0x19: {  	s26 =	simm.s32 $0x80;
	s5 =	simm.s32 $0x980;
	[dreg:$0x11] =	wrdreg s22  }
0x1a: {  	s22 =	sadd.s32 $0x10, s25;
	s0 =	sadd.s32 s19, s16;
	s25 =	simm.s32 $0x3  }
0x1b: {  	v0 =	vimm.f32 $0.0e+00;
	s17 =	simm.s32 $0x380;
	s19 =	simm.s32 $0x480;
	s24 =	sadd.s32 $0x10, s0  }
.LBB2_17:
0x1c: {  	s0 =	rddreg [dreg:$0xf]  }
0x1d: {  	s1 =	simm.s32 $0x100;
	s2 =	simm.s32 $0xA00;
	s4 =	simm.s32 $0x5  }
0x1e: {  	[hbm4b:s0+s26] =	stream.strided.scatter [tilespmem:s2], [sflag:$0x5], $0x400, s1, s26, $0x38;
	[tilespmem:$0x1FAD0] =	vst v63  }
0x1f: {  	_ =	swait.ge [sflag:s4], $0x400  }
0x20: {  	[sflag:s4] =	ssyncset.done $0x0  }
0x21: {  	s3 =	simm.s32 $0xE00;
	s7 =	rddreg [dreg:$0x10];
	[sflag:s4] =	ssyncadd.s32 $0xFFFFFC00  }
0x22: {  	[hbm4b:s7+s26] =	stream.strided.scatter [tilespmem:s3], [sflag:$0x5], $0x400, s1, s26, $0x38;
	[tilespmem:$0x1FAD0] =	vst v63  }
0x23: {  	_ =	swait.ge [sflag:s4], $0x400  }
0x24: {  	s12 =	rddreg [dreg:$0x12]  }
0x25: {  	s16 =	rddreg [dreg:$0x11];
	s1 =	sadd.s32 $0x1, s12  }
0x26: {  	p0 =	sne.s32 s1, s16  }
.Ltmp1:
0x27: {  	_ = 	snop;
	(pc) =	sbr.rel @!p0 .LBB2_18-.Ltmp1, $3  }
0x28: {  	_ =	sdelay $0x1  }
0x29: {  	[sflag:s4] =	ssyncset.done $0x0  }
0x2a: {  	s28 =	simm.s32 $0x100;
	[sflag:s4] =	ssyncadd.s32 $0xFFFFFC00  }
.LBB2_1:
0x2b: {  	[dreg:$0x12] =	wrdreg s1;
	s0 =	simm.s32 $0x40;
	s1 =	simm.s32 $0x0  }
.LBB2_2:
0x2c: {  	p0 =	sne.s32 s0, $0xFC0;
	[tilespmem:s1+$0xA00] =	vst v0;
	s2 =	smov.u32 s0;
	s0 =	sadd.s32 $0x40, s0  }
.Ltmp2:
0x2d: {  	[tilespmem:s1+$0xE00] =	vst v0;
	(pc) =	sbr.rel @p0 .LBB2_2-.Ltmp2, $2  }
0x2e: {  	_ =	sdelay $0x2  }
0x2f: {  	s1 =	sshra.s32 s2, $0x2  }
.Ltmp3:
0x30: {  	(pc) =	sbr.rel .LBB2_4-.Ltmp3, $3  }
0x31: {  	_ =	sdelay $0x1  }
0x32: {  	[tilespmem:s1+$0xA00] =	vst v0  }
0x33: {  	s0 =	simm.s32 $0x0;
	[tilespmem:s1+$0xE00] =	vst v0  }
.LBB2_16:
0x34: {  	s1 =	rddreg [dreg:$0x13]  }
0x35: {  	s1 =	sadd.s32 $0x2, s1  }
0x36: {  	p0 =	sgt.u32 s0, $0xE;
	s15 =	stileid.u32;
	s1 =	sand.u32 $0xE, s1  }
0x37: {  	p1 =	sne.s32 @!p0 s15, s1  }
0x38: {  	s1 =	rddreg [dreg:$0x16];
	p0 =	por p1, p0  }
0x39: {  	s1 =	sadd.s32 @!p0 $0x1, s1  }
0x3a: {  	s2 =	sshrl.u32 @!p0 s1, $0x3  }
0x3b: {  	[bflag:$0x0] =	sbarrier.arrive $0xFFFF;
	s1 =	sshll.u32 @!p0 s1, $0x7;
	s2 =	smul.u32 @!p0 $0x7A1400, s2  }
0x3c: {  	s0 =	sadd.s32 $0x1, s0;
	s3 =	rddreg [dreg:$0x5];
	s1 =	sand.u32 @!p0 $0x300, s1  }
0x3d: {  	s4 =	simm.s32 @!p0 $0x1;
	s7 =	simm.s32 @!p0 $0x10;
	s1 =	sor.u32 @!p0 s1, s2  }
0x3e: {  	s12 =	simm.s32 @!p0 $0x80;
	s2 =	sshll.u32 @!p0 s15, $0x6;
	s1 =	sshrl.u32 @!p0 s1, $0x3  }
0x3f: {  	s2 =	sor.u32 @!p0 $0x1C01, s2;
	s1 =	sadd.s32 @!p0 s3, s1;
	s3 =	sshrl.u32 @!p0 s8, $0x3  }
0x40: {  	[spmem:s3@s7], [sflag:s2] =	dma.strided @!p0 [hbm:s1@s12], $0x1E850, s4, $0x10   }
0x41: {  	p0 =	sne.s32 s0, $0x11  }
.Ltmp4:
0x42: {  	_ = 	snop;
	(pc) =	sbr.rel @!p0 .LBB2_17-.Ltmp4, $1  }
0x43: {  	_ =	sdelay $0x3  }
.LBB2_4:
0x44: {  	s12 =	sshll.u32 s0, $0x1  }
0x45: {  	s2 =	sadd.s32 $0xFFFFFFFE, s12;
	s3 =	sadd.s32 $0xFFFFFFFF, s12  }
0x46: {  	p1 =	sgt.u32 s2, $0x1F;
	s2 =	sand.u32 $0xF, s3  }
0x47: {  	p0 =	sne.s32 @!p1 s15, s2  }
0x48: {  	s4 =	sadd.s32 $0x7, s12;
	p0 =	por p0, p1  }
0x49: {  	s2 =	sand.u32 $0xF, s4;
	s3 =	simm.s32 @!p0 $0x1  }
0x4a: {  	p2 =	sne.s32 @!p1 s15, s2;
	_ =	swait.ge @!p0 [sflag:s3], $0x1E850  }
0x4b: {  	p2 =	por p2, p1;
	[sflag:s3] =	ssyncset.done @!p0 $0x0  }
0x4c: {  	s2 =	simm.s32 @!p2 $0x2;
	[sflag:s3] =	ssyncadd.s32 @!p0 $0xFFFE17B0  }
0x4d: {  	s7 =	sor.u32 s15, s0;
	_ =	swait.ge @!p2 [sflag:s2], $0x80  }
0x4e: {  	p0 =	sne.s32 s7, $0x0;
	[sflag:s2] =	ssyncset.done @!p2 $0x0  }
0x4f: {  	s3 =	sshrl.u32 @!p0 s8, $0x3;
	s4 =	simm.s32 @!p0 $0x1;
	[sflag:s2] =	ssyncadd.s32 @!p2 $0xFFFFFF80  }
0x50: {  	s16 =	simm.s32 @!p0 $0x80;
	s2 =	sshll.u32 @!p0 s15, $0x6;
	[bflag:$0x0] =	sbarrier.arrive $0xFFFF  }
0x51: {  	s15 =	simm.s32 @!p0 $0x10;
	s2 =	sor.u32 @!p0 $0x1C01, s2;
	s1 =	rddreg [dreg:$0xe]  }
0x52: {  	[spmem:s3@s15], [sflag:s2] =	dma.strided @!p0 [hbm:s1@s16], $0x1E850, s4, $0x10   }
0x53: {  	s7 =	stileid.u32;
	s15 =	sand.u32 $0xE, s12;
	[dreg:$0x13] =	wrdreg s12  }
0x54: {  	p0 =	seq.s32 s0, $0x10;
	[dreg:$0x15] =	wrdreg s15;
	s1 =	sxor.u32 s7, s15  }
0x55: {  	s16 =	rddreg [dreg:$0xd];
	p2 =	sne.s32 @!p0 s1, $0x8  }
0x56: {  	[dreg:$0x14] =	wrdreg s1;
	s1 =	sadd.s32 s16, s12;
	p2 =	por p2, p0  }
0x57: {  	[dreg:$0x17] =	wrdreg s1;
	s2 =	sshll.u32 @!p2 s0, $0x5;
	s3 =	sshll.u32 @!p2 s1, $0x7  }
.Ltmp5:
0x58: {  	s1 =	rddreg [dreg:$0x6];
	s4 =	sshll.u32 @!p2 s7, $0x6;
	(pc) =	sbr.rel @p1 .LBB2_10-.Ltmp5, $4  }
0x59: {  	s15 =	simm.s32 @!p2 $0x1;
	s16 =	simm.s32 @!p2 $0x10;
	s2 =	sand.u32 @!p2 $0x60, s2  }
0x5a: {  	s12 =	simm.s32 @!p2 $0x80;
	s3 =	sand.u32 @!p2 $0x3C00, s3;
	s2 =	sadd.s32 @!p2 s1, s2  }
0x5b: {  	s2 =	sadd.s32 @!p2 s3, s2;
	s3 =	sor.u32 @!p2 $0x1C02, s4;
	s4 =	sshrl.u32 @!p2 s9, $0x3  }
0x5c: {  	[spmem:s4@s16], [sflag:s3] =	dma.strided @!p2 [hbm:s2@s12], $0x80, s15, $0x10   }
.Ltmp6:
0x5d: {  	(pc) =	sbr.rel .LBB2_6-.Ltmp6, $3  }
0x5e: {  	_ =	sdelay $0x1  }
0x5f: {  	s2 =	simm.s32 $0xFFFFFFFE;
	s3 =	simm.s32 $0xD80  }
0x60: {  	s4 =	simm.s32 $0x980;
	s16 =	simm.s32 $0x0;
	s15 =	simm.s32 $0x0  }
.LBB2_8:
0x61: {  	_ =	swait.ge [sflag:s25], $0x80  }
0x62: {  	[sflag:s25] =	ssyncset.done $0x0  }
0x63: {  	[sflag:s25] =	ssyncadd.s32 $0xFFFFFF80  }
0x64: {  	_ =	swait.ge [sflag:s25], $0x80  }
0x65: {  	[sflag:s25] =	ssyncset.done $0x0  }
0x66: {  	[sflag:s25] =	ssyncadd.s32 $0xFFFFFF80  }
0x67: {  	_ =	swait.ge [sflag:s25], $0x80  }
0x68: {  	[sflag:s25] =	ssyncset.done $0x0  }
0x69: {  	[sflag:s25] =	ssyncadd.s32 $0xFFFFFF80  }
0x6a: {  	_ =	swait.ge [sflag:s25], $0x80  }
0x6b: {  	[sflag:s25] =	ssyncset.done $0x0  }
0x6c: {  	[sflag:s25] =	ssyncadd.s32 $0xFFFFFF80  }
0x6d: {  	_ =	swait.ge [sflag:s25], $0x80  }
0x6e: {  	[sflag:s25] =	ssyncset.done $0x0  }
0x6f: {  	s1 =	simm.s32 $0x580;
	[sflag:s25] =	ssyncadd.s32 $0xFFFFFF80  }
0x70: {  	[tilespmem:s1], [sflag:$0x4] =	stream.indirect.gather [spmem:s10], $0x1, s26, s26, $0xb8;
	[tilespmem:$0x1FAD0] =	vst v63  }
0x71: {  	_ = 	snop  }
0x72: {  	[tilespmem:s30], [sflag:$0x4] =	stream.indirect.gather [spmem:s11], $0x1, s29, s26, $0xb8;
	[tilespmem:$0x1FAD0] =	vst v63  }
0x73: {  	_ = 	snop  }
0x74: {  	[tilespmem:s6], [sflag:$0x4] =	stream.indirect.gather [spmem:s11], $0x1, s31, s26, $0xb8;
	[tilespmem:$0x1FAD0] =	vst v63  }
0x75: {  	_ = 	snop  }
0x76: {  	[tilespmem:s18], [sflag:$0x4] =	stream.indirect.gather [spmem:s11], $0x1, s17, s26, $0xb8;
	[tilespmem:$0x1FAD0] =	vst v63  }
0x77: {  	_ = 	snop  }
0x78: {  	[tilespmem:s5], [sflag:$0x4] =	stream.indirect.gather [spmem:s11], $0x1, s19, s26, $0xb8;
	[tilespmem:$0x1FAD0] =	vst v63  }
.LBB2_9:
0x79: {  	s7 =	simm.s32 @!p1 $0x4  }
0x7a: {  	_ =	swait.ge @!p1 [sflag:s7], $0x80  }
0x7b: {  	[sflag:s7] =	ssyncset.done @!p1 $0x0  }
0x7c: {  	[sflag:s7] =	ssyncadd.s32 @!p1 $0xFFFFFF80  }
0x7d: {  	_ =	swait.ge @!p1 [sflag:s7], $0x80  }
0x7e: {  	[sflag:s7] =	ssyncset.done @!p1 $0x0  }
0x7f: {  	[sflag:s7] =	ssyncadd.s32 @!p1 $0xFFFFFF80  }
0x80: {  	_ =	swait.ge @!p1 [sflag:s7], $0x80  }
0x81: {  	[sflag:s7] =	ssyncset.done @!p1 $0x0  }
0x82: {  	[sflag:s7] =	ssyncadd.s32 @!p1 $0xFFFFFF80  }
0x83: {  	_ =	swait.ge @!p1 [sflag:s7], $0x80  }
0x84: {  	[sflag:s7] =	ssyncset.done @!p1 $0x0  }
0x85: {  	[sflag:s7] =	ssyncadd.s32 @!p1 $0xFFFFFF80  }
0x86: {  	_ =	swait.ge @!p1 [sflag:s7], $0x80  }
0x87: {  	[sflag:s7] =	ssyncset.done @!p1 $0x0  }
0x88: {  	[sflag:s7] =	ssyncadd.s32 @!p1 $0xFFFFFF80  }
0x89: {  	v1 =	vld @!p1 [tilespmem:$0x580]  }
0x8a: {  	v2 =	vld @!p1 [tilespmem:$0x680];
	_ =	sdelay $0x1  }
0x8b: {  	v3 =	vld @!p1 [tilespmem:$0x780];
	_ =	sdelay $0x2  }
0x8c: {  	v2 =	vadd.f32 @!p1 v2, v1  }
0x8d: {  	v4 =	vld @!p1 [tilespmem:s4+$0x0]  }
0x8e: {  	v2 =	vsub.f32 @!p1 v2, v3  }
0x8f: {  	v3 =	vld @!p1 [tilespmem:$0x880]  }
0x90: {  	v2 =	vmul.f32 @!p1 v2, v2  }
0x91: {  	v5 =	vld @!p1 [tilespmem:$0x980]  }
0x92: {  	v2 =	vadd.f32 @!p1 v4, v2;
	_ =	sdelay $0x1  }
0x93: {  	v1 =	vadd.f32 @!p1 v3, v1;
	[tilespmem:s4+$0x0] =	vst @!p1 v2  }
0x94: {  	v2 =	vld @!p1 [tilespmem:s3+$0x0]  }
0x95: {  	v1 =	vsub.f32 @!p1 v1, v5;
	_ =	sdelay $0x1  }
0x96: {  	v1 =	vmul.f32 @!p1 v1, v1;
	_ =	sdelay $0x1  }
0x97: {  	v1 =	vadd.f32 @!p1 v2, v1;
	_ =	sdelay $0x1  }
0x98: {  	[tilespmem:s3+$0x0] =	vst @!p1 v1  }
0x99: {  	v1 =	vld @!p1 [tilespmem:$0x590]  }
0x9a: {  	v2 =	vld @!p1 [tilespmem:$0x690];
	_ =	sdelay $0x1  }
0x9b: {  	v3 =	vld @!p1 [tilespmem:$0x790];
	_ =	sdelay $0x2  }
0x9c: {  	v2 =	vadd.f32 @!p1 v2, v1  }
0x9d: {  	v4 =	vld @!p1 [tilespmem:s4+$0x10]  }
0x9e: {  	v2 =	vsub.f32 @!p1 v2, v3  }
0x9f: {  	v3 =	vld @!p1 [tilespmem:$0x890]  }
0xa0: {  	v2 =	vmul.f32 @!p1 v2, v2  }
0xa1: {  	v5 =	vld @!p1 [tilespmem:$0x990]  }
0xa2: {  	v2 =	vadd.f32 @!p1 v4, v2;
	_ =	sdelay $0x1  }
0xa3: {  	v1 =	vadd.f32 @!p1 v3, v1;
	[tilespmem:s4+$0x10] =	vst @!p1 v2  }
0xa4: {  	v2 =	vld @!p1 [tilespmem:s3+$0x10]  }
0xa5: {  	v1 =	vsub.f32 @!p1 v1, v5;
	_ =	sdelay $0x1  }
0xa6: {  	v1 =	vmul.f32 @!p1 v1, v1;
	_ =	sdelay $0x1  }
0xa7: {  	v1 =	vadd.f32 @!p1 v2, v1;
	_ =	sdelay $0x1  }
0xa8: {  	[tilespmem:s3+$0x10] =	vst @!p1 v1  }
0xa9: {  	v1 =	vld @!p1 [tilespmem:$0x5A0]  }
0xaa: {  	v2 =	vld @!p1 [tilespmem:$0x6A0];
	_ =	sdelay $0x1  }
0xab: {  	v3 =	vld @!p1 [tilespmem:$0x7A0];
	_ =	sdelay $0x2  }
0xac: {  	v2 =	vadd.f32 @!p1 v2, v1  }
0xad: {  	v4 =	vld @!p1 [tilespmem:s4+$0x20]  }
0xae: {  	v2 =	vsub.f32 @!p1 v2, v3  }
0xaf: {  	v3 =	vld @!p1 [tilespmem:$0x8A0]  }
0xb0: {  	v2 =	vmul.f32 @!p1 v2, v2  }
0xb1: {  	v5 =	vld @!p1 [tilespmem:$0x9A0]  }
0xb2: {  	v2 =	vadd.f32 @!p1 v4, v2;
	_ =	sdelay $0x1  }
0xb3: {  	v1 =	vadd.f32 @!p1 v3, v1;
	[tilespmem:s4+$0x20] =	vst @!p1 v2  }
0xb4: {  	v2 =	vld @!p1 [tilespmem:s3+$0x20]  }
0xb5: {  	v1 =	vsub.f32 @!p1 v1, v5;
	_ =	sdelay $0x1  }
0xb6: {  	v1 =	vmul.f32 @!p1 v1, v1;
	_ =	sdelay $0x1  }
0xb7: {  	v1 =	vadd.f32 @!p1 v2, v1;
	_ =	sdelay $0x1  }
0xb8: {  	[tilespmem:s3+$0x20] =	vst @!p1 v1  }
0xb9: {  	v1 =	vld @!p1 [tilespmem:$0x5B0]  }
0xba: {  	v2 =	vld @!p1 [tilespmem:$0x6B0];
	_ =	sdelay $0x1  }
0xbb: {  	v3 =	vld @!p1 [tilespmem:$0x7B0];
	_ =	sdelay $0x2  }
0xbc: {  	v2 =	vadd.f32 @!p1 v2, v1  }
0xbd: {  	v4 =	vld @!p1 [tilespmem:s4+$0x30]  }
0xbe: {  	v2 =	vsub.f32 @!p1 v2, v3  }
0xbf: {  	v3 =	vld @!p1 [tilespmem:$0x8B0]  }
0xc0: {  	v2 =	vmul.f32 @!p1 v2, v2  }
0xc1: {  	v5 =	vld @!p1 [tilespmem:$0x9B0]  }
0xc2: {  	v2 =	vadd.f32 @!p1 v4, v2;
	_ =	sdelay $0x1  }
0xc3: {  	v1 =	vadd.f32 @!p1 v3, v1;
	[tilespmem:s4+$0x30] =	vst @!p1 v2  }
0xc4: {  	v2 =	vld @!p1 [tilespmem:s3+$0x30]  }
0xc5: {  	v1 =	vsub.f32 @!p1 v1, v5;
	_ =	sdelay $0x1  }
0xc6: {  	v1 =	vmul.f32 @!p1 v1, v1;
	_ =	sdelay $0x1  }
0xc7: {  	v1 =	vadd.f32 @!p1 v2, v1;
	_ =	sdelay $0x1  }
0xc8: {  	[tilespmem:s3+$0x30] =	vst @!p1 v1  }
0xc9: {  	v1 =	vld @!p1 [tilespmem:$0x5C0]  }
0xca: {  	v2 =	vld @!p1 [tilespmem:$0x6C0];
	_ =	sdelay $0x1  }
0xcb: {  	v3 =	vld @!p1 [tilespmem:$0x7C0];
	_ =	sdelay $0x2  }
0xcc: {  	v2 =	vadd.f32 @!p1 v2, v1  }
0xcd: {  	v4 =	vld @!p1 [tilespmem:s4+$0x40]  }
0xce: {  	v2 =	vsub.f32 @!p1 v2, v3  }
0xcf: {  	v3 =	vld @!p1 [tilespmem:$0x8C0]  }
0xd0: {  	v2 =	vmul.f32 @!p1 v2, v2  }
0xd1: {  	v5 =	vld @!p1 [tilespmem:$0x9C0]  }
0xd2: {  	v2 =	vadd.f32 @!p1 v4, v2;
	_ =	sdelay $0x1  }
0xd3: {  	v1 =	vadd.f32 @!p1 v3, v1;
	[tilespmem:s4+$0x40] =	vst @!p1 v2  }
0xd4: {  	v2 =	vld @!p1 [tilespmem:s3+$0x40]  }
0xd5: {  	v1 =	vsub.f32 @!p1 v1, v5;
	_ =	sdelay $0x1  }
0xd6: {  	v1 =	vmul.f32 @!p1 v1, v1;
	_ =	sdelay $0x1  }
0xd7: {  	v1 =	vadd.f32 @!p1 v2, v1;
	_ =	sdelay $0x1  }
0xd8: {  	[tilespmem:s3+$0x40] =	vst @!p1 v1  }
0xd9: {  	v1 =	vld @!p1 [tilespmem:$0x5D0]  }
0xda: {  	v2 =	vld @!p1 [tilespmem:$0x6D0];
	_ =	sdelay $0x1  }
0xdb: {  	v3 =	vld @!p1 [tilespmem:$0x7D0];
	_ =	sdelay $0x2  }
0xdc: {  	v2 =	vadd.f32 @!p1 v2, v1  }
0xdd: {  	v4 =	vld @!p1 [tilespmem:s4+$0x50]  }
0xde: {  	v2 =	vsub.f32 @!p1 v2, v3  }
0xdf: {  	v3 =	vld @!p1 [tilespmem:$0x8D0]  }
0xe0: {  	v2 =	vmul.f32 @!p1 v2, v2  }
0xe1: {  	v5 =	vld @!p1 [tilespmem:$0x9D0]  }
0xe2: {  	v2 =	vadd.f32 @!p1 v4, v2;
	_ =	sdelay $0x1  }
0xe3: {  	v1 =	vadd.f32 @!p1 v3, v1;
	[tilespmem:s4+$0x50] =	vst @!p1 v2  }
0xe4: {  	v2 =	vld @!p1 [tilespmem:s3+$0x50]  }
0xe5: {  	v1 =	vsub.f32 @!p1 v1, v5;
	_ =	sdelay $0x1  }
0xe6: {  	v1 =	vmul.f32 @!p1 v1, v1;
	_ =	sdelay $0x1  }
0xe7: {  	v1 =	vadd.f32 @!p1 v2, v1;
	_ =	sdelay $0x1  }
0xe8: {  	[tilespmem:s3+$0x50] =	vst @!p1 v1  }
0xe9: {  	v1 =	vld @!p1 [tilespmem:$0x5E0]  }
0xea: {  	v2 =	vld @!p1 [tilespmem:$0x6E0];
	_ =	sdelay $0x1  }
0xeb: {  	v3 =	vld @!p1 [tilespmem:$0x7E0];
	_ =	sdelay $0x2  }
0xec: {  	v2 =	vadd.f32 @!p1 v2, v1  }
0xed: {  	v4 =	vld @!p1 [tilespmem:s4+$0x60]  }
0xee: {  	v2 =	vsub.f32 @!p1 v2, v3  }
0xef: {  	v3 =	vld @!p1 [tilespmem:$0x8E0]  }
0xf0: {  	v2 =	vmul.f32 @!p1 v2, v2  }
0xf1: {  	v5 =	vld @!p1 [tilespmem:$0x9E0]  }
0xf2: {  	v2 =	vadd.f32 @!p1 v4, v2;
	_ =	sdelay $0x1  }
0xf3: {  	v1 =	vadd.f32 @!p1 v3, v1;
	[tilespmem:s4+$0x60] =	vst @!p1 v2  }
0xf4: {  	v2 =	vld @!p1 [tilespmem:s3+$0x60]  }
0xf5: {  	v1 =	vsub.f32 @!p1 v1, v5;
	_ =	sdelay $0x1  }
0xf6: {  	v1 =	vmul.f32 @!p1 v1, v1;
	_ =	sdelay $0x1  }
0xf7: {  	v1 =	vadd.f32 @!p1 v2, v1;
	_ =	sdelay $0x1  }
0xf8: {  	[tilespmem:s3+$0x60] =	vst @!p1 v1  }
0xf9: {  	v1 =	vld @!p1 [tilespmem:$0x5F0]  }
0xfa: {  	v2 =	vld @!p1 [tilespmem:$0x6F0];
	_ =	sdelay $0x1  }
0xfb: {  	v3 =	vld @!p1 [tilespmem:$0x7F0];
	_ =	sdelay $0x2  }
0xfc: {  	v2 =	vadd.f32 @!p1 v2, v1  }
0xfd: {  	v4 =	vld @!p1 [tilespmem:s4+$0x70]  }
0xfe: {  	v2 =	vsub.f32 @!p1 v2, v3  }
0xff: {  	v3 =	vld @!p1 [tilespmem:$0x8F0]  }
0x100: {  	v2 =	vmul.f32 @!p1 v2, v2  }
0x101: {  	v5 =	vld @!p1 [tilespmem:$0x9F0]  }
0x102: {  	v2 =	vadd.f32 @!p1 v4, v2;
	_ =	sdelay $0x1  }
0x103: {  	v1 =	vadd.f32 @!p1 v3, v1;
	[tilespmem:s4+$0x70] =	vst @!p1 v2  }
0x104: {  	v2 =	vld @!p1 [tilespmem:s3+$0x70]  }
0x105: {  	v1 =	vsub.f32 @!p1 v1, v5;
	_ =	sdelay $0x1  }
0x106: {  	v1 =	vmul.f32 @!p1 v1, v1;
	_ =	sdelay $0x1  }
0x107: {  	v1 =	vadd.f32 @!p1 v2, v1;
	_ =	sdelay $0x1  }
0x108: {  	s7 =	sadd.s32 @p2 s15, s20;
	[tilespmem:s3+$0x70] =	vst @!p1 v1  }
0x109: {  	[tilespmem:s26], [sflag:$0x3] =	stream.linear.gather @p2 [hbm4b:s7+s13], $0x80, $0x38;
	[tilespmem:$0x1FAD0] =	vst v63  }
0x10a: {  	s7 =	sadd.s32 @p2 s15, s21  }
0x10b: {  	[tilespmem:s29], [sflag:$0x3] =	stream.linear.gather @p2 [hbm4b:s7+s13], $0x80, $0x38;
	[tilespmem:$0x1FAD0] =	vst v63  }
0x10c: {  	s7 =	sadd.s32 @p2 s15, s22  }
0x10d: {  	[tilespmem:s31], [sflag:$0x3] =	stream.linear.gather @p2 [hbm4b:s7+s13], $0x80, $0x38;
	[tilespmem:$0x1FAD0] =	vst v63  }
0x10e: {  	s12 =	sadd.s32 $0x3, s2;
	s7 =	sadd.s32 @p2 s15, s23  }
0x10f: {  	[tilespmem:s17], [sflag:$0x3] =	stream.linear.gather @p2 [hbm4b:s7+s13], $0x80, $0x38;
	[tilespmem:$0x1FAD0] =	vst v63  }
0x110: {  	p1 =	sgt.u32 s12, $0x8;
	s7 =	sadd.s32 @p2 s15, s24  }
0x111: {  	[tilespmem:s19], [sflag:$0x3] =	stream.linear.gather @p2 [hbm4b:s7+s13], $0x80, $0x38;
	[tilespmem:$0x1FAD0] =	vst v63  }
0x112: {  	s7 =	simm.s32 @!p1 $0x3  }
0x113: {  	_ =	swait.ge @!p1 [sflag:s7], $0x80  }
0x114: {  	[sflag:s7] =	ssyncset.done @!p1 $0x0  }
0x115: {  	[sflag:s7] =	ssyncadd.s32 @!p1 $0xFFFFFF80  }
0x116: {  	_ =	swait.ge @!p1 [sflag:s7], $0x80  }
0x117: {  	[sflag:s7] =	ssyncset.done @!p1 $0x0  }
0x118: {  	[sflag:s7] =	ssyncadd.s32 @!p1 $0xFFFFFF80  }
0x119: {  	_ =	swait.ge @!p1 [sflag:s7], $0x80  }
0x11a: {  	[sflag:s7] =	ssyncset.done @!p1 $0x0  }
0x11b: {  	[sflag:s7] =	ssyncadd.s32 @!p1 $0xFFFFFF80  }
0x11c: {  	_ =	swait.ge @!p1 [sflag:s7], $0x80  }
0x11d: {  	[sflag:s7] =	ssyncset.done @!p1 $0x0  }
0x11e: {  	[sflag:s7] =	ssyncadd.s32 @!p1 $0xFFFFFF80  }
0x11f: {  	_ =	swait.ge @!p1 [sflag:s7], $0x80  }
0x120: {  	s12 =	simm.s32 @!p1 $0x0;
	[sflag:s7] =	ssyncset.done @!p1 $0x0  }
0x121: {  	s1 =	simm.s32 @!p1 $0x500;
	[sflag:s7] =	ssyncadd.s32 @!p1 $0xFFFFFF80;
	s7 =	simm.s32 @!p1 $0x80  }
0x122: {  	[tilespmem:s1], [sflag:$0x4] =	stream.indirect.gather @!p1 [spmem:s10], $0x1, s12, s7, $0xb8;
	[tilespmem:$0x1FAD0] =	vst v63  }
0x123: {  	s1 =	simm.s32 @!p1 $0x100;
	s12 =	simm.s32 @!p1 $0x600  }
0x124: {  	[tilespmem:s12], [sflag:$0x4] =	stream.indirect.gather @!p1 [spmem:s11], $0x1, s1, s7, $0xb8;
	[tilespmem:$0x1FAD0] =	vst v63  }
0x125: {  	s1 =	simm.s32 @!p1 $0x200;
	s12 =	simm.s32 @!p1 $0x700  }
0x126: {  	[tilespmem:s12], [sflag:$0x4] =	stream.indirect.gather @!p1 [spmem:s11], $0x1, s1, s7, $0xb8;
	[tilespmem:$0x1FAD0] =	vst v63  }
0x127: {  	s1 =	simm.s32 @!p1 $0x300;
	s12 =	simm.s32 @!p1 $0x800  }
0x128: {  	[tilespmem:s12], [sflag:$0x4] =	stream.indirect.gather @!p1 [spmem:s11], $0x1, s1, s7, $0xb8;
	[tilespmem:$0x1FAD0] =	vst v63  }
0x129: {  	s15 =	sadd.s32 $0x20, s15;
	s1 =	simm.s32 @!p1 $0x400;
	s12 =	simm.s32 @!p1 $0x900  }
0x12a: {  	[tilespmem:s12], [sflag:$0x4] =	stream.indirect.gather @!p1 [spmem:s11], $0x1, s1, s7, $0xb8;
	[tilespmem:$0x1FAD0] =	vst v63  }
0x12b: {  	p1 =	sne.s32 s15, $0xA0  }
.Ltmp7:
0x12c: {  	_ = 	snop;
	(pc) =	sbr.rel @!p1 .LBB2_10-.Ltmp7, $3  }
0x12d: {  	_ =	sdelay $0x1  }
0x12e: {  	s2 =	sadd.s32 $0x2, s2  }
0x12f: {  	s16 =	sadd.s32 $0x100, s16;
	s4 =	sadd.s32 $0x100, s4;
	s3 =	sadd.s32 $0x100, s3  }
.LBB2_6:
0x130: {  	p1 =	seq.s32 s15, $0x0  }
0x131: {  	s12 =	simm.s32 @!p1 $0x4  }
0x132: {  	_ =	swait.ge @!p1 [sflag:s12], $0x80  }
0x133: {  	[sflag:s12] =	ssyncset.done @!p1 $0x0  }
0x134: {  	[sflag:s12] =	ssyncadd.s32 @!p1 $0xFFFFFF80  }
0x135: {  	_ =	swait.ge @!p1 [sflag:s12], $0x80  }
0x136: {  	[sflag:s12] =	ssyncset.done @!p1 $0x0  }
0x137: {  	[sflag:s12] =	ssyncadd.s32 @!p1 $0xFFFFFF80  }
0x138: {  	_ =	swait.ge @!p1 [sflag:s12], $0x80  }
0x139: {  	[sflag:s12] =	ssyncset.done @!p1 $0x0  }
0x13a: {  	[sflag:s12] =	ssyncadd.s32 @!p1 $0xFFFFFF80  }
0x13b: {  	_ =	swait.ge @!p1 [sflag:s12], $0x80  }
0x13c: {  	[sflag:s12] =	ssyncset.done @!p1 $0x0  }
0x13d: {  	[sflag:s12] =	ssyncadd.s32 @!p1 $0xFFFFFF80  }
0x13e: {  	_ =	swait.ge @!p1 [sflag:s12], $0x80  }
0x13f: {  	[sflag:s12] =	ssyncset.done @!p1 $0x0  }
0x140: {  	[sflag:s12] =	ssyncadd.s32 @!p1 $0xFFFFFF80  }
0x141: {  	v1 =	vld @!p1 [tilespmem:$0x500]  }
0x142: {  	v2 =	vld @!p1 [tilespmem:$0x600];
	_ =	sdelay $0x1  }
0x143: {  	v3 =	vld @!p1 [tilespmem:$0x700];
	_ =	sdelay $0x2  }
0x144: {  	v2 =	vadd.f32 @!p1 v2, v1  }
0x145: {  	v4 =	vld @!p1 [tilespmem:s4+$0xFFFFFF80]  }
0x146: {  	v2 =	vsub.f32 @!p1 v2, v3  }
0x147: {  	v3 =	vld @!p1 [tilespmem:$0x800]  }
0x148: {  	v2 =	vmul.f32 @!p1 v2, v2  }
0x149: {  	v5 =	vld @!p1 [tilespmem:$0x900]  }
0x14a: {  	v2 =	vadd.f32 @!p1 v4, v2;
	_ =	sdelay $0x1  }
0x14b: {  	v1 =	vadd.f32 @!p1 v3, v1;
	[tilespmem:s4+$0xFFFFFF80] =	vst @!p1 v2  }
0x14c: {  	v2 =	vld @!p1 [tilespmem:s3+$0xFFFFFF80]  }
0x14d: {  	v1 =	vsub.f32 @!p1 v1, v5;
	_ =	sdelay $0x1  }
0x14e: {  	v1 =	vmul.f32 @!p1 v1, v1;
	_ =	sdelay $0x1  }
0x14f: {  	v1 =	vadd.f32 @!p1 v2, v1;
	_ =	sdelay $0x1  }
0x150: {  	[tilespmem:s3+$0xFFFFFF80] =	vst @!p1 v1  }
0x151: {  	v1 =	vld @!p1 [tilespmem:$0x510]  }
0x152: {  	v2 =	vld @!p1 [tilespmem:$0x610];
	_ =	sdelay $0x1  }
0x153: {  	v3 =	vld @!p1 [tilespmem:$0x710];
	_ =	sdelay $0x2  }
0x154: {  	v2 =	vadd.f32 @!p1 v2, v1  }
0x155: {  	v4 =	vld @!p1 [tilespmem:s4+$0xFFFFFF90]  }
0x156: {  	v2 =	vsub.f32 @!p1 v2, v3  }
0x157: {  	v3 =	vld @!p1 [tilespmem:$0x810]  }
0x158: {  	v2 =	vmul.f32 @!p1 v2, v2  }
0x159: {  	v5 =	vld @!p1 [tilespmem:$0x910]  }
0x15a: {  	v2 =	vadd.f32 @!p1 v4, v2;
	_ =	sdelay $0x1  }
0x15b: {  	v1 =	vadd.f32 @!p1 v3, v1;
	[tilespmem:s4+$0xFFFFFF90] =	vst @!p1 v2  }
0x15c: {  	v2 =	vld @!p1 [tilespmem:s3+$0xFFFFFF90]  }
0x15d: {  	v1 =	vsub.f32 @!p1 v1, v5;
	_ =	sdelay $0x1  }
0x15e: {  	v1 =	vmul.f32 @!p1 v1, v1;
	_ =	sdelay $0x1  }
0x15f: {  	v1 =	vadd.f32 @!p1 v2, v1;
	_ =	sdelay $0x1  }
0x160: {  	[tilespmem:s3+$0xFFFFFF90] =	vst @!p1 v1  }
0x161: {  	v1 =	vld @!p1 [tilespmem:$0x520]  }
0x162: {  	v2 =	vld @!p1 [tilespmem:$0x620];
	_ =	sdelay $0x1  }
0x163: {  	v3 =	vld @!p1 [tilespmem:$0x720];
	_ =	sdelay $0x2  }
0x164: {  	v2 =	vadd.f32 @!p1 v2, v1  }
0x165: {  	v4 =	vld @!p1 [tilespmem:s4+$0xFFFFFFA0]  }
0x166: {  	v2 =	vsub.f32 @!p1 v2, v3  }
0x167: {  	v3 =	vld @!p1 [tilespmem:$0x820]  }
0x168: {  	v2 =	vmul.f32 @!p1 v2, v2  }
0x169: {  	v5 =	vld @!p1 [tilespmem:$0x920]  }
0x16a: {  	v2 =	vadd.f32 @!p1 v4, v2;
	_ =	sdelay $0x1  }
0x16b: {  	v1 =	vadd.f32 @!p1 v3, v1;
	[tilespmem:s4+$0xFFFFFFA0] =	vst @!p1 v2  }
0x16c: {  	v2 =	vld @!p1 [tilespmem:s3+$0xFFFFFFA0]  }
0x16d: {  	v1 =	vsub.f32 @!p1 v1, v5;
	_ =	sdelay $0x1  }
0x16e: {  	v1 =	vmul.f32 @!p1 v1, v1;
	_ =	sdelay $0x1  }
0x16f: {  	v1 =	vadd.f32 @!p1 v2, v1;
	_ =	sdelay $0x1  }
0x170: {  	[tilespmem:s3+$0xFFFFFFA0] =	vst @!p1 v1  }
0x171: {  	v1 =	vld @!p1 [tilespmem:$0x530]  }
0x172: {  	v2 =	vld @!p1 [tilespmem:$0x630];
	_ =	sdelay $0x1  }
0x173: {  	v3 =	vld @!p1 [tilespmem:$0x730];
	_ =	sdelay $0x2  }
0x174: {  	v2 =	vadd.f32 @!p1 v2, v1  }
0x175: {  	v4 =	vld @!p1 [tilespmem:s4+$0xFFFFFFB0]  }
0x176: {  	v2 =	vsub.f32 @!p1 v2, v3  }
0x177: {  	v3 =	vld @!p1 [tilespmem:$0x830]  }
0x178: {  	v2 =	vmul.f32 @!p1 v2, v2  }
0x179: {  	v5 =	vld @!p1 [tilespmem:$0x930]  }
0x17a: {  	v2 =	vadd.f32 @!p1 v4, v2;
	_ =	sdelay $0x1  }
0x17b: {  	v1 =	vadd.f32 @!p1 v3, v1;
	[tilespmem:s4+$0xFFFFFFB0] =	vst @!p1 v2  }
0x17c: {  	v2 =	vld @!p1 [tilespmem:s3+$0xFFFFFFB0]  }
0x17d: {  	v1 =	vsub.f32 @!p1 v1, v5;
	_ =	sdelay $0x1  }
0x17e: {  	v1 =	vmul.f32 @!p1 v1, v1;
	_ =	sdelay $0x1  }
0x17f: {  	v1 =	vadd.f32 @!p1 v2, v1;
	_ =	sdelay $0x1  }
0x180: {  	[tilespmem:s3+$0xFFFFFFB0] =	vst @!p1 v1  }
0x181: {  	v1 =	vld @!p1 [tilespmem:$0x540]  }
0x182: {  	v2 =	vld @!p1 [tilespmem:$0x640];
	_ =	sdelay $0x1  }
0x183: {  	v3 =	vld @!p1 [tilespmem:$0x740];
	_ =	sdelay $0x2  }
0x184: {  	v2 =	vadd.f32 @!p1 v2, v1  }
0x185: {  	v4 =	vld @!p1 [tilespmem:s4+$0xFFFFFFC0]  }
0x186: {  	v2 =	vsub.f32 @!p1 v2, v3  }
0x187: {  	v3 =	vld @!p1 [tilespmem:$0x840]  }
0x188: {  	v2 =	vmul.f32 @!p1 v2, v2  }
0x189: {  	v5 =	vld @!p1 [tilespmem:$0x940]  }
0x18a: {  	v2 =	vadd.f32 @!p1 v4, v2;
	_ =	sdelay $0x1  }
0x18b: {  	v1 =	vadd.f32 @!p1 v3, v1;
	[tilespmem:s4+$0xFFFFFFC0] =	vst @!p1 v2  }
0x18c: {  	v2 =	vld @!p1 [tilespmem:s3+$0xFFFFFFC0]  }
0x18d: {  	v1 =	vsub.f32 @!p1 v1, v5;
	_ =	sdelay $0x1  }
0x18e: {  	v1 =	vmul.f32 @!p1 v1, v1;
	_ =	sdelay $0x1  }
0x18f: {  	v1 =	vadd.f32 @!p1 v2, v1;
	_ =	sdelay $0x1  }
0x190: {  	[tilespmem:s3+$0xFFFFFFC0] =	vst @!p1 v1  }
0x191: {  	v1 =	vld @!p1 [tilespmem:$0x550]  }
0x192: {  	v2 =	vld @!p1 [tilespmem:$0x650];
	_ =	sdelay $0x1  }
0x193: {  	v3 =	vld @!p1 [tilespmem:$0x750];
	_ =	sdelay $0x2  }
0x194: {  	v2 =	vadd.f32 @!p1 v2, v1  }
0x195: {  	v4 =	vld @!p1 [tilespmem:s4+$0xFFFFFFD0]  }
0x196: {  	v2 =	vsub.f32 @!p1 v2, v3  }
0x197: {  	v3 =	vld @!p1 [tilespmem:$0x850]  }
0x198: {  	v2 =	vmul.f32 @!p1 v2, v2  }
0x199: {  	v5 =	vld @!p1 [tilespmem:$0x950]  }
0x19a: {  	v2 =	vadd.f32 @!p1 v4, v2;
	_ =	sdelay $0x1  }
0x19b: {  	v1 =	vadd.f32 @!p1 v3, v1;
	[tilespmem:s4+$0xFFFFFFD0] =	vst @!p1 v2  }
0x19c: {  	v2 =	vld @!p1 [tilespmem:s3+$0xFFFFFFD0]  }
0x19d: {  	v1 =	vsub.f32 @!p1 v1, v5;
	_ =	sdelay $0x1  }
0x19e: {  	v1 =	vmul.f32 @!p1 v1, v1;
	_ =	sdelay $0x1  }
0x19f: {  	v1 =	vadd.f32 @!p1 v2, v1;
	_ =	sdelay $0x1  }
0x1a0: {  	[tilespmem:s3+$0xFFFFFFD0] =	vst @!p1 v1  }
0x1a1: {  	v1 =	vld @!p1 [tilespmem:$0x560]  }
0x1a2: {  	v2 =	vld @!p1 [tilespmem:$0x660];
	_ =	sdelay $0x1  }
0x1a3: {  	v3 =	vld @!p1 [tilespmem:$0x760];
	_ =	sdelay $0x2  }
0x1a4: {  	v2 =	vadd.f32 @!p1 v2, v1  }
0x1a5: {  	v4 =	vld @!p1 [tilespmem:s4+$0xFFFFFFE0]  }
0x1a6: {  	v2 =	vsub.f32 @!p1 v2, v3  }
0x1a7: {  	v3 =	vld @!p1 [tilespmem:$0x860]  }
0x1a8: {  	v2 =	vmul.f32 @!p1 v2, v2  }
0x1a9: {  	v5 =	vld @!p1 [tilespmem:$0x960]  }
0x1aa: {  	v2 =	vadd.f32 @!p1 v4, v2;
	_ =	sdelay $0x1  }
0x1ab: {  	v1 =	vadd.f32 @!p1 v3, v1;
	[tilespmem:s4+$0xFFFFFFE0] =	vst @!p1 v2  }
0x1ac: {  	v2 =	vld @!p1 [tilespmem:s3+$0xFFFFFFE0]  }
0x1ad: {  	v1 =	vsub.f32 @!p1 v1, v5;
	_ =	sdelay $0x1  }
0x1ae: {  	v1 =	vmul.f32 @!p1 v1, v1;
	_ =	sdelay $0x1  }
0x1af: {  	v1 =	vadd.f32 @!p1 v2, v1;
	_ =	sdelay $0x1  }
0x1b0: {  	[tilespmem:s3+$0xFFFFFFE0] =	vst @!p1 v1  }
0x1b1: {  	v1 =	vld @!p1 [tilespmem:$0x570]  }
0x1b2: {  	v2 =	vld @!p1 [tilespmem:$0x670];
	_ =	sdelay $0x1  }
0x1b3: {  	v3 =	vld @!p1 [tilespmem:$0x770];
	_ =	sdelay $0x2  }
0x1b4: {  	v2 =	vadd.f32 @!p1 v2, v1  }
0x1b5: {  	v4 =	vld @!p1 [tilespmem:s4+$0xFFFFFFF0]  }
0x1b6: {  	v2 =	vsub.f32 @!p1 v2, v3  }
0x1b7: {  	v3 =	vld @!p1 [tilespmem:$0x870]  }
0x1b8: {  	v2 =	vmul.f32 @!p1 v2, v2  }
0x1b9: {  	v5 =	vld @!p1 [tilespmem:$0x970]  }
0x1ba: {  	v2 =	vadd.f32 @!p1 v4, v2;
	_ =	sdelay $0x1  }
0x1bb: {  	v1 =	vadd.f32 @!p1 v3, v1;
	[tilespmem:s4+$0xFFFFFFF0] =	vst @!p1 v2  }
0x1bc: {  	v2 =	vld @!p1 [tilespmem:s3+$0xFFFFFFF0]  }
0x1bd: {  	p2 =	seq.s32 @!p1 s15, $0x80;
	v1 =	vsub.f32 @!p1 v1, v5  }
0x1be: {  	p2 =	por p1, !p2  }
.Ltmp8:
0x1bf: {  	v1 =	vmul.f32 @!p1 v1, v1;
	(pc) =	sbr.rel @!p2 .LBB2_8-.Ltmp8, $3  }
0x1c0: {  	_ = 	snop  }
0x1c1: {  	v1 =	vadd.f32 @!p1 v2, v1;
	_ =	sdelay $0x1  }
0x1c2: {  	[tilespmem:s3+$0xFFFFFFF0] =	vst @!p1 v1  }
0x1c3: {  	s12 =	smov.u32 s16  }
0x1c4: {  	s12 =	simm.s32 @p1 $0x0  }
0x1c5: {  	s12 =	sadd.s32 s14, s12  }
0x1c6: {  	s1 =	rddreg [dreg:$0x0];
	s12 =	sshrl.u32 s12, $0x3  }
0x1c7: {  	s7 =	sadd.s32 s1, s12  }
0x1c8: {  	[tilespmem:s13], [sflag:$0x3] =	stream.linear.gather [hbm4b:s7+s13], $0x80, $0x38;
	[tilespmem:$0x1FAD0] =	vst v63  }
0x1c9: {  	s7 =	rddreg [dreg:$0x1]  }
0x1ca: {  	s1 =	sadd.s32 s7, s12;
	s7 =	rddreg [dreg:$0x2]  }
0x1cb: {  	[tilespmem:s28], [sflag:$0x3] =	stream.linear.gather [hbm4b:s1+s13], $0x80, $0x38;
	[tilespmem:$0x1FAD0] =	vst v63  }
0x1cc: {  	s7 =	sadd.s32 s7, s12;
	s1 =	simm.s32 $0x200  }
0x1cd: {  	[tilespmem:s1], [sflag:$0x3] =	stream.linear.gather [hbm4b:s7+s13], $0x80, $0x38;
	[tilespmem:$0x1FAD0] =	vst v63  }
0x1ce: {  	s7 =	rddreg [dreg:$0x3]  }
0x1cf: {  	p3 =	sgt.u32 s2, $0x7;
	s1 =	simm.s32 $0x300;
	s7 =	sadd.s32 s7, s12  }
0x1d0: {  	[tilespmem:s1], [sflag:$0x3] =	stream.linear.gather [hbm4b:s7+s13], $0x80, $0x38;
	[tilespmem:$0x1FAD0] =	vst v63  }
.Ltmp9:
0x1d1: {  	_ = 	snop;
	(pc) =	sbr.rel @p3 .LBB2_9-.Ltmp9, $4  }
.Ltmp10:
0x1d2: {  	_ = 	snop;
	(pc) =	sbr.rel @!p3 .LBB2_8-.Ltmp10, $4  }
0x1d3: {  	s7 =	rddreg [dreg:$0x4]  }
0x1d4: {  	s1 =	sadd.s32 s7, s12;
	s12 =	simm.s32 $0x400  }
0x1d5: {  	[tilespmem:s12], [sflag:$0x3] =	stream.linear.gather [hbm4b:s1+s13], $0x80, $0x38;
	[tilespmem:$0x1FAD0] =	vst v63  }
0x1d6: {  	_ = 	snop  }
.LBB2_10:
0x1d7: {  	s30 =	rddreg [dreg:$0x13]  }
0x1d8: {  	s1 =	sor.u32 $0x1, s30  }
0x1d9: {  	s16 =	stileid.u32;
	s2 =	sand.u32 $0xF, s1  }
0x1da: {  	p1 =	sne.s32 @!p0 s16, s2  }
0x1db: {  	s2 =	rddreg [dreg:$0x17];
	p1 =	por p1, p0  }
0x1dc: {  	s2 =	sshrl.u32 @!p1 s2, $0x3  }
0x1dd: {  	s3 =	sshll.u32 @!p1 s0, $0x8;
	s2 =	smul.u32 @!p1 $0x7A1400, s2  }
0x1de: {  	[bflag:$0x0] =	sbarrier.arrive $0xFFFF;
	s3 =	sand.u32 @!p1 $0x300, s3  }
0x1df: {  	s4 =	rddreg [dreg:$0x5];
	s2 =	sor.u32 @!p1 s2, s3  }
0x1e0: {  	s7 =	simm.s32 @!p1 $0x1;
	s12 =	simm.s32 @!p1 $0x10;
	s2 =	sor.u32 @!p1 $0x80, s2  }
0x1e1: {  	s15 =	simm.s32 @!p1 $0x80;
	s3 =	sshll.u32 @!p1 s16, $0x6;
	s2 =	sshrl.u32 @!p1 s2, $0x3  }
0x1e2: {  	s3 =	sor.u32 @!p1 $0x1C01, s3;
	s2 =	sadd.s32 @!p1 s4, s2;
	s4 =	sshrl.u32 @!p1 s11, $0x3  }
0x1e3: {  	[spmem:s4@s12], [sflag:s3] =	dma.strided @!p1 [hbm:s2@s15], $0x1E850, s7, $0x10   }
0x1e4: {  	p1 =	sgt.u32 s1, $0x20;
	s2 =	rddreg [dreg:$0x15]  }
0x1e5: {  	p2 =	sne.s32 @!p1 s16, s2  }
0x1e6: {  	p2 =	por p2, p1  }
0x1e7: {  	s2 =	simm.s32 @!p2 $0x1  }
0x1e8: {  	_ =	swait.ge @!p2 [sflag:s2], $0x1E850  }
0x1e9: {  	s3 =	rddreg [dreg:$0x14]  }
0x1ea: {  	s12 =	sadd.s32 $0x9, s30;
	p3 =	sne.s32 @!p1 s3, $0x8  }
0x1eb: {  	[sflag:s2] =	ssyncset.done @!p2 $0x0;
	s3 =	sand.u32 $0xF, s12;
	p3 =	por p3, p1  }
0x1ec: {  	[sflag:s2] =	ssyncadd.s32 @!p2 $0xFFFE17B0;
	p2 =	sne.s32 @!p0 s16, s3;
	s2 =	simm.s32 @!p3 $0x2  }
0x1ed: {  	p0 =	por p2, p0;
	_ =	swait.ge @!p3 [sflag:s2], $0x80  }
0x1ee: {  	s30 =	simm.s32 $0x680;
	s4 =	simm.s32 @!p0 $0x1;
	[sflag:s2] =	ssyncset.done @!p3 $0x0  }
0x1ef: {  	s7 =	simm.s32 @!p0 $0x10;
	s15 =	rddreg [dreg:$0xd];
	[sflag:s2] =	ssyncadd.s32 @!p3 $0xFFFFFF80  }
0x1f0: {  	s12 =	simm.s32 @!p0 $0x80;
	s2 =	sadd.s32 s15, s1;
	[bflag:$0x0] =	sbarrier.arrive $0xFFFF  }
.Ltmp11:
0x1f1: {  	s1 =	sshll.u32 @!p0 s1, $0x4;
	[dreg:$0x16] =	wrdreg s2;
	(pc) =	sbr.rel @p1 .LBB2_16-.Ltmp11, $4  }
0x1f2: {  	s1 =	sand.u32 @!p0 $0x70, s1;
	s2 =	sshll.u32 @!p0 s2, $0x7;
	s3 =	rddreg [dreg:$0x6]  }
0x1f3: {  	s2 =	sand.u32 @!p0 $0x3C00, s2;
	s1 =	sadd.s32 @!p0 s3, s1;
	s3 =	sshll.u32 @!p0 s16, $0x6  }
0x1f4: {  	s1 =	sadd.s32 @!p0 s2, s1;
	s2 =	sor.u32 @!p0 $0x1C02, s3;
	s3 =	sshrl.u32 @!p0 s10, $0x3  }
0x1f5: {  	[spmem:s3@s7], [sflag:s2] =	dma.strided @!p0 [hbm:s1@s12], $0x80, s4, $0x10   }
.Ltmp12:
0x1f6: {  	(pc) =	sbr.rel .LBB2_12-.Ltmp12, $3  }
0x1f7: {  	_ =	sdelay $0x1  }
0x1f8: {  	s2 =	simm.s32 $0xFFFFFFFE;
	s3 =	simm.s32 $0x0  }
0x1f9: {  	s4 =	simm.s32 $0xD80;
	s16 =	simm.s32 $0x980;
	s15 =	simm.s32 $0x0  }
.LBB2_14:
0x1fa: {  	_ =	swait.ge [sflag:s25], $0x80  }
0x1fb: {  	[sflag:s25] =	ssyncset.done $0x0  }
0x1fc: {  	[sflag:s25] =	ssyncadd.s32 $0xFFFFFF80  }
0x1fd: {  	_ =	swait.ge [sflag:s25], $0x80  }
0x1fe: {  	[sflag:s25] =	ssyncset.done $0x0  }
0x1ff: {  	[sflag:s25] =	ssyncadd.s32 $0xFFFFFF80  }
0x200: {  	_ =	swait.ge [sflag:s25], $0x80  }
0x201: {  	[sflag:s25] =	ssyncset.done $0x0  }
0x202: {  	[sflag:s25] =	ssyncadd.s32 $0xFFFFFF80  }
0x203: {  	_ =	swait.ge [sflag:s25], $0x80  }
0x204: {  	[sflag:s25] =	ssyncset.done $0x0  }
0x205: {  	[sflag:s25] =	ssyncadd.s32 $0xFFFFFF80  }
0x206: {  	_ =	swait.ge [sflag:s25], $0x80  }
0x207: {  	[sflag:s25] =	ssyncset.done $0x0  }
0x208: {  	s1 =	simm.s32 $0x580;
	[sflag:s25] =	ssyncadd.s32 $0xFFFFFF80  }
0x209: {  	[tilespmem:s1], [sflag:$0x4] =	stream.indirect.gather [spmem:s9], $0x1, s26, s26, $0xb8;
	[tilespmem:$0x1FAD0] =	vst v63  }
0x20a: {  	_ = 	snop  }
0x20b: {  	[tilespmem:s30], [sflag:$0x4] =	stream.indirect.gather [spmem:s8], $0x1, s29, s26, $0xb8;
	[tilespmem:$0x1FAD0] =	vst v63  }
0x20c: {  	_ = 	snop  }
0x20d: {  	[tilespmem:s6], [sflag:$0x4] =	stream.indirect.gather [spmem:s8], $0x1, s31, s26, $0xb8;
	[tilespmem:$0x1FAD0] =	vst v63  }
0x20e: {  	_ = 	snop  }
0x20f: {  	[tilespmem:s18], [sflag:$0x4] =	stream.indirect.gather [spmem:s8], $0x1, s17, s26, $0xb8;
	[tilespmem:$0x1FAD0] =	vst v63  }
0x210: {  	_ = 	snop  }
0x211: {  	[tilespmem:s5], [sflag:$0x4] =	stream.indirect.gather [spmem:s8], $0x1, s19, s26, $0xb8;
	[tilespmem:$0x1FAD0] =	vst v63  }
.LBB2_15:
0x212: {  	s1 =	simm.s32 @!p0 $0x4  }
0x213: {  	_ =	swait.ge @!p0 [sflag:s1], $0x80  }
0x214: {  	[sflag:s1] =	ssyncset.done @!p0 $0x0  }
0x215: {  	[sflag:s1] =	ssyncadd.s32 @!p0 $0xFFFFFF80  }
0x216: {  	_ =	swait.ge @!p0 [sflag:s1], $0x80  }
0x217: {  	[sflag:s1] =	ssyncset.done @!p0 $0x0  }
0x218: {  	[sflag:s1] =	ssyncadd.s32 @!p0 $0xFFFFFF80  }
0x219: {  	_ =	swait.ge @!p0 [sflag:s1], $0x80  }
0x21a: {  	[sflag:s1] =	ssyncset.done @!p0 $0x0  }
0x21b: {  	[sflag:s1] =	ssyncadd.s32 @!p0 $0xFFFFFF80  }
0x21c: {  	_ =	swait.ge @!p0 [sflag:s1], $0x80  }
0x21d: {  	[sflag:s1] =	ssyncset.done @!p0 $0x0  }
0x21e: {  	[sflag:s1] =	ssyncadd.s32 @!p0 $0xFFFFFF80  }
0x21f: {  	_ =	swait.ge @!p0 [sflag:s1], $0x80  }
0x220: {  	[sflag:s1] =	ssyncset.done @!p0 $0x0  }
0x221: {  	[sflag:s1] =	ssyncadd.s32 @!p0 $0xFFFFFF80  }
0x222: {  	v1 =	vld @!p0 [tilespmem:$0x580]  }
0x223: {  	v2 =	vld @!p0 [tilespmem:$0x680];
	_ =	sdelay $0x1  }
0x224: {  	v3 =	vld @!p0 [tilespmem:$0x780];
	_ =	sdelay $0x2  }
0x225: {  	v2 =	vadd.f32 @!p0 v2, v1  }
0x226: {  	v4 =	vld @!p0 [tilespmem:s16+$0x0]  }
0x227: {  	v2 =	vsub.f32 @!p0 v2, v3  }
0x228: {  	v3 =	vld @!p0 [tilespmem:$0x880]  }
0x229: {  	v2 =	vmul.f32 @!p0 v2, v2  }
0x22a: {  	v5 =	vld @!p0 [tilespmem:$0x980]  }
0x22b: {  	v2 =	vadd.f32 @!p0 v4, v2;
	_ =	sdelay $0x1  }
0x22c: {  	v1 =	vadd.f32 @!p0 v3, v1;
	[tilespmem:s16+$0x0] =	vst @!p0 v2  }
0x22d: {  	v2 =	vld @!p0 [tilespmem:s4+$0x0]  }
0x22e: {  	v1 =	vsub.f32 @!p0 v1, v5;
	_ =	sdelay $0x1  }
0x22f: {  	v1 =	vmul.f32 @!p0 v1, v1;
	_ =	sdelay $0x1  }
0x230: {  	v1 =	vadd.f32 @!p0 v2, v1;
	_ =	sdelay $0x1  }
0x231: {  	[tilespmem:s4+$0x0] =	vst @!p0 v1  }
0x232: {  	v1 =	vld @!p0 [tilespmem:$0x590]  }
0x233: {  	v2 =	vld @!p0 [tilespmem:$0x690];
	_ =	sdelay $0x1  }
0x234: {  	v3 =	vld @!p0 [tilespmem:$0x790];
	_ =	sdelay $0x2  }
0x235: {  	v2 =	vadd.f32 @!p0 v2, v1  }
0x236: {  	v4 =	vld @!p0 [tilespmem:s16+$0x10]  }
0x237: {  	v2 =	vsub.f32 @!p0 v2, v3  }
0x238: {  	v3 =	vld @!p0 [tilespmem:$0x890]  }
0x239: {  	v2 =	vmul.f32 @!p0 v2, v2  }
0x23a: {  	v5 =	vld @!p0 [tilespmem:$0x990]  }
0x23b: {  	v2 =	vadd.f32 @!p0 v4, v2;
	_ =	sdelay $0x1  }
0x23c: {  	v1 =	vadd.f32 @!p0 v3, v1;
	[tilespmem:s16+$0x10] =	vst @!p0 v2  }
0x23d: {  	v2 =	vld @!p0 [tilespmem:s4+$0x10]  }
0x23e: {  	v1 =	vsub.f32 @!p0 v1, v5;
	_ =	sdelay $0x1  }
0x23f: {  	v1 =	vmul.f32 @!p0 v1, v1;
	_ =	sdelay $0x1  }
0x240: {  	v1 =	vadd.f32 @!p0 v2, v1;
	_ =	sdelay $0x1  }
0x241: {  	[tilespmem:s4+$0x10] =	vst @!p0 v1  }
0x242: {  	v1 =	vld @!p0 [tilespmem:$0x5A0]  }
0x243: {  	v2 =	vld @!p0 [tilespmem:$0x6A0];
	_ =	sdelay $0x1  }
0x244: {  	v3 =	vld @!p0 [tilespmem:$0x7A0];
	_ =	sdelay $0x2  }
0x245: {  	v2 =	vadd.f32 @!p0 v2, v1  }
0x246: {  	v4 =	vld @!p0 [tilespmem:s16+$0x20]  }
0x247: {  	v2 =	vsub.f32 @!p0 v2, v3  }
0x248: {  	v3 =	vld @!p0 [tilespmem:$0x8A0]  }
0x249: {  	v2 =	vmul.f32 @!p0 v2, v2  }
0x24a: {  	v5 =	vld @!p0 [tilespmem:$0x9A0]  }
0x24b: {  	v2 =	vadd.f32 @!p0 v4, v2;
	_ =	sdelay $0x1  }
0x24c: {  	v1 =	vadd.f32 @!p0 v3, v1;
	[tilespmem:s16+$0x20] =	vst @!p0 v2  }
0x24d: {  	v2 =	vld @!p0 [tilespmem:s4+$0x20]  }
0x24e: {  	v1 =	vsub.f32 @!p0 v1, v5;
	_ =	sdelay $0x1  }
0x24f: {  	v1 =	vmul.f32 @!p0 v1, v1;
	_ =	sdelay $0x1  }
0x250: {  	v1 =	vadd.f32 @!p0 v2, v1;
	_ =	sdelay $0x1  }
0x251: {  	[tilespmem:s4+$0x20] =	vst @!p0 v1  }
0x252: {  	v1 =	vld @!p0 [tilespmem:$0x5B0]  }
0x253: {  	v2 =	vld @!p0 [tilespmem:$0x6B0];
	_ =	sdelay $0x1  }
0x254: {  	v3 =	vld @!p0 [tilespmem:$0x7B0];
	_ =	sdelay $0x2  }
0x255: {  	v2 =	vadd.f32 @!p0 v2, v1  }
0x256: {  	v4 =	vld @!p0 [tilespmem:s16+$0x30]  }
0x257: {  	v2 =	vsub.f32 @!p0 v2, v3  }
0x258: {  	v3 =	vld @!p0 [tilespmem:$0x8B0]  }
0x259: {  	v2 =	vmul.f32 @!p0 v2, v2  }
0x25a: {  	v5 =	vld @!p0 [tilespmem:$0x9B0]  }
0x25b: {  	v2 =	vadd.f32 @!p0 v4, v2;
	_ =	sdelay $0x1  }
0x25c: {  	v1 =	vadd.f32 @!p0 v3, v1;
	[tilespmem:s16+$0x30] =	vst @!p0 v2  }
0x25d: {  	v2 =	vld @!p0 [tilespmem:s4+$0x30]  }
0x25e: {  	v1 =	vsub.f32 @!p0 v1, v5;
	_ =	sdelay $0x1  }
0x25f: {  	v1 =	vmul.f32 @!p0 v1, v1;
	_ =	sdelay $0x1  }
0x260: {  	v1 =	vadd.f32 @!p0 v2, v1;
	_ =	sdelay $0x1  }
0x261: {  	[tilespmem:s4+$0x30] =	vst @!p0 v1  }
0x262: {  	v1 =	vld @!p0 [tilespmem:$0x5C0]  }
0x263: {  	v2 =	vld @!p0 [tilespmem:$0x6C0];
	_ =	sdelay $0x1  }
0x264: {  	v3 =	vld @!p0 [tilespmem:$0x7C0];
	_ =	sdelay $0x2  }
0x265: {  	v2 =	vadd.f32 @!p0 v2, v1  }
0x266: {  	v4 =	vld @!p0 [tilespmem:s16+$0x40]  }
0x267: {  	v2 =	vsub.f32 @!p0 v2, v3  }
0x268: {  	v3 =	vld @!p0 [tilespmem:$0x8C0]  }
0x269: {  	v2 =	vmul.f32 @!p0 v2, v2  }
0x26a: {  	v5 =	vld @!p0 [tilespmem:$0x9C0]  }
0x26b: {  	v2 =	vadd.f32 @!p0 v4, v2;
	_ =	sdelay $0x1  }
0x26c: {  	v1 =	vadd.f32 @!p0 v3, v1;
	[tilespmem:s16+$0x40] =	vst @!p0 v2  }
0x26d: {  	v2 =	vld @!p0 [tilespmem:s4+$0x40]  }
0x26e: {  	v1 =	vsub.f32 @!p0 v1, v5;
	_ =	sdelay $0x1  }
0x26f: {  	v1 =	vmul.f32 @!p0 v1, v1;
	_ =	sdelay $0x1  }
0x270: {  	v1 =	vadd.f32 @!p0 v2, v1;
	_ =	sdelay $0x1  }
0x271: {  	[tilespmem:s4+$0x40] =	vst @!p0 v1  }
0x272: {  	v1 =	vld @!p0 [tilespmem:$0x5D0]  }
0x273: {  	v2 =	vld @!p0 [tilespmem:$0x6D0];
	_ =	sdelay $0x1  }
0x274: {  	v3 =	vld @!p0 [tilespmem:$0x7D0];
	_ =	sdelay $0x2  }
0x275: {  	v2 =	vadd.f32 @!p0 v2, v1  }
0x276: {  	v4 =	vld @!p0 [tilespmem:s16+$0x50]  }
0x277: {  	v2 =	vsub.f32 @!p0 v2, v3  }
0x278: {  	v3 =	vld @!p0 [tilespmem:$0x8D0]  }
0x279: {  	v2 =	vmul.f32 @!p0 v2, v2  }
0x27a: {  	v5 =	vld @!p0 [tilespmem:$0x9D0]  }
0x27b: {  	v2 =	vadd.f32 @!p0 v4, v2;
	_ =	sdelay $0x1  }
0x27c: {  	v1 =	vadd.f32 @!p0 v3, v1;
	[tilespmem:s16+$0x50] =	vst @!p0 v2  }
0x27d: {  	v2 =	vld @!p0 [tilespmem:s4+$0x50]  }
0x27e: {  	v1 =	vsub.f32 @!p0 v1, v5;
	_ =	sdelay $0x1  }
0x27f: {  	v1 =	vmul.f32 @!p0 v1, v1;
	_ =	sdelay $0x1  }
0x280: {  	v1 =	vadd.f32 @!p0 v2, v1;
	_ =	sdelay $0x1  }
0x281: {  	[tilespmem:s4+$0x50] =	vst @!p0 v1  }
0x282: {  	v1 =	vld @!p0 [tilespmem:$0x5E0]  }
0x283: {  	v2 =	vld @!p0 [tilespmem:$0x6E0];
	_ =	sdelay $0x1  }
0x284: {  	v3 =	vld @!p0 [tilespmem:$0x7E0];
	_ =	sdelay $0x2  }
0x285: {  	v2 =	vadd.f32 @!p0 v2, v1  }
0x286: {  	v4 =	vld @!p0 [tilespmem:s16+$0x60]  }
0x287: {  	v2 =	vsub.f32 @!p0 v2, v3  }
0x288: {  	v3 =	vld @!p0 [tilespmem:$0x8E0]  }
0x289: {  	v2 =	vmul.f32 @!p0 v2, v2  }
0x28a: {  	v5 =	vld @!p0 [tilespmem:$0x9E0]  }
0x28b: {  	v2 =	vadd.f32 @!p0 v4, v2;
	_ =	sdelay $0x1  }
0x28c: {  	v1 =	vadd.f32 @!p0 v3, v1;
	[tilespmem:s16+$0x60] =	vst @!p0 v2  }
0x28d: {  	v2 =	vld @!p0 [tilespmem:s4+$0x60]  }
0x28e: {  	v1 =	vsub.f32 @!p0 v1, v5;
	_ =	sdelay $0x1  }
0x28f: {  	v1 =	vmul.f32 @!p0 v1, v1;
	_ =	sdelay $0x1  }
0x290: {  	v1 =	vadd.f32 @!p0 v2, v1;
	_ =	sdelay $0x1  }
0x291: {  	[tilespmem:s4+$0x60] =	vst @!p0 v1  }
0x292: {  	v1 =	vld @!p0 [tilespmem:$0x5F0]  }
0x293: {  	v2 =	vld @!p0 [tilespmem:$0x6F0];
	_ =	sdelay $0x1  }
0x294: {  	v3 =	vld @!p0 [tilespmem:$0x7F0];
	_ =	sdelay $0x2  }
0x295: {  	v2 =	vadd.f32 @!p0 v2, v1  }
0x296: {  	v4 =	vld @!p0 [tilespmem:s16+$0x70]  }
0x297: {  	v2 =	vsub.f32 @!p0 v2, v3  }
0x298: {  	v3 =	vld @!p0 [tilespmem:$0x8F0]  }
0x299: {  	v2 =	vmul.f32 @!p0 v2, v2  }
0x29a: {  	v5 =	vld @!p0 [tilespmem:$0x9F0]  }
0x29b: {  	v2 =	vadd.f32 @!p0 v4, v2;
	_ =	sdelay $0x1  }
0x29c: {  	v1 =	vadd.f32 @!p0 v3, v1;
	[tilespmem:s16+$0x70] =	vst @!p0 v2  }
0x29d: {  	v2 =	vld @!p0 [tilespmem:s4+$0x70]  }
0x29e: {  	v1 =	vsub.f32 @!p0 v1, v5;
	_ =	sdelay $0x1  }
0x29f: {  	v1 =	vmul.f32 @!p0 v1, v1;
	_ =	sdelay $0x1  }
0x2a0: {  	v1 =	vadd.f32 @!p0 v2, v1;
	_ =	sdelay $0x1  }
0x2a1: {  	s1 =	sadd.s32 @p1 s15, s20;
	[tilespmem:s4+$0x70] =	vst @!p0 v1  }
0x2a2: {  	[tilespmem:s26], [sflag:$0x3] =	stream.linear.gather @p1 [hbm4b:s1+s13], $0x80, $0x38;
	[tilespmem:$0x1FAD0] =	vst v63  }
0x2a3: {  	s1 =	sadd.s32 @p1 s15, s21  }
0x2a4: {  	[tilespmem:s29], [sflag:$0x3] =	stream.linear.gather @p1 [hbm4b:s1+s13], $0x80, $0x38;
	[tilespmem:$0x1FAD0] =	vst v63  }
0x2a5: {  	s1 =	sadd.s32 @p1 s15, s22  }
0x2a6: {  	[tilespmem:s31], [sflag:$0x3] =	stream.linear.gather @p1 [hbm4b:s1+s13], $0x80, $0x38;
	[tilespmem:$0x1FAD0] =	vst v63  }
0x2a7: {  	s12 =	sadd.s32 $0x3, s2;
	s1 =	sadd.s32 @p1 s15, s23  }
0x2a8: {  	[tilespmem:s17], [sflag:$0x3] =	stream.linear.gather @p1 [hbm4b:s1+s13], $0x80, $0x38;
	[tilespmem:$0x1FAD0] =	vst v63  }
0x2a9: {  	p0 =	sgt.u32 s12, $0x8;
	s1 =	sadd.s32 @p1 s15, s24  }
0x2aa: {  	[tilespmem:s19], [sflag:$0x3] =	stream.linear.gather @p1 [hbm4b:s1+s13], $0x80, $0x38;
	[tilespmem:$0x1FAD0] =	vst v63  }
0x2ab: {  	s1 =	simm.s32 @!p0 $0x3  }
0x2ac: {  	_ =	swait.ge @!p0 [sflag:s1], $0x80  }
0x2ad: {  	[sflag:s1] =	ssyncset.done @!p0 $0x0  }
0x2ae: {  	[sflag:s1] =	ssyncadd.s32 @!p0 $0xFFFFFF80  }
0x2af: {  	_ =	swait.ge @!p0 [sflag:s1], $0x80  }
0x2b0: {  	[sflag:s1] =	ssyncset.done @!p0 $0x0  }
0x2b1: {  	[sflag:s1] =	ssyncadd.s32 @!p0 $0xFFFFFF80  }
0x2b2: {  	_ =	swait.ge @!p0 [sflag:s1], $0x80  }
0x2b3: {  	[sflag:s1] =	ssyncset.done @!p0 $0x0  }
0x2b4: {  	[sflag:s1] =	ssyncadd.s32 @!p0 $0xFFFFFF80  }
0x2b5: {  	_ =	swait.ge @!p0 [sflag:s1], $0x80  }
0x2b6: {  	[sflag:s1] =	ssyncset.done @!p0 $0x0  }
0x2b7: {  	[sflag:s1] =	ssyncadd.s32 @!p0 $0xFFFFFF80  }
0x2b8: {  	_ =	swait.ge @!p0 [sflag:s1], $0x80  }
0x2b9: {  	s7 =	simm.s32 @!p0 $0x0;
	[sflag:s1] =	ssyncset.done @!p0 $0x0  }
0x2ba: {  	s12 =	simm.s32 @!p0 $0x500;
	[sflag:s1] =	ssyncadd.s32 @!p0 $0xFFFFFF80;
	s1 =	simm.s32 @!p0 $0x80  }
0x2bb: {  	[tilespmem:s12], [sflag:$0x4] =	stream.indirect.gather @!p0 [spmem:s9], $0x1, s7, s1, $0xb8;
	[tilespmem:$0x1FAD0] =	vst v63  }
0x2bc: {  	s7 =	simm.s32 @!p0 $0x100;
	s12 =	simm.s32 @!p0 $0x600  }
0x2bd: {  	[tilespmem:s12], [sflag:$0x4] =	stream.indirect.gather @!p0 [spmem:s8], $0x1, s7, s1, $0xb8;
	[tilespmem:$0x1FAD0] =	vst v63  }
0x2be: {  	s7 =	simm.s32 @!p0 $0x200;
	s12 =	simm.s32 @!p0 $0x700  }
0x2bf: {  	[tilespmem:s12], [sflag:$0x4] =	stream.indirect.gather @!p0 [spmem:s8], $0x1, s7, s1, $0xb8;
	[tilespmem:$0x1FAD0] =	vst v63  }
0x2c0: {  	s7 =	simm.s32 @!p0 $0x300;
	s12 =	simm.s32 @!p0 $0x800  }
0x2c1: {  	[tilespmem:s12], [sflag:$0x4] =	stream.indirect.gather @!p0 [spmem:s8], $0x1, s7, s1, $0xb8;
	[tilespmem:$0x1FAD0] =	vst v63  }
0x2c2: {  	s15 =	sadd.s32 $0x20, s15;
	s7 =	simm.s32 @!p0 $0x400;
	s12 =	simm.s32 @!p0 $0x900  }
0x2c3: {  	[tilespmem:s12], [sflag:$0x4] =	stream.indirect.gather @!p0 [spmem:s8], $0x1, s7, s1, $0xb8;
	[tilespmem:$0x1FAD0] =	vst v63  }
0x2c4: {  	p0 =	sne.s32 s15, $0xA0  }
.Ltmp13:
0x2c5: {  	_ = 	snop;
	(pc) =	sbr.rel @!p0 .LBB2_16-.Ltmp13, $3  }
0x2c6: {  	_ =	sdelay $0x1  }
0x2c7: {  	s2 =	sadd.s32 $0x2, s2  }
0x2c8: {  	s3 =	sadd.s32 $0x100, s3;
	s16 =	sadd.s32 $0x100, s16;
	s4 =	sadd.s32 $0x100, s4  }
.LBB2_12:
0x2c9: {  	p0 =	seq.s32 s15, $0x0  }
0x2ca: {  	s1 =	simm.s32 @!p0 $0x4  }
0x2cb: {  	_ =	swait.ge @!p0 [sflag:s1], $0x80  }
0x2cc: {  	[sflag:s1] =	ssyncset.done @!p0 $0x0  }
0x2cd: {  	[sflag:s1] =	ssyncadd.s32 @!p0 $0xFFFFFF80  }
0x2ce: {  	_ =	swait.ge @!p0 [sflag:s1], $0x80  }
0x2cf: {  	[sflag:s1] =	ssyncset.done @!p0 $0x0  }
0x2d0: {  	[sflag:s1] =	ssyncadd.s32 @!p0 $0xFFFFFF80  }
0x2d1: {  	_ =	swait.ge @!p0 [sflag:s1], $0x80  }
0x2d2: {  	[sflag:s1] =	ssyncset.done @!p0 $0x0  }
0x2d3: {  	[sflag:s1] =	ssyncadd.s32 @!p0 $0xFFFFFF80  }
0x2d4: {  	_ =	swait.ge @!p0 [sflag:s1], $0x80  }
0x2d5: {  	[sflag:s1] =	ssyncset.done @!p0 $0x0  }
0x2d6: {  	[sflag:s1] =	ssyncadd.s32 @!p0 $0xFFFFFF80  }
0x2d7: {  	_ =	swait.ge @!p0 [sflag:s1], $0x80  }
0x2d8: {  	[sflag:s1] =	ssyncset.done @!p0 $0x0  }
0x2d9: {  	[sflag:s1] =	ssyncadd.s32 @!p0 $0xFFFFFF80  }
0x2da: {  	v1 =	vld @!p0 [tilespmem:$0x500]  }
0x2db: {  	v2 =	vld @!p0 [tilespmem:$0x600];
	_ =	sdelay $0x1  }
0x2dc: {  	v3 =	vld @!p0 [tilespmem:$0x700];
	_ =	sdelay $0x2  }
0x2dd: {  	v2 =	vadd.f32 @!p0 v2, v1  }
0x2de: {  	v4 =	vld @!p0 [tilespmem:s16+$0xFFFFFF80]  }
0x2df: {  	v2 =	vsub.f32 @!p0 v2, v3  }
0x2e0: {  	v3 =	vld @!p0 [tilespmem:$0x800]  }
0x2e1: {  	v2 =	vmul.f32 @!p0 v2, v2  }
0x2e2: {  	v5 =	vld @!p0 [tilespmem:$0x900]  }
0x2e3: {  	v2 =	vadd.f32 @!p0 v4, v2;
	_ =	sdelay $0x1  }
0x2e4: {  	v1 =	vadd.f32 @!p0 v3, v1;
	[tilespmem:s16+$0xFFFFFF80] =	vst @!p0 v2  }
0x2e5: {  	v2 =	vld @!p0 [tilespmem:s4+$0xFFFFFF80]  }
0x2e6: {  	v1 =	vsub.f32 @!p0 v1, v5;
	_ =	sdelay $0x1  }
0x2e7: {  	v1 =	vmul.f32 @!p0 v1, v1;
	_ =	sdelay $0x1  }
0x2e8: {  	v1 =	vadd.f32 @!p0 v2, v1;
	_ =	sdelay $0x1  }
0x2e9: {  	[tilespmem:s4+$0xFFFFFF80] =	vst @!p0 v1  }
0x2ea: {  	v1 =	vld @!p0 [tilespmem:$0x510]  }
0x2eb: {  	v2 =	vld @!p0 [tilespmem:$0x610];
	_ =	sdelay $0x1  }
0x2ec: {  	v3 =	vld @!p0 [tilespmem:$0x710];
	_ =	sdelay $0x2  }
0x2ed: {  	v2 =	vadd.f32 @!p0 v2, v1  }
0x2ee: {  	v4 =	vld @!p0 [tilespmem:s16+$0xFFFFFF90]  }
0x2ef: {  	v2 =	vsub.f32 @!p0 v2, v3  }
0x2f0: {  	v3 =	vld @!p0 [tilespmem:$0x810]  }
0x2f1: {  	v2 =	vmul.f32 @!p0 v2, v2  }
0x2f2: {  	v5 =	vld @!p0 [tilespmem:$0x910]  }
0x2f3: {  	v2 =	vadd.f32 @!p0 v4, v2;
	_ =	sdelay $0x1  }
0x2f4: {  	v1 =	vadd.f32 @!p0 v3, v1;
	[tilespmem:s16+$0xFFFFFF90] =	vst @!p0 v2  }
0x2f5: {  	v2 =	vld @!p0 [tilespmem:s4+$0xFFFFFF90]  }
0x2f6: {  	v1 =	vsub.f32 @!p0 v1, v5;
	_ =	sdelay $0x1  }
0x2f7: {  	v1 =	vmul.f32 @!p0 v1, v1;
	_ =	sdelay $0x1  }
0x2f8: {  	v1 =	vadd.f32 @!p0 v2, v1;
	_ =	sdelay $0x1  }
0x2f9: {  	[tilespmem:s4+$0xFFFFFF90] =	vst @!p0 v1  }
0x2fa: {  	v1 =	vld @!p0 [tilespmem:$0x520]  }
0x2fb: {  	v2 =	vld @!p0 [tilespmem:$0x620];
	_ =	sdelay $0x1  }
0x2fc: {  	v3 =	vld @!p0 [tilespmem:$0x720];
	_ =	sdelay $0x2  }
0x2fd: {  	v2 =	vadd.f32 @!p0 v2, v1  }
0x2fe: {  	v4 =	vld @!p0 [tilespmem:s16+$0xFFFFFFA0]  }
0x2ff: {  	v2 =	vsub.f32 @!p0 v2, v3  }
0x300: {  	v3 =	vld @!p0 [tilespmem:$0x820]  }
0x301: {  	v2 =	vmul.f32 @!p0 v2, v2  }
0x302: {  	v5 =	vld @!p0 [tilespmem:$0x920]  }
0x303: {  	v2 =	vadd.f32 @!p0 v4, v2;
	_ =	sdelay $0x1  }
0x304: {  	v1 =	vadd.f32 @!p0 v3, v1;
	[tilespmem:s16+$0xFFFFFFA0] =	vst @!p0 v2  }
0x305: {  	v2 =	vld @!p0 [tilespmem:s4+$0xFFFFFFA0]  }
0x306: {  	v1 =	vsub.f32 @!p0 v1, v5;
	_ =	sdelay $0x1  }
0x307: {  	v1 =	vmul.f32 @!p0 v1, v1;
	_ =	sdelay $0x1  }
0x308: {  	v1 =	vadd.f32 @!p0 v2, v1;
	_ =	sdelay $0x1  }
0x309: {  	[tilespmem:s4+$0xFFFFFFA0] =	vst @!p0 v1  }
0x30a: {  	v1 =	vld @!p0 [tilespmem:$0x530]  }
0x30b: {  	v2 =	vld @!p0 [tilespmem:$0x630];
	_ =	sdelay $0x1  }
0x30c: {  	v3 =	vld @!p0 [tilespmem:$0x730];
	_ =	sdelay $0x2  }
0x30d: {  	v2 =	vadd.f32 @!p0 v2, v1  }
0x30e: {  	v4 =	vld @!p0 [tilespmem:s16+$0xFFFFFFB0]  }
0x30f: {  	v2 =	vsub.f32 @!p0 v2, v3  }
0x310: {  	v3 =	vld @!p0 [tilespmem:$0x830]  }
0x311: {  	v2 =	vmul.f32 @!p0 v2, v2  }
0x312: {  	v5 =	vld @!p0 [tilespmem:$0x930]  }
0x313: {  	v2 =	vadd.f32 @!p0 v4, v2;
	_ =	sdelay $0x1  }
0x314: {  	v1 =	vadd.f32 @!p0 v3, v1;
	[tilespmem:s16+$0xFFFFFFB0] =	vst @!p0 v2  }
0x315: {  	v2 =	vld @!p0 [tilespmem:s4+$0xFFFFFFB0]  }
0x316: {  	v1 =	vsub.f32 @!p0 v1, v5;
	_ =	sdelay $0x1  }
0x317: {  	v1 =	vmul.f32 @!p0 v1, v1;
	_ =	sdelay $0x1  }
0x318: {  	v1 =	vadd.f32 @!p0 v2, v1;
	_ =	sdelay $0x1  }
0x319: {  	[tilespmem:s4+$0xFFFFFFB0] =	vst @!p0 v1  }
0x31a: {  	v1 =	vld @!p0 [tilespmem:$0x540]  }
0x31b: {  	v2 =	vld @!p0 [tilespmem:$0x640];
	_ =	sdelay $0x1  }
0x31c: {  	v3 =	vld @!p0 [tilespmem:$0x740];
	_ =	sdelay $0x2  }
0x31d: {  	v2 =	vadd.f32 @!p0 v2, v1  }
0x31e: {  	v4 =	vld @!p0 [tilespmem:s16+$0xFFFFFFC0]  }
0x31f: {  	v2 =	vsub.f32 @!p0 v2, v3  }
0x320: {  	v3 =	vld @!p0 [tilespmem:$0x840]  }
0x321: {  	v2 =	vmul.f32 @!p0 v2, v2  }
0x322: {  	v5 =	vld @!p0 [tilespmem:$0x940]  }
0x323: {  	v2 =	vadd.f32 @!p0 v4, v2;
	_ =	sdelay $0x1  }
0x324: {  	v1 =	vadd.f32 @!p0 v3, v1;
	[tilespmem:s16+$0xFFFFFFC0] =	vst @!p0 v2  }
0x325: {  	v2 =	vld @!p0 [tilespmem:s4+$0xFFFFFFC0]  }
0x326: {  	v1 =	vsub.f32 @!p0 v1, v5;
	_ =	sdelay $0x1  }
0x327: {  	v1 =	vmul.f32 @!p0 v1, v1;
	_ =	sdelay $0x1  }
0x328: {  	v1 =	vadd.f32 @!p0 v2, v1;
	_ =	sdelay $0x1  }
0x329: {  	[tilespmem:s4+$0xFFFFFFC0] =	vst @!p0 v1  }
0x32a: {  	v1 =	vld @!p0 [tilespmem:$0x550]  }
0x32b: {  	v2 =	vld @!p0 [tilespmem:$0x650];
	_ =	sdelay $0x1  }
0x32c: {  	v3 =	vld @!p0 [tilespmem:$0x750];
	_ =	sdelay $0x2  }
0x32d: {  	v2 =	vadd.f32 @!p0 v2, v1  }
0x32e: {  	v4 =	vld @!p0 [tilespmem:s16+$0xFFFFFFD0]  }
0x32f: {  	v2 =	vsub.f32 @!p0 v2, v3  }
0x330: {  	v3 =	vld @!p0 [tilespmem:$0x850]  }
0x331: {  	v2 =	vmul.f32 @!p0 v2, v2  }
0x332: {  	v5 =	vld @!p0 [tilespmem:$0x950]  }
0x333: {  	v2 =	vadd.f32 @!p0 v4, v2;
	_ =	sdelay $0x1  }
0x334: {  	v1 =	vadd.f32 @!p0 v3, v1;
	[tilespmem:s16+$0xFFFFFFD0] =	vst @!p0 v2  }
0x335: {  	v2 =	vld @!p0 [tilespmem:s4+$0xFFFFFFD0]  }
0x336: {  	v1 =	vsub.f32 @!p0 v1, v5;
	_ =	sdelay $0x1  }
0x337: {  	v1 =	vmul.f32 @!p0 v1, v1;
	_ =	sdelay $0x1  }
0x338: {  	v1 =	vadd.f32 @!p0 v2, v1;
	_ =	sdelay $0x1  }
0x339: {  	[tilespmem:s4+$0xFFFFFFD0] =	vst @!p0 v1  }
0x33a: {  	v1 =	vld @!p0 [tilespmem:$0x560]  }
0x33b: {  	v2 =	vld @!p0 [tilespmem:$0x660];
	_ =	sdelay $0x1  }
0x33c: {  	v3 =	vld @!p0 [tilespmem:$0x760];
	_ =	sdelay $0x2  }
0x33d: {  	v2 =	vadd.f32 @!p0 v2, v1  }
0x33e: {  	v4 =	vld @!p0 [tilespmem:s16+$0xFFFFFFE0]  }
0x33f: {  	v2 =	vsub.f32 @!p0 v2, v3  }
0x340: {  	v3 =	vld @!p0 [tilespmem:$0x860]  }
0x341: {  	v2 =	vmul.f32 @!p0 v2, v2  }
0x342: {  	v5 =	vld @!p0 [tilespmem:$0x960]  }
0x343: {  	v2 =	vadd.f32 @!p0 v4, v2;
	_ =	sdelay $0x1  }
0x344: {  	v1 =	vadd.f32 @!p0 v3, v1;
	[tilespmem:s16+$0xFFFFFFE0] =	vst @!p0 v2  }
0x345: {  	v2 =	vld @!p0 [tilespmem:s4+$0xFFFFFFE0]  }
0x346: {  	v1 =	vsub.f32 @!p0 v1, v5;
	_ =	sdelay $0x1  }
0x347: {  	v1 =	vmul.f32 @!p0 v1, v1;
	_ =	sdelay $0x1  }
0x348: {  	v1 =	vadd.f32 @!p0 v2, v1;
	_ =	sdelay $0x1  }
0x349: {  	[tilespmem:s4+$0xFFFFFFE0] =	vst @!p0 v1  }
0x34a: {  	v1 =	vld @!p0 [tilespmem:$0x570]  }
0x34b: {  	v2 =	vld @!p0 [tilespmem:$0x670];
	_ =	sdelay $0x1  }
0x34c: {  	v3 =	vld @!p0 [tilespmem:$0x770];
	_ =	sdelay $0x2  }
0x34d: {  	v2 =	vadd.f32 @!p0 v2, v1  }
0x34e: {  	v4 =	vld @!p0 [tilespmem:s16+$0xFFFFFFF0]  }
0x34f: {  	v2 =	vsub.f32 @!p0 v2, v3  }
0x350: {  	v3 =	vld @!p0 [tilespmem:$0x870]  }
0x351: {  	v2 =	vmul.f32 @!p0 v2, v2  }
0x352: {  	v5 =	vld @!p0 [tilespmem:$0x970]  }
0x353: {  	v2 =	vadd.f32 @!p0 v4, v2;
	_ =	sdelay $0x1  }
0x354: {  	v1 =	vadd.f32 @!p0 v3, v1;
	[tilespmem:s16+$0xFFFFFFF0] =	vst @!p0 v2  }
0x355: {  	v2 =	vld @!p0 [tilespmem:s4+$0xFFFFFFF0]  }
0x356: {  	p1 =	seq.s32 @!p0 s15, $0x80;
	v1 =	vsub.f32 @!p0 v1, v5  }
0x357: {  	p1 =	por p0, !p1  }
.Ltmp14:
0x358: {  	v1 =	vmul.f32 @!p0 v1, v1;
	(pc) =	sbr.rel @!p1 .LBB2_14-.Ltmp14, $3  }
0x359: {  	_ = 	snop  }
0x35a: {  	v1 =	vadd.f32 @!p0 v2, v1;
	_ =	sdelay $0x1  }
0x35b: {  	[tilespmem:s4+$0xFFFFFFF0] =	vst @!p0 v1  }
0x35c: {  	s1 =	smov.u32 s3  }
0x35d: {  	s1 =	simm.s32 @p0 $0x0  }
0x35e: {  	s1 =	sadd.s32 s14, s1  }
0x35f: {  	s7 =	rddreg [dreg:$0x0];
	s1 =	sshrl.u32 s1, $0x3  }
0x360: {  	s12 =	rddreg [dreg:$0x1];
	s7 =	sadd.s32 s7, s1  }
0x361: {  	[tilespmem:s13], [sflag:$0x3] =	stream.linear.gather [hbm4b:s7+s13], $0x80, $0x38;
	[tilespmem:$0x1FAD0] =	vst v63  }
0x362: {  	s7 =	sadd.s32 s12, s1;
	s12 =	rddreg [dreg:$0x2]  }
0x363: {  	[tilespmem:s28], [sflag:$0x3] =	stream.linear.gather [hbm4b:s7+s13], $0x80, $0x38;
	[tilespmem:$0x1FAD0] =	vst v63  }
0x364: {  	s7 =	sadd.s32 s12, s1;
	s12 =	simm.s32 $0x200  }
0x365: {  	[tilespmem:s12], [sflag:$0x3] =	stream.linear.gather [hbm4b:s7+s13], $0x80, $0x38;
	[tilespmem:$0x1FAD0] =	vst v63  }
0x366: {  	s12 =	rddreg [dreg:$0x3]  }
0x367: {  	p2 =	sgt.u32 s2, $0x7;
	s7 =	sadd.s32 s12, s1;
	s12 =	simm.s32 $0x300  }
0x368: {  	[tilespmem:s12], [sflag:$0x3] =	stream.linear.gather [hbm4b:s7+s13], $0x80, $0x38;
	[tilespmem:$0x1FAD0] =	vst v63  }
.Ltmp15:
0x369: {  	_ = 	snop;
	(pc) =	sbr.rel @p2 .LBB2_15-.Ltmp15, $4  }
.Ltmp16:
0x36a: {  	_ = 	snop;
	(pc) =	sbr.rel @!p2 .LBB2_14-.Ltmp16, $4  }
0x36b: {  	s12 =	rddreg [dreg:$0x4]  }
0x36c: {  	s1 =	sadd.s32 s12, s1;
	s12 =	simm.s32 $0x400  }
0x36d: {  	[tilespmem:s12], [sflag:$0x3] =	stream.linear.gather [hbm4b:s1+s13], $0x80, $0x38;
	[tilespmem:$0x1FAD0] =	vst v63  }
0x36e: {  	_ = 	snop  }
.LBB2_18:
0x36f: {  	_ =	sfence.sel $0x180000  }
0x370: {  	[bflag:$0x0] =	sbarrier.arrive $0xFFFF  }
0x371: {  	_ =	strace $0x90000047  }
0x372: {  	[bflag:$0x2] =	sbarrier.arrive $0xFFFF  }
0x373: {  	p0 =	sne.s32 s15, $0x0;
	s0 =	rddreg [dreg:$0xc]  }
0x374: {  	s0 =	sadd.s32 @!p0 $0x100000, s0  }
0x375: {  	[sflag:s0] =	ssyncadd.tile.s32 @!p0 $0x1;
	_ =	shalt  }
.Lfunc_end2:
_tile_overlayer_lowered:
.L_overlay_start_2:
0x376: {  	(tag) =	ssettag $0x2  }
0x377: {  	s0 =	rddreg [dreg:$0x0];
	s2 =	stileid.u32  }
0x378: {  	s1 =	rddreg [dreg:$0x1];
	p0 =	sne.s32 s2, $0x0  }
0x379: {  	s3 =	rddreg [dreg:$0x2];
	[bflag:$0x3] =	sbarrier.arrive $0xFFFF;
	s2 =	simm.s32 @!p0 $0x1C05  }
0x37a: {  	[timem:s3], [sflag:s2] =	dma.local @!p0 [hbm:s0], s1  }
0x37b: {  	s0 =	simm.s32 @!p0 $0x5  }
0x37c: {  	_ =	swait.ge @!p0 [sflag:s0], s1  }
0x37d: {  	s1 =	ssub.s32 @!p0 $0x0, s1;
	[sflag:s0] =	ssyncset.done @!p0 $0x0  }
0x37e: {  	[sflag:s0] =	ssyncadd.s32 @!p0 s1  }
0x37f: {  	[bflag:$0x3] =	sbarrier.arrive $0xFFFF  }
0x380: {  	_ =	shalt  }

// kernel: kernel.7.cloned.1.call-start
scs
__scs_entry_jumppad:
0x0: {  	(pc) =	sbr.rel $0x88, $3  }
0x1: {  	(tag) =	ssettag $0x0;
	lr =	simm.s32 $0x1  }
0x2: {  	[smem:$0x3F9A] =	sst lr;
	_ =	strace $0xD0000000  }
0x3: {  	_ = 	snop  }
0x4: {  	_ = 	snop  }
0x5: {  	_ = 	snop  }
0x6: {  	_ = 	snop  }
0x7: {  	_ = 	snop  }
__scs_overlays_trampoline_lowered:
0x8: {  	[smem:$0x3FA9] =	sst s0  }
0x9: {  	[smem:$0x3FAA] =	sst s1  }
0xa: {  	[smem:$0x3FAB] =	sst s2  }
0xb: {  	[smem:$0x3FAC] =	sst s3  }
0xc: {  	[smem:$0x3FAD] =	sst s4  }
0xd: {  	[smem:$0x3FAE] =	sst s5  }
0xe: {  	[smem:$0x3FAF] =	sst s6  }
0xf: {  	[smem:$0x3FB0] =	sst s7  }
0x10: {  	[smem:$0x3FB1] =	sst s8  }
0x11: {  	[smem:$0x3FB2] =	sst s9;
	s0 =	simm.s32 @!p0 $0x0  }
0x12: {  	s1 =	sld [smem:$0x3F98];
	s0 =	simm.s32 @p0 $0x1  }
0x13: {  	[smem:$0x3FB3] =	sst s0;
	s0 =	simm.s32 @!p1 $0x0  }
0x14: {  	s2 =	sld [smem:$0x3F97];
	s0 =	simm.s32 @p1 $0x1  }
0x15: {  	[smem:$0x3FB4] =	sst s0;
	s0 =	simm.s32 @!p2 $0x0  }
0x16: {  	s3 =	sld [smem:$0x3FDB];
	s0 =	simm.s32 @p2 $0x1  }
0x17: {  	s4 =	simm.s32 $0x1BF5;
	[smem:$0x3FB6] =	sst s0  }
0x18: {  	s0 =	sld [smem:$0x3F99];
	_ =	swait.ge [sflag:s4], $0x0  }
0x19: {  	s7 =	sld [smem:$0x3F9A]  }
0x1a: {  	s8 =	sadd.s32 $0xFFFFE003, lr  }
0x1b: {  	s9 =	sadd.s32 $0xFFFFFEF7, lr;
	s5 =	simm.s32 $0xFFFFFFFF;
	p2 =	slt.u32 s8, $0xFFFFF086  }
0x1c: {  	p1 =	slt.u32 s9, $0xF7A;
	s5 =	simm.s32 @!p2 $0x0  }
0x1d: {  	s5 =	simm.s32 @p1 $0x1;
	p0 =	seq.s32 s7, s2  }
0x1e: {  	s7 =	smul.u32 @!p0 $0xF7A, s2;
	p2 =	seq.s32 @!p0 s5, $0x0  }
0x1f: {  	s9 =	smul.u32 $0xF7A, s1;
	s8 =	simm.s32 @!p0 $0x1BF5;
	p2 =	por !p2, p0  }
0x20: {  	[sflag:s8] =	ssyncset.s32 @!p0 $0xFFFFF086;
	s6 =	sadd.s32 @!p0 s3, s7;
	s7 =	simm.s32 @!p0 $0x108  }
0x21: {  	s3 =	sadd.s32 s3, s9;
	s6 =	sadd.s32 @!p0 $0x88, s6;
	s7 =	simm.s32 @p2 $0x1082  }
0x22: {  	[simem:s7], [sflag:s8] =	dma.local @!p0 [hbm:s6], $0xF7A  }
0x23: {  	s9 =	sor.u32 $0xD0000000, s2;
	s6 =	simm.s32 $0x108;
	_ =	swait.ge @!p0 [sflag:s8], $0x0  }
0x24: {  	s3 =	sadd.s32 $0x88, s3;
	s6 =	simm.s32 @!p1 $0x1082;
	[sflag:s4] =	ssyncset.s32 $0xFFFFF086  }
0x25: {  	[simem:s6], [sflag:s4] =	dma.local [hbm:s3], $0xF7A  }
0x26: {  	[smem:$0x3F9A] =	sst s1;
	(tag) =	ssettag s2;
	_ =	strace s9  }
0x27: {  	s1 =	sld [smem:$0x3FAA]  }
0x28: {  	s2 =	sld [smem:$0x3FAB]  }
0x29: {  	s4 =	sld [smem:$0x3FAD]  }
0x2a: {  	p0 =	seq.s32 s5, $0x0;
	s5 =	sld [smem:$0x3FAE]  }
0x2b: {  	s6 =	sld [smem:$0x3FAF]  }
0x2c: {  	s7 =	sld [smem:$0x3FB0]  }
0x2d: {  	s3 =	simm.s32 $0x108;
	s8 =	sld [smem:$0x3FB1]  }
0x2e: {  	s3 =	simm.s32 @!p0 $0x1082;
	s9 =	sld [smem:$0x3FB2]  }
0x2f: {  	lr =	sadd.s32 s0, s3;
	s0 =	sld [smem:$0x3FA9]  }
0x30: {  	s3 =	sld [smem:$0x3FAC]  }
0x31: {  	[smem:$0x3FB5] =	sst s10  }
0x32: {  	s10 =	sld [smem:$0x3FB3];
	_ =	sdelay $0x3  }
0x33: {  	p0 =	seq.s32 s10, $0x1;
	s10 =	sld [smem:$0x3FB5];
	_ =	sdelay $0x3  }
0x34: {  	[smem:$0x3FB5] =	sst s10  }
0x35: {  	s10 =	sld [smem:$0x3FB4];
	_ =	sdelay $0x3  }
0x36: {  	p1 =	seq.s32 s10, $0x1;
	s10 =	sld [smem:$0x3FB5];
	_ =	sdelay $0x3  }
0x37: {  	[smem:$0x3FB5] =	sst s10  }
0x38: {  	s10 =	sld [smem:$0x3FB6]  }
0x39: {  	_ = 	snop;
	(pc) =	sbr.ind lr, $3  }
0x3a: {  	_ = 	snop  }
0x3b: {  	_ = 	snop  }
0x3c: {  	p2 =	seq.s32 s10, $0x1;
	s10 =	sld [smem:$0x3FB5]  }
0x3d: {  	_ =	shalt  }
0x3e: {  	_ =	shalt  }
0x3f: {  	_ =	shalt  }
0x40: {  	_ =	shalt  }
0x41: {  	_ =	shalt  }
0x42: {  	_ =	shalt  }
0x43: {  	_ =	shalt  }
0x44: {  	_ =	shalt  }
0x45: {  	_ =	shalt  }
0x46: {  	_ =	shalt  }
0x47: {  	_ =	shalt  }
0x48: {  	_ =	shalt  }
0x49: {  	_ =	shalt  }
0x4a: {  	_ =	shalt  }
0x4b: {  	_ =	shalt  }
0x4c: {  	_ =	shalt  }
0x4d: {  	_ =	shalt  }
0x4e: {  	_ =	shalt  }
0x4f: {  	_ =	shalt  }
0x50: {  	_ =	shalt  }
0x51: {  	_ =	shalt  }
0x52: {  	_ =	shalt  }
0x53: {  	_ =	shalt  }
0x54: {  	_ =	shalt  }
0x55: {  	_ =	shalt  }
0x56: {  	_ =	shalt  }
0x57: {  	_ =	shalt  }
0x58: {  	_ =	shalt  }
0x59: {  	_ =	shalt  }
0x5a: {  	_ =	shalt  }
0x5b: {  	_ =	shalt  }
0x5c: {  	_ =	shalt  }
0x5d: {  	_ =	shalt  }
0x5e: {  	_ =	shalt  }
0x5f: {  	_ =	shalt  }
0x60: {  	_ =	shalt  }
0x61: {  	_ =	shalt  }
0x62: {  	_ =	shalt  }
0x63: {  	_ =	shalt  }
0x64: {  	_ =	shalt  }
0x65: {  	_ =	shalt  }
0x66: {  	_ =	shalt  }
0x67: {  	_ =	shalt  }
0x68: {  	_ =	shalt  }
0x69: {  	_ =	shalt  }
0x6a: {  	_ =	shalt  }
0x6b: {  	_ =	shalt  }
0x6c: {  	_ =	shalt  }
0x6d: {  	_ =	shalt  }
0x6e: {  	_ =	shalt  }
0x6f: {  	_ =	shalt  }
0x70: {  	_ =	shalt  }
0x71: {  	_ =	shalt  }
0x72: {  	_ =	shalt  }
0x73: {  	_ =	shalt  }
0x74: {  	_ =	shalt  }
0x75: {  	_ =	shalt  }
0x76: {  	_ =	shalt  }
0x77: {  	_ =	shalt  }
0x78: {  	_ =	shalt  }
0x79: {  	_ =	shalt  }
0x7a: {  	_ =	shalt  }
0x7b: {  	_ =	shalt  }
0x7c: {  	_ =	shalt  }
0x7d: {  	_ =	shalt  }
0x7e: {  	_ =	shalt  }
0x7f: {  	_ =	shalt  }
0x80: {  	_ =	shalt  }
0x81: {  	_ =	shalt  }
0x82: {  	_ =	shalt  }
0x83: {  	_ =	shalt  }
0x84: {  	_ =	shalt  }
0x85: {  	_ =	shalt  }
0x86: {  	_ =	shalt  }
0x87: {  	_ =	shalt  }
.Lfunc_end0:
.L_simem_size_0:
called_computation.1_lowered:
.L_overlay_start_0:
0x88: {  	s2 =	sld [smem:$0x3FD9]  }
0x89: {  	s3 =	sld [smem:$0x3FFE];
	_ =	sdelay $0x1  }
0x8a: {  	s1 =	srdreg.scid  }
0x8b: {  	s0 =	sand.u32 $0x1, s1  }
0x8c: {  	s16 =	sshll.u32 s0, $0xA;
	s2 =	sadd.s32 s3, s2  }
0x8d: {  	s2 =	sadd.s32 s2, s16  }
0x8e: {  	[smem:$0x3FC1] =	sst s2  }
0x8f: {  	_ = 	snop  }
0x90: {  	(tm) =	ssettm $0x1  }
0x91: {  	s17 =	sld [smem:$0x3FFB];
	_ =	sdelay $0x3  }
0x92: {  	_ =	strace s17  }
0x93: {  	s2 =	sld [smem:$0x3FFC];
	_ =	sdelay $0x3  }
0x94: {  	_ =	strace s2  }
0x95: {  	s2 =	sld [smem:$0x3FFD];
	_ =	sdelay $0x3  }
0x96: {  	_ =	strace s2  }
0x97: {  	_ =	strace $0x8FFFFFFF  }
0x98: {  	s18 =	sld [smem:$0x3FDB];
	_ =	sdelay $0x1  }
0x99: {  	s19 =	simm.s32 $_scs_section_size  }
0x9a: {  	s4 =	simm.s32 $_size__tile_overlayer_lowered;
	s5 =	simm.s32 $_tile_overlayer_lowered  }
0x9b: {  	s22 =	simm.s32 $0x1BFF;
	s21 =	sshll.u32 s5, $0x1;
	s2 =	sadd.s32 s19, s18  }
0x9c: {  	s6 =	simm.s32 $0x0;
	s20 =	sshll.u32 s4, $0x1;
	s4 =	sadd.s32 s21, s2  }
0x9d: {  	[timem:s6], [sflag:s22] =	dma.local [hbm:s4], s20  }
0x9e: {  	_ =	swait.ge [sflag:s22], s20  }
0x9f: {  	s3 =	ssub.s32 $0x0, s20;
	[sflag:s22] =	ssyncset.done $0x0  }
0xa0: {  	[sflag:s22] =	ssyncadd.s32 s3;
	_ =	sdelay $0x1  }
0xa1: {  	s23 =	simm.s32 $0x1B8B  }
0xa2: {  	_ =	swait.ge [sflag:s23], $0x1  }
0xa3: {  	[sflag:s23] =	ssyncset.done $0x0  }
0xa4: {  	s25 =	simm.s32 $0x1B8E;
	s24 =	sld [smem:$0x3FFE];
	[sflag:s23] =	ssyncadd.s32 $0xFFFFFFFF  }
0xa5: {  	s26 =	simm.s32 $execute0_lowered;
	[smem:$0x3FD2] =	sst s25  }
0xa6: {  	s4 =	sshll.u32 s26, $0x1;
	_ =	strace $0x80000049;
	[dreg:$0x1] =	wrdreg $0xFFFFFFFF  }
0xa7: {  	s28 =	simm.s32 $_size_execute0_lowered;
	s2 =	sadd.s32 s2, s4;
	[dreg:$0x0] =	wrdreg $0x0  }
0xa8: {  	s4 =	sshll.u32 s28, $0x1;
	[dreg:$0x2] =	wrdreg s2  }
0xa9: {  	[dreg:$0x3] =	wrdreg s4  }
0xaa: {  	[dreg:$0x4] =	wrdreg $0xC0  }
0xab: {  	_ =	task [dreg:s6], $0x5FFFF  }
0xac: {  	[dreg:$0x1] =	wrdreg $0xFFFFFFFF  }
0xad: {  	[dreg:$0x0] =	wrdreg $0x60  }
0xae: {  	[dreg:$0x2] =	wrdreg s24  }
0xaf: {  	[dreg:$0x3] =	wrdreg $0x9  }
0xb0: {  	_ =	task.clear_ibuf [dreg:s6], $0x4FFFF;
	_ =	strace $0x90000049  }
0xb1: {  	s29 =	simm.s32 $0x9;
	_ =	strace $0x8000004B  }
0xb2: {  	_ =	swait.ge [sflag:s29], $0x1  }
0xb3: {  	[sflag:s29] =	ssyncadd.s32 $0xFFFFFFFF  }
0xb4: {  	_ =	strace $0x9000004B  }
0xb5: {  	_ =	sfence  }
0xb6: {  	s30 =	sld [smem:$0x0];
	_ =	sdelay $0x2  }
0xb7: {  	s31 =	sshll.u32 s1, $0xD;
	s1 =	sshrl.u32 s1, $0x2  }
0xb8: {  	s3 =	sand.u32 $0x4000, s31;
	s1 =	sadd.s32 s1, s30  }
0xb9: {  	s0 =	sor.u32 s3, s0;
	s1 =	sshll.u32 s1, $0x11  }
0xba: {  	s0 =	sor.u32 s1, s0  }
0xbb: {  	s0 =	sadd.s32 $0x8F2B, s0  }
0xbc: {  	[sflag:s0] =	ssyncadd.remote.s32 $0x1  }
0xbd: {  	_ =	sfence.sel $0xFFFF  }
0xbe: {  	[dreg:$0x0] =	wrdreg $0xFFFFFFFF;
	(pc) =	sbr.abs _section_cstart, $3  }
0xbf: {  	[dreg:$0x1] =	wrdreg $0xFFFFFFFF  }
0xc0: {  	_ =	task.clear_ibuf [dreg:s6], $0x2FFFF;
	_ =	strace $0x9FFFFFFF  }
0xc1: {  	(tm) =	ssettm $0x7FFFFFFF  }
tec
execute0_lowered:
.L_overlay_start_1:
0x0: {  	(tag) =	ssettag $0x1  }
0x1: {  	s3 =	rddreg [dreg:$0x0]  }
0x2: {  	s0 =	rddreg [dreg:$0x1];
	s2 =	simm.s32 $0x0;
	s4 =	srdreg.scid  }
0x3: {  	s1 =	stileid.u32;
	s9 =	simm.s32 $0x80;
	s10 =	simm.s32 $0x100  }
0x4: {  	s11 =	simm.s32 $0x200;
	s12 =	simm.s32 $0x400;
	s13 =	simm.s32 $0x600  }
0x5: {  	s14 =	simm.s32 $0x1;
	s15 =	simm.s32 $0x800;
	s16 =	simm.s32 $0x2  }
0x6: {  	[smem:$0x7FF] =	sst s2;
	s4 =	sand.u32 $0x1, s4;
	s5 =	sshll.u32 s1, $0x1  }
0x7: {  	_ =	strace $0x8000004A;
	s5 =	sor.u32 s4, s5;
	s4 =	ssub.s32 $0x2, s4  }
0x8: {  	s6 =	sshll.u32 s5, $0x7;
	s5 =	sshll.u32 s5, $0x4;
	s31 =	sshrl.u32 s4, $0x1  }
0x9: {  	s6 =	sadd.s32 s6, s3;
	s7 =	sadd.s32 s5, s3;
	s8 =	ssub.s32 s4, s31  }
0xa: {  	s3 =	sadd.s32 $0x400, s6;
	s4 =	sadd.s32 $0x1400, s6;
	s5 =	sadd.s32 $0x410, s6  }
0xb: {  	s6 =	sadd.s32 $0x1410, s6;
	s7 =	sadd.s32 $0x2400, s7;
	s8 =	smax.u32 s8, $0x1  }
.LBB2_1:
0xc: {  	[tilespmem:s2], [sflag:$0x1] =	stream.strided.gather [hbm4b:s3+s9], $0x200, s10, s9, $0x38;
	[tilespmem:$0x880] =	vst v63  }
0xd: {  	_ = 	snop  }
0xe: {  	[tilespmem:s11], [sflag:$0x1] =	stream.strided.gather [hbm4b:s4+s9], $0x200, s10, s9, $0x38;
	[tilespmem:$0x880] =	vst v63  }
0xf: {  	_ = 	snop  }
0x10: {  	[tilespmem:s12], [sflag:$0x1] =	stream.strided.gather [hbm4b:s5+s9], $0x200, s10, s9, $0x38;
	[tilespmem:$0x880] =	vst v63  }
0x11: {  	_ = 	snop  }
0x12: {  	[tilespmem:s13], [sflag:$0x1] =	stream.strided.gather [hbm4b:s6+s9], $0x200, s10, s9, $0x38;
	[tilespmem:$0x880] =	vst v63  }
0x13: {  	_ =	swait.ge [sflag:s14], $0x200  }
0x14: {  	[sflag:s14] =	ssyncset.done $0x0  }
0x15: {  	[sflag:s14] =	ssyncadd.s32 $0xFFFFFE00  }
0x16: {  	_ =	swait.ge [sflag:s14], $0x200  }
0x17: {  	[sflag:s14] =	ssyncset.done $0x0  }
0x18: {  	[sflag:s14] =	ssyncadd.s32 $0xFFFFFE00  }
0x19: {  	_ =	swait.ge [sflag:s14], $0x200  }
0x1a: {  	[sflag:s14] =	ssyncset.done $0x0  }
0x1b: {  	[sflag:s14] =	ssyncadd.s32 $0xFFFFFE00  }
0x1c: {  	_ =	swait.ge [sflag:s14], $0x200  }
0x1d: {  	[sflag:s14] =	ssyncset.done $0x0  }
0x1e: {  	[sflag:s14] =	ssyncadd.s32 $0xFFFFFE00  }
0x1f: {  	v0 =	vld [tilespmem:$0x0]  }
0x20: {  	v1 =	vld [tilespmem:$0x200]  }
0x21: {  	v51 =	vld [tilespmem:$0x400]  }
0x22: {  	v2 =	vld [tilespmem:$0x600];
	_ =	sdelay $0x2  }
0x23: {  	v0 =	vadd.f32 v1, v0;
	_ =	sdelay $0x1  }
0x24: {  	v7 =	vld [tilespmem:$0x10];
	v1 =	vadd.f32 v2, v51;
	v0 =	vmax.f32 v0, $1.000000000e-30  }
0x25: {  	v55 =	vld [tilespmem:$0x210];
	v3 =	vshra.s32 v0, $0x1;
	v4 =	vmul.f32 $5.000000000e-01, v0  }
0x26: {  	v10 =	vld [tilespmem:$0x410];
	v1 =	vmax.f32 v1, $1.000000000e-30;
	v3 =	vsub.s32 $0x5F3759DF, v3  }
0x27: {  	v11 =	vld [tilespmem:$0x610];
	v53 =	vshra.s32 v1, $0x1;
	v6 =	vmul.f32 $5.000000000e-01, v1;
	v5 =	vmul.f32 v3, v4  }
0x28: {  	v54 =	vsub.s32 $0x5F3759DF, v53  }
0x29: {  	v8 =	vmul.f32 v54, v6;
	v5 =	vmul.f32 v3, v5;
	_ =	sdelay $0x1  }
0x2a: {  	v8 =	vmul.f32 v54, v8;
	v52 =	vsub.f32 $1.500000000e+00, v5;
	v5 =	vadd.f32 v55, v7  }
0x2b: {  	v10 =	vadd.f32 v11, v10  }
0x2c: {  	v8 =	vsub.f32 $1.500000000e+00, v8;
	v2 =	vmul.f32 v3, v52;
	v5 =	vmax.f32 v5, $1.000000000e-30  }
0x2d: {  	v12 =	vld [tilespmem:$0x20];
	v10 =	vmax.f32 v10, $1.000000000e-30;
	v57 =	vshra.s32 v5, $0x1;
	v58 =	vmul.f32 $5.000000000e-01, v5  }
0x2e: {  	v13 =	vld [tilespmem:$0x220];
	v3 =	vmul.f32 v54, v8;
	v9 =	vmul.f32 v2, v4;
	v7 =	vsub.s32 $0x5F3759DF, v57  }
0x2f: {  	v15 =	vmul.f32 $5.000000000e-01, v10;
	v60 =	vmul.f32 v7, v58  }
0x30: {  	v14 =	vshra.s32 v10, $0x1;
	v59 =	vmul.f32 v3, v6;
	v9 =	vmul.f32 v9, v2  }
0x31: {  	v14 =	vsub.s32 $0x5F3759DF, v14;
	v11 =	vmul.f32 v7, v60  }
0x32: {  	v16 =	vmul.f32 v14, v15;
	v56 =	vsub.f32 $1.500000000e+00, v9;
	v9 =	vmul.f32 v59, v3  }
0x33: {  	v63 =	vld [tilespmem:$0x420];
	v62 =	vadd.f32 v13, v12;
	v11 =	vsub.f32 $1.500000000e+00, v11  }
0x34: {  	v21 =	vld [tilespmem:$0x620];
	v61 =	vmul.f32 v14, v16;
	v2 =	vmul.f32 v56, v2;
	v9 =	vsub.f32 $1.500000000e+00, v9  }
0x35: {  	v7 =	vmul.f32 v7, v11;
	v11 =	vmax.f32 v62, $1.000000000e-30  }
0x36: {  	v4 =	vmul.f32 v2, v4;
	v9 =	vmul.f32 v9, v3;
	v3 =	vsub.f32 $1.500000000e+00, v61  }
0x37: {  	v23 =	vshra.s32 v11, $0x1;
	v17 =	vmul.f32 $5.000000000e-01, v11;
	v22 =	vmul.f32 v7, v58  }
0x38: {  	v16 =	vsub.s32 $0x5F3759DF, v23;
	v4 =	vmul.f32 v4, v2;
	v20 =	vmul.f32 v9, v6  }
0x39: {  	v14 =	vmul.f32 v14, v3;
	v6 =	vadd.f32 v21, v63;
	v13 =	vmul.f32 v22, v7  }
0x3a: {  	v25 =	vmul.f32 v16, v17;
	v4 =	vsub.f32 $1.500000000e+00, v4  }
0x3b: {  	v28 =	vld [tilespmem:$0x30];
	v27 =	vmul.f32 v14, v15;
	v6 =	vmax.f32 v6, $1.000000000e-30;
	v26 =	vsub.f32 $1.500000000e+00, v13  }
0x3c: {  	v30 =	vld [tilespmem:$0x230];
	v31 =	vshra.s32 v6, $0x1;
	v18 =	vmul.f32 $5.000000000e-01, v6;
	v2 =	vmul.f32 v4, v2  }
0x3d: {  	v38 =	vld [tilespmem:$0x430];
	v4 =	vmul.f32 v20, v9;
	v29 =	vmul.f32 v27, v14;
	v13 =	vsub.s32 $0x5F3759DF, v31  }
0x3e: {  	v20 =	vld [tilespmem:$0x630];
	v32 =	vmul.f32 v13, v18;
	v3 =	vmul.f32 v2, v0  }
0x3f: {  	v24 =	vsub.f32 $1.500000000e+00, v4;
	v2 =	vmul.f32 v16, v25;
	v4 =	vmul.f32 v26, v7  }
0x40: {  	v7 =	vsub.f32 $1.500000000e+00, v29;
	v19 =	vmul.f32 v13, v32  }
0x41: {  	v0 =	vmul.f32 v24, v9;
	v2 =	vsub.f32 $1.500000000e+00, v2;
	v8 =	vmul.f32 v4, v58  }
0x42: {  	v7 =	vmul.f32 v7, v14;
	v9 =	vadd.f32 v30, v28;
	v37 =	vsub.f32 $1.500000000e+00, v19  }
0x43: {  	v14 =	vadd.f32 v20, v38;
	v16 =	vmul.f32 v16, v2;
	v8 =	vmul.f32 v8, v4  }
0x44: {  	v2 =	vmul.f32 v0, v1;
	v35 =	vmul.f32 v7, v15;
	v9 =	vmax.f32 v9, $1.000000000e-30  }
0x45: {  	v39 =	vshra.s32 v9, $0x1;
	v40 =	vmul.f32 $5.000000000e-01, v9;
	v12 =	vmul.f32 v13, v37  }
0x46: {  	v44 =	vld [tilespmem:$0x40];
	v14 =	vmax.f32 v14, $1.000000000e-30;
	v33 =	vmul.f32 v16, v17;
	v34 =	vsub.f32 $1.500000000e+00, v8  }
0x47: {  	v45 =	vld [tilespmem:$0x440];
	v1 =	vmul.f32 v35, v7;
	v41 =	vsub.s32 $0x5F3759DF, v39;
	v51 =	vmul.f32 $5.000000000e-01, v14  }
0x48: {  	v21 =	vld [tilespmem:$0x240];
	v42 =	vmul.f32 v41, v40;
	v43 =	vmul.f32 v12, v18  }
0x49: {  	v47 =	vld [tilespmem:$0x640];
	v36 =	vmul.f32 v33, v16;
	v0 =	vmul.f32 v34, v4;
	v1 =	vsub.f32 $1.500000000e+00, v1  }
0x4a: {  	v50 =	vshra.s32 v14, $0x1;
	v4 =	vmul.f32 v41, v42;
	v15 =	vmul.f32 v43, v12  }
0x4b: {  	v52 =	vsub.s32 $0x5F3759DF, v50;
	v8 =	vsub.f32 $1.500000000e+00, v36;
	v1 =	vmul.f32 v1, v7  }
0x4c: {  	v7 =	vmul.f32 v0, v5;
	v46 =	vsub.f32 $1.500000000e+00, v4;
	v49 =	vsub.f32 $1.500000000e+00, v15  }
0x4d: {  	v8 =	vmul.f32 v8, v16;
	v5 =	vmul.f32 v1, v10;
	v16 =	vadd.f32 v21, v44  }
0x4e: {  	v1 =	vadd.f32 v47, v45;
	v0 =	vmul.f32 v41, v46;
	v12 =	vmul.f32 v49, v12  }
0x4f: {  	v54 =	vmul.f32 v52, v51;
	v17 =	vmul.f32 v8, v17;
	v16 =	vmax.f32 v16, $1.000000000e-30  }
0x50: {  	v58 =	vmax.f32 v1, $1.000000000e-30;
	v53 =	vmul.f32 v0, v40;
	v55 =	vmul.f32 v12, v18  }
0x51: {  	v56 =	vshra.s32 v16, $0x1;
	v57 =	vmul.f32 $5.000000000e-01, v16;
	v22 =	vmul.f32 $5.000000000e-01, v58  }
0x52: {  	v60 =	vshra.s32 v58, $0x1;
	v48 =	vmul.f32 v17, v8;
	v17 =	vmul.f32 v52, v54  }
0x53: {  	v59 =	vsub.s32 $0x5F3759DF, v56;
	v18 =	vsub.s32 $0x5F3759DF, v60;
	v13 =	vmul.f32 v53, v0  }
0x54: {  	v23 =	vmul.f32 v59, v57;
	v24 =	vmul.f32 v18, v22  }
0x55: {  	v4 =	vsub.f32 $1.500000000e+00, v48;
	v17 =	vsub.f32 $1.500000000e+00, v17  }
0x56: {  	v62 =	vld [tilespmem:$0x250];
	v13 =	vsub.f32 $1.500000000e+00, v13;
	v23 =	vmul.f32 v59, v23;
	v61 =	vmul.f32 v18, v24  }
0x57: {  	v25 =	vld [tilespmem:$0x50];
	v4 =	vmul.f32 v4, v8;
	v17 =	vmul.f32 v52, v17  }
0x58: {  	v33 =	vld [tilespmem:$0x450];
	v8 =	vmul.f32 v55, v12;
	v0 =	vmul.f32 v13, v0;
	v23 =	vsub.f32 $1.500000000e+00, v23  }
0x59: {  	v34 =	vld [tilespmem:$0x650];
	v13 =	vsub.f32 $1.500000000e+00, v61;
	v10 =	vmul.f32 v4, v11;
	v63 =	vmul.f32 v17, v51  }
0x5a: {  	v8 =	vsub.f32 $1.500000000e+00, v8;
	v26 =	vmul.f32 v0, v40;
	v11 =	vmul.f32 v59, v23  }
0x5b: {  	v13 =	vmul.f32 v18, v13;
	v4 =	vmul.f32 v63, v17  }
0x5c: {  	v42 =	vld [tilespmem:$0x60];
	v8 =	vmul.f32 v8, v12;
	v12 =	vmul.f32 v26, v0  }
0x5d: {  	v28 =	vadd.f32 v62, v25;
	v46 =	vld [tilespmem:$0x460];
	v27 =	vmul.f32 v11, v57;
	v4 =	vsub.f32 $1.500000000e+00, v4  }
0x5e: {  	v40 =	vadd.f32 v34, v33;
	v30 =	vmul.f32 v13, v22;
	v26 =	vld [tilespmem:$0x660];
	v29 =	vsub.f32 $1.500000000e+00, v12  }
0x5f: {  	v43 =	vld [tilespmem:$0x260];
	v31 =	vmul.f32 v27, v11;
	v4 =	vmul.f32 v4, v17;
	v17 =	vmax.f32 v28, $1.000000000e-30  }
0x60: {  	v1 =	vmul.f32 v8, v6;
	v8 =	vmul.f32 v30, v13;
	v32 =	vshra.s32 v17, $0x1  }
0x61: {  	v19 =	vmul.f32 $5.000000000e-01, v17;
	v12 =	vsub.f32 $1.500000000e+00, v31;
	v0 =	vmul.f32 v29, v0  }
0x62: {  	v35 =	vsub.f32 $1.500000000e+00, v8;
	v15 =	vmul.f32 v4, v51;
	v18 =	vsub.s32 $0x5F3759DF, v32  }
0x63: {  	v53 =	vadd.f32 v26, v46;
	v36 =	vmul.f32 v18, v19;
	v11 =	vmul.f32 v12, v11  }
0x64: {  	v37 =	vmul.f32 v35, v13;
	v6 =	vmul.f32 v0, v9;
	v9 =	vadd.f32 v43, v42  }
0x65: {  	v15 =	vmul.f32 v15, v4;
	v21 =	vmax.f32 v53, $1.000000000e-30;
	v8 =	vmul.f32 v18, v36  }
0x66: {  	v39 =	vmul.f32 v11, v57;
	v13 =	vmul.f32 v37, v22;
	v9 =	vmax.f32 v9, $1.000000000e-30  }
0x67: {  	v59 =	vmul.f32 $5.000000000e-01, v21;
	v38 =	vsub.f32 $1.500000000e+00, v15;
	v15 =	vmax.f32 v40, $1.000000000e-30  }
0x68: {  	v54 =	vld [tilespmem:$0x270];
	v56 =	vmul.f32 $5.000000000e-01, v9;
	v8 =	vsub.f32 $1.500000000e+00, v8;
	v41 =	vmul.f32 v39, v11  }
0x69: {  	v52 =	vld [tilespmem:$0x70];
	v13 =	vmul.f32 v13, v37;
	v44 =	vshra.s32 v15, $0x1;
	v45 =	vmul.f32 $5.000000000e-01, v15  }
0x6a: {  	v0 =	vmul.f32 v38, v4;
	v48 =	vsub.s32 $0x5F3759DF, v44;
	v18 =	vmul.f32 v18, v8  }
0x6b: {  	v61 =	vld [tilespmem:$0x470];
	v4 =	vsub.f32 $1.500000000e+00, v41;
	v13 =	vsub.f32 $1.500000000e+00, v13;
	v49 =	vmul.f32 v48, v45  }
0x6c: {  	v27 =	vld [tilespmem:$0x670];
	v8 =	vmul.f32 v0, v14;
	v47 =	vmul.f32 v18, v19  }
0x6d: {  	v3 =	vadd.f32 $0.0e+00, v3;
	v4 =	vmul.f32 v4, v11;
	v12 =	vmul.f32 v13, v37  }
0x6e: {  	v11 =	vmul.f32 v48, v49;
	v13 =	vadd.f32 v54, v52;
	v50 =	vmul.f32 v47, v18  }
0x6f: {  	v55 =	vshra.s32 v9, $0x1;
	v4 =	vmul.f32 v4, v16;
	v0 =	vmul.f32 v12, v58  }
0x70: {  	v11 =	vsub.f32 $1.500000000e+00, v11;
	v58 =	vshra.s32 v21, $0x1;
	v13 =	vmax.f32 v13, $1.000000000e-30  }
0x71: {  	v16 =	vadd.f32 v27, v61;
	v23 =	vsub.s32 $0x5F3759DF, v58;
	v28 =	vshra.s32 v13, $0x1  }
0x72: {  	v29 =	vmul.f32 $5.000000000e-01, v13;
	v51 =	vsub.f32 $1.500000000e+00, v50;
	v11 =	vmul.f32 v48, v11  }
0x73: {  	v60 =	vmul.f32 v23, v59;
	v63 =	vsub.s32 $0x5F3759DF, v28;
	v16 =	vmax.f32 v16, $1.000000000e-30  }
0x74: {  	v33 =	vmul.f32 v63, v29;
	v38 =	vshra.s32 v16, $0x1;
	v30 =	vmul.f32 $5.000000000e-01, v16  }
0x75: {  	v12 =	vmul.f32 v51, v18;
	v18 =	vsub.s32 $0x5F3759DF, v55;
	v25 =	vmul.f32 v11, v45  }
0x76: {  	v26 =	vmul.f32 v23, v60;
	v28 =	vsub.s32 $0x5F3759DF, v38;
	v57 =	vmul.f32 v18, v56  }
0x77: {  	v39 =	vmul.f32 v28, v30;
	v25 =	vmul.f32 v25, v11  }
0x78: {  	v2 =	vsub.f32 v3, v2;
	v19 =	vmul.f32 v12, v19;
	v14 =	vmul.f32 v18, v57  }
0x79: {  	v62 =	vsub.f32 $1.500000000e+00, v26;
	v26 =	vmul.f32 v28, v39;
	v25 =	vsub.f32 $1.500000000e+00, v25  }
0x7a: {  	v2 =	vadd.f32 v7, v2;
	v35 =	vmul.f32 v63, v33;
	v14 =	vsub.f32 $1.500000000e+00, v14  }
0x7b: {  	v19 =	vmul.f32 v19, v12;
	v43 =	vsub.f32 $1.500000000e+00, v26;
	v11 =	vmul.f32 v25, v11  }
0x7c: {  	v5 =	vsub.f32 v2, v5;
	v14 =	vmul.f32 v18, v14;
	v18 =	vmul.f32 v23, v62  }
0x7d: {  	v23 =	vsub.f32 $1.500000000e+00, v35;
	v46 =	vmul.f32 v28, v43;
	v22 =	vmul.f32 v11, v45  }
0x7e: {  	v34 =	vmul.f32 v14, v56;
	v37 =	vmul.f32 v18, v59  }
0x7f: {  	v5 =	vadd.f32 v10, v5;
	v23 =	vmul.f32 v63, v23;
	v49 =	vmul.f32 v46, v30  }
0x80: {  	v19 =	vsub.f32 $1.500000000e+00, v19;
	v22 =	vmul.f32 v22, v11;
	v36 =	vmul.f32 v34, v14  }
0x81: {  	v1 =	vsub.f32 v5, v1;
	v31 =	vld [tilespmem:$0x80];
	v27 =	vmul.f32 v37, v18;
	v41 =	vmul.f32 v23, v29  }
0x82: {  	v47 =	vld [tilespmem:$0x680];
	v12 =	vmul.f32 v19, v12;
	v53 =	vmul.f32 v49, v46;
	v25 =	vsub.f32 $1.500000000e+00, v36  }
0x83: {  	v45 =	vld [tilespmem:$0x480];
	v22 =	vsub.f32 $1.500000000e+00, v22;
	v40 =	vsub.f32 $1.500000000e+00, v27;
	v42 =	vmul.f32 v41, v23  }
0x84: {  	v44 =	vld [tilespmem:$0x280];
	v12 =	vmul.f32 v12, v17;
	v58 =	vsub.f32 $1.500000000e+00, v53;
	v25 =	vmul.f32 v25, v14  }
0x85: {  	v11 =	vmul.f32 v22, v11;
	v18 =	vmul.f32 v40, v18;
	v14 =	vsub.f32 $1.500000000e+00, v42  }
0x86: {  	v17 =	vmul.f32 v58, v46;
	v20 =	vmul.f32 v25, v56  }
0x87: {  	v1 =	vadd.f32 v6, v1;
	v61 =	vld [tilespmem:$0x290];
	v24 =	vmul.f32 v18, v59;
	v23 =	vmul.f32 v14, v23  }
0x88: {  	v14 =	vmul.f32 v11, v15;
	v56 =	vadd.f32 v47, v45;
	v59 =	vld [tilespmem:$0x90];
	v35 =	vmul.f32 v17, v30  }
0x89: {  	v54 =	vadd.f32 v44, v31;
	v20 =	vmul.f32 v20, v25;
	v48 =	vmul.f32 v24, v18  }
0x8a: {  	v52 =	vmul.f32 v23, v29;
	v26 =	vmax.f32 v56, $1.000000000e-30;
	v38 =	vmul.f32 v35, v17  }
0x8b: {  	v62 =	vshra.s32 v26, $0x1;
	v63 =	vmul.f32 $5.000000000e-01, v26;
	v20 =	vsub.f32 $1.500000000e+00, v20  }
0x8c: {  	v51 =	vsub.f32 $1.500000000e+00, v48;
	v57 =	vmul.f32 v52, v23;
	v27 =	vsub.s32 $0x5F3759DF, v62  }
0x8d: {  	v33 =	vmul.f32 v27, v63;
	v22 =	vadd.f32 v61, v59;
	v50 =	vmul.f32 v20, v25  }
0x8e: {  	v55 =	vmul.f32 v51, v18;
	v20 =	vmax.f32 v54, $1.000000000e-30;
	v18 =	vsub.f32 $1.500000000e+00, v57  }
0x8f: {  	v39 =	vld [tilespmem:$0x690];
	v24 =	vshra.s32 v20, $0x1;
	v60 =	vmul.f32 $5.000000000e-01, v20;
	v19 =	vmul.f32 v27, v33  }
0x90: {  	v37 =	vld [tilespmem:$0x490];
	v22 =	vmax.f32 v22, $1.000000000e-30;
	v11 =	vmul.f32 v50, v9;
	v24 =	vsub.s32 $0x5F3759DF, v24  }
0x91: {  	v48 =	vld [tilespmem:$0xA0];
	v18 =	vmul.f32 v18, v23;
	v15 =	vmul.f32 v55, v21;
	v40 =	vshra.s32 v22, $0x1  }
0x92: {  	v51 =	vld [tilespmem:$0x2A0];
	v41 =	vmul.f32 $5.000000000e-01, v22;
	v21 =	vsub.f32 $1.500000000e+00, v38;
	v32 =	vmul.f32 v24, v60  }
0x93: {  	v33 =	vld [tilespmem:$0x6A0];
	v19 =	vsub.f32 $1.500000000e+00, v19;
	v42 =	vsub.s32 $0x5F3759DF, v40;
	v9 =	vmul.f32 v18, v13  }
0x94: {  	v1 =	vsub.f32 v1, v8;
	v55 =	vld [tilespmem:$0x4A0];
	v44 =	vmul.f32 v42, v41;
	v17 =	vmul.f32 v21, v17  }
0x95: {  	v18 =	vadd.f32 v39, v37;
	v34 =	vmul.f32 v24, v32;
	v19 =	vmul.f32 v27, v19  }
0x96: {  	v1 =	vadd.f32 v4, v1;
	v30 =	vmul.f32 v42, v44;
	v13 =	vmul.f32 v17, v16  }
0x97: {  	v18 =	vmax.f32 v18, $1.000000000e-30;
	v17 =	vadd.f32 v51, v48;
	v36 =	vsub.f32 $1.500000000e+00, v34  }
0x98: {  	v45 =	vmul.f32 v19, v63;
	v52 =	vshra.s32 v18, $0x1;
	v32 =	vmul.f32 $5.000000000e-01, v18  }
0x99: {  	v27 =	vadd.f32 v33, v55;
	v50 =	vsub.f32 $1.500000000e+00, v30;
	v53 =	vsub.s32 $0x5F3759DF, v52  }
0x9a: {  	v17 =	vmax.f32 v17, $1.000000000e-30;
	v24 =	vmul.f32 v24, v36;
	v47 =	vmul.f32 v45, v19  }
0x9b: {  	v54 =	vmul.f32 v53, v32;
	v58 =	vshra.s32 v17, $0x1;
	v34 =	vmul.f32 $5.000000000e-01, v17  }
0x9c: {  	v27 =	vmax.f32 v27, $1.000000000e-30;
	v23 =	vmul.f32 v42, v50;
	v59 =	vsub.s32 $0x5F3759DF, v58  }
0x9d: {  	v35 =	vmul.f32 $5.000000000e-01, v27;
	v43 =	vmul.f32 v24, v60;
	v16 =	vsub.f32 $1.500000000e+00, v47  }
0x9e: {  	v31 =	vmul.f32 v59, v34;
	v56 =	vmul.f32 v23, v41  }
0x9f: {  	v0 =	vsub.f32 v1, v0;
	v46 =	vmul.f32 v43, v24;
	v16 =	vmul.f32 v16, v19  }
0xa0: {  	v61 =	vshra.s32 v27, $0x1;
	v19 =	vmul.f32 v53, v54;
	v31 =	vmul.f32 v59, v31  }
0xa1: {  	v33 =	vsub.s32 $0x5F3759DF, v61;
	v57 =	vmul.f32 v56, v23;
	v49 =	vsub.f32 $1.500000000e+00, v46  }
0xa2: {  	v28 =	vmul.f32 v16, v63;
	v19 =	vsub.f32 $1.500000000e+00, v19;
	v62 =	vsub.f32 $1.500000000e+00, v31  }
0xa3: {  	v63 =	vmul.f32 v33, v35;
	v30 =	vsub.f32 $1.500000000e+00, v57;
	v21 =	vmul.f32 v49, v24  }
0xa4: {  	v0 =	vadd.f32 v12, v0;
	v28 =	vmul.f32 v28, v16;
	v19 =	vmul.f32 v53, v19  }
0xa5: {  	v24 =	vmul.f32 v59, v62;
	v23 =	vmul.f32 v30, v23  }
0xa6: {  	v0 =	vsub.f32 v0, v14;
	v37 =	vld [tilespmem:$0x2B0];
	v25 =	vmul.f32 v21, v60;
	v60 =	vmul.f32 v19, v32  }
0xa7: {  	v36 =	vld [tilespmem:$0xB0];
	v28 =	vsub.f32 $1.500000000e+00, v28;
	v42 =	vmul.f32 v24, v34;
	v29 =	vmul.f32 v23, v41  }
0xa8: {  	v25 =	vmul.f32 v25, v21;
	v30 =	vmul.f32 v60, v19  }
0xa9: {  	v0 =	vadd.f32 v11, v0;
	v28 =	vmul.f32 v28, v16;
	v29 =	vmul.f32 v29, v23  }
0xaa: {  	v43 =	vld [tilespmem:$0x6B0];
	v39 =	vmul.f32 v33, v63;
	v25 =	vsub.f32 $1.500000000e+00, v25;
	v30 =	vsub.f32 $1.500000000e+00, v30  }
0xab: {  	v41 =	vld [tilespmem:$0x4B0];
	v46 =	vmul.f32 v42, v24;
	v3 =	vmul.f32 v28, v26;
	v40 =	vsub.f32 $1.500000000e+00, v29  }
0xac: {  	v47 =	vadd.f32 v37, v36;
	v21 =	vmul.f32 v25, v21;
	v19 =	vmul.f32 v30, v19  }
0xad: {  	v49 =	vsub.f32 $1.500000000e+00, v46;
	v25 =	vsub.f32 $1.500000000e+00, v39;
	v44 =	vmul.f32 v40, v23  }
0xae: {  	v23 =	vmax.f32 v47, $1.000000000e-30;
	v16 =	vmul.f32 v21, v20;
	v45 =	vmul.f32 v19, v32  }
0xaf: {  	v25 =	vmul.f32 v33, v25;
	v26 =	vshra.s32 v23, $0x1;
	v29 =	vmul.f32 $5.000000000e-01, v23  }
0xb0: {  	v51 =	vld [tilespmem:$0xC0];
	v21 =	vadd.f32 v43, v41;
	v20 =	vmul.f32 v49, v24;
	v2 =	vmul.f32 v44, v22  }
0xb1: {  	v53 =	vld [tilespmem:$0x2C0];
	v26 =	vsub.s32 $0x5F3759DF, v26;
	v48 =	vmul.f32 v45, v19;
	v50 =	vmul.f32 v25, v35  }
0xb2: {  	v52 =	vmul.f32 v26, v29;
	v21 =	vmax.f32 v21, $1.000000000e-30;
	v55 =	vmul.f32 v20, v34  }
0xb3: {  	v58 =	vld [tilespmem:$0x4C0];
	v54 =	vshra.s32 v21, $0x1;
	v32 =	vmul.f32 $5.000000000e-01, v21;
	v22 =	vmul.f32 v50, v25  }
0xb4: {  	v60 =	vld [tilespmem:$0x6C0];
	v7 =	vsub.f32 $1.500000000e+00, v48;
	v24 =	vmul.f32 v26, v52;
	v31 =	vsub.s32 $0x5F3759DF, v54  }
0xb5: {  	v59 =	vmul.f32 v55, v20;
	v57 =	vmul.f32 v31, v32;
	v22 =	vsub.f32 $1.500000000e+00, v22  }
0xb6: {  	v28 =	vadd.f32 v53, v51;
	v7 =	vmul.f32 v7, v19;
	v24 =	vsub.f32 $1.500000000e+00, v24  }
0xb7: {  	v62 =	vsub.f32 $1.500000000e+00, v59;
	v56 =	vmul.f32 v22, v25;
	v22 =	vmul.f32 v31, v57  }
0xb8: {  	v7 =	vmul.f32 v7, v18;
	v63 =	vmul.f32 v26, v24;
	v26 =	vmax.f32 v28, $1.000000000e-30  }
0xb9: {  	v25 =	vadd.f32 v60, v58;
	v42 =	vshra.s32 v26, $0x1;
	v43 =	vmul.f32 $5.000000000e-01, v26  }
0xba: {  	v61 =	vmul.f32 v56, v35;
	v22 =	vsub.f32 $1.500000000e+00, v22;
	v30 =	vsub.s32 $0x5F3759DF, v42  }
0xbb: {  	v41 =	vmul.f32 v63, v29;
	v25 =	vmax.f32 v25, $1.000000000e-30;
	v45 =	vmul.f32 v30, v43  }
0xbc: {  	v47 =	vld [tilespmem:$0xD0];
	v46 =	vshra.s32 v25, $0x1;
	v35 =	vmul.f32 $5.000000000e-01, v25;
	v40 =	vmul.f32 v61, v56  }
0xbd: {  	v48 =	vld [tilespmem:$0x2D0];
	v22 =	vmul.f32 v31, v22;
	v28 =	vmul.f32 v41, v63;
	v33 =	vsub.s32 $0x5F3759DF, v46  }
0xbe: {  	v15 =	vsub.f32 v0, v15;
	v24 =	vmul.f32 v30, v45;
	v50 =	vmul.f32 v33, v35  }
0xbf: {  	v18 =	vmul.f32 v62, v20;
	v44 =	vsub.f32 $1.500000000e+00, v40;
	v31 =	vmul.f32 v22, v32  }
0xc0: {  	v28 =	vsub.f32 $1.500000000e+00, v28;
	v49 =	vsub.f32 $1.500000000e+00, v24;
	v53 =	vmul.f32 v33, v50  }
0xc1: {  	v9 =	vadd.f32 v9, v15;
	v31 =	vmul.f32 v31, v22;
	v10 =	vmul.f32 v44, v56  }
0xc2: {  	v19 =	vmul.f32 v28, v63;
	v56 =	vadd.f32 v48, v47;
	v52 =	vmul.f32 v30, v49  }
0xc3: {  	v60 =	vld [tilespmem:$0x4D0];
	v17 =	vmul.f32 v18, v17;
	v18 =	vsub.f32 $1.500000000e+00, v53;
	v51 =	vsub.f32 $1.500000000e+00, v31  }
0xc4: {  	v63 =	vld [tilespmem:$0x6D0];
	v54 =	vmul.f32 v19, v29;
	v24 =	vmax.f32 v56, $1.000000000e-30;
	v55 =	vmul.f32 v52, v43  }
0xc5: {  	v9 =	vsub.f32 v9, v13;
	v58 =	vmul.f32 v33, v18;
	v30 =	vmul.f32 $5.000000000e-01, v24  }
0xc6: {  	v59 =	vshra.s32 v24, $0x1;
	v18 =	vmul.f32 v10, v27;
	v20 =	vmul.f32 v51, v22  }
0xc7: {  	v5 =	vmul.f32 v54, v19;
	v62 =	vsub.s32 $0x5F3759DF, v59;
	v22 =	vmul.f32 v55, v52  }
0xc8: {  	v9 =	vadd.f32 v16, v9;
	v50 =	vld [tilespmem:$0x4E0];
	v61 =	vmul.f32 v58, v35;
	v39 =	vmul.f32 v62, v30  }
0xc9: {  	v51 =	vld [tilespmem:$0x6E0];
	v47 =	vadd.f32 v63, v60;
	v57 =	vmul.f32 v20, v32;
	v5 =	vsub.f32 $1.500000000e+00, v5  }
0xca: {  	v22 =	vsub.f32 $1.500000000e+00, v22;
	v40 =	vmul.f32 v61, v58;
	v41 =	vmul.f32 v62, v39  }
0xcb: {  	v45 =	vld [tilespmem:$0xE0];
	v8 =	vmax.f32 v47, $1.000000000e-30;
	v6 =	vmul.f32 v57, v20;
	v5 =	vmul.f32 v5, v19  }
0xcc: {  	v3 =	vsub.f32 v9, v3;
	v48 =	vld [tilespmem:$0x2E0];
	v29 =	vmul.f32 $5.000000000e-01, v8;
	v22 =	vmul.f32 v22, v52  }
0xcd: {  	v44 =	vsub.f32 $1.500000000e+00, v40;
	v52 =	vshra.s32 v8, $0x1;
	v6 =	vsub.f32 $1.500000000e+00, v6  }
0xce: {  	v19 =	vadd.f32 v51, v50;
	v28 =	vsub.s32 $0x5F3759DF, v52;
	v43 =	vmul.f32 v22, v43  }
0xcf: {  	v46 =	vsub.f32 $1.500000000e+00, v41;
	v55 =	vmul.f32 v28, v29;
	v42 =	vmul.f32 v6, v20  }
0xd0: {  	v19 =	vmax.f32 v19, $1.000000000e-30;
	v6 =	vmul.f32 v5, v23;
	v20 =	vmul.f32 v44, v58  }
0xd1: {  	v5 =	vmul.f32 v62, v46;
	v23 =	vadd.f32 v48, v45;
	v61 =	vshra.s32 v19, $0x1  }
0xd2: {  	v34 =	vmul.f32 $5.000000000e-01, v19;
	v49 =	vmul.f32 v43, v22;
	v63 =	vsub.s32 $0x5F3759DF, v61  }
0xd3: {  	v53 =	vmul.f32 v20, v35;
	v54 =	vmul.f32 v5, v30;
	v23 =	vmax.f32 v23, $1.000000000e-30  }
0xd4: {  	v38 =	vld [tilespmem:$0xF0];
	v37 =	vmul.f32 v63, v34;
	v10 =	vsub.f32 $1.500000000e+00, v49;
	v31 =	vmul.f32 $5.000000000e-01, v23  }
0xd5: {  	v41 =	vld [tilespmem:$0x2F0];
	v59 =	vshra.s32 v23, $0x1;
	v56 =	vmul.f32 v53, v20;
	v57 =	vmul.f32 v54, v5  }
0xd6: {  	v27 =	vsub.s32 $0x5F3759DF, v59;
	v43 =	vmul.f32 v63, v37;
	v10 =	vmul.f32 v10, v22  }
0xd7: {  	v22 =	vmul.f32 v28, v55;
	v60 =	vmul.f32 v27, v31;
	v58 =	vsub.f32 $1.500000000e+00, v57  }
0xd8: {  	v4 =	vmul.f32 v42, v21;
	v1 =	vsub.f32 $1.500000000e+00, v56;
	v45 =	vsub.f32 $1.500000000e+00, v43  }
0xd9: {  	v22 =	vsub.f32 $1.500000000e+00, v22;
	v36 =	vmul.f32 v27, v60;
	v12 =	vmul.f32 v10, v26  }
0xda: {  	v50 =	vld [tilespmem:$0x4F0];
	v49 =	vadd.f32 v41, v38;
	v5 =	vmul.f32 v58, v5;
	v1 =	vmul.f32 v1, v20  }
0xdb: {  	v52 =	vld [tilespmem:$0x6F0];
	v62 =	vmul.f32 v28, v22;
	v42 =	vsub.f32 $1.500000000e+00, v36;
	v22 =	vmul.f32 v63, v45  }
0xdc: {  	v2 =	vadd.f32 v2, v3;
	v41 =	vld [tilespmem:$0x500];
	v39 =	vmul.f32 v5, v30;
	v10 =	vmul.f32 v1, v25  }
0xdd: {  	v43 =	vld [tilespmem:$0x700];
	v25 =	vmax.f32 v49, $1.000000000e-30;
	v40 =	vmul.f32 v62, v29;
	v20 =	vmul.f32 v27, v42  }
0xde: {  	v35 =	vld [tilespmem:$0x100];
	v54 =	vmul.f32 v22, v34;
	v56 =	vshra.s32 v25, $0x1;
	v57 =	vmul.f32 $5.000000000e-01, v25  }
0xdf: {  	v37 =	vld [tilespmem:$0x300];
	v44 =	vmul.f32 v39, v5;
	v28 =	vsub.s32 $0x5F3759DF, v56;
	v30 =	vmul.f32 v40, v62  }
0xe0: {  	v11 =	vadd.f32 v52, v50;
	v48 =	vmul.f32 v20, v31;
	v58 =	vmul.f32 v28, v57  }
0xe1: {  	v21 =	vmul.f32 v54, v22;
	v46 =	vsub.f32 $1.500000000e+00, v44;
	v47 =	vsub.f32 $1.500000000e+00, v30  }
0xe2: {  	v52 =	vadd.f32 v43, v41;
	v53 =	vmul.f32 v48, v20;
	v61 =	vmul.f32 v28, v58  }
0xe3: {  	v59 =	vsub.f32 $1.500000000e+00, v21;
	v1 =	vmul.f32 v46, v5;
	v51 =	vmul.f32 v47, v62  }
0xe4: {  	v46 =	vadd.f32 v37, v35;
	v14 =	vsub.f32 $1.500000000e+00, v53  }
0xe5: {  	v63 =	vsub.f32 $1.500000000e+00, v61;
	v0 =	vmul.f32 v1, v24;
	v55 =	vmul.f32 v51, v29  }
0xe6: {  	v16 =	vmax.f32 v46, $1.000000000e-30;
	v14 =	vmul.f32 v14, v20;
	v20 =	vmul.f32 v59, v22  }
0xe7: {  	v22 =	vmax.f32 v11, $1.000000000e-30;
	v11 =	vmul.f32 v28, v63;
	v26 =	vmul.f32 v55, v51  }
0xe8: {  	v33 =	vshra.s32 v22, $0x1;
	v62 =	vmul.f32 v14, v31;
	v36 =	vmul.f32 v20, v34  }
0xe9: {  	v42 =	vmul.f32 v11, v57;
	v60 =	vsub.f32 $1.500000000e+00, v26;
	v26 =	vmul.f32 $5.000000000e-01, v22  }
0xea: {  	v21 =	vsub.s32 $0x5F3759DF, v33;
	v24 =	vmul.f32 v62, v14;
	v40 =	vmul.f32 v36, v20  }
0xeb: {  	v49 =	vld [tilespmem:$0x310];
	v50 =	vshra.s32 v16, $0x1;
	v13 =	vmul.f32 v42, v11;
	v38 =	vmul.f32 v21, v26  }
0xec: {  	v48 =	vld [tilespmem:$0x110];
	v1 =	vmul.f32 v60, v51;
	v39 =	vsub.f32 $1.500000000e+00, v24;
	v45 =	vsub.f32 $1.500000000e+00, v40  }
0xed: {  	v13 =	vsub.f32 $1.500000000e+00, v13;
	v51 =	vmul.f32 $5.000000000e-01, v16;
	v24 =	vmax.f32 v52, $1.000000000e-30  }
0xee: {  	v55 =	vshra.s32 v24, $0x1;
	v56 =	vmul.f32 $5.000000000e-01, v24;
	v15 =	vmul.f32 v21, v38  }
0xef: {  	v8 =	vmul.f32 v1, v8;
	v44 =	vmul.f32 v39, v14;
	v27 =	vsub.s32 $0x5F3759DF, v55  }
0xf0: {  	v47 =	vmul.f32 v45, v20;
	v58 =	vmul.f32 v27, v56;
	v15 =	vsub.f32 $1.500000000e+00, v15  }
0xf1: {  	v11 =	vmul.f32 v13, v11;
	v14 =	vadd.f32 v49, v48;
	v5 =	vmul.f32 v44, v23  }
0xf2: {  	v20 =	vmul.f32 v27, v58;
	v15 =	vmul.f32 v21, v15;
	v21 =	vsub.s32 $0x5F3759DF, v50  }
0xf3: {  	v2 =	vsub.f32 v2, v7;
	v59 =	vld [tilespmem:$0x510];
	v1 =	vmul.f32 v47, v19;
	v54 =	vmul.f32 v21, v51  }
0xf4: {  	v60 =	vld [tilespmem:$0x710];
	v57 =	vmul.f32 v11, v57;
	v14 =	vmax.f32 v14, $1.000000000e-30;
	v20 =	vsub.f32 $1.500000000e+00, v20  }
0xf5: {  	v61 =	vshra.s32 v14, $0x1;
	v53 =	vmul.f32 v15, v26;
	v13 =	vmul.f32 v21, v54  }
0xf6: {  	v62 =	vmul.f32 $5.000000000e-01, v14;
	v63 =	vsub.s32 $0x5F3759DF, v61;
	v20 =	vmul.f32 v27, v20  }
0xf7: {  	v9 =	vmul.f32 v57, v11;
	v19 =	vmul.f32 v53, v15;
	v13 =	vsub.f32 $1.500000000e+00, v13  }
0xf8: {  	v2 =	vadd.f32 v17, v2;
	v31 =	vmul.f32 v63, v62;
	v36 =	vmul.f32 v20, v56  }
0xf9: {  	v35 =	vadd.f32 v60, v59;
	v19 =	vsub.f32 $1.500000000e+00, v19;
	v13 =	vmul.f32 v21, v13  }
0xfa: {  	v9 =	vsub.f32 $1.500000000e+00, v9;
	v21 =	vmul.f32 v63, v31;
	v29 =	vmul.f32 v36, v20  }
0xfb: {  	v27 =	vmax.f32 v35, $1.000000000e-30;
	v15 =	vmul.f32 v19, v15;
	v34 =	vmul.f32 v13, v51  }
0xfc: {  	v37 =	vshra.s32 v27, $0x1;
	v38 =	vmul.f32 $5.000000000e-01, v27;
	v21 =	vsub.f32 $1.500000000e+00, v21  }
0xfd: {  	v45 =	vld [tilespmem:$0x320];
	v42 =	vsub.f32 $1.500000000e+00, v29;
	v33 =	vmul.f32 v15, v26;
	v26 =	vmul.f32 v34, v13  }
0xfe: {  	v44 =	vld [tilespmem:$0x120];
	v9 =	vmul.f32 v9, v11;
	v39 =	vsub.s32 $0x5F3759DF, v37;
	v19 =	vmul.f32 v63, v21  }
0xff: {  	v46 =	vmul.f32 v42, v20;
	v3 =	vmul.f32 v33, v15;
	v26 =	vsub.f32 $1.500000000e+00, v26  }
0x100: {  	v18 =	vsub.f32 v2, v18;
	v41 =	vmul.f32 v39, v38;
	v43 =	vmul.f32 v19, v62  }
0x101: {  	v49 =	vmul.f32 v46, v56;
	v3 =	vsub.f32 $1.500000000e+00, v3;
	v40 =	vmul.f32 v26, v13  }
0x102: {  	v6 =	vadd.f32 v6, v18;
	v13 =	vmul.f32 v39, v41;
	v47 =	vmul.f32 v43, v19  }
0x103: {  	v53 =	vadd.f32 v45, v44;
	v52 =	vmul.f32 v49, v46;
	v3 =	vmul.f32 v3, v15  }
0x104: {  	v54 =	vld [tilespmem:$0x720];
	v11 =	vmul.f32 v9, v25;
	v23 =	vmul.f32 v40, v51;
	v13 =	vsub.f32 $1.500000000e+00, v13  }
0x105: {  	v20 =	vsub.f32 $1.500000000e+00, v47;
	v51 =	vld [tilespmem:$0x520];
	v57 =	vsub.f32 $1.500000000e+00, v52;
	v9 =	vmul.f32 v3, v22  }
0x106: {  	v4 =	vsub.f32 v6, v4;
	v48 =	vmul.f32 v23, v40;
	v13 =	vmul.f32 v39, v13  }
0x107: {  	v19 =	vmul.f32 v20, v19;
	v20 =	vmax.f32 v53, $1.000000000e-30;
	v17 =	vmul.f32 v57, v46  }
0x108: {  	v59 =	vld [tilespmem:$0x130];
	v60 =	vshra.s32 v20, $0x1;
	v61 =	vmul.f32 $5.000000000e-01, v20;
	v50 =	vsub.f32 $1.500000000e+00, v48  }
0x109: {  	v56 =	vmul.f32 v13, v38;
	v58 =	vmul.f32 v19, v62;
	v62 =	vld [tilespmem:$0x330];
	v25 =	vsub.s32 $0x5F3759DF, v60  }
0x10a: {  	v63 =	vmul.f32 v25, v61;
	v15 =	vadd.f32 v54, v51;
	v55 =	vmul.f32 v50, v40  }
0x10b: {  	v4 =	vadd.f32 v12, v4;
	v43 =	vld [tilespmem:$0x730];
	v3 =	vmul.f32 v56, v13;
	v21 =	vmul.f32 v58, v19  }
0x10c: {  	v2 =	vmul.f32 v17, v24;
	v40 =	vld [tilespmem:$0x530];
	v33 =	vmul.f32 v25, v63;
	v15 =	vmax.f32 v15, $1.000000000e-30  }
0x10d: {  	v3 =	vsub.f32 $1.500000000e+00, v3;
	v7 =	vmul.f32 v55, v16;
	v32 =	vsub.f32 $1.500000000e+00, v21  }
0x10e: {  	v34 =	vshra.s32 v15, $0x1;
	v35 =	vmul.f32 $5.000000000e-01, v15;
	v39 =	vadd.f32 v62, v59  }
0x10f: {  	v17 =	vsub.s32 $0x5F3759DF, v34;
	v13 =	vmul.f32 v3, v13;
	v3 =	vsub.f32 $1.500000000e+00, v33  }
0x110: {  	v16 =	vmul.f32 v32, v19;
	v42 =	vmul.f32 v17, v35;
	v22 =	vmax.f32 v39, $1.000000000e-30  }
0x111: {  	v52 =	vld [tilespmem:$0x340];
	v19 =	vadd.f32 v43, v40;
	v41 =	vmul.f32 v13, v38;
	v25 =	vmul.f32 v25, v3  }
0x112: {  	v50 =	vld [tilespmem:$0x140];
	v44 =	vshra.s32 v22, $0x1;
	v29 =	vmul.f32 $5.000000000e-01, v22;
	v24 =	vmul.f32 v17, v42  }
0x113: {  	v45 =	vsub.s32 $0x5F3759DF, v44;
	v23 =	vmul.f32 v41, v13;
	v46 =	vmul.f32 v25, v61  }
0x114: {  	v40 =	vsub.f32 v4, v10;
	v47 =	vmul.f32 v45, v29;
	v49 =	vsub.f32 $1.500000000e+00, v24  }
0x115: {  	v3 =	vmul.f32 v16, v14;
	v48 =	vsub.f32 $1.500000000e+00, v23;
	v18 =	vmul.f32 v46, v25  }
0x116: {  	v51 =	vmul.f32 v45, v47;
	v54 =	vmul.f32 v17, v49;
	v17 =	vmax.f32 v19, $1.000000000e-30  }
0x117: {  	v23 =	vadd.f32 v52, v50;
	v19 =	vshra.s32 v17, $0x1;
	v58 =	vmul.f32 $5.000000000e-01, v17  }
0x118: {  	v55 =	vsub.f32 $1.500000000e+00, v18;
	v56 =	vsub.f32 $1.500000000e+00, v51;
	v19 =	vsub.s32 $0x5F3759DF, v19  }
0x119: {  	v57 =	vmul.f32 v54, v35;
	v23 =	vmax.f32 v23, $1.000000000e-30;
	v59 =	vmul.f32 v19, v58  }
0x11a: {  	v62 =	vshra.s32 v23, $0x1;
	v63 =	vmul.f32 $5.000000000e-01, v23;
	v14 =	vmul.f32 v55, v25  }
0x11b: {  	v16 =	vmul.f32 v45, v56;
	v18 =	vmul.f32 v57, v54;
	v37 =	vsub.s32 $0x5F3759DF, v62  }
0x11c: {  	v0 =	vadd.f32 v0, v40;
	v25 =	vmul.f32 v19, v59;
	v28 =	vmul.f32 v37, v63  }
0x11d: {  	v39 =	vld [tilespmem:$0x740];
	v60 =	vmul.f32 v14, v61;
	v61 =	vmul.f32 v16, v29  }
0x11e: {  	v38 =	vld [tilespmem:$0x540];
	v8 =	vsub.f32 v0, v8;
	v53 =	vmul.f32 v48, v13;
	v18 =	vsub.f32 $1.500000000e+00, v18  }
0x11f: {  	v36 =	vsub.f32 $1.500000000e+00, v25;
	v42 =	vmul.f32 v37, v28;
	v26 =	vmul.f32 v61, v16  }
0x120: {  	v8 =	vadd.f32 v5, v8;
	v13 =	vmul.f32 v18, v54;
	v12 =	vmul.f32 v60, v14  }
0x121: {  	v18 =	vmul.f32 v19, v36;
	v10 =	vsub.f32 $1.500000000e+00, v42;
	v26 =	vsub.f32 $1.500000000e+00, v26  }
0x122: {  	v21 =	vmul.f32 v13, v35;
	v43 =	vsub.f32 $1.500000000e+00, v12;
	v12 =	vmul.f32 v53, v27  }
0x123: {  	v19 =	vadd.f32 v39, v38;
	v44 =	vmul.f32 v18, v58;
	v41 =	vmul.f32 v26, v16  }
0x124: {  	v1 =	vsub.f32 v8, v1;
	v25 =	vmul.f32 v37, v10;
	v21 =	vmul.f32 v21, v13  }
0x125: {  	v49 =	vld [tilespmem:$0x350];
	v19 =	vmax.f32 v19, $1.000000000e-30;
	v47 =	vmul.f32 v44, v18;
	v45 =	vmul.f32 v41, v29  }
0x126: {  	v48 =	vld [tilespmem:$0x150];
	v14 =	vmul.f32 v43, v14;
	v52 =	vshra.s32 v19, $0x1;
	v51 =	vmul.f32 v25, v63  }
0x127: {  	v57 =	vld [tilespmem:$0x550];
	v53 =	vmul.f32 $5.000000000e-01, v19;
	v50 =	vsub.f32 $1.500000000e+00, v47;
	v6 =	vmul.f32 v45, v41  }
0x128: {  	v60 =	vld [tilespmem:$0x750];
	v46 =	vsub.f32 $1.500000000e+00, v21;
	v10 =	vmul.f32 v14, v20;
	v16 =	vmul.f32 v51, v25  }
0x129: {  	v14 =	vmul.f32 v50, v18;
	v18 =	vsub.s32 $0x5F3759DF, v52;
	v6 =	vsub.f32 $1.500000000e+00, v6  }
0x12a: {  	v1 =	vadd.f32 v11, v1;
	v13 =	vmul.f32 v46, v13;
	v55 =	vmul.f32 v18, v53  }
0x12b: {  	v56 =	vsub.f32 $1.500000000e+00, v16;
	v54 =	vmul.f32 v14, v58;
	v4 =	vmul.f32 v6, v41  }
0x12c: {  	v26 =	vadd.f32 v49, v48;
	v6 =	vmul.f32 v13, v15;
	v59 =	vmul.f32 v18, v55  }
0x12d: {  	v34 =	vld [tilespmem:$0x160];
	v13 =	vmul.f32 v56, v25;
	v15 =	vadd.f32 v60, v57;
	v58 =	vmul.f32 v54, v14  }
0x12e: {  	v37 =	vld [tilespmem:$0x360];
	v4 =	vmul.f32 v4, v22;
	v22 =	vmax.f32 v26, $1.000000000e-30;
	v21 =	vsub.f32 $1.500000000e+00, v59  }
0x12f: {  	v62 =	vmul.f32 v13, v63;
	v15 =	vmax.f32 v15, $1.000000000e-30;
	v61 =	vshra.s32 v22, $0x1  }
0x130: {  	v26 =	vmul.f32 $5.000000000e-01, v22;
	v16 =	vsub.f32 $1.500000000e+00, v58;
	v41 =	vshra.s32 v15, $0x1  }
0x131: {  	v42 =	vmul.f32 $5.000000000e-01, v15;
	v25 =	vsub.s32 $0x5F3759DF, v61;
	v33 =	vmul.f32 v18, v21  }
0x132: {  	v35 =	vmul.f32 v62, v13;
	v44 =	vsub.s32 $0x5F3759DF, v41;
	v63 =	vmul.f32 v25, v26  }
0x133: {  	v18 =	vadd.f32 v37, v34;
	v14 =	vmul.f32 v16, v14;
	v27 =	vmul.f32 v44, v42  }
0x134: {  	v38 =	vmul.f32 v33, v53;
	v39 =	vsub.f32 $1.500000000e+00, v35;
	v36 =	vmul.f32 v25, v63  }
0x135: {  	v45 =	vld [tilespmem:$0x560];
	v18 =	vmax.f32 v18, $1.000000000e-30;
	v0 =	vmul.f32 v14, v17;
	v48 =	vmul.f32 v44, v27  }
0x136: {  	v46 =	vld [tilespmem:$0x760];
	v49 =	vshra.s32 v18, $0x1;
	v14 =	vmul.f32 v38, v33;
	v13 =	vmul.f32 v39, v13  }
0x137: {  	v50 =	vmul.f32 $5.000000000e-01, v18;
	v38 =	vld [tilespmem:$0x770];
	v40 =	vsub.f32 $1.500000000e+00, v36;
	v16 =	vsub.f32 $1.500000000e+00, v48  }
0x138: {  	v36 =	vld [tilespmem:$0x570];
	v14 =	vsub.f32 $1.500000000e+00, v14;
	v5 =	vmul.f32 v13, v23;
	v23 =	vsub.s32 $0x5F3759DF, v49  }
0x139: {  	v1 =	vsub.f32 v1, v9;
	v43 =	vmul.f32 v25, v40;
	v52 =	vmul.f32 v23, v50  }
0x13a: {  	v16 =	vmul.f32 v44, v16;
	v14 =	vmul.f32 v14, v33  }
0x13b: {  	v1 =	vadd.f32 v7, v1;
	v47 =	vmul.f32 v43, v26;
	v55 =	vmul.f32 v23, v52  }
0x13c: {  	v24 =	vadd.f32 v46, v45;
	v21 =	vmul.f32 v16, v42;
	v20 =	vmul.f32 v14, v53  }
0x13d: {  	v51 =	vld [tilespmem:$0x170];
	v46 =	vadd.f32 v38, v36;
	v13 =	vmul.f32 v47, v43;
	v17 =	vsub.f32 $1.500000000e+00, v55  }
0x13e: {  	v53 =	vld [tilespmem:$0x370];
	v21 =	vmul.f32 v21, v16;
	v54 =	vmul.f32 v20, v14;
	v20 =	vmax.f32 v24, $1.000000000e-30  }
0x13f: {  	v13 =	vsub.f32 $1.500000000e+00, v13;
	v24 =	vshra.s32 v20, $0x1;
	v56 =	vmul.f32 $5.000000000e-01, v20  }
0x140: {  	v17 =	vmul.f32 v23, v17;
	v21 =	vsub.f32 $1.500000000e+00, v21;
	v23 =	vmax.f32 v46, $1.000000000e-30  }
0x141: {  	v24 =	vsub.s32 $0x5F3759DF, v24;
	v8 =	vsub.f32 $1.500000000e+00, v54;
	v54 =	vmul.f32 $5.000000000e-01, v23  }
0x142: {  	v1 =	vsub.f32 v1, v2;
	v13 =	vmul.f32 v13, v43;
	v57 =	vmul.f32 v24, v56  }
0x143: {  	v25 =	vadd.f32 v53, v51;
	v60 =	vmul.f32 v17, v50;
	v16 =	vmul.f32 v21, v16  }
0x144: {  	v1 =	vadd.f32 v3, v1;
	v8 =	vmul.f32 v8, v14;
	v26 =	vmul.f32 v13, v26  }
0x145: {  	v59 =	vmul.f32 v24, v57;
	v25 =	vmax.f32 v25, $1.000000000e-30;
	v37 =	vmul.f32 v16, v42  }
0x146: {  	v61 =	vshra.s32 v25, $0x1;
	v31 =	vmul.f32 $5.000000000e-01, v25;
	v58 =	vmul.f32 v26, v13  }
0x147: {  	v49 =	vld [tilespmem:$0x180];
	v62 =	vsub.f32 $1.500000000e+00, v59;
	v63 =	vsub.s32 $0x5F3759DF, v61;
	v26 =	vmul.f32 v60, v17  }
0x148: {  	v12 =	vsub.f32 v1, v12;
	v52 =	vld [tilespmem:$0x380];
	v9 =	vmul.f32 v37, v16;
	v29 =	vmul.f32 v63, v31  }
0x149: {  	v8 =	vmul.f32 v8, v19;
	v21 =	vmul.f32 v24, v62;
	v39 =	vsub.f32 $1.500000000e+00, v26  }
0x14a: {  	v59 =	vld [tilespmem:$0x580];
	v11 =	vsub.f32 $1.500000000e+00, v58;
	v43 =	vsub.f32 $1.500000000e+00, v9;
	v40 =	vmul.f32 v63, v29  }
0x14b: {  	v62 =	vld [tilespmem:$0x780];
	v41 =	vmul.f32 v21, v56;
	v14 =	vmul.f32 v39, v17  }
0x14c: {  	v10 =	vadd.f32 v10, v12;
	v11 =	vmul.f32 v11, v13;
	v47 =	vmul.f32 v43, v16  }
0x14d: {  	v16 =	vadd.f32 v52, v49;
	v42 =	vsub.f32 $1.500000000e+00, v40;
	v44 =	vmul.f32 v41, v21  }
0x14e: {  	v6 =	vsub.f32 v10, v6;
	v45 =	vmul.f32 v14, v50;
	v9 =	vmul.f32 v11, v22  }
0x14f: {  	v7 =	vmul.f32 v47, v15;
	v16 =	vmax.f32 v16, $1.000000000e-30;
	v17 =	vmul.f32 v63, v42  }
0x150: {  	v34 =	vshra.s32 v16, $0x1;
	v35 =	vmul.f32 $5.000000000e-01, v16;
	v15 =	vadd.f32 v62, v59  }
0x151: {  	v38 =	vld [tilespmem:$0x190];
	v48 =	vsub.f32 $1.500000000e+00, v44;
	v50 =	vmul.f32 v45, v14;
	v37 =	vsub.s32 $0x5F3759DF, v34  }
0x152: {  	v53 =	vshra.s32 v23, $0x1;
	v40 =	vld [tilespmem:$0x390];
	v51 =	vmul.f32 v17, v31;
	v39 =	vmul.f32 v37, v35  }
0x153: {  	v15 =	vmax.f32 v15, $1.000000000e-30;
	v13 =	vmul.f32 v48, v21;
	v19 =	vsub.f32 $1.500000000e+00, v50  }
0x154: {  	v21 =	vsub.s32 $0x5F3759DF, v53;
	v44 =	vmul.f32 $5.000000000e-01, v15;
	v22 =	vmul.f32 v51, v17  }
0x155: {  	v43 =	vshra.s32 v15, $0x1;
	v42 =	vmul.f32 v37, v39;
	v55 =	vmul.f32 v13, v56  }
0x156: {  	v46 =	vsub.s32 $0x5F3759DF, v43;
	v56 =	vmul.f32 v21, v54;
	v57 =	vmul.f32 v19, v14  }
0x157: {  	v48 =	vmul.f32 v46, v44;
	v19 =	vadd.f32 v40, v38;
	v58 =	vsub.f32 $1.500000000e+00, v22  }
0x158: {  	v45 =	vsub.f32 $1.500000000e+00, v42;
	v60 =	vmul.f32 v55, v13;
	v61 =	vmul.f32 v21, v56  }
0x159: {  	v4 =	vadd.f32 v4, v6;
	v49 =	vld [tilespmem:$0x790];
	v2 =	vmul.f32 v57, v18;
	v51 =	vmul.f32 v46, v48  }
0x15a: {  	v47 =	vld [tilespmem:$0x590];
	v63 =	vmul.f32 v58, v17;
	v50 =	vmul.f32 v37, v45;
	v17 =	vmax.f32 v19, $1.000000000e-30  }
0x15b: {  	v55 =	vld [tilespmem:$0x1A0];
	v30 =	vsub.f32 $1.500000000e+00, v60;
	v32 =	vsub.f32 $1.500000000e+00, v61;
	v19 =	vshra.s32 v17, $0x1  }
0x15c: {  	v57 =	vld [tilespmem:$0x3A0];
	v52 =	vmul.f32 $5.000000000e-01, v17;
	v14 =	vsub.f32 $1.500000000e+00, v51;
	v33 =	vmul.f32 v63, v31  }
0x15d: {  	v19 =	vsub.s32 $0x5F3759DF, v19;
	v13 =	vmul.f32 v30, v13;
	v36 =	vmul.f32 v21, v32  }
0x15e: {  	v0 =	vsub.f32 v4, v0;
	v53 =	vmul.f32 v19, v52;
	v14 =	vmul.f32 v46, v14  }
0x15f: {  	v21 =	vadd.f32 v49, v47;
	v18 =	vmul.f32 v33, v63;
	v3 =	vmul.f32 v13, v20  }
0x160: {  	v0 =	vadd.f32 v5, v0;
	v41 =	vmul.f32 v36, v54;
	v56 =	vmul.f32 v19, v53  }
0x161: {  	v21 =	vmax.f32 v21, $1.000000000e-30;
	v58 =	vmul.f32 v14, v44;
	v20 =	vadd.f32 v57, v55  }
0x162: {  	v18 =	vsub.f32 $1.500000000e+00, v18;
	v59 =	vshra.s32 v21, $0x1;
	v60 =	vmul.f32 $5.000000000e-01, v21  }
0x163: {  	v13 =	vmul.f32 v41, v36;
	v62 =	vsub.s32 $0x5F3759DF, v59;
	v28 =	vmul.f32 v58, v14  }
0x164: {  	v20 =	vmax.f32 v20, $1.000000000e-30;
	v11 =	vmul.f32 v18, v63;
	v18 =	vmul.f32 v50, v35  }
0x165: {  	v0 =	vsub.f32 v0, v8;
	v29 =	vmul.f32 v62, v60;
	v37 =	vmul.f32 $5.000000000e-01, v20  }
0x166: {  	v13 =	vsub.f32 $1.500000000e+00, v13;
	v31 =	vsub.f32 $1.500000000e+00, v28;
	v1 =	vmul.f32 v11, v25  }
0x167: {  	v0 =	vadd.f32 v9, v0;
	v18 =	vmul.f32 v18, v50;
	v32 =	vmul.f32 v62, v29  }
0x168: {  	v43 =	vld [tilespmem:$0x7A0];
	v61 =	vsub.f32 $1.500000000e+00, v56;
	v13 =	vmul.f32 v13, v36;
	v14 =	vmul.f32 v31, v14  }
0x169: {  	v41 =	vld [tilespmem:$0x5A0];
	v36 =	vshra.s32 v20, $0x1;
	v18 =	vsub.f32 $1.500000000e+00, v18;
	v34 =	vsub.f32 $1.500000000e+00, v32  }
0x16a: {  	v38 =	vsub.s32 $0x5F3759DF, v36;
	v26 =	vmul.f32 v13, v54;
	v27 =	vmul.f32 v14, v44  }
0x16b: {  	v0 =	vsub.f32 v0, v7;
	v40 =	vmul.f32 v38, v37;
	v11 =	vmul.f32 v18, v50  }
0x16c: {  	v18 =	vmul.f32 v19, v61;
	v19 =	vmul.f32 v62, v34  }
0x16d: {  	v0 =	vadd.f32 v2, v0;
	v54 =	vmul.f32 v26, v13;
	v27 =	vmul.f32 v27, v14  }
0x16e: {  	v53 =	vadd.f32 v43, v41;
	v63 =	vmul.f32 v11, v35;
	v33 =	vmul.f32 v18, v52  }
0x16f: {  	v45 =	vmul.f32 v38, v40;
	v42 =	vmul.f32 v19, v60;
	v12 =	vsub.f32 $1.500000000e+00, v54  }
0x170: {  	v46 =	vsub.f32 $1.500000000e+00, v27;
	v10 =	vmul.f32 v63, v11;
	v35 =	vmul.f32 v33, v18  }
0x171: {  	v51 =	vld [tilespmem:$0x3B0];
	v47 =	vmul.f32 v42, v19;
	v12 =	vmul.f32 v12, v13;
	v13 =	vsub.f32 $1.500000000e+00, v45  }
0x172: {  	v49 =	vld [tilespmem:$0x1B0];
	v39 =	vsub.f32 $1.500000000e+00, v35;
	v10 =	vsub.f32 $1.500000000e+00, v10  }
0x173: {  	v32 =	vld [tilespmem:$0x1C0];
	v50 =	vsub.f32 $1.500000000e+00, v47;
	v12 =	vmul.f32 v12, v23;
	v13 =	vmul.f32 v38, v13  }
0x174: {  	v0 =	vsub.f32 v0, v3;
	v34 =	vld [tilespmem:$0x3C0];
	v44 =	vmul.f32 v39, v18;
	v10 =	vmul.f32 v10, v11  }
0x175: {  	v11 =	vmul.f32 v46, v14;
	v54 =	vmul.f32 v50, v19;
	v18 =	vmax.f32 v53, $1.000000000e-30  }
0x176: {  	v0 =	vadd.f32 v1, v0;
	v56 =	vmul.f32 v13, v37;
	v57 =	vmul.f32 $5.000000000e-01, v18  }
0x177: {  	v22 =	vshra.s32 v18, $0x1;
	v48 =	vmul.f32 v44, v52;
	v10 =	vmul.f32 v10, v16  }
0x178: {  	v4 =	vmul.f32 v11, v15;
	v19 =	vmul.f32 v54, v60;
	v22 =	vsub.s32 $0x5F3759DF, v22  }
0x179: {  	v16 =	vadd.f32 v51, v49;
	v11 =	vadd.f32 v34, v32;
	v15 =	vmul.f32 v56, v13  }
0x17a: {  	v61 =	vld [tilespmem:$0x7B0];
	v0 =	vsub.f32 v0, v12;
	v59 =	vmul.f32 v22, v57;
	v52 =	vmul.f32 v48, v44  }
0x17b: {  	v60 =	vld [tilespmem:$0x5B0];
	v19 =	vmul.f32 v19, v54;
	v16 =	vmax.f32 v16, $1.000000000e-30;
	v11 =	vmax.f32 v11, $1.000000000e-30  }
0x17c: {  	v0 =	vadd.f32 v10, v0;
	v15 =	vsub.f32 $1.500000000e+00, v15;
	v6 =	vmul.f32 v22, v59  }
0x17d: {  	v62 =	vshra.s32 v16, $0x1;
	v63 =	vmul.f32 $5.000000000e-01, v16;
	v47 =	vmul.f32 $5.000000000e-01, v11  }
0x17e: {  	v55 =	vsub.f32 $1.500000000e+00, v52;
	v19 =	vsub.f32 $1.500000000e+00, v19;
	v27 =	vsub.s32 $0x5F3759DF, v62  }
0x17f: {  	v13 =	vmul.f32 v15, v13;
	v6 =	vsub.f32 $1.500000000e+00, v6;
	v29 =	vmul.f32 v27, v63  }
0x180: {  	v14 =	vadd.f32 v61, v60;
	v58 =	vmul.f32 v55, v44;
	v30 =	vmul.f32 v19, v54  }
0x181: {  	v0 =	vsub.f32 v0, v4;
	v31 =	vmul.f32 v13, v37;
	v6 =	vmul.f32 v22, v6  }
0x182: {  	v14 =	vmax.f32 v14, $1.000000000e-30;
	v5 =	vmul.f32 v58, v17;
	v17 =	vmul.f32 v27, v29  }
0x183: {  	v41 =	vld [tilespmem:$0x5C0];
	v36 =	vshra.s32 v14, $0x1;
	v37 =	vmul.f32 $5.000000000e-01, v14;
	v33 =	vmul.f32 v31, v13  }
0x184: {  	v43 =	vld [tilespmem:$0x7C0];
	v35 =	vmul.f32 v6, v57;
	v38 =	vsub.s32 $0x5F3759DF, v36;
	v17 =	vsub.f32 $1.500000000e+00, v17  }
0x185: {  	v8 =	vmul.f32 v30, v21;
	v40 =	vmul.f32 v38, v37;
	v9 =	vsub.f32 $1.500000000e+00, v33  }
0x186: {  	v0 =	vadd.f32 v5, v0;
	v21 =	vmul.f32 v35, v6;
	v15 =	vmul.f32 v27, v17  }
0x187: {  	v46 =	vshra.s32 v11, $0x1;
	v44 =	vmul.f32 v38, v40;
	v39 =	vmul.f32 v9, v13  }
0x188: {  	v28 =	vld [tilespmem:$0x5D0];
	v0 =	vsub.f32 v0, v8;
	v21 =	vsub.f32 $1.500000000e+00, v21;
	v42 =	vmul.f32 v15, v63  }
0x189: {  	v30 =	vld [tilespmem:$0x7D0];
	v13 =	vadd.f32 v43, v41;
	v7 =	vsub.f32 $1.500000000e+00, v44;
	v2 =	vmul.f32 v39, v20  }
0x18a: {  	v50 =	vld [tilespmem:$0x1D0];
	v6 =	vmul.f32 v21, v6;
	v20 =	vsub.s32 $0x5F3759DF, v46;
	v45 =	vmul.f32 v42, v15  }
0x18b: {  	v52 =	vld [tilespmem:$0x3D0];
	v13 =	vmax.f32 v13, $1.000000000e-30;
	v7 =	vmul.f32 v38, v7;
	v49 =	vmul.f32 v20, v47  }
0x18c: {  	v55 =	vshra.s32 v13, $0x1;
	v56 =	vmul.f32 $5.000000000e-01, v13;
	v48 =	vmul.f32 v6, v57  }
0x18d: {  	v25 =	vsub.s32 $0x5F3759DF, v55;
	v9 =	vsub.f32 $1.500000000e+00, v45;
	v53 =	vmul.f32 v7, v37  }
0x18e: {  	v36 =	vadd.f32 v30, v28;
	v17 =	vmul.f32 v20, v49;
	v57 =	vmul.f32 v25, v56  }
0x18f: {  	v0 =	vadd.f32 v2, v0;
	v51 =	vmul.f32 v48, v6;
	v9 =	vmul.f32 v9, v15  }
0x190: {  	v46 =	vld [tilespmem:$0x1F0];
	v22 =	vmul.f32 v53, v7;
	v17 =	vsub.f32 $1.500000000e+00, v17;
	v15 =	vadd.f32 v52, v50  }
0x191: {  	v48 =	vld [tilespmem:$0x3F0];
	v59 =	vmul.f32 v25, v57;
	v3 =	vsub.f32 $1.500000000e+00, v51;
	v54 =	vmul.f32 v9, v63  }
0x192: {  	v53 =	vld [tilespmem:$0x7F0];
	v22 =	vsub.f32 $1.500000000e+00, v22;
	v17 =	vmul.f32 v20, v17;
	v15 =	vmax.f32 v15, $1.000000000e-30  }
0x193: {  	v51 =	vld [tilespmem:$0x5F0];
	v19 =	vsub.f32 $1.500000000e+00, v59;
	v3 =	vmul.f32 v3, v6;
	v61 =	vmul.f32 $5.000000000e-01, v15  }
0x194: {  	v60 =	vshra.s32 v15, $0x1;
	v24 =	vmul.f32 v54, v9;
	v7 =	vmul.f32 v22, v7  }
0x195: {  	v20 =	vmul.f32 v17, v47;
	v22 =	vsub.s32 $0x5F3759DF, v60;
	v62 =	vmul.f32 v25, v19  }
0x196: {  	v8 =	vadd.f32 v48, v46;
	v63 =	vmul.f32 v22, v61;
	v3 =	vmul.f32 v3, v18  }
0x197: {  	v58 =	vsub.f32 $1.500000000e+00, v24;
	v23 =	vmul.f32 v7, v37;
	v20 =	vmul.f32 v20, v17  }
0x198: {  	v39 =	vld [tilespmem:$0x3E0];
	v31 =	vmul.f32 v62, v56;
	v60 =	vadd.f32 v53, v51;
	v19 =	vmul.f32 v22, v63  }
0x199: {  	v37 =	vld [tilespmem:$0x1E0];
	v8 =	vmax.f32 v8, $1.000000000e-30;
	v29 =	vmul.f32 v23, v7;
	v20 =	vsub.f32 $1.500000000e+00, v20  }
0x19a: {  	v6 =	vmul.f32 v58, v9;
	v12 =	vmul.f32 v31, v62;
	v32 =	vsub.f32 $1.500000000e+00, v19  }
0x19b: {  	v63 =	vmul.f32 $5.000000000e-01, v8;
	v9 =	vsub.f32 $1.500000000e+00, v29;
	v17 =	vmul.f32 v20, v17  }
0x19c: {  	v6 =	vmul.f32 v6, v16;
	v34 =	vsub.f32 $1.500000000e+00, v12;
	v35 =	vmul.f32 v22, v32  }
0x19d: {  	v0 =	vsub.f32 v0, v3;
	v7 =	vmul.f32 v9, v7;
	v33 =	vmul.f32 v17, v47  }
0x19e: {  	v1 =	vmul.f32 v34, v62;
	v9 =	vadd.f32 v39, v37;
	v62 =	vshra.s32 v8, $0x1  }
0x19f: {  	v0 =	vadd.f32 v6, v0;
	v4 =	vmul.f32 v7, v14;
	v14 =	vmax.f32 v36, $1.000000000e-30  }
0x1a0: {  	v44 =	vld [tilespmem:$0x5E0];
	v38 =	vmul.f32 v33, v17;
	v16 =	vshra.s32 v14, $0x1;
	v19 =	vmul.f32 $5.000000000e-01, v14  }
0x1a1: {  	v45 =	vld [tilespmem:$0x7E0];
	v40 =	vmul.f32 v35, v61;
	v23 =	vsub.s32 $0x5F3759DF, v62;
	v16 =	vsub.s32 $0x5F3759DF, v16  }
0x1a2: {  	v41 =	vmul.f32 v1, v56;
	v7 =	vsub.f32 $1.500000000e+00, v38;
	v43 =	vmul.f32 v16, v19  }
0x1a3: {  	v9 =	vmax.f32 v9, $1.000000000e-30;
	v32 =	vmul.f32 v23, v63;
	v10 =	vmul.f32 v40, v35  }
0x1a4: {  	v49 =	vshra.s32 v9, $0x1;
	v42 =	vmul.f32 v7, v17;
	v7 =	vmul.f32 v16, v43  }
0x1a5: {  	v50 =	vmul.f32 $5.000000000e-01, v9;
	v20 =	vmul.f32 v41, v1;
	v10 =	vsub.f32 $1.500000000e+00, v10  }
0x1a6: {  	v36 =	vmul.f32 v23, v32;
	v17 =	vadd.f32 v45, v44;
	v7 =	vsub.f32 $1.500000000e+00, v7  }
0x1a7: {  	v47 =	vsub.f32 $1.500000000e+00, v20;
	v20 =	vsub.s32 $0x5F3759DF, v49;
	v10 =	vmul.f32 v10, v35  }
0x1a8: {  	v54 =	vmul.f32 v20, v50;
	v7 =	vmul.f32 v16, v7;
	v16 =	vmax.f32 v17, $1.000000000e-30  }
0x1a9: {  	v5 =	vmul.f32 v42, v11;
	v17 =	vshra.s32 v16, $0x1;
	v58 =	vmul.f32 $5.000000000e-01, v16  }
0x1aa: {  	v1 =	vmul.f32 v47, v1;
	v57 =	vmul.f32 v20, v54;
	v59 =	vsub.s32 $0x5F3759DF, v17  }
0x1ab: {  	v39 =	vsub.f32 $1.500000000e+00, v36;
	v52 =	vmul.f32 v10, v61;
	v61 =	vmul.f32 v59, v58  }
0x1ac: {  	v1 =	vmul.f32 v1, v13;
	v13 =	vsub.f32 $1.500000000e+00, v57;
	v17 =	vmax.f32 v60, $1.000000000e-30  }
0x1ad: {  	v30 =	vshra.s32 v17, $0x1;
	v31 =	vmul.f32 $5.000000000e-01, v17;
	v22 =	vmul.f32 v59, v61  }
0x1ae: {  	v56 =	vmul.f32 v7, v19;
	v33 =	vmul.f32 v20, v13;
	v25 =	vsub.s32 $0x5F3759DF, v30  }
0x1af: {  	v41 =	vmul.f32 v23, v39;
	v34 =	vmul.f32 v25, v31;
	v35 =	vsub.f32 $1.500000000e+00, v22  }
0x1b0: {  	v11 =	vmul.f32 v56, v7;
	v37 =	vmul.f32 v33, v50  }
0x1b1: {  	v0 =	vsub.f32 v0, v4;
	v13 =	vmul.f32 v25, v34;
	v38 =	vmul.f32 v59, v35  }
0x1b2: {  	v43 =	vmul.f32 v41, v63;
	v11 =	vsub.f32 $1.500000000e+00, v11;
	v40 =	vmul.f32 v37, v33  }
0x1b3: {  	v55 =	vmul.f32 v52, v10;
	v13 =	vsub.f32 $1.500000000e+00, v13;
	v42 =	vmul.f32 v38, v58  }
0x1b4: {  	v46 =	vmul.f32 v43, v41;
	v7 =	vmul.f32 v11, v7;
	v11 =	vsub.f32 $1.500000000e+00, v40  }
0x1b5: {  	v2 =	vsub.f32 $1.500000000e+00, v55;
	v13 =	vmul.f32 v25, v13;
	v12 =	vmul.f32 v42, v38  }
0x1b6: {  	v0 =	vadd.f32 v5, v0;
	v19 =	vmul.f32 v7, v19;
	v3 =	vmul.f32 v11, v33  }
0x1b7: {  	v2 =	vmul.f32 v2, v10;
	v44 =	vmul.f32 v13, v31;
	v12 =	vsub.f32 $1.500000000e+00, v12  }
0x1b8: {  	v48 =	vsub.f32 $1.500000000e+00, v46;
	v45 =	vmul.f32 v19, v7;
	v47 =	vmul.f32 v3, v50  }
0x1b9: {  	v0 =	vsub.f32 v0, v1;
	v4 =	vmul.f32 v44, v13;
	v10 =	vmul.f32 v12, v38  }
0x1ba: {  	v49 =	vmul.f32 v48, v41;
	v11 =	vsub.f32 $1.500000000e+00, v45;
	v5 =	vmul.f32 v47, v3  }
0x1bb: {  	v2 =	vmul.f32 v2, v15;
	v4 =	vsub.f32 $1.500000000e+00, v4;
	v50 =	vmul.f32 v10, v58  }
0x1bc: {  	v51 =	vmul.f32 v49, v63;
	v7 =	vmul.f32 v11, v7;
	v5 =	vsub.f32 $1.500000000e+00, v5  }
0x1bd: {  	v4 =	vmul.f32 v4, v13;
	v6 =	vmul.f32 v50, v10  }
0x1be: {  	v0 =	vadd.f32 v2, v0;
	v54 =	vmul.f32 v51, v49;
	v3 =	vmul.f32 v5, v3  }
0x1bf: {  	v52 =	vmul.f32 v7, v14;
	v55 =	vmul.f32 v4, v31;
	v53 =	vsub.f32 $1.500000000e+00, v6  }
0x1c0: {  	v58 =	vsub.f32 $1.500000000e+00, v54;
	v56 =	vmul.f32 v3, v9  }
0x1c1: {  	v0 =	vsub.f32 v0, v52;
	v59 =	vmul.f32 v55, v4;
	v57 =	vmul.f32 v53, v10  }
0x1c2: {  	v1 =	vmul.f32 v58, v49  }
0x1c3: {  	v0 =	vadd.f32 v56, v0;
	v61 =	vsub.f32 $1.500000000e+00, v59;
	v60 =	vmul.f32 v57, v16;
	_ =	sdelay $0x1  }
0x1c4: {  	v1 =	vmul.f32 v1, v8;
	v62 =	vmul.f32 v61, v4;
	v0 =	vsub.f32 v0, v60;
	_ =	sdelay $0x1  }
0x1c5: {  	v63 =	vmul.f32 v62, v17;
	v0 =	vadd.f32 v1, v0;
	_ =	sdelay $0x1  }
0x1c6: {  	v0 =	vsub.f32 v0, v63  }
0x1c7: {  	p0 =	sne.s32 s8, $0x1  }
.Ltmp0:
0x1c8: {  	[tilespmem:$0x800] =	vst v0;
	(pc) =	sbr.rel @p0 .LBB2_1-.Ltmp0, $4  }
0x1c9: {  	[hbm4b:s7+s2] =	stream.linear.scatter [tilespmem:s15], [sflag:$0x2], $0x80, $0x38;
	[tilespmem:$0x880] =	vst v63  }
0x1ca: {  	_ =	swait.ge [sflag:s16], $0x80  }
0x1cb: {  	[sflag:s16] =	ssyncset.done $0x0  }
0x1cc: {  	s8 =	sadd.s32 $0xFFFFFFFF, s8;
	[sflag:s16] =	ssyncadd.s32 $0xFFFFFF80  }
0x1cd: {  	_ =	sfence.sel $0x180000  }
0x1ce: {  	[bflag:$0x0] =	sbarrier.arrive $0xFFFF  }
0x1cf: {  	p0 =	sne.s32 s1, $0x0;
	_ =	strace $0x9000004A  }
0x1d0: {  	s0 =	sadd.s32 @!p0 $0x100000, s0;
	[bflag:$0x2] =	sbarrier.arrive $0xFFFF  }
0x1d1: {  	[sflag:s0] =	ssyncadd.tile.s32 @!p0 $0x1;
	_ =	shalt  }
.Lfunc_end2:
_tile_overlayer_lowered:
.L_overlay_start_2:
0x1d2: {  	(tag) =	ssettag $0x2  }
0x1d3: {  	s0 =	rddreg [dreg:$0x0];
	s2 =	stileid.u32  }
0x1d4: {  	s1 =	rddreg [dreg:$0x1];
	p0 =	sne.s32 s2, $0x0  }
0x1d5: {  	s3 =	rddreg [dreg:$0x2];
	[bflag:$0x3] =	sbarrier.arrive $0xFFFF;
	s2 =	simm.s32 @!p0 $0x1C02  }
0x1d6: {  	[timem:s3], [sflag:s2] =	dma.local @!p0 [hbm:s0], s1  }
0x1d7: {  	s0 =	simm.s32 @!p0 $0x2  }
0x1d8: {  	_ =	swait.ge @!p0 [sflag:s0], s1  }
0x1d9: {  	s1 =	ssub.s32 @!p0 $0x0, s1;
	[sflag:s0] =	ssyncset.done @!p0 $0x0  }
0x1da: {  	[sflag:s0] =	ssyncadd.s32 @!p0 s1  }
0x1db: {  	[bflag:$0x3] =	sbarrier.arrive $0xFFFF  }
0x1dc: {  	_ =	shalt  }

</sc_bundles>
